<compile_context>
chip_gen: v7x
topology: tpu7x:2x2x1
jax: 0.10.2.dev20260603
libtpu: 0.0.44.dev20260713+nightly
codegen_flags: <defaults>
</compile_context>

<pallas_src>
import functools

import jax
import jax.numpy as jnp
from jax import lax
from jax.experimental import pallas as pl
from jax.experimental.pallas import tpu as pltpu
from jax.experimental.pallas import tpu_sc as plsc

_N = 100000

_NW = 32
_ECHUNK = 1024
_DCHUNK = 640


def _ew_body(m_ref, l_ref, r_ref, sq_ref, tril_ref):
    sq_ref[...] = m_ref[...] * m_ref[...]
    tril_ref[...] = -(l_ref[...] * r_ref[...])


def _elementwise(maps, left, right):
    two_e, d = maps.shape
    e = left.shape[0]
    rows = 25000
    m2 = maps.reshape(rows, two_e * d // rows)
    l2 = left.reshape(rows, e * d // rows)
    r2 = right.reshape(rows, e * d // rows)
    blk = 1000
    sq, tril = pl.pallas_call(
        _ew_body,
        grid=(rows // blk,),
        in_specs=[
            pl.BlockSpec((blk, m2.shape[1]), lambda i: (i, 0)),
            pl.BlockSpec((blk, l2.shape[1]), lambda i: (i, 0)),
            pl.BlockSpec((blk, l2.shape[1]), lambda i: (i, 0)),
        ],
        out_specs=[
            pl.BlockSpec((blk, m2.shape[1]), lambda i: (i, 0)),
            pl.BlockSpec((blk, l2.shape[1]), lambda i: (i, 0)),
        ],
        out_shape=[
            jax.ShapeDtypeStruct(m2.shape, jnp.float32),
            jax.ShapeDtypeStruct(l2.shape, jnp.float32),
        ],
    )(m2, l2, r2)
    return sq.reshape(two_e, d), tril.reshape(e, d)


def _make_assemble(E, D, total):
    n_echunk = E // _ECHUNK
    e_iters = -(-n_echunk // _NW)
    nd = _N * D
    n_dchunk = nd // _DCHUNK
    d_iters = -(-n_dchunk // _NW)
    erows = _ECHUNK * D // 128

    mesh = plsc.VectorSubcoreMesh(core_axis_name="c", subcore_axis_name="s")

    @functools.partial(
        pl.kernel,
        out_type=jax.ShapeDtypeStruct((total, 8), jnp.int32),
        mesh=mesh,
        scratch_types=[
            pltpu.VMEM((_ECHUNK,), jnp.int32),
            pltpu.VMEM((_ECHUNK,), jnp.int32),
            pltpu.VMEM((_ECHUNK,), jnp.int32),
            pltpu.VMEM((_ECHUNK,), jnp.int32),
            pltpu.VMEM((_ECHUNK * D,), jnp.float32),
            pltpu.VMEM((erows, 128), jnp.int32),
            pltpu.VMEM((erows, 128, 8), jnp.int32),
            pltpu.VMEM((_DCHUNK // 128, 128), jnp.int32),
            pltpu.VMEM((_DCHUNK,), jnp.float32),
            pltpu.VMEM((_DCHUNK // 128, 128, 8), jnp.int32),
            pltpu.SemaphoreType.DMA,
        ],
        compiler_params=pltpu.CompilerParams(needs_layout_passes=False, use_tc_tiling_on_sc=False),
    )
    def assemble(base_hbm, stride_hbm, su_hbm, sw_hbm, val_hbm,
                 dslot_hbm, dval_hbm, outp_hbm,
                 base_v, stride_v, su_v, sw_v, val_v,
                 slot_b, pk_b, dslot_v, dval_v, dpk_b, sem):
        wid = lax.axis_index("s") * 2 + lax.axis_index("c")
        iota = lax.iota(jnp.int32, 16)
        rep = lax.shift_right_logical(iota, 2)
        ch = lax.bitwise_and(iota, 3)
        zero16 = iota * 0

        def edge_chunk(k, _):
            c = wid + _NW * k

            @pl.when(c < n_echunk)
            def _():
                off = c * _ECHUNK
                pltpu.sync_copy(base_hbm.at[pl.ds(off, _ECHUNK)], base_v)
                pltpu.sync_copy(stride_hbm.at[pl.ds(off, _ECHUNK)], stride_v)
                pltpu.sync_copy(su_hbm.at[pl.ds(off, _ECHUNK)], su_v)
                pltpu.sync_copy(sw_hbm.at[pl.ds(off, _ECHUNK)], sw_v)
                pltpu.sync_copy(val_hbm.at[pl.ds(off * D, _ECHUNK * D)], val_v)

                def expand(r, _):
                    rv = zero16 + r
                    for q in range(8):
                        e16 = 32 * r + 4 * q + rep
                        b16 = plsc.load_gather(base_v, [e16])
                        s16 = plsc.load_gather(stride_v, [e16])
                        u16 = plsc.load_gather(su_v, [e16])
                        w16 = plsc.load_gather(sw_v, [e16])
                        wv = val_v[pl.ds(128 * r + 16 * q, 16)]
                        slot_b[r, pl.ds(16 * q, 16)] = b16 + ch * s16
                        k16 = 16 * q + iota
                        plsc.store_scatter(
                            pk_b, [rv, k16, zero16], u16 * D + ch)
                        plsc.store_scatter(
                            pk_b, [rv, k16, zero16 + 1], w16 * D + ch)
                        plsc.store_scatter(
                            pk_b, [rv, k16, zero16 + 2],
                            plsc.bitcast(wv, jnp.int32))
                    return _

                lax.fori_loop(0, erows, expand, None)

                def fire(r, _):
                    pltpu.async_copy(
                        pk_b.at[r], outp_hbm.at[slot_b.at[r]], sem)
                    return _

                def drain(r, _):
                    pltpu.make_async_copy(
                        pk_b.at[r], outp_hbm.at[slot_b.at[r]], sem).wait()
                    return _

                lax.fori_loop(0, erows, fire, None)
                lax.fori_loop(0, erows, drain, None)
            return _

        lax.fori_loop(0, e_iters, edge_chunk, None)

        def diag_chunk(k, _):
            c = wid + _NW * k

            @pl.when(c < n_dchunk)
            def _():
                pltpu.sync_copy(dslot_hbm.at[c], dslot_v)
                pltpu.sync_copy(dval_hbm.at[pl.ds(c * _DCHUNK, _DCHUNK)],
                                dval_v)
                for r in range(_DCHUNK // 128):
                    rv = zero16 + r
                    for q in range(8):
                        p16 = c * _DCHUNK + 128 * r + 16 * q + iota
                        dwv = dval_v[pl.ds(128 * r + 16 * q, 16)]
                        k16 = 16 * q + iota
                        plsc.store_scatter(dpk_b, [rv, k16, zero16], p16)
                        plsc.store_scatter(dpk_b, [rv, k16, zero16 + 1], p16)
                        plsc.store_scatter(
                            dpk_b, [rv, k16, zero16 + 2],
                            plsc.bitcast(dwv, jnp.int32))

                def dfire(r, _):
                    pltpu.async_copy(
                        dpk_b.at[r], outp_hbm.at[dslot_v.at[r]], sem)
                    return _

                def ddrain(r, _):
                    pltpu.make_async_copy(
                        dpk_b.at[r], outp_hbm.at[dslot_v.at[r]], sem).wait()
                    return _

                lax.fori_loop(0, _DCHUNK // 128, dfire, None)
                lax.fori_loop(0, _DCHUNK // 128, ddrain, None)
            return _

        lax.fori_loop(0, d_iters, diag_chunk, None)

    return assemble


def kernel(maps, edge_index):
    E = edge_index.shape[1]
    e_half = E // 2
    D = maps.shape[1]
    u_all = edge_index[0]
    w_all = edge_index[1]

    maps_sq, tril_maps = _elementwise(maps, maps[:e_half], maps[e_half:])

    diag = jax.ops.segment_sum(maps_sq, u_all, num_segments=_N)
    dsi = jnp.power(diag + 1.0, -0.5)
    tril_norm = dsi[u_all[:e_half]] * tril_maps * dsi[w_all[:e_half]]
    diag_norm = dsi * diag * dsi

    ones_e = jnp.ones((E,), jnp.int32)
    deg = jax.ops.segment_sum(ones_e, u_all, num_segments=_N)
    dtril = jax.ops.segment_sum(ones_e[:e_half], u_all[:e_half], num_segments=_N)
    zero1 = jnp.zeros((1,), jnp.int32)
    row_start_edges = jnp.concatenate([zero1, jnp.cumsum(deg)[:-1]])
    node_start = jnp.concatenate([zero1, D * jnp.cumsum(deg + 1)[:-1]])

    perm = jnp.lexsort((w_all, u_all))
    su = u_all[perm]
    sw = w_all[perm]
    sval = jnp.concatenate([tril_norm, tril_norm], axis=0)[perm]

    s = jnp.arange(E, dtype=jnp.int32)
    base = node_start[su] + (s - row_start_edges[su]) + (sw > su).astype(jnp.int32)
    stride = deg[su] + 1

    i = jnp.arange(D, dtype=jnp.int32)
    vslots = (node_start[:, None] + i[None, :] * (deg + 1)[:, None]
              + dtril[:, None]).reshape(-1)

    total = E * D + _N * D
    assemble = _make_assemble(E, D, total)
    outp = assemble(
        base, stride, su, sw, sval.reshape(-1),
        vslots.reshape(-1, _DCHUNK // 128, 128), diag_norm.reshape(-1))
    lap_index = jnp.stack([outp[:, 0], outp[:, 1]])
    weights = lax.bitcast_convert_type(outp[:, 2], jnp.float32)
    return (lap_index, weights), tril_maps

# --- scband reference (transcript-rebuilt; emitter-appended) ---
"""Pipeline reference for scband-laplacian-builder-9174050144895 (READ-ONLY COPY).

The authoritative reference and input builder live on the scoring server;
editing this copy changes nothing except your own understanding.
"""

import jax, jax.numpy as jnp
import numpy as np

N = 100000
D = 4
E_HALF = 1600000


def _build_edge_index(key):
    # Build a symmetric directed edge list: first E_HALF entries are the
    # lower-triangular (row > col) directed edges, the second E_HALF entries
    # are the reversed (col, row) edges. This mirrors the structural
    # assumption used by LaplacianBuilder.left_right_idx / vertex_tril_idx.
    k1, k2 = jax.random.split(key)
    a = jax.random.randint(k1, (E_HALF,), 0, N)
    off = jax.random.randint(k2, (E_HALF,), 1, N)
    b = (a + off) % N  # guaranteed b != a
    r = jnp.maximum(a, b)
    c = jnp.minimum(a, b)
    return jnp.stack([jnp.concatenate([r, c]), jnp.concatenate([c, r])])


def setup_inputs(seed: int = 0):
    key = jax.random.key(seed)
    kmaps, kedge = jax.random.split(key)
    maps = jax.random.normal(kmaps, (2 * E_HALF, D), dtype=jnp.float32)
    edge_index = _build_edge_index(kedge)
    return {"maps": maps, "edge_index": edge_index}


def _mergesp(idx1, val1, idx2, val2):
    # lap.mergesp: merge two COO sparse matrices (disjoint index sets here),
    # coalesce == sort lexicographically by (row, col).
    idx = jnp.concatenate([idx1, idx2], axis=1)
    val = jnp.concatenate([val1, val2], axis=0)
    order = jnp.lexsort((idx[1], idx[0]))
    return idx[:, order], val[order]


def reference(maps, edge_index):
    # DiagLaplacianBuilder.forward with normalised=True, augmented=True,
    # add_hp=add_lp=False (append_fixed_maps is identity), final_d == d.
    E = edge_index.shape[1]
    e_half = E // 2
    tril_row = edge_index[0, :e_half]
    tril_col = edge_index[1, :e_half]
    row = edge_index[0]
    # left_right_idx: left = tril directed edges, right = reversed edges
    left_maps = maps[:e_half]
    right_maps = maps[e_half:]
    tril_maps = -left_maps * right_maps
    saved_tril_maps = jax.lax.stop_gradient(tril_maps)  # detach().clone()
    # diag_maps = scatter_add(maps ** 2, row, dim_size=size)
    diag_maps = jax.ops.segment_sum(maps ** 2, row, num_segments=N)
    # normalise (normalised branch, augmented): D^{-1/2} L D^{-1/2}
    d_sqrt_inv = jnp.power(diag_maps + 1.0, -0.5)
    tril_maps = d_sqrt_inv[tril_row] * tril_maps * d_sqrt_inv[tril_col]
    diag_maps = d_sqrt_inv * diag_maps * d_sqrt_inv
    nd = N * D
    # compute_learnable_diag_laplacian_indices: diagonal entries per node/channel
    ar = jnp.arange(nd)
    diag_indices = jnp.stack([ar, ar])
    i = jnp.arange(D)
    tril_r = (tril_row[:, None] * D + i[None, :]).reshape(-1)
    tril_c = (tril_col[:, None] * D + i[None, :]).reshape(-1)
    tril_indices = jnp.stack([tril_r, tril_c])
    triu_indices = jnp.stack([tril_c, tril_r])
    tril_vals = tril_maps.reshape(-1)
    diag_vals = diag_maps.reshape(-1)
    non_diag_indices, non_diag_values = _mergesp(tril_indices, tril_vals, triu_indices, tril_vals)
    lap_index, weights = _mergesp(non_diag_indices, non_diag_values, diag_indices, diag_vals)
    return (lap_index, weights), saved_tril_maps

if __name__ == "__main__":
    import jax
    _d = setup_inputs()
    print(jax.jit(kernel)(*tuple(_d.values())))

</pallas_src>

<mosaic_0001>
#map = affine_map<(d0, d1) -> (0)>
#map1 = affine_map<(d0, d1) -> (0, 0, 0)>
#map2 = affine_map<(d0, d1) -> (0, 0)>
module attributes {stable_mosaic.version = 14 : i64} {
  func.func @assemble(%arg0: i32, %arg1: i32, %arg2: memref<3200000xi32, #tpu.memory_space<hbm>>, %arg3: memref<3200000xi32, #tpu.memory_space<hbm>>, %arg4: memref<3200000xi32, #tpu.memory_space<hbm>>, %arg5: memref<3200000xi32, #tpu.memory_space<hbm>>, %arg6: memref<12800000xf32, #tpu.memory_space<hbm>>, %arg7: memref<625x5x128xi32, #tpu.memory_space<hbm>>, %arg8: memref<400000xf32, #tpu.memory_space<hbm>>, %arg9: memref<13200000x8xi32, #tpu.memory_space<hbm>>, %arg10: memref<1024xi32, #tpu.memory_space<vmem>>, %arg11: memref<1024xi32, #tpu.memory_space<vmem>>, %arg12: memref<1024xi32, #tpu.memory_space<vmem>>, %arg13: memref<1024xi32, #tpu.memory_space<vmem>>, %arg14: memref<4096xf32, #tpu.memory_space<vmem>>, %arg15: memref<32x128xi32, #tpu.memory_space<vmem>>, %arg16: memref<32x128x8xi32, #tpu.memory_space<vmem>>, %arg17: memref<5x128xi32, #tpu.memory_space<vmem>>, %arg18: memref<640xf32, #tpu.memory_space<vmem>>, %arg19: memref<5x128x8xi32, #tpu.memory_space<vmem>>, %arg20: memref<!tpu.dma_semaphore, #tpu.memory_space<semaphore_mem>>) attributes {dimension_semantics = [#tpu.dimension_semantics<core_parallel>, #tpu.dimension_semantics<subcore_parallel>], iteration_bounds = array<i64: 2, 16>, scalar_prefetch = 0 : i64, scratch_operands = 11 : i64, tpu.core_type = #tpu.core_type<sc_vector_subcore>, window_params = [{transform_indices = #map}, {transform_indices = #map}, {transform_indices = #map}, {transform_indices = #map}, {transform_indices = #map}, {transform_indices = #map1}, {transform_indices = #map}, {transform_indices = #map2}]} {
    %mul3A = arith.constant 2 : i32
    %mul3A_0 = arith.muli %arg1, %mul3A : i32
    %add3A = arith.addi %mul3A_0, %arg0 : i32
    %iota3A = tpu.iota {dimensions = array<i32: 0>} : vector<16xi32>
    %shift_right_logical3A = arith.constant 2 : i32
    %shift_right_logical3A_1 = vector.broadcast %shift_right_logical3A : i32 to vector<16xi32>
    %shift_right_logical3A_2 = arith.shrui %iota3A, %shift_right_logical3A_1 : vector<16xi32>
    %and3A = arith.constant 3 : i32
    %and3A_3 = vector.broadcast %and3A : i32 to vector<16xi32>
    %and3A_4 = arith.andi %iota3A, %and3A_3 : vector<16xi32>
    %mul3A_5 = arith.constant 0 : i32
    %mul3A_6 = vector.broadcast %mul3A_5 : i32 to vector<16xi32>
    %mul3A_7 = arith.muli %iota3A, %mul3A_6 : vector<16xi32>
    %scan3A = arith.constant 0 : i32
    %scan3A_8 = arith.constant 98 : i32
    %scan3A_9 = arith.addi %scan3A, %scan3A_8 : i32
    %scan3A_10 = arith.constant 1 : i32
    scf.for %scan3A_17 = %scan3A to %scan3A_9 step %scan3A_10  : i32 {
      %mul3A_18 = arith.constant 32 : i32
      %mul3A_19 = arith.muli %mul3A_18, %scan3A_17 : i32
      %add3A_20 = arith.addi %add3A, %mul3A_19 : i32
      %lt3A = arith.constant 3125 : i32
      %lt3A_21 = arith.cmpi slt, %add3A_20, %lt3A : i32
      %convert_element_type3A = arith.extui %lt3A_21 : i1 to i32
      %cond3A = arith.constant 0 : i32
      %cond3A_22 = arith.cmpi ne, %convert_element_type3A, %cond3A : i32
      scf.if %cond3A_22 {
        %mul3A_23 = arith.constant 1024 : i32
        %mul3A_24 = arith.muli %add3A_20, %mul3A_23 : i32
        "tpu.region"() ({
          %run_scoped3A = tpu.sem_alloc : memref<!tpu.dma_semaphore, #tpu.memory_space<semaphore_mem>>
          %dma_start3A = tpu.memref_slice %arg2[%mul3A_24] : memref<3200000xi32, #tpu.memory_space<hbm>> -> memref<1024xi32, #tpu.memory_space<hbm>>
          %dma_start3A_42 = tpu.memref_slice %arg2[%mul3A_24] : memref<3200000xi32, #tpu.memory_space<hbm>> -> memref<1024xi32, #tpu.memory_space<hbm>>
          tpu.enqueue_dma source(%dma_start3A_42 : memref<1024xi32, #tpu.memory_space<hbm>>) target(%arg10 : memref<1024xi32, #tpu.memory_space<vmem>>) target_semaphore(%run_scoped3A : memref<!tpu.dma_semaphore, #tpu.memory_space<semaphore_mem>>)
          %dma_wait3A = tpu.memref_slice %arg2[%mul3A_24] : memref<3200000xi32, #tpu.memory_space<hbm>> -> memref<1024xi32, #tpu.memory_space<hbm>>
          %dma_wait3A_43 = tpu.memref_slice %arg2[%mul3A_24] : memref<3200000xi32, #tpu.memory_space<hbm>> -> memref<1024xi32, #tpu.memory_space<hbm>>
          tpu.wait_dma2 semaphore(%run_scoped3A : memref<!tpu.dma_semaphore, #tpu.memory_space<semaphore_mem>>) src(%dma_wait3A_43 : memref<1024xi32, #tpu.memory_space<hbm>>) dst(%arg10 : memref<1024xi32, #tpu.memory_space<vmem>>)
          tpu.yield
        }) : () -> ()
        "tpu.region"() ({
          %run_scoped3A = tpu.sem_alloc : memref<!tpu.dma_semaphore, #tpu.memory_space<semaphore_mem>>
          %dma_start3A = tpu.memref_slice %arg3[%mul3A_24] : memref<3200000xi32, #tpu.memory_space<hbm>> -> memref<1024xi32, #tpu.memory_space<hbm>>
          %dma_start3A_42 = tpu.memref_slice %arg3[%mul3A_24] : memref<3200000xi32, #tpu.memory_space<hbm>> -> memref<1024xi32, #tpu.memory_space<hbm>>
          tpu.enqueue_dma source(%dma_start3A_42 : memref<1024xi32, #tpu.memory_space<hbm>>) target(%arg11 : memref<1024xi32, #tpu.memory_space<vmem>>) target_semaphore(%run_scoped3A : memref<!tpu.dma_semaphore, #tpu.memory_space<semaphore_mem>>)
          %dma_wait3A = tpu.memref_slice %arg3[%mul3A_24] : memref<3200000xi32, #tpu.memory_space<hbm>> -> memref<1024xi32, #tpu.memory_space<hbm>>
          %dma_wait3A_43 = tpu.memref_slice %arg3[%mul3A_24] : memref<3200000xi32, #tpu.memory_space<hbm>> -> memref<1024xi32, #tpu.memory_space<hbm>>
          tpu.wait_dma2 semaphore(%run_scoped3A : memref<!tpu.dma_semaphore, #tpu.memory_space<semaphore_mem>>) src(%dma_wait3A_43 : memref<1024xi32, #tpu.memory_space<hbm>>) dst(%arg11 : memref<1024xi32, #tpu.memory_space<vmem>>)
          tpu.yield
        }) : () -> ()
        "tpu.region"() ({
          %run_scoped3A = tpu.sem_alloc : memref<!tpu.dma_semaphore, #tpu.memory_space<semaphore_mem>>
          %dma_start3A = tpu.memref_slice %arg4[%mul3A_24] : memref<3200000xi32, #tpu.memory_space<hbm>> -> memref<1024xi32, #tpu.memory_space<hbm>>
          %dma_start3A_42 = tpu.memref_slice %arg4[%mul3A_24] : memref<3200000xi32, #tpu.memory_space<hbm>> -> memref<1024xi32, #tpu.memory_space<hbm>>
          tpu.enqueue_dma source(%dma_start3A_42 : memref<1024xi32, #tpu.memory_space<hbm>>) target(%arg12 : memref<1024xi32, #tpu.memory_space<vmem>>) target_semaphore(%run_scoped3A : memref<!tpu.dma_semaphore, #tpu.memory_space<semaphore_mem>>)
          %dma_wait3A = tpu.memref_slice %arg4[%mul3A_24] : memref<3200000xi32, #tpu.memory_space<hbm>> -> memref<1024xi32, #tpu.memory_space<hbm>>
          %dma_wait3A_43 = tpu.memref_slice %arg4[%mul3A_24] : memref<3200000xi32, #tpu.memory_space<hbm>> -> memref<1024xi32, #tpu.memory_space<hbm>>
          tpu.wait_dma2 semaphore(%run_scoped3A : memref<!tpu.dma_semaphore, #tpu.memory_space<semaphore_mem>>) src(%dma_wait3A_43 : memref<1024xi32, #tpu.memory_space<hbm>>) dst(%arg12 : memref<1024xi32, #tpu.memory_space<vmem>>)
          tpu.yield
        }) : () -> ()
        "tpu.region"() ({
          %run_scoped3A = tpu.sem_alloc : memref<!tpu.dma_semaphore, #tpu.memory_space<semaphore_mem>>
          %dma_start3A = tpu.memref_slice %arg5[%mul3A_24] : memref<3200000xi32, #tpu.memory_space<hbm>> -> memref<1024xi32, #tpu.memory_space<hbm>>
          %dma_start3A_42 = tpu.memref_slice %arg5[%mul3A_24] : memref<3200000xi32, #tpu.memory_space<hbm>> -> memref<1024xi32, #tpu.memory_space<hbm>>
          tpu.enqueue_dma source(%dma_start3A_42 : memref<1024xi32, #tpu.memory_space<hbm>>) target(%arg13 : memref<1024xi32, #tpu.memory_space<vmem>>) target_semaphore(%run_scoped3A : memref<!tpu.dma_semaphore, #tpu.memory_space<semaphore_mem>>)
          %dma_wait3A = tpu.memref_slice %arg5[%mul3A_24] : memref<3200000xi32, #tpu.memory_space<hbm>> -> memref<1024xi32, #tpu.memory_space<hbm>>
          %dma_wait3A_43 = tpu.memref_slice %arg5[%mul3A_24] : memref<3200000xi32, #tpu.memory_space<hbm>> -> memref<1024xi32, #tpu.memory_space<hbm>>
          tpu.wait_dma2 semaphore(%run_scoped3A : memref<!tpu.dma_semaphore, #tpu.memory_space<semaphore_mem>>) src(%dma_wait3A_43 : memref<1024xi32, #tpu.memory_space<hbm>>) dst(%arg13 : memref<1024xi32, #tpu.memory_space<vmem>>)
          tpu.yield
        }) : () -> ()
        %mul3A_25 = arith.constant 4 : i32
        %mul3A_26 = arith.muli %mul3A_24, %mul3A_25 : i32
        "tpu.region"() ({
          %run_scoped3A = tpu.sem_alloc : memref<!tpu.dma_semaphore, #tpu.memory_space<semaphore_mem>>
          %dma_start3A = tpu.memref_slice %arg6[%mul3A_26] : memref<12800000xf32, #tpu.memory_space<hbm>> -> memref<4096xf32, #tpu.memory_space<hbm>>
          %dma_start3A_42 = tpu.memref_slice %arg6[%mul3A_26] : memref<12800000xf32, #tpu.memory_space<hbm>> -> memref<4096xf32, #tpu.memory_space<hbm>>
          tpu.enqueue_dma source(%dma_start3A_42 : memref<4096xf32, #tpu.memory_space<hbm>>) target(%arg14 : memref<4096xf32, #tpu.memory_space<vmem>>) target_semaphore(%run_scoped3A : memref<!tpu.dma_semaphore, #tpu.memory_space<semaphore_mem>>)
          %dma_wait3A = tpu.memref_slice %arg6[%mul3A_26] : memref<12800000xf32, #tpu.memory_space<hbm>> -> memref<4096xf32, #tpu.memory_space<hbm>>
          %dma_wait3A_43 = tpu.memref_slice %arg6[%mul3A_26] : memref<12800000xf32, #tpu.memory_space<hbm>> -> memref<4096xf32, #tpu.memory_space<hbm>>
          tpu.wait_dma2 semaphore(%run_scoped3A : memref<!tpu.dma_semaphore, #tpu.memory_space<semaphore_mem>>) src(%dma_wait3A_43 : memref<4096xf32, #tpu.memory_space<hbm>>) dst(%arg14 : memref<4096xf32, #tpu.memory_space<vmem>>)
          tpu.yield
        }) : () -> ()
        %scan3A_27 = arith.constant 0 : i32
        %scan3A_28 = arith.constant 32 : i32
        %scan3A_29 = arith.addi %scan3A_27, %scan3A_28 : i32
        %scan3A_30 = arith.constant 1 : i32
        scf.for %scan3A_42 = %scan3A_27 to %scan3A_29 step %scan3A_30  : i32 {
          %add3A_43 = vector.broadcast %scan3A_42 : i32 to vector<16xi32>
          %add3A_44 = arith.addi %mul3A_7, %add3A_43 : vector<16xi32>
          %mul3A_45 = arith.constant 32 : i32
          %mul3A_46 = arith.muli %mul3A_45, %scan3A_42 : i32
          %add3A_47 = arith.constant 0 : i32
          %add3A_48 = arith.addi %mul3A_46, %add3A_47 : i32
          %add3A_49 = vector.broadcast %add3A_48 : i32 to vector<16xi32>
          %add3A_50 = arith.addi %add3A_49, %shift_right_logical3A_2 : vector<16xi32>
          %gather3A = tpu.vector_load_idx %arg10[%add3A_50] : memref<1024xi32, #tpu.memory_space<vmem>>[vector<16xi32>], vector<16xi32>,
          %gather3A_51 = tpu.vector_load_idx %arg11[%add3A_50] : memref<1024xi32, #tpu.memory_space<vmem>>[vector<16xi32>], vector<16xi32>,
          %gather3A_52 = tpu.vector_load_idx %arg12[%add3A_50] : memref<1024xi32, #tpu.memory_space<vmem>>[vector<16xi32>], vector<16xi32>,
          %gather3A_53 = tpu.vector_load_idx %arg13[%add3A_50] : memref<1024xi32, #tpu.memory_space<vmem>>[vector<16xi32>], vector<16xi32>,
          %mul3A_54 = arith.constant 128 : i32
          %mul3A_55 = arith.muli %mul3A_54, %scan3A_42 : i32
          %add3A_56 = arith.constant 0 : i32
          %add3A_57 = arith.addi %mul3A_55, %add3A_56 : i32
          %get3A = arith.index_cast %add3A_57 : i32 to index
          %get3A_58 = tpu.vector_load %arg14[%get3A] {strides = array<i32>} : memref<4096xf32, #tpu.memory_space<vmem>>, vector<16xf32>,
          %mul3A_59 = arith.muli %and3A_4, %gather3A_51 : vector<16xi32>
          %add3A_60 = arith.addi %gather3A, %mul3A_59 : vector<16xi32>
          %swap3A = arith.index_cast %scan3A_42 : i32 to index
          %swap3A_61 = arith.constant 0 : index
          %swap3A_62 = tpu.vector_load %arg15[%swap3A, %swap3A_61] {strides = array<i32>} : memref<32x128xi32, #tpu.memory_space<vmem>>, vector<16xi32>,
          tpu.vector_store %arg15[%swap3A, %swap3A_61], %add3A_60 {strides = array<i32>} : memref<32x128xi32, #tpu.memory_space<vmem>>, vector<16xi32>,
          %add3A_63 = arith.constant 0 : i32
          %add3A_64 = vector.broadcast %add3A_63 : i32 to vector<16xi32>
          %add3A_65 = arith.addi %add3A_64, %iota3A : vector<16xi32>
          %mul3A_66 = arith.constant 4 : i32
          %mul3A_67 = vector.broadcast %mul3A_66 : i32 to vector<16xi32>
          %mul3A_68 = arith.muli %gather3A_52, %mul3A_67 : vector<16xi32>
          %add3A_69 = arith.addi %mul3A_68, %and3A_4 : vector<16xi32>
          tpu.vector_store_idx %arg16[%add3A_44, %add3A_65, %mul3A_7], %add3A_69 : memref<32x128x8xi32, #tpu.memory_space<vmem>>[vector<16xi32>, vector<16xi32>, vector<16xi32>], vector<16xi32>,
          %add3A_70 = arith.constant 1 : i32
          %add3A_71 = vector.broadcast %add3A_70 : i32 to vector<16xi32>
          %add3A_72 = arith.addi %mul3A_7, %add3A_71 : vector<16xi32>
          %mul3A_73 = arith.constant 4 : i32
          %mul3A_74 = vector.broadcast %mul3A_73 : i32 to vector<16xi32>
          %mul3A_75 = arith.muli %gather3A_53, %mul3A_74 : vector<16xi32>
          %add3A_76 = arith.addi %mul3A_75, %and3A_4 : vector<16xi32>
          tpu.vector_store_idx %arg16[%add3A_44, %add3A_65, %add3A_72], %add3A_76 : memref<32x128x8xi32, #tpu.memory_space<vmem>>[vector<16xi32>, vector<16xi32>, vector<16xi32>], vector<16xi32>,
          %add3A_77 = arith.constant 2 : i32
          %add3A_78 = vector.broadcast %add3A_77 : i32 to vector<16xi32>
          %add3A_79 = arith.addi %mul3A_7, %add3A_78 : vector<16xi32>
          %bitcast3A = vector.bitcast %get3A_58 : vector<16xf32> to vector<16xi32>
          tpu.vector_store_idx %arg16[%add3A_44, %add3A_65, %add3A_79], %bitcast3A : memref<32x128x8xi32, #tpu.memory_space<vmem>>[vector<16xi32>, vector<16xi32>, vector<16xi32>], vector<16xi32>,
          %mul3A_80 = arith.constant 32 : i32
          %mul3A_81 = arith.muli %mul3A_80, %scan3A_42 : i32
          %add3A_82 = arith.constant 4 : i32
          %add3A_83 = arith.addi %mul3A_81, %add3A_82 : i32
          %add3A_84 = vector.broadcast %add3A_83 : i32 to vector<16xi32>
          %add3A_85 = arith.addi %add3A_84, %shift_right_logical3A_2 : vector<16xi32>
          %gather3A_86 = tpu.vector_load_idx %arg10[%add3A_85] : memref<1024xi32, #tpu.memory_space<vmem>>[vector<16xi32>], vector<16xi32>,
          %gather3A_87 = tpu.vector_load_idx %arg11[%add3A_85] : memref<1024xi32, #tpu.memory_space<vmem>>[vector<16xi32>], vector<16xi32>,
          %gather3A_88 = tpu.vector_load_idx %arg12[%add3A_85] : memref<1024xi32, #tpu.memory_space<vmem>>[vector<16xi32>], vector<16xi32>,
          %gather3A_89 = tpu.vector_load_idx %arg13[%add3A_85] : memref<1024xi32, #tpu.memory_space<vmem>>[vector<16xi32>], vector<16xi32>,
          %mul3A_90 = arith.constant 128 : i32
          %mul3A_91 = arith.muli %mul3A_90, %scan3A_42 : i32
          %add3A_92 = arith.constant 16 : i32
          %add3A_93 = arith.addi %mul3A_91, %add3A_92 : i32
          %get3A_94 = arith.index_cast %add3A_93 : i32 to index
          %get3A_95 = tpu.vector_load %arg14[%get3A_94] {strides = array<i32>} : memref<4096xf32, #tpu.memory_space<vmem>>, vector<16xf32>,
          %mul3A_96 = arith.muli %and3A_4, %gather3A_87 : vector<16xi32>
          %add3A_97 = arith.addi %gather3A_86, %mul3A_96 : vector<16xi32>
          %swap3A_98 = arith.index_cast %scan3A_42 : i32 to index
          %swap3A_99 = arith.constant 16 : index
          %swap3A_100 = tpu.vector_load %arg15[%swap3A_98, %swap3A_99] {strides = array<i32>} : memref<32x128xi32, #tpu.memory_space<vmem>>, vector<16xi32>,
          tpu.vector_store %arg15[%swap3A_98, %swap3A_99], %add3A_97 {strides = array<i32>} : memref<32x128xi32, #tpu.memory_space<vmem>>, vector<16xi32>,
          %add3A_101 = arith.constant 16 : i32
          %add3A_102 = vector.broadcast %add3A_101 : i32 to vector<16xi32>
          %add3A_103 = arith.addi %add3A_102, %iota3A : vector<16xi32>
          %mul3A_104 = arith.constant 4 : i32
          %mul3A_105 = vector.broadcast %mul3A_104 : i32 to vector<16xi32>
          %mul3A_106 = arith.muli %gather3A_88, %mul3A_105 : vector<16xi32>
          %add3A_107 = arith.addi %mul3A_106, %and3A_4 : vector<16xi32>
          tpu.vector_store_idx %arg16[%add3A_44, %add3A_103, %mul3A_7], %add3A_107 : memref<32x128x8xi32, #tpu.memory_space<vmem>>[vector<16xi32>, vector<16xi32>, vector<16xi32>], vector<16xi32>,
          %add3A_108 = arith.constant 1 : i32
          %add3A_109 = vector.broadcast %add3A_108 : i32 to vector<16xi32>
          %add3A_110 = arith.addi %mul3A_7, %add3A_109 : vector<16xi32>
          %mul3A_111 = arith.constant 4 : i32
          %mul3A_112 = vector.broadcast %mul3A_111 : i32 to vector<16xi32>
          %mul3A_113 = arith.muli %gather3A_89, %mul3A_112 : vector<16xi32>
          %add3A_114 = arith.addi %mul3A_113, %and3A_4 : vector<16xi32>
          tpu.vector_store_idx %arg16[%add3A_44, %add3A_103, %add3A_110], %add3A_114 : memref<32x128x8xi32, #tpu.memory_space<vmem>>[vector<16xi32>, vector<16xi32>, vector<16xi32>], vector<16xi32>,
          %add3A_115 = arith.constant 2 : i32
          %add3A_116 = vector.broadcast %add3A_115 : i32 to vector<16xi32>
          %add3A_117 = arith.addi %mul3A_7, %add3A_116 : vector<16xi32>
          %bitcast3A_118 = vector.bitcast %get3A_95 : vector<16xf32> to vector<16xi32>
          tpu.vector_store_idx %arg16[%add3A_44, %add3A_103, %add3A_117], %bitcast3A_118 : memref<32x128x8xi32, #tpu.memory_space<vmem>>[vector<16xi32>, vector<16xi32>, vector<16xi32>], vector<16xi32>,
          %mul3A_119 = arith.constant 32 : i32
          %mul3A_120 = arith.muli %mul3A_119, %scan3A_42 : i32
          %add3A_121 = arith.constant 8 : i32
          %add3A_122 = arith.addi %mul3A_120, %add3A_121 : i32
          %add3A_123 = vector.broadcast %add3A_122 : i32 to vector<16xi32>
          %add3A_124 = arith.addi %add3A_123, %shift_right_logical3A_2 : vector<16xi32>
          %gather3A_125 = tpu.vector_load_idx %arg10[%add3A_124] : memref<1024xi32, #tpu.memory_space<vmem>>[vector<16xi32>], vector<16xi32>,
          %gather3A_126 = tpu.vector_load_idx %arg11[%add3A_124] : memref<1024xi32, #tpu.memory_space<vmem>>[vector<16xi32>], vector<16xi32>,
          %gather3A_127 = tpu.vector_load_idx %arg12[%add3A_124] : memref<1024xi32, #tpu.memory_space<vmem>>[vector<16xi32>], vector<16xi32>,
          %gather3A_128 = tpu.vector_load_idx %arg13[%add3A_124] : memref<1024xi32, #tpu.memory_space<vmem>>[vector<16xi32>], vector<16xi32>,
          %mul3A_129 = arith.constant 128 : i32
          %mul3A_130 = arith.muli %mul3A_129, %scan3A_42 : i32
          %add3A_131 = arith.constant 32 : i32
          %add3A_132 = arith.addi %mul3A_130, %add3A_131 : i32
          %get3A_133 = arith.index_cast %add3A_132 : i32 to index
          %get3A_134 = tpu.vector_load %arg14[%get3A_133] {strides = array<i32>} : memref<4096xf32, #tpu.memory_space<vmem>>, vector<16xf32>,
          %mul3A_135 = arith.muli %and3A_4, %gather3A_126 : vector<16xi32>
          %add3A_136 = arith.addi %gather3A_125, %mul3A_135 : vector<16xi32>
          %swap3A_137 = arith.index_cast %scan3A_42 : i32 to index
          %swap3A_138 = arith.constant 32 : index
          %swap3A_139 = tpu.vector_load %arg15[%swap3A_137, %swap3A_138] {strides = array<i32>} : memref<32x128xi32, #tpu.memory_space<vmem>>, vector<16xi32>,
          tpu.vector_store %arg15[%swap3A_137, %swap3A_138], %add3A_136 {strides = array<i32>} : memref<32x128xi32, #tpu.memory_space<vmem>>, vector<16xi32>,
          %add3A_140 = arith.constant 32 : i32
          %add3A_141 = vector.broadcast %add3A_140 : i32 to vector<16xi32>
          %add3A_142 = arith.addi %add3A_141, %iota3A : vector<16xi32>
          %mul3A_143 = arith.constant 4 : i32
          %mul3A_144 = vector.broadcast %mul3A_143 : i32 to vector<16xi32>
          %mul3A_145 = arith.muli %gather3A_127, %mul3A_144 : vector<16xi32>
          %add3A_146 = arith.addi %mul3A_145, %and3A_4 : vector<16xi32>
          tpu.vector_store_idx %arg16[%add3A_44, %add3A_142, %mul3A_7], %add3A_146 : memref<32x128x8xi32, #tpu.memory_space<vmem>>[vector<16xi32>, vector<16xi32>, vector<16xi32>], vector<16xi32>,
          %add3A_147 = arith.constant 1 : i32
          %add3A_148 = vector.broadcast %add3A_147 : i32 to vector<16xi32>
          %add3A_149 = arith.addi %mul3A_7, %add3A_148 : vector<16xi32>
          %mul3A_150 = arith.constant 4 : i32
          %mul3A_151 = vector.broadcast %mul3A_150 : i32 to vector<16xi32>
          %mul3A_152 = arith.muli %gather3A_128, %mul3A_151 : vector<16xi32>
          %add3A_153 = arith.addi %mul3A_152, %and3A_4 : vector<16xi32>
          tpu.vector_store_idx %arg16[%add3A_44, %add3A_142, %add3A_149], %add3A_153 : memref<32x128x8xi32, #tpu.memory_space<vmem>>[vector<16xi32>, vector<16xi32>, vector<16xi32>], vector<16xi32>,
          %add3A_154 = arith.constant 2 : i32
          %add3A_155 = vector.broadcast %add3A_154 : i32 to vector<16xi32>
          %add3A_156 = arith.addi %mul3A_7, %add3A_155 : vector<16xi32>
          %bitcast3A_157 = vector.bitcast %get3A_134 : vector<16xf32> to vector<16xi32>
          tpu.vector_store_idx %arg16[%add3A_44, %add3A_142, %add3A_156], %bitcast3A_157 : memref<32x128x8xi32, #tpu.memory_space<vmem>>[vector<16xi32>, vector<16xi32>, vector<16xi32>], vector<16xi32>,
          %mul3A_158 = arith.constant 32 : i32
          %mul3A_159 = arith.muli %mul3A_158, %scan3A_42 : i32
          %add3A_160 = arith.constant 12 : i32
          %add3A_161 = arith.addi %mul3A_159, %add3A_160 : i32
          %add3A_162 = vector.broadcast %add3A_161 : i32 to vector<16xi32>
          %add3A_163 = arith.addi %add3A_162, %shift_right_logical3A_2 : vector<16xi32>
          %gather3A_164 = tpu.vector_load_idx %arg10[%add3A_163] : memref<1024xi32, #tpu.memory_space<vmem>>[vector<16xi32>], vector<16xi32>,
          %gather3A_165 = tpu.vector_load_idx %arg11[%add3A_163] : memref<1024xi32, #tpu.memory_space<vmem>>[vector<16xi32>], vector<16xi32>,
          %gather3A_166 = tpu.vector_load_idx %arg12[%add3A_163] : memref<1024xi32, #tpu.memory_space<vmem>>[vector<16xi32>], vector<16xi32>,
          %gather3A_167 = tpu.vector_load_idx %arg13[%add3A_163] : memref<1024xi32, #tpu.memory_space<vmem>>[vector<16xi32>], vector<16xi32>,
          %mul3A_168 = arith.constant 128 : i32
          %mul3A_169 = arith.muli %mul3A_168, %scan3A_42 : i32
          %add3A_170 = arith.constant 48 : i32
          %add3A_171 = arith.addi %mul3A_169, %add3A_170 : i32
          %get3A_172 = arith.index_cast %add3A_171 : i32 to index
          %get3A_173 = tpu.vector_load %arg14[%get3A_172] {strides = array<i32>} : memref<4096xf32, #tpu.memory_space<vmem>>, vector<16xf32>,
          %mul3A_174 = arith.muli %and3A_4, %gather3A_165 : vector<16xi32>
          %add3A_175 = arith.addi %gather3A_164, %mul3A_174 : vector<16xi32>
          %swap3A_176 = arith.index_cast %scan3A_42 : i32 to index
          %swap3A_177 = arith.constant 48 : index
          %swap3A_178 = tpu.vector_load %arg15[%swap3A_176, %swap3A_177] {strides = array<i32>} : memref<32x128xi32, #tpu.memory_space<vmem>>, vector<16xi32>,
          tpu.vector_store %arg15[%swap3A_176, %swap3A_177], %add3A_175 {strides = array<i32>} : memref<32x128xi32, #tpu.memory_space<vmem>>, vector<16xi32>,
          %add3A_179 = arith.constant 48 : i32
          %add3A_180 = vector.broadcast %add3A_179 : i32 to vector<16xi32>
          %add3A_181 = arith.addi %add3A_180, %iota3A : vector<16xi32>
          %mul3A_182 = arith.constant 4 : i32
          %mul3A_183 = vector.broadcast %mul3A_182 : i32 to vector<16xi32>
          %mul3A_184 = arith.muli %gather3A_166, %mul3A_183 : vector<16xi32>
          %add3A_185 = arith.addi %mul3A_184, %and3A_4 : vector<16xi32>
          tpu.vector_store_idx %arg16[%add3A_44, %add3A_181, %mul3A_7], %add3A_185 : memref<32x128x8xi32, #tpu.memory_space<vmem>>[vector<16xi32>, vector<16xi32>, vector<16xi32>], vector<16xi32>,
          %add3A_186 = arith.constant 1 : i32
          %add3A_187 = vector.broadcast %add3A_186 : i32 to vector<16xi32>
          %add3A_188 = arith.addi %mul3A_7, %add3A_187 : vector<16xi32>
          %mul3A_189 = arith.constant 4 : i32
          %mul3A_190 = vector.broadcast %mul3A_189 : i32 to vector<16xi32>
          %mul3A_191 = arith.muli %gather3A_167, %mul3A_190 : vector<16xi32>
          %add3A_192 = arith.addi %mul3A_191, %and3A_4 : vector<16xi32>
          tpu.vector_store_idx %arg16[%add3A_44, %add3A_181, %add3A_188], %add3A_192 : memref<32x128x8xi32, #tpu.memory_space<vmem>>[vector<16xi32>, vector<16xi32>, vector<16xi32>], vector<16xi32>,
          %add3A_193 = arith.constant 2 : i32
          %add3A_194 = vector.broadcast %add3A_193 : i32 to vector<16xi32>
          %add3A_195 = arith.addi %mul3A_7, %add3A_194 : vector<16xi32>
          %bitcast3A_196 = vector.bitcast %get3A_173 : vector<16xf32> to vector<16xi32>
          tpu.vector_store_idx %arg16[%add3A_44, %add3A_181, %add3A_195], %bitcast3A_196 : memref<32x128x8xi32, #tpu.memory_space<vmem>>[vector<16xi32>, vector<16xi32>, vector<16xi32>], vector<16xi32>,
          %mul3A_197 = arith.constant 32 : i32
          %mul3A_198 = arith.muli %mul3A_197, %scan3A_42 : i32
          %add3A_199 = arith.constant 16 : i32
          %add3A_200 = arith.addi %mul3A_198, %add3A_199 : i32
          %add3A_201 = vector.broadcast %add3A_200 : i32 to vector<16xi32>
          %add3A_202 = arith.addi %add3A_201, %shift_right_logical3A_2 : vector<16xi32>
          %gather3A_203 = tpu.vector_load_idx %arg10[%add3A_202] : memref<1024xi32, #tpu.memory_space<vmem>>[vector<16xi32>], vector<16xi32>,
          %gather3A_204 = tpu.vector_load_idx %arg11[%add3A_202] : memref<1024xi32, #tpu.memory_space<vmem>>[vector<16xi32>], vector<16xi32>,
          %gather3A_205 = tpu.vector_load_idx %arg12[%add3A_202] : memref<1024xi32, #tpu.memory_space<vmem>>[vector<16xi32>], vector<16xi32>,
          %gather3A_206 = tpu.vector_load_idx %arg13[%add3A_202] : memref<1024xi32, #tpu.memory_space<vmem>>[vector<16xi32>], vector<16xi32>,
          %mul3A_207 = arith.constant 128 : i32
          %mul3A_208 = arith.muli %mul3A_207, %scan3A_42 : i32
          %add3A_209 = arith.constant 64 : i32
          %add3A_210 = arith.addi %mul3A_208, %add3A_209 : i32
          %get3A_211 = arith.index_cast %add3A_210 : i32 to index
          %get3A_212 = tpu.vector_load %arg14[%get3A_211] {strides = array<i32>} : memref<4096xf32, #tpu.memory_space<vmem>>, vector<16xf32>,
          %mul3A_213 = arith.muli %and3A_4, %gather3A_204 : vector<16xi32>
          %add3A_214 = arith.addi %gather3A_203, %mul3A_213 : vector<16xi32>
          %swap3A_215 = arith.index_cast %scan3A_42 : i32 to index
          %swap3A_216 = arith.constant 64 : index
          %swap3A_217 = tpu.vector_load %arg15[%swap3A_215, %swap3A_216] {strides = array<i32>} : memref<32x128xi32, #tpu.memory_space<vmem>>, vector<16xi32>,
          tpu.vector_store %arg15[%swap3A_215, %swap3A_216], %add3A_214 {strides = array<i32>} : memref<32x128xi32, #tpu.memory_space<vmem>>, vector<16xi32>,
          %add3A_218 = arith.constant 64 : i32
          %add3A_219 = vector.broadcast %add3A_218 : i32 to vector<16xi32>
          %add3A_220 = arith.addi %add3A_219, %iota3A : vector<16xi32>
          %mul3A_221 = arith.constant 4 : i32
          %mul3A_222 = vector.broadcast %mul3A_221 : i32 to vector<16xi32>
          %mul3A_223 = arith.muli %gather3A_205, %mul3A_222 : vector<16xi32>
          %add3A_224 = arith.addi %mul3A_223, %and3A_4 : vector<16xi32>
          tpu.vector_store_idx %arg16[%add3A_44, %add3A_220, %mul3A_7], %add3A_224 : memref<32x128x8xi32, #tpu.memory_space<vmem>>[vector<16xi32>, vector<16xi32>, vector<16xi32>], vector<16xi32>,
          %add3A_225 = arith.constant 1 : i32
          %add3A_226 = vector.broadcast %add3A_225 : i32 to vector<16xi32>
          %add3A_227 = arith.addi %mul3A_7, %add3A_226 : vector<16xi32>
          %mul3A_228 = arith.constant 4 : i32
          %mul3A_229 = vector.broadcast %mul3A_228 : i32 to vector<16xi32>
          %mul3A_230 = arith.muli %gather3A_206, %mul3A_229 : vector<16xi32>
          %add3A_231 = arith.addi %mul3A_230, %and3A_4 : vector<16xi32>
          tpu.vector_store_idx %arg16[%add3A_44, %add3A_220, %add3A_227], %add3A_231 : memref<32x128x8xi32, #tpu.memory_space<vmem>>[vector<16xi32>, vector<16xi32>, vector<16xi32>], vector<16xi32>,
          %add3A_232 = arith.constant 2 : i32
          %add3A_233 = vector.broadcast %add3A_232 : i32 to vector<16xi32>
          %add3A_234 = arith.addi %mul3A_7, %add3A_233 : vector<16xi32>
          %bitcast3A_235 = vector.bitcast %get3A_212 : vector<16xf32> to vector<16xi32>
          tpu.vector_store_idx %arg16[%add3A_44, %add3A_220, %add3A_234], %bitcast3A_235 : memref<32x128x8xi32, #tpu.memory_space<vmem>>[vector<16xi32>, vector<16xi32>, vector<16xi32>], vector<16xi32>,
          %mul3A_236 = arith.constant 32 : i32
          %mul3A_237 = arith.muli %mul3A_236, %scan3A_42 : i32
          %add3A_238 = arith.constant 20 : i32
          %add3A_239 = arith.addi %mul3A_237, %add3A_238 : i32
          %add3A_240 = vector.broadcast %add3A_239 : i32 to vector<16xi32>
          %add3A_241 = arith.addi %add3A_240, %shift_right_logical3A_2 : vector<16xi32>
          %gather3A_242 = tpu.vector_load_idx %arg10[%add3A_241] : memref<1024xi32, #tpu.memory_space<vmem>>[vector<16xi32>], vector<16xi32>,
          %gather3A_243 = tpu.vector_load_idx %arg11[%add3A_241] : memref<1024xi32, #tpu.memory_space<vmem>>[vector<16xi32>], vector<16xi32>,
          %gather3A_244 = tpu.vector_load_idx %arg12[%add3A_241] : memref<1024xi32, #tpu.memory_space<vmem>>[vector<16xi32>], vector<16xi32>,
          %gather3A_245 = tpu.vector_load_idx %arg13[%add3A_241] : memref<1024xi32, #tpu.memory_space<vmem>>[vector<16xi32>], vector<16xi32>,
          %mul3A_246 = arith.constant 128 : i32
          %mul3A_247 = arith.muli %mul3A_246, %scan3A_42 : i32
          %add3A_248 = arith.constant 80 : i32
          %add3A_249 = arith.addi %mul3A_247, %add3A_248 : i32
          %get3A_250 = arith.index_cast %add3A_249 : i32 to index
          %get3A_251 = tpu.vector_load %arg14[%get3A_250] {strides = array<i32>} : memref<4096xf32, #tpu.memory_space<vmem>>, vector<16xf32>,
          %mul3A_252 = arith.muli %and3A_4, %gather3A_243 : vector<16xi32>
          %add3A_253 = arith.addi %gather3A_242, %mul3A_252 : vector<16xi32>
          %swap3A_254 = arith.index_cast %scan3A_42 : i32 to index
          %swap3A_255 = arith.constant 80 : index
          %swap3A_256 = tpu.vector_load %arg15[%swap3A_254, %swap3A_255] {strides = array<i32>} : memref<32x128xi32, #tpu.memory_space<vmem>>, vector<16xi32>,
          tpu.vector_store %arg15[%swap3A_254, %swap3A_255], %add3A_253 {strides = array<i32>} : memref<32x128xi32, #tpu.memory_space<vmem>>, vector<16xi32>,
          %add3A_257 = arith.constant 80 : i32
          %add3A_258 = vector.broadcast %add3A_257 : i32 to vector<16xi32>
          %add3A_259 = arith.addi %add3A_258, %iota3A : vector<16xi32>
          %mul3A_260 = arith.constant 4 : i32
          %mul3A_261 = vector.broadcast %mul3A_260 : i32 to vector<16xi32>
          %mul3A_262 = arith.muli %gather3A_244, %mul3A_261 : vector<16xi32>
          %add3A_263 = arith.addi %mul3A_262, %and3A_4 : vector<16xi32>
          tpu.vector_store_idx %arg16[%add3A_44, %add3A_259, %mul3A_7], %add3A_263 : memref<32x128x8xi32, #tpu.memory_space<vmem>>[vector<16xi32>, vector<16xi32>, vector<16xi32>], vector<16xi32>,
          %add3A_264 = arith.constant 1 : i32
          %add3A_265 = vector.broadcast %add3A_264 : i32 to vector<16xi32>
          %add3A_266 = arith.addi %mul3A_7, %add3A_265 : vector<16xi32>
          %mul3A_267 = arith.constant 4 : i32
          %mul3A_268 = vector.broadcast %mul3A_267 : i32 to vector<16xi32>
          %mul3A_269 = arith.muli %gather3A_245, %mul3A_268 : vector<16xi32>
          %add3A_270 = arith.addi %mul3A_269, %and3A_4 : vector<16xi32>
          tpu.vector_store_idx %arg16[%add3A_44, %add3A_259, %add3A_266], %add3A_270 : memref<32x128x8xi32, #tpu.memory_space<vmem>>[vector<16xi32>, vector<16xi32>, vector<16xi32>], vector<16xi32>,
          %add3A_271 = arith.constant 2 : i32
          %add3A_272 = vector.broadcast %add3A_271 : i32 to vector<16xi32>
          %add3A_273 = arith.addi %mul3A_7, %add3A_272 : vector<16xi32>
          %bitcast3A_274 = vector.bitcast %get3A_251 : vector<16xf32> to vector<16xi32>
          tpu.vector_store_idx %arg16[%add3A_44, %add3A_259, %add3A_273], %bitcast3A_274 : memref<32x128x8xi32, #tpu.memory_space<vmem>>[vector<16xi32>, vector<16xi32>, vector<16xi32>], vector<16xi32>,
          %mul3A_275 = arith.constant 32 : i32
          %mul3A_276 = arith.muli %mul3A_275, %scan3A_42 : i32
          %add3A_277 = arith.constant 24 : i32
          %add3A_278 = arith.addi %mul3A_276, %add3A_277 : i32
          %add3A_279 = vector.broadcast %add3A_278 : i32 to vector<16xi32>
          %add3A_280 = arith.addi %add3A_279, %shift_right_logical3A_2 : vector<16xi32>
          %gather3A_281 = tpu.vector_load_idx %arg10[%add3A_280] : memref<1024xi32, #tpu.memory_space<vmem>>[vector<16xi32>], vector<16xi32>,
          %gather3A_282 = tpu.vector_load_idx %arg11[%add3A_280] : memref<1024xi32, #tpu.memory_space<vmem>>[vector<16xi32>], vector<16xi32>,
          %gather3A_283 = tpu.vector_load_idx %arg12[%add3A_280] : memref<1024xi32, #tpu.memory_space<vmem>>[vector<16xi32>], vector<16xi32>,
          %gather3A_284 = tpu.vector_load_idx %arg13[%add3A_280] : memref<1024xi32, #tpu.memory_space<vmem>>[vector<16xi32>], vector<16xi32>,
          %mul3A_285 = arith.constant 128 : i32
          %mul3A_286 = arith.muli %mul3A_285, %scan3A_42 : i32
          %add3A_287 = arith.constant 96 : i32
          %add3A_288 = arith.addi %mul3A_286, %add3A_287 : i32
          %get3A_289 = arith.index_cast %add3A_288 : i32 to index
          %get3A_290 = tpu.vector_load %arg14[%get3A_289] {strides = array<i32>} : memref<4096xf32, #tpu.memory_space<vmem>>, vector<16xf32>,
          %mul3A_291 = arith.muli %and3A_4, %gather3A_282 : vector<16xi32>
          %add3A_292 = arith.addi %gather3A_281, %mul3A_291 : vector<16xi32>
          %swap3A_293 = arith.index_cast %scan3A_42 : i32 to index
          %swap3A_294 = arith.constant 96 : index
          %swap3A_295 = tpu.vector_load %arg15[%swap3A_293, %swap3A_294] {strides = array<i32>} : memref<32x128xi32, #tpu.memory_space<vmem>>, vector<16xi32>,
          tpu.vector_store %arg15[%swap3A_293, %swap3A_294], %add3A_292 {strides = array<i32>} : memref<32x128xi32, #tpu.memory_space<vmem>>, vector<16xi32>,
          %add3A_296 = arith.constant 96 : i32
          %add3A_297 = vector.broadcast %add3A_296 : i32 to vector<16xi32>
          %add3A_298 = arith.addi %add3A_297, %iota3A : vector<16xi32>
          %mul3A_299 = arith.constant 4 : i32
          %mul3A_300 = vector.broadcast %mul3A_299 : i32 to vector<16xi32>
          %mul3A_301 = arith.muli %gather3A_283, %mul3A_300 : vector<16xi32>
          %add3A_302 = arith.addi %mul3A_301, %and3A_4 : vector<16xi32>
          tpu.vector_store_idx %arg16[%add3A_44, %add3A_298, %mul3A_7], %add3A_302 : memref<32x128x8xi32, #tpu.memory_space<vmem>>[vector<16xi32>, vector<16xi32>, vector<16xi32>], vector<16xi32>,
          %add3A_303 = arith.constant 1 : i32
          %add3A_304 = vector.broadcast %add3A_303 : i32 to vector<16xi32>
          %add3A_305 = arith.addi %mul3A_7, %add3A_304 : vector<16xi32>
          %mul3A_306 = arith.constant 4 : i32
          %mul3A_307 = vector.broadcast %mul3A_306 : i32 to vector<16xi32>
          %mul3A_308 = arith.muli %gather3A_284, %mul3A_307 : vector<16xi32>
          %add3A_309 = arith.addi %mul3A_308, %and3A_4 : vector<16xi32>
          tpu.vector_store_idx %arg16[%add3A_44, %add3A_298, %add3A_305], %add3A_309 : memref<32x128x8xi32, #tpu.memory_space<vmem>>[vector<16xi32>, vector<16xi32>, vector<16xi32>], vector<16xi32>,
          %add3A_310 = arith.constant 2 : i32
          %add3A_311 = vector.broadcast %add3A_310 : i32 to vector<16xi32>
          %add3A_312 = arith.addi %mul3A_7, %add3A_311 : vector<16xi32>
          %bitcast3A_313 = vector.bitcast %get3A_290 : vector<16xf32> to vector<16xi32>
          tpu.vector_store_idx %arg16[%add3A_44, %add3A_298, %add3A_312], %bitcast3A_313 : memref<32x128x8xi32, #tpu.memory_space<vmem>>[vector<16xi32>, vector<16xi32>, vector<16xi32>], vector<16xi32>,
          %mul3A_314 = arith.constant 32 : i32
          %mul3A_315 = arith.muli %mul3A_314, %scan3A_42 : i32
          %add3A_316 = arith.constant 28 : i32
          %add3A_317 = arith.addi %mul3A_315, %add3A_316 : i32
          %add3A_318 = vector.broadcast %add3A_317 : i32 to vector<16xi32>
          %add3A_319 = arith.addi %add3A_318, %shift_right_logical3A_2 : vector<16xi32>
          %gather3A_320 = tpu.vector_load_idx %arg10[%add3A_319] : memref<1024xi32, #tpu.memory_space<vmem>>[vector<16xi32>], vector<16xi32>,
          %gather3A_321 = tpu.vector_load_idx %arg11[%add3A_319] : memref<1024xi32, #tpu.memory_space<vmem>>[vector<16xi32>], vector<16xi32>,
          %gather3A_322 = tpu.vector_load_idx %arg12[%add3A_319] : memref<1024xi32, #tpu.memory_space<vmem>>[vector<16xi32>], vector<16xi32>,
          %gather3A_323 = tpu.vector_load_idx %arg13[%add3A_319] : memref<1024xi32, #tpu.memory_space<vmem>>[vector<16xi32>], vector<16xi32>,
          %mul3A_324 = arith.constant 128 : i32
          %mul3A_325 = arith.muli %mul3A_324, %scan3A_42 : i32
          %add3A_326 = arith.constant 112 : i32
          %add3A_327 = arith.addi %mul3A_325, %add3A_326 : i32
          %get3A_328 = arith.index_cast %add3A_327 : i32 to index
          %get3A_329 = tpu.vector_load %arg14[%get3A_328] {strides = array<i32>} : memref<4096xf32, #tpu.memory_space<vmem>>, vector<16xf32>,
          %mul3A_330 = arith.muli %and3A_4, %gather3A_321 : vector<16xi32>
          %add3A_331 = arith.addi %gather3A_320, %mul3A_330 : vector<16xi32>
          %swap3A_332 = arith.index_cast %scan3A_42 : i32 to index
          %swap3A_333 = arith.constant 112 : index
          %swap3A_334 = tpu.vector_load %arg15[%swap3A_332, %swap3A_333] {strides = array<i32>} : memref<32x128xi32, #tpu.memory_space<vmem>>, vector<16xi32>,
          tpu.vector_store %arg15[%swap3A_332, %swap3A_333], %add3A_331 {strides = array<i32>} : memref<32x128xi32, #tpu.memory_space<vmem>>, vector<16xi32>,
          %add3A_335 = arith.constant 112 : i32
          %add3A_336 = vector.broadcast %add3A_335 : i32 to vector<16xi32>
          %add3A_337 = arith.addi %add3A_336, %iota3A : vector<16xi32>
          %mul3A_338 = arith.constant 4 : i32
          %mul3A_339 = vector.broadcast %mul3A_338 : i32 to vector<16xi32>
          %mul3A_340 = arith.muli %gather3A_322, %mul3A_339 : vector<16xi32>
          %add3A_341 = arith.addi %mul3A_340, %and3A_4 : vector<16xi32>
          tpu.vector_store_idx %arg16[%add3A_44, %add3A_337, %mul3A_7], %add3A_341 : memref<32x128x8xi32, #tpu.memory_space<vmem>>[vector<16xi32>, vector<16xi32>, vector<16xi32>], vector<16xi32>,
          %add3A_342 = arith.constant 1 : i32
          %add3A_343 = vector.broadcast %add3A_342 : i32 to vector<16xi32>
          %add3A_344 = arith.addi %mul3A_7, %add3A_343 : vector<16xi32>
          %mul3A_345 = arith.constant 4 : i32
          %mul3A_346 = vector.broadcast %mul3A_345 : i32 to vector<16xi32>
          %mul3A_347 = arith.muli %gather3A_323, %mul3A_346 : vector<16xi32>
          %add3A_348 = arith.addi %mul3A_347, %and3A_4 : vector<16xi32>
          tpu.vector_store_idx %arg16[%add3A_44, %add3A_337, %add3A_344], %add3A_348 : memref<32x128x8xi32, #tpu.memory_space<vmem>>[vector<16xi32>, vector<16xi32>, vector<16xi32>], vector<16xi32>,
          %add3A_349 = arith.constant 2 : i32
          %add3A_350 = vector.broadcast %add3A_349 : i32 to vector<16xi32>
          %add3A_351 = arith.addi %mul3A_7, %add3A_350 : vector<16xi32>
          %bitcast3A_352 = vector.bitcast %get3A_329 : vector<16xf32> to vector<16xi32>
          tpu.vector_store_idx %arg16[%add3A_44, %add3A_337, %add3A_351], %bitcast3A_352 : memref<32x128x8xi32, #tpu.memory_space<vmem>>[vector<16xi32>, vector<16xi32>, vector<16xi32>], vector<16xi32>,
        }
        %scan3A_31 = arith.constant 32 : i32
        %scan3A_32 = arith.constant 0 : i32
        %scan3A_33 = arith.constant 32 : i32
        %scan3A_34 = arith.addi %scan3A_32, %scan3A_33 : i32
        %scan3A_35 = arith.constant 1 : i32
        scf.for %scan3A_42 = %scan3A_32 to %scan3A_34 step %scan3A_35  : i32 {
          %dma_start3A = arith.constant 0 : i32
          %dma_start3A_43 = arith.constant 0 : i32
          %dma_start3A_44 = tpu.memref_slice %arg16[%scan3A_42, %dma_start3A, %dma_start3A_43] : memref<32x128x8xi32, #tpu.memory_space<vmem>> -> memref<1x128x8xi32, #tpu.memory_space<vmem>>
          %dma_start3A_45 = tpu.memref_squeeze %dma_start3A_44 : memref<1x128x8xi32, #tpu.memory_space<vmem>> -> memref<128x8xi32, #tpu.memory_space<vmem>>
          %dma_start3A_46 = arith.constant 0 : i32
          %dma_start3A_47 = tpu.memref_slice %arg15[%scan3A_42, %dma_start3A_46] : memref<32x128xi32, #tpu.memory_space<vmem>> -> memref<1x128xi32, #tpu.memory_space<vmem>>
          %dma_start3A_48 = tpu.memref_squeeze %dma_start3A_47 : memref<1x128xi32, #tpu.memory_space<vmem>> -> memref<128xi32, #tpu.memory_space<vmem>>
          %dma_start3A_49 = arith.constant 0 : i32
          %dma_start3A_50 = arith.constant 0 : i32
          %dma_start3A_51 = tpu.memref_slice %arg9[%dma_start3A_49, %dma_start3A_50] : memref<13200000x8xi32, #tpu.memory_space<hbm>> -> memref<13200000x8xi32, #tpu.memory_space<hbm>>
          tpu.enqueue_indirect_dma source(%dma_start3A_45 : memref<128x8xi32, #tpu.memory_space<vmem>>) target(%dma_start3A_51 : memref<13200000x8xi32, #tpu.memory_space<hbm>>) offsets(%dma_start3A_48 : memref<128xi32, #tpu.memory_space<vmem>>) semaphore(%arg20 : memref<!tpu.dma_semaphore, #tpu.memory_space<semaphore_mem>>)
        }
        %scan3A_36 = arith.constant 32 : i32
        %scan3A_37 = arith.constant 0 : i32
        %scan3A_38 = arith.constant 32 : i32
        %scan3A_39 = arith.addi %scan3A_37, %scan3A_38 : i32
        %scan3A_40 = arith.constant 1 : i32
        scf.for %scan3A_42 = %scan3A_37 to %scan3A_39 step %scan3A_40  : i32 {
          %dma_wait3A = arith.constant 0 : i32
          %dma_wait3A_43 = arith.constant 0 : i32
          %dma_wait3A_44 = tpu.memref_slice %arg16[%scan3A_42, %dma_wait3A, %dma_wait3A_43] : memref<32x128x8xi32, #tpu.memory_space<vmem>> -> memref<1x128x8xi32, #tpu.memory_space<vmem>>
          %dma_wait3A_45 = tpu.memref_squeeze %dma_wait3A_44 : memref<1x128x8xi32, #tpu.memory_space<vmem>> -> memref<128x8xi32, #tpu.memory_space<vmem>>
          %dma_wait3A_46 = arith.constant 0 : i32
          %dma_wait3A_47 = tpu.memref_slice %arg15[%scan3A_42, %dma_wait3A_46] : memref<32x128xi32, #tpu.memory_space<vmem>> -> memref<1x128xi32, #tpu.memory_space<vmem>>
          %dma_wait3A_48 = tpu.memref_squeeze %dma_wait3A_47 : memref<1x128xi32, #tpu.memory_space<vmem>> -> memref<128xi32, #tpu.memory_space<vmem>>
          %dma_wait3A_49 = arith.constant 0 : i32
          %dma_wait3A_50 = arith.constant 0 : i32
          %dma_wait3A_51 = tpu.memref_slice %arg9[%dma_wait3A_49, %dma_wait3A_50] : memref<13200000x8xi32, #tpu.memory_space<hbm>> -> memref<13200000x8xi32, #tpu.memory_space<hbm>>
          tpu.wait_indirect_dma semaphore(%arg20 : memref<!tpu.dma_semaphore, #tpu.memory_space<semaphore_mem>>) src(%dma_wait3A_45 : memref<128x8xi32, #tpu.memory_space<vmem>>) dst(%dma_wait3A_51 : memref<13200000x8xi32, #tpu.memory_space<hbm>>)
        }
        %scan3A_41 = arith.constant 32 : i32
      } else {
      }
    }
    %scan3A_11 = arith.constant 98 : i32
    %scan3A_12 = arith.constant 0 : i32
    %scan3A_13 = arith.constant 20 : i32
    %scan3A_14 = arith.addi %scan3A_12, %scan3A_13 : i32
    %scan3A_15 = arith.constant 1 : i32
    scf.for %scan3A_17 = %scan3A_12 to %scan3A_14 step %scan3A_15  : i32 {
      %mul3A_18 = arith.constant 32 : i32
      %mul3A_19 = arith.muli %mul3A_18, %scan3A_17 : i32
      %add3A_20 = arith.addi %add3A, %mul3A_19 : i32
      %lt3A = arith.constant 625 : i32
      %lt3A_21 = arith.cmpi slt, %add3A_20, %lt3A : i32
      %convert_element_type3A = arith.extui %lt3A_21 : i1 to i32
      %cond3A = arith.constant 0 : i32
      %cond3A_22 = arith.cmpi ne, %convert_element_type3A, %cond3A : i32
      scf.if %cond3A_22 {
        "tpu.region"() ({
          %run_scoped3A = tpu.sem_alloc : memref<!tpu.dma_semaphore, #tpu.memory_space<semaphore_mem>>
          %dma_start3A = arith.constant 0 : i32
          %dma_start3A_848 = arith.constant 0 : i32
          %dma_start3A_849 = tpu.memref_slice %arg7[%add3A_20, %dma_start3A, %dma_start3A_848] : memref<625x5x128xi32, #tpu.memory_space<hbm>> -> memref<1x5x128xi32, #tpu.memory_space<hbm>>
          %dma_start3A_850 = tpu.memref_squeeze %dma_start3A_849 : memref<1x5x128xi32, #tpu.memory_space<hbm>> -> memref<5x128xi32, #tpu.memory_space<hbm>>
          %dma_start3A_851 = arith.constant 0 : i32
          %dma_start3A_852 = arith.constant 0 : i32
          %dma_start3A_853 = tpu.memref_slice %arg7[%add3A_20, %dma_start3A_851, %dma_start3A_852] : memref<625x5x128xi32, #tpu.memory_space<hbm>> -> memref<1x5x128xi32, #tpu.memory_space<hbm>>
          %dma_start3A_854 = tpu.memref_squeeze %dma_start3A_853 : memref<1x5x128xi32, #tpu.memory_space<hbm>> -> memref<5x128xi32, #tpu.memory_space<hbm>>
          tpu.enqueue_dma source(%dma_start3A_854 : memref<5x128xi32, #tpu.memory_space<hbm>>) target(%arg17 : memref<5x128xi32, #tpu.memory_space<vmem>>) target_semaphore(%run_scoped3A : memref<!tpu.dma_semaphore, #tpu.memory_space<semaphore_mem>>)
          %dma_wait3A = arith.constant 0 : i32
          %dma_wait3A_855 = arith.constant 0 : i32
          %dma_wait3A_856 = tpu.memref_slice %arg7[%add3A_20, %dma_wait3A, %dma_wait3A_855] : memref<625x5x128xi32, #tpu.memory_space<hbm>> -> memref<1x5x128xi32, #tpu.memory_space<hbm>>
          %dma_wait3A_857 = tpu.memref_squeeze %dma_wait3A_856 : memref<1x5x128xi32, #tpu.memory_space<hbm>> -> memref<5x128xi32, #tpu.memory_space<hbm>>
          %dma_wait3A_858 = arith.constant 0 : i32
          %dma_wait3A_859 = arith.constant 0 : i32
          %dma_wait3A_860 = tpu.memref_slice %arg7[%add3A_20, %dma_wait3A_858, %dma_wait3A_859] : memref<625x5x128xi32, #tpu.memory_space<hbm>> -> memref<1x5x128xi32, #tpu.memory_space<hbm>>
          %dma_wait3A_861 = tpu.memref_squeeze %dma_wait3A_860 : memref<1x5x128xi32, #tpu.memory_space<hbm>> -> memref<5x128xi32, #tpu.memory_space<hbm>>
          tpu.wait_dma2 semaphore(%run_scoped3A : memref<!tpu.dma_semaphore, #tpu.memory_space<semaphore_mem>>) src(%dma_wait3A_861 : memref<5x128xi32, #tpu.memory_space<hbm>>) dst(%arg17 : memref<5x128xi32, #tpu.memory_space<vmem>>)
          tpu.yield
        }) : () -> ()
        %mul3A_23 = arith.constant 640 : i32
        %mul3A_24 = arith.muli %add3A_20, %mul3A_23 : i32
        "tpu.region"() ({
          %run_scoped3A = tpu.sem_alloc : memref<!tpu.dma_semaphore, #tpu.memory_space<semaphore_mem>>
          %dma_start3A = tpu.memref_slice %arg8[%mul3A_24] : memref<400000xf32, #tpu.memory_space<hbm>> -> memref<640xf32, #tpu.memory_space<hbm>>
          %dma_start3A_848 = tpu.memref_slice %arg8[%mul3A_24] : memref<400000xf32, #tpu.memory_space<hbm>> -> memref<640xf32, #tpu.memory_space<hbm>>
          tpu.enqueue_dma source(%dma_start3A_848 : memref<640xf32, #tpu.memory_space<hbm>>) target(%arg18 : memref<640xf32, #tpu.memory_space<vmem>>) target_semaphore(%run_scoped3A : memref<!tpu.dma_semaphore, #tpu.memory_space<semaphore_mem>>)
          %dma_wait3A = tpu.memref_slice %arg8[%mul3A_24] : memref<400000xf32, #tpu.memory_space<hbm>> -> memref<640xf32, #tpu.memory_space<hbm>>
          %dma_wait3A_849 = tpu.memref_slice %arg8[%mul3A_24] : memref<400000xf32, #tpu.memory_space<hbm>> -> memref<640xf32, #tpu.memory_space<hbm>>
          tpu.wait_dma2 semaphore(%run_scoped3A : memref<!tpu.dma_semaphore, #tpu.memory_space<semaphore_mem>>) src(%dma_wait3A_849 : memref<640xf32, #tpu.memory_space<hbm>>) dst(%arg18 : memref<640xf32, #tpu.memory_space<vmem>>)
          tpu.yield
        }) : () -> ()
        %add3A_25 = arith.constant 0 : i32
        %add3A_26 = vector.broadcast %add3A_25 : i32 to vector<16xi32>
        %add3A_27 = arith.addi %mul3A_7, %add3A_26 : vector<16xi32>
        %mul3A_28 = arith.constant 640 : i32
        %mul3A_29 = arith.muli %add3A_20, %mul3A_28 : i32
        %add3A_30 = arith.constant 0 : i32
        %add3A_31 = arith.addi %mul3A_29, %add3A_30 : i32
        %add3A_32 = arith.constant 0 : i32
        %add3A_33 = arith.addi %add3A_31, %add3A_32 : i32
        %add3A_34 = vector.broadcast %add3A_33 : i32 to vector<16xi32>
        %add3A_35 = arith.addi %add3A_34, %iota3A : vector<16xi32>
        %get3A = arith.constant 0 : index
        %get3A_36 = tpu.vector_load %arg18[%get3A] {strides = array<i32>} : memref<640xf32, #tpu.memory_space<vmem>>, vector<16xf32>,
        %add3A_37 = arith.constant 0 : i32
        %add3A_38 = vector.broadcast %add3A_37 : i32 to vector<16xi32>
        %add3A_39 = arith.addi %add3A_38, %iota3A : vector<16xi32>
        tpu.vector_store_idx %arg19[%add3A_27, %add3A_39, %mul3A_7], %add3A_35 : memref<5x128x8xi32, #tpu.memory_space<vmem>>[vector<16xi32>, vector<16xi32>, vector<16xi32>], vector<16xi32>,
        %add3A_40 = arith.constant 1 : i32
        %add3A_41 = vector.broadcast %add3A_40 : i32 to vector<16xi32>
        %add3A_42 = arith.addi %mul3A_7, %add3A_41 : vector<16xi32>
        tpu.vector_store_idx %arg19[%add3A_27, %add3A_39, %add3A_42], %add3A_35 : memref<5x128x8xi32, #tpu.memory_space<vmem>>[vector<16xi32>, vector<16xi32>, vector<16xi32>], vector<16xi32>,
        %add3A_43 = arith.constant 2 : i32
        %add3A_44 = vector.broadcast %add3A_43 : i32 to vector<16xi32>
        %add3A_45 = arith.addi %mul3A_7, %add3A_44 : vector<16xi32>
        %bitcast3A = vector.bitcast %get3A_36 : vector<16xf32> to vector<16xi32>
        tpu.vector_store_idx %arg19[%add3A_27, %add3A_39, %add3A_45], %bitcast3A : memref<5x128x8xi32, #tpu.memory_space<vmem>>[vector<16xi32>, vector<16xi32>, vector<16xi32>], vector<16xi32>,
        %mul3A_46 = arith.constant 640 : i32
        %mul3A_47 = arith.muli %add3A_20, %mul3A_46 : i32
        %add3A_48 = arith.constant 0 : i32
        %add3A_49 = arith.addi %mul3A_47, %add3A_48 : i32
        %add3A_50 = arith.constant 16 : i32
        %add3A_51 = arith.addi %add3A_49, %add3A_50 : i32
        %add3A_52 = vector.broadcast %add3A_51 : i32 to vector<16xi32>
        %add3A_53 = arith.addi %add3A_52, %iota3A : vector<16xi32>
        %get3A_54 = arith.constant 16 : index
        %get3A_55 = tpu.vector_load %arg18[%get3A_54] {strides = array<i32>} : memref<640xf32, #tpu.memory_space<vmem>>, vector<16xf32>,
        %add3A_56 = arith.constant 16 : i32
        %add3A_57 = vector.broadcast %add3A_56 : i32 to vector<16xi32>
        %add3A_58 = arith.addi %add3A_57, %iota3A : vector<16xi32>
        tpu.vector_store_idx %arg19[%add3A_27, %add3A_58, %mul3A_7], %add3A_53 : memref<5x128x8xi32, #tpu.memory_space<vmem>>[vector<16xi32>, vector<16xi32>, vector<16xi32>], vector<16xi32>,
        %add3A_59 = arith.constant 1 : i32
        %add3A_60 = vector.broadcast %add3A_59 : i32 to vector<16xi32>
        %add3A_61 = arith.addi %mul3A_7, %add3A_60 : vector<16xi32>
        tpu.vector_store_idx %arg19[%add3A_27, %add3A_58, %add3A_61], %add3A_53 : memref<5x128x8xi32, #tpu.memory_space<vmem>>[vector<16xi32>, vector<16xi32>, vector<16xi32>], vector<16xi32>,
        %add3A_62 = arith.constant 2 : i32
        %add3A_63 = vector.broadcast %add3A_62 : i32 to vector<16xi32>
        %add3A_64 = arith.addi %mul3A_7, %add3A_63 : vector<16xi32>
        %bitcast3A_65 = vector.bitcast %get3A_55 : vector<16xf32> to vector<16xi32>
        tpu.vector_store_idx %arg19[%add3A_27, %add3A_58, %add3A_64], %bitcast3A_65 : memref<5x128x8xi32, #tpu.memory_space<vmem>>[vector<16xi32>, vector<16xi32>, vector<16xi32>], vector<16xi32>,
        %mul3A_66 = arith.constant 640 : i32
        %mul3A_67 = arith.muli %add3A_20, %mul3A_66 : i32
        %add3A_68 = arith.constant 0 : i32
        %add3A_69 = arith.addi %mul3A_67, %add3A_68 : i32
        %add3A_70 = arith.constant 32 : i32
        %add3A_71 = arith.addi %add3A_69, %add3A_70 : i32
        %add3A_72 = vector.broadcast %add3A_71 : i32 to vector<16xi32>
        %add3A_73 = arith.addi %add3A_72, %iota3A : vector<16xi32>
        %get3A_74 = arith.constant 32 : index
        %get3A_75 = tpu.vector_load %arg18[%get3A_74] {strides = array<i32>} : memref<640xf32, #tpu.memory_space<vmem>>, vector<16xf32>,
        %add3A_76 = arith.constant 32 : i32
        %add3A_77 = vector.broadcast %add3A_76 : i32 to vector<16xi32>
        %add3A_78 = arith.addi %add3A_77, %iota3A : vector<16xi32>
        tpu.vector_store_idx %arg19[%add3A_27, %add3A_78, %mul3A_7], %add3A_73 : memref<5x128x8xi32, #tpu.memory_space<vmem>>[vector<16xi32>, vector<16xi32>, vector<16xi32>], vector<16xi32>,
        %add3A_79 = arith.constant 1 : i32
        %add3A_80 = vector.broadcast %add3A_79 : i32 to vector<16xi32>
        %add3A_81 = arith.addi %mul3A_7, %add3A_80 : vector<16xi32>
        tpu.vector_store_idx %arg19[%add3A_27, %add3A_78, %add3A_81], %add3A_73 : memref<5x128x8xi32, #tpu.memory_space<vmem>>[vector<16xi32>, vector<16xi32>, vector<16xi32>], vector<16xi32>,
        %add3A_82 = arith.constant 2 : i32
        %add3A_83 = vector.broadcast %add3A_82 : i32 to vector<16xi32>
        %add3A_84 = arith.addi %mul3A_7, %add3A_83 : vector<16xi32>
        %bitcast3A_85 = vector.bitcast %get3A_75 : vector<16xf32> to vector<16xi32>
        tpu.vector_store_idx %arg19[%add3A_27, %add3A_78, %add3A_84], %bitcast3A_85 : memref<5x128x8xi32, #tpu.memory_space<vmem>>[vector<16xi32>, vector<16xi32>, vector<16xi32>], vector<16xi32>,
        %mul3A_86 = arith.constant 640 : i32
        %mul3A_87 = arith.muli %add3A_20, %mul3A_86 : i32
        %add3A_88 = arith.constant 0 : i32
        %add3A_89 = arith.addi %mul3A_87, %add3A_88 : i32
        %add3A_90 = arith.constant 48 : i32
        %add3A_91 = arith.addi %add3A_89, %add3A_90 : i32
        %add3A_92 = vector.broadcast %add3A_91 : i32 to vector<16xi32>
        %add3A_93 = arith.addi %add3A_92, %iota3A : vector<16xi32>
        %get3A_94 = arith.constant 48 : index
        %get3A_95 = tpu.vector_load %arg18[%get3A_94] {strides = array<i32>} : memref<640xf32, #tpu.memory_space<vmem>>, vector<16xf32>,
        %add3A_96 = arith.constant 48 : i32
        %add3A_97 = vector.broadcast %add3A_96 : i32 to vector<16xi32>
        %add3A_98 = arith.addi %add3A_97, %iota3A : vector<16xi32>
        tpu.vector_store_idx %arg19[%add3A_27, %add3A_98, %mul3A_7], %add3A_93 : memref<5x128x8xi32, #tpu.memory_space<vmem>>[vector<16xi32>, vector<16xi32>, vector<16xi32>], vector<16xi32>,
        %add3A_99 = arith.constant 1 : i32
        %add3A_100 = vector.broadcast %add3A_99 : i32 to vector<16xi32>
        %add3A_101 = arith.addi %mul3A_7, %add3A_100 : vector<16xi32>
        tpu.vector_store_idx %arg19[%add3A_27, %add3A_98, %add3A_101], %add3A_93 : memref<5x128x8xi32, #tpu.memory_space<vmem>>[vector<16xi32>, vector<16xi32>, vector<16xi32>], vector<16xi32>,
        %add3A_102 = arith.constant 2 : i32
        %add3A_103 = vector.broadcast %add3A_102 : i32 to vector<16xi32>
        %add3A_104 = arith.addi %mul3A_7, %add3A_103 : vector<16xi32>
        %bitcast3A_105 = vector.bitcast %get3A_95 : vector<16xf32> to vector<16xi32>
        tpu.vector_store_idx %arg19[%add3A_27, %add3A_98, %add3A_104], %bitcast3A_105 : memref<5x128x8xi32, #tpu.memory_space<vmem>>[vector<16xi32>, vector<16xi32>, vector<16xi32>], vector<16xi32>,
        %mul3A_106 = arith.constant 640 : i32
        %mul3A_107 = arith.muli %add3A_20, %mul3A_106 : i32
        %add3A_108 = arith.constant 0 : i32
        %add3A_109 = arith.addi %mul3A_107, %add3A_108 : i32
        %add3A_110 = arith.constant 64 : i32
        %add3A_111 = arith.addi %add3A_109, %add3A_110 : i32
        %add3A_112 = vector.broadcast %add3A_111 : i32 to vector<16xi32>
        %add3A_113 = arith.addi %add3A_112, %iota3A : vector<16xi32>
        %get3A_114 = arith.constant 64 : index
        %get3A_115 = tpu.vector_load %arg18[%get3A_114] {strides = array<i32>} : memref<640xf32, #tpu.memory_space<vmem>>, vector<16xf32>,
        %add3A_116 = arith.constant 64 : i32
        %add3A_117 = vector.broadcast %add3A_116 : i32 to vector<16xi32>
        %add3A_118 = arith.addi %add3A_117, %iota3A : vector<16xi32>
        tpu.vector_store_idx %arg19[%add3A_27, %add3A_118, %mul3A_7], %add3A_113 : memref<5x128x8xi32, #tpu.memory_space<vmem>>[vector<16xi32>, vector<16xi32>, vector<16xi32>], vector<16xi32>,
        %add3A_119 = arith.constant 1 : i32
        %add3A_120 = vector.broadcast %add3A_119 : i32 to vector<16xi32>
        %add3A_121 = arith.addi %mul3A_7, %add3A_120 : vector<16xi32>
        tpu.vector_store_idx %arg19[%add3A_27, %add3A_118, %add3A_121], %add3A_113 : memref<5x128x8xi32, #tpu.memory_space<vmem>>[vector<16xi32>, vector<16xi32>, vector<16xi32>], vector<16xi32>,
        %add3A_122 = arith.constant 2 : i32
        %add3A_123 = vector.broadcast %add3A_122 : i32 to vector<16xi32>
        %add3A_124 = arith.addi %mul3A_7, %add3A_123 : vector<16xi32>
        %bitcast3A_125 = vector.bitcast %get3A_115 : vector<16xf32> to vector<16xi32>
        tpu.vector_store_idx %arg19[%add3A_27, %add3A_118, %add3A_124], %bitcast3A_125 : memref<5x128x8xi32, #tpu.memory_space<vmem>>[vector<16xi32>, vector<16xi32>, vector<16xi32>], vector<16xi32>,
        %mul3A_126 = arith.constant 640 : i32
        %mul3A_127 = arith.muli %add3A_20, %mul3A_126 : i32
        %add3A_128 = arith.constant 0 : i32
        %add3A_129 = arith.addi %mul3A_127, %add3A_128 : i32
        %add3A_130 = arith.constant 80 : i32
        %add3A_131 = arith.addi %add3A_129, %add3A_130 : i32
        %add3A_132 = vector.broadcast %add3A_131 : i32 to vector<16xi32>
        %add3A_133 = arith.addi %add3A_132, %iota3A : vector<16xi32>
        %get3A_134 = arith.constant 80 : index
        %get3A_135 = tpu.vector_load %arg18[%get3A_134] {strides = array<i32>} : memref<640xf32, #tpu.memory_space<vmem>>, vector<16xf32>,
        %add3A_136 = arith.constant 80 : i32
        %add3A_137 = vector.broadcast %add3A_136 : i32 to vector<16xi32>
        %add3A_138 = arith.addi %add3A_137, %iota3A : vector<16xi32>
        tpu.vector_store_idx %arg19[%add3A_27, %add3A_138, %mul3A_7], %add3A_133 : memref<5x128x8xi32, #tpu.memory_space<vmem>>[vector<16xi32>, vector<16xi32>, vector<16xi32>], vector<16xi32>,
        %add3A_139 = arith.constant 1 : i32
        %add3A_140 = vector.broadcast %add3A_139 : i32 to vector<16xi32>
        %add3A_141 = arith.addi %mul3A_7, %add3A_140 : vector<16xi32>
        tpu.vector_store_idx %arg19[%add3A_27, %add3A_138, %add3A_141], %add3A_133 : memref<5x128x8xi32, #tpu.memory_space<vmem>>[vector<16xi32>, vector<16xi32>, vector<16xi32>], vector<16xi32>,
        %add3A_142 = arith.constant 2 : i32
        %add3A_143 = vector.broadcast %add3A_142 : i32 to vector<16xi32>
        %add3A_144 = arith.addi %mul3A_7, %add3A_143 : vector<16xi32>
        %bitcast3A_145 = vector.bitcast %get3A_135 : vector<16xf32> to vector<16xi32>
        tpu.vector_store_idx %arg19[%add3A_27, %add3A_138, %add3A_144], %bitcast3A_145 : memref<5x128x8xi32, #tpu.memory_space<vmem>>[vector<16xi32>, vector<16xi32>, vector<16xi32>], vector<16xi32>,
        %mul3A_146 = arith.constant 640 : i32
        %mul3A_147 = arith.muli %add3A_20, %mul3A_146 : i32
        %add3A_148 = arith.constant 0 : i32
        %add3A_149 = arith.addi %mul3A_147, %add3A_148 : i32
        %add3A_150 = arith.constant 96 : i32
        %add3A_151 = arith.addi %add3A_149, %add3A_150 : i32
        %add3A_152 = vector.broadcast %add3A_151 : i32 to vector<16xi32>
        %add3A_153 = arith.addi %add3A_152, %iota3A : vector<16xi32>
        %get3A_154 = arith.constant 96 : index
        %get3A_155 = tpu.vector_load %arg18[%get3A_154] {strides = array<i32>} : memref<640xf32, #tpu.memory_space<vmem>>, vector<16xf32>,
        %add3A_156 = arith.constant 96 : i32
        %add3A_157 = vector.broadcast %add3A_156 : i32 to vector<16xi32>
        %add3A_158 = arith.addi %add3A_157, %iota3A : vector<16xi32>
        tpu.vector_store_idx %arg19[%add3A_27, %add3A_158, %mul3A_7], %add3A_153 : memref<5x128x8xi32, #tpu.memory_space<vmem>>[vector<16xi32>, vector<16xi32>, vector<16xi32>], vector<16xi32>,
        %add3A_159 = arith.constant 1 : i32
        %add3A_160 = vector.broadcast %add3A_159 : i32 to vector<16xi32>
        %add3A_161 = arith.addi %mul3A_7, %add3A_160 : vector<16xi32>
        tpu.vector_store_idx %arg19[%add3A_27, %add3A_158, %add3A_161], %add3A_153 : memref<5x128x8xi32, #tpu.memory_space<vmem>>[vector<16xi32>, vector<16xi32>, vector<16xi32>], vector<16xi32>,
        %add3A_162 = arith.constant 2 : i32
        %add3A_163 = vector.broadcast %add3A_162 : i32 to vector<16xi32>
        %add3A_164 = arith.addi %mul3A_7, %add3A_163 : vector<16xi32>
        %bitcast3A_165 = vector.bitcast %get3A_155 : vector<16xf32> to vector<16xi32>
        tpu.vector_store_idx %arg19[%add3A_27, %add3A_158, %add3A_164], %bitcast3A_165 : memref<5x128x8xi32, #tpu.memory_space<vmem>>[vector<16xi32>, vector<16xi32>, vector<16xi32>], vector<16xi32>,
        %mul3A_166 = arith.constant 640 : i32
        %mul3A_167 = arith.muli %add3A_20, %mul3A_166 : i32
        %add3A_168 = arith.constant 0 : i32
        %add3A_169 = arith.addi %mul3A_167, %add3A_168 : i32
        %add3A_170 = arith.constant 112 : i32
        %add3A_171 = arith.addi %add3A_169, %add3A_170 : i32
        %add3A_172 = vector.broadcast %add3A_171 : i32 to vector<16xi32>
        %add3A_173 = arith.addi %add3A_172, %iota3A : vector<16xi32>
        %get3A_174 = arith.constant 112 : index
        %get3A_175 = tpu.vector_load %arg18[%get3A_174] {strides = array<i32>} : memref<640xf32, #tpu.memory_space<vmem>>, vector<16xf32>,
        %add3A_176 = arith.constant 112 : i32
        %add3A_177 = vector.broadcast %add3A_176 : i32 to vector<16xi32>
        %add3A_178 = arith.addi %add3A_177, %iota3A : vector<16xi32>
        tpu.vector_store_idx %arg19[%add3A_27, %add3A_178, %mul3A_7], %add3A_173 : memref<5x128x8xi32, #tpu.memory_space<vmem>>[vector<16xi32>, vector<16xi32>, vector<16xi32>], vector<16xi32>,
        %add3A_179 = arith.constant 1 : i32
        %add3A_180 = vector.broadcast %add3A_179 : i32 to vector<16xi32>
        %add3A_181 = arith.addi %mul3A_7, %add3A_180 : vector<16xi32>
        tpu.vector_store_idx %arg19[%add3A_27, %add3A_178, %add3A_181], %add3A_173 : memref<5x128x8xi32, #tpu.memory_space<vmem>>[vector<16xi32>, vector<16xi32>, vector<16xi32>], vector<16xi32>,
        %add3A_182 = arith.constant 2 : i32
        %add3A_183 = vector.broadcast %add3A_182 : i32 to vector<16xi32>
        %add3A_184 = arith.addi %mul3A_7, %add3A_183 : vector<16xi32>
        %bitcast3A_185 = vector.bitcast %get3A_175 : vector<16xf32> to vector<16xi32>
        tpu.vector_store_idx %arg19[%add3A_27, %add3A_178, %add3A_184], %bitcast3A_185 : memref<5x128x8xi32, #tpu.memory_space<vmem>>[vector<16xi32>, vector<16xi32>, vector<16xi32>], vector<16xi32>,
        %add3A_186 = arith.constant 1 : i32
        %add3A_187 = vector.broadcast %add3A_186 : i32 to vector<16xi32>
        %add3A_188 = arith.addi %mul3A_7, %add3A_187 : vector<16xi32>
        %mul3A_189 = arith.constant 640 : i32
        %mul3A_190 = arith.muli %add3A_20, %mul3A_189 : i32
        %add3A_191 = arith.constant 128 : i32
        %add3A_192 = arith.addi %mul3A_190, %add3A_191 : i32
        %add3A_193 = arith.constant 0 : i32
        %add3A_194 = arith.addi %add3A_192, %add3A_193 : i32
        %add3A_195 = vector.broadcast %add3A_194 : i32 to vector<16xi32>
        %add3A_196 = arith.addi %add3A_195, %iota3A : vector<16xi32>
        %get3A_197 = arith.constant 128 : index
        %get3A_198 = tpu.vector_load %arg18[%get3A_197] {strides = array<i32>} : memref<640xf32, #tpu.memory_space<vmem>>, vector<16xf32>,
        %add3A_199 = arith.constant 0 : i32
        %add3A_200 = vector.broadcast %add3A_199 : i32 to vector<16xi32>
        %add3A_201 = arith.addi %add3A_200, %iota3A : vector<16xi32>
        tpu.vector_store_idx %arg19[%add3A_188, %add3A_201, %mul3A_7], %add3A_196 : memref<5x128x8xi32, #tpu.memory_space<vmem>>[vector<16xi32>, vector<16xi32>, vector<16xi32>], vector<16xi32>,
        %add3A_202 = arith.constant 1 : i32
        %add3A_203 = vector.broadcast %add3A_202 : i32 to vector<16xi32>
        %add3A_204 = arith.addi %mul3A_7, %add3A_203 : vector<16xi32>
        tpu.vector_store_idx %arg19[%add3A_188, %add3A_201, %add3A_204], %add3A_196 : memref<5x128x8xi32, #tpu.memory_space<vmem>>[vector<16xi32>, vector<16xi32>, vector<16xi32>], vector<16xi32>,
        %add3A_205 = arith.constant 2 : i32
        %add3A_206 = vector.broadcast %add3A_205 : i32 to vector<16xi32>
        %add3A_207 = arith.addi %mul3A_7, %add3A_206 : vector<16xi32>
        %bitcast3A_208 = vector.bitcast %get3A_198 : vector<16xf32> to vector<16xi32>
        tpu.vector_store_idx %arg19[%add3A_188, %add3A_201, %add3A_207], %bitcast3A_208 : memref<5x128x8xi32, #tpu.memory_space<vmem>>[vector<16xi32>, vector<16xi32>, vector<16xi32>], vector<16xi32>,
        %mul3A_209 = arith.constant 640 : i32
        %mul3A_210 = arith.muli %add3A_20, %mul3A_209 : i32
        %add3A_211 = arith.constant 128 : i32
        %add3A_212 = arith.addi %mul3A_210, %add3A_211 : i32
        %add3A_213 = arith.constant 16 : i32
        %add3A_214 = arith.addi %add3A_212, %add3A_213 : i32
        %add3A_215 = vector.broadcast %add3A_214 : i32 to vector<16xi32>
        %add3A_216 = arith.addi %add3A_215, %iota3A : vector<16xi32>
        %get3A_217 = arith.constant 144 : index
        %get3A_218 = tpu.vector_load %arg18[%get3A_217] {strides = array<i32>} : memref<640xf32, #tpu.memory_space<vmem>>, vector<16xf32>,
        %add3A_219 = arith.constant 16 : i32
        %add3A_220 = vector.broadcast %add3A_219 : i32 to vector<16xi32>
        %add3A_221 = arith.addi %add3A_220, %iota3A : vector<16xi32>
        tpu.vector_store_idx %arg19[%add3A_188, %add3A_221, %mul3A_7], %add3A_216 : memref<5x128x8xi32, #tpu.memory_space<vmem>>[vector<16xi32>, vector<16xi32>, vector<16xi32>], vector<16xi32>,
        %add3A_222 = arith.constant 1 : i32
        %add3A_223 = vector.broadcast %add3A_222 : i32 to vector<16xi32>
        %add3A_224 = arith.addi %mul3A_7, %add3A_223 : vector<16xi32>
        tpu.vector_store_idx %arg19[%add3A_188, %add3A_221, %add3A_224], %add3A_216 : memref<5x128x8xi32, #tpu.memory_space<vmem>>[vector<16xi32>, vector<16xi32>, vector<16xi32>], vector<16xi32>,
        %add3A_225 = arith.constant 2 : i32
        %add3A_226 = vector.broadcast %add3A_225 : i32 to vector<16xi32>
        %add3A_227 = arith.addi %mul3A_7, %add3A_226 : vector<16xi32>
        %bitcast3A_228 = vector.bitcast %get3A_218 : vector<16xf32> to vector<16xi32>
        tpu.vector_store_idx %arg19[%add3A_188, %add3A_221, %add3A_227], %bitcast3A_228 : memref<5x128x8xi32, #tpu.memory_space<vmem>>[vector<16xi32>, vector<16xi32>, vector<16xi32>], vector<16xi32>,
        %mul3A_229 = arith.constant 640 : i32
        %mul3A_230 = arith.muli %add3A_20, %mul3A_229 : i32
        %add3A_231 = arith.constant 128 : i32
        %add3A_232 = arith.addi %mul3A_230, %add3A_231 : i32
        %add3A_233 = arith.constant 32 : i32
        %add3A_234 = arith.addi %add3A_232, %add3A_233 : i32
        %add3A_235 = vector.broadcast %add3A_234 : i32 to vector<16xi32>
        %add3A_236 = arith.addi %add3A_235, %iota3A : vector<16xi32>
        %get3A_237 = arith.constant 160 : index
        %get3A_238 = tpu.vector_load %arg18[%get3A_237] {strides = array<i32>} : memref<640xf32, #tpu.memory_space<vmem>>, vector<16xf32>,
        %add3A_239 = arith.constant 32 : i32
        %add3A_240 = vector.broadcast %add3A_239 : i32 to vector<16xi32>
        %add3A_241 = arith.addi %add3A_240, %iota3A : vector<16xi32>
        tpu.vector_store_idx %arg19[%add3A_188, %add3A_241, %mul3A_7], %add3A_236 : memref<5x128x8xi32, #tpu.memory_space<vmem>>[vector<16xi32>, vector<16xi32>, vector<16xi32>], vector<16xi32>,
        %add3A_242 = arith.constant 1 : i32
        %add3A_243 = vector.broadcast %add3A_242 : i32 to vector<16xi32>
        %add3A_244 = arith.addi %mul3A_7, %add3A_243 : vector<16xi32>
        tpu.vector_store_idx %arg19[%add3A_188, %add3A_241, %add3A_244], %add3A_236 : memref<5x128x8xi32, #tpu.memory_space<vmem>>[vector<16xi32>, vector<16xi32>, vector<16xi32>], vector<16xi32>,
        %add3A_245 = arith.constant 2 : i32
        %add3A_246 = vector.broadcast %add3A_245 : i32 to vector<16xi32>
        %add3A_247 = arith.addi %mul3A_7, %add3A_246 : vector<16xi32>
        %bitcast3A_248 = vector.bitcast %get3A_238 : vector<16xf32> to vector<16xi32>
        tpu.vector_store_idx %arg19[%add3A_188, %add3A_241, %add3A_247], %bitcast3A_248 : memref<5x128x8xi32, #tpu.memory_space<vmem>>[vector<16xi32>, vector<16xi32>, vector<16xi32>], vector<16xi32>,
        %mul3A_249 = arith.constant 640 : i32
        %mul3A_250 = arith.muli %add3A_20, %mul3A_249 : i32
        %add3A_251 = arith.constant 128 : i32
        %add3A_252 = arith.addi %mul3A_250, %add3A_251 : i32
        %add3A_253 = arith.constant 48 : i32
        %add3A_254 = arith.addi %add3A_252, %add3A_253 : i32
        %add3A_255 = vector.broadcast %add3A_254 : i32 to vector<16xi32>
        %add3A_256 = arith.addi %add3A_255, %iota3A : vector<16xi32>
        %get3A_257 = arith.constant 176 : index
        %get3A_258 = tpu.vector_load %arg18[%get3A_257] {strides = array<i32>} : memref<640xf32, #tpu.memory_space<vmem>>, vector<16xf32>,
        %add3A_259 = arith.constant 48 : i32
        %add3A_260 = vector.broadcast %add3A_259 : i32 to vector<16xi32>
        %add3A_261 = arith.addi %add3A_260, %iota3A : vector<16xi32>
        tpu.vector_store_idx %arg19[%add3A_188, %add3A_261, %mul3A_7], %add3A_256 : memref<5x128x8xi32, #tpu.memory_space<vmem>>[vector<16xi32>, vector<16xi32>, vector<16xi32>], vector<16xi32>,
        %add3A_262 = arith.constant 1 : i32
        %add3A_263 = vector.broadcast %add3A_262 : i32 to vector<16xi32>
        %add3A_264 = arith.addi %mul3A_7, %add3A_263 : vector<16xi32>
        tpu.vector_store_idx %arg19[%add3A_188, %add3A_261, %add3A_264], %add3A_256 : memref<5x128x8xi32, #tpu.memory_space<vmem>>[vector<16xi32>, vector<16xi32>, vector<16xi32>], vector<16xi32>,
        %add3A_265 = arith.constant 2 : i32
        %add3A_266 = vector.broadcast %add3A_265 : i32 to vector<16xi32>
        %add3A_267 = arith.addi %mul3A_7, %add3A_266 : vector<16xi32>
        %bitcast3A_268 = vector.bitcast %get3A_258 : vector<16xf32> to vector<16xi32>
        tpu.vector_store_idx %arg19[%add3A_188, %add3A_261, %add3A_267], %bitcast3A_268 : memref<5x128x8xi32, #tpu.memory_space<vmem>>[vector<16xi32>, vector<16xi32>, vector<16xi32>], vector<16xi32>,
        %mul3A_269 = arith.constant 640 : i32
        %mul3A_270 = arith.muli %add3A_20, %mul3A_269 : i32
        %add3A_271 = arith.constant 128 : i32
        %add3A_272 = arith.addi %mul3A_270, %add3A_271 : i32
        %add3A_273 = arith.constant 64 : i32
        %add3A_274 = arith.addi %add3A_272, %add3A_273 : i32
        %add3A_275 = vector.broadcast %add3A_274 : i32 to vector<16xi32>
        %add3A_276 = arith.addi %add3A_275, %iota3A : vector<16xi32>
        %get3A_277 = arith.constant 192 : index
        %get3A_278 = tpu.vector_load %arg18[%get3A_277] {strides = array<i32>} : memref<640xf32, #tpu.memory_space<vmem>>, vector<16xf32>,
        %add3A_279 = arith.constant 64 : i32
        %add3A_280 = vector.broadcast %add3A_279 : i32 to vector<16xi32>
        %add3A_281 = arith.addi %add3A_280, %iota3A : vector<16xi32>
        tpu.vector_store_idx %arg19[%add3A_188, %add3A_281, %mul3A_7], %add3A_276 : memref<5x128x8xi32, #tpu.memory_space<vmem>>[vector<16xi32>, vector<16xi32>, vector<16xi32>], vector<16xi32>,
        %add3A_282 = arith.constant 1 : i32
        %add3A_283 = vector.broadcast %add3A_282 : i32 to vector<16xi32>
        %add3A_284 = arith.addi %mul3A_7, %add3A_283 : vector<16xi32>
        tpu.vector_store_idx %arg19[%add3A_188, %add3A_281, %add3A_284], %add3A_276 : memref<5x128x8xi32, #tpu.memory_space<vmem>>[vector<16xi32>, vector<16xi32>, vector<16xi32>], vector<16xi32>,
        %add3A_285 = arith.constant 2 : i32
        %add3A_286 = vector.broadcast %add3A_285 : i32 to vector<16xi32>
        %add3A_287 = arith.addi %mul3A_7, %add3A_286 : vector<16xi32>
        %bitcast3A_288 = vector.bitcast %get3A_278 : vector<16xf32> to vector<16xi32>
        tpu.vector_store_idx %arg19[%add3A_188, %add3A_281, %add3A_287], %bitcast3A_288 : memref<5x128x8xi32, #tpu.memory_space<vmem>>[vector<16xi32>, vector<16xi32>, vector<16xi32>], vector<16xi32>,
        %mul3A_289 = arith.constant 640 : i32
        %mul3A_290 = arith.muli %add3A_20, %mul3A_289 : i32
        %add3A_291 = arith.constant 128 : i32
        %add3A_292 = arith.addi %mul3A_290, %add3A_291 : i32
        %add3A_293 = arith.constant 80 : i32
        %add3A_294 = arith.addi %add3A_292, %add3A_293 : i32
        %add3A_295 = vector.broadcast %add3A_294 : i32 to vector<16xi32>
        %add3A_296 = arith.addi %add3A_295, %iota3A : vector<16xi32>
        %get3A_297 = arith.constant 208 : index
        %get3A_298 = tpu.vector_load %arg18[%get3A_297] {strides = array<i32>} : memref<640xf32, #tpu.memory_space<vmem>>, vector<16xf32>,
        %add3A_299 = arith.constant 80 : i32
        %add3A_300 = vector.broadcast %add3A_299 : i32 to vector<16xi32>
        %add3A_301 = arith.addi %add3A_300, %iota3A : vector<16xi32>
        tpu.vector_store_idx %arg19[%add3A_188, %add3A_301, %mul3A_7], %add3A_296 : memref<5x128x8xi32, #tpu.memory_space<vmem>>[vector<16xi32>, vector<16xi32>, vector<16xi32>], vector<16xi32>,
        %add3A_302 = arith.constant 1 : i32
        %add3A_303 = vector.broadcast %add3A_302 : i32 to vector<16xi32>
        %add3A_304 = arith.addi %mul3A_7, %add3A_303 : vector<16xi32>
        tpu.vector_store_idx %arg19[%add3A_188, %add3A_301, %add3A_304], %add3A_296 : memref<5x128x8xi32, #tpu.memory_space<vmem>>[vector<16xi32>, vector<16xi32>, vector<16xi32>], vector<16xi32>,
        %add3A_305 = arith.constant 2 : i32
        %add3A_306 = vector.broadcast %add3A_305 : i32 to vector<16xi32>
        %add3A_307 = arith.addi %mul3A_7, %add3A_306 : vector<16xi32>
        %bitcast3A_308 = vector.bitcast %get3A_298 : vector<16xf32> to vector<16xi32>
        tpu.vector_store_idx %arg19[%add3A_188, %add3A_301, %add3A_307], %bitcast3A_308 : memref<5x128x8xi32, #tpu.memory_space<vmem>>[vector<16xi32>, vector<16xi32>, vector<16xi32>], vector<16xi32>,
        %mul3A_309 = arith.constant 640 : i32
        %mul3A_310 = arith.muli %add3A_20, %mul3A_309 : i32
        %add3A_311 = arith.constant 128 : i32
        %add3A_312 = arith.addi %mul3A_310, %add3A_311 : i32
        %add3A_313 = arith.constant 96 : i32
        %add3A_314 = arith.addi %add3A_312, %add3A_313 : i32
        %add3A_315 = vector.broadcast %add3A_314 : i32 to vector<16xi32>
        %add3A_316 = arith.addi %add3A_315, %iota3A : vector<16xi32>
        %get3A_317 = arith.constant 224 : index
        %get3A_318 = tpu.vector_load %arg18[%get3A_317] {strides = array<i32>} : memref<640xf32, #tpu.memory_space<vmem>>, vector<16xf32>,
        %add3A_319 = arith.constant 96 : i32
        %add3A_320 = vector.broadcast %add3A_319 : i32 to vector<16xi32>
        %add3A_321 = arith.addi %add3A_320, %iota3A : vector<16xi32>
        tpu.vector_store_idx %arg19[%add3A_188, %add3A_321, %mul3A_7], %add3A_316 : memref<5x128x8xi32, #tpu.memory_space<vmem>>[vector<16xi32>, vector<16xi32>, vector<16xi32>], vector<16xi32>,
        %add3A_322 = arith.constant 1 : i32
        %add3A_323 = vector.broadcast %add3A_322 : i32 to vector<16xi32>
        %add3A_324 = arith.addi %mul3A_7, %add3A_323 : vector<16xi32>
        tpu.vector_store_idx %arg19[%add3A_188, %add3A_321, %add3A_324], %add3A_316 : memref<5x128x8xi32, #tpu.memory_space<vmem>>[vector<16xi32>, vector<16xi32>, vector<16xi32>], vector<16xi32>,
        %add3A_325 = arith.constant 2 : i32
        %add3A_326 = vector.broadcast %add3A_325 : i32 to vector<16xi32>
        %add3A_327 = arith.addi %mul3A_7, %add3A_326 : vector<16xi32>
        %bitcast3A_328 = vector.bitcast %get3A_318 : vector<16xf32> to vector<16xi32>
        tpu.vector_store_idx %arg19[%add3A_188, %add3A_321, %add3A_327], %bitcast3A_328 : memref<5x128x8xi32, #tpu.memory_space<vmem>>[vector<16xi32>, vector<16xi32>, vector<16xi32>], vector<16xi32>,
        %mul3A_329 = arith.constant 640 : i32
        %mul3A_330 = arith.muli %add3A_20, %mul3A_329 : i32
        %add3A_331 = arith.constant 128 : i32
        %add3A_332 = arith.addi %mul3A_330, %add3A_331 : i32
        %add3A_333 = arith.constant 112 : i32
        %add3A_334 = arith.addi %add3A_332, %add3A_333 : i32
        %add3A_335 = vector.broadcast %add3A_334 : i32 to vector<16xi32>
        %add3A_336 = arith.addi %add3A_335, %iota3A : vector<16xi32>
        %get3A_337 = arith.constant 240 : index
        %get3A_338 = tpu.vector_load %arg18[%get3A_337] {strides = array<i32>} : memref<640xf32, #tpu.memory_space<vmem>>, vector<16xf32>,
        %add3A_339 = arith.constant 112 : i32
        %add3A_340 = vector.broadcast %add3A_339 : i32 to vector<16xi32>
        %add3A_341 = arith.addi %add3A_340, %iota3A : vector<16xi32>
        tpu.vector_store_idx %arg19[%add3A_188, %add3A_341, %mul3A_7], %add3A_336 : memref<5x128x8xi32, #tpu.memory_space<vmem>>[vector<16xi32>, vector<16xi32>, vector<16xi32>], vector<16xi32>,
        %add3A_342 = arith.constant 1 : i32
        %add3A_343 = vector.broadcast %add3A_342 : i32 to vector<16xi32>
        %add3A_344 = arith.addi %mul3A_7, %add3A_343 : vector<16xi32>
        tpu.vector_store_idx %arg19[%add3A_188, %add3A_341, %add3A_344], %add3A_336 : memref<5x128x8xi32, #tpu.memory_space<vmem>>[vector<16xi32>, vector<16xi32>, vector<16xi32>], vector<16xi32>,
        %add3A_345 = arith.constant 2 : i32
        %add3A_346 = vector.broadcast %add3A_345 : i32 to vector<16xi32>
        %add3A_347 = arith.addi %mul3A_7, %add3A_346 : vector<16xi32>
        %bitcast3A_348 = vector.bitcast %get3A_338 : vector<16xf32> to vector<16xi32>
        tpu.vector_store_idx %arg19[%add3A_188, %add3A_341, %add3A_347], %bitcast3A_348 : memref<5x128x8xi32, #tpu.memory_space<vmem>>[vector<16xi32>, vector<16xi32>, vector<16xi32>], vector<16xi32>,
        %add3A_349 = arith.constant 2 : i32
        %add3A_350 = vector.broadcast %add3A_349 : i32 to vector<16xi32>
        %add3A_351 = arith.addi %mul3A_7, %add3A_350 : vector<16xi32>
        %mul3A_352 = arith.constant 640 : i32
        %mul3A_353 = arith.muli %add3A_20, %mul3A_352 : i32
        %add3A_354 = arith.constant 256 : i32
        %add3A_355 = arith.addi %mul3A_353, %add3A_354 : i32
        %add3A_356 = arith.constant 0 : i32
        %add3A_357 = arith.addi %add3A_355, %add3A_356 : i32
        %add3A_358 = vector.broadcast %add3A_357 : i32 to vector<16xi32>
        %add3A_359 = arith.addi %add3A_358, %iota3A : vector<16xi32>
        %get3A_360 = arith.constant 256 : index
        %get3A_361 = tpu.vector_load %arg18[%get3A_360] {strides = array<i32>} : memref<640xf32, #tpu.memory_space<vmem>>, vector<16xf32>,
        %add3A_362 = arith.constant 0 : i32
        %add3A_363 = vector.broadcast %add3A_362 : i32 to vector<16xi32>
        %add3A_364 = arith.addi %add3A_363, %iota3A : vector<16xi32>
        tpu.vector_store_idx %arg19[%add3A_351, %add3A_364, %mul3A_7], %add3A_359 : memref<5x128x8xi32, #tpu.memory_space<vmem>>[vector<16xi32>, vector<16xi32>, vector<16xi32>], vector<16xi32>,
        %add3A_365 = arith.constant 1 : i32
        %add3A_366 = vector.broadcast %add3A_365 : i32 to vector<16xi32>
        %add3A_367 = arith.addi %mul3A_7, %add3A_366 : vector<16xi32>
        tpu.vector_store_idx %arg19[%add3A_351, %add3A_364, %add3A_367], %add3A_359 : memref<5x128x8xi32, #tpu.memory_space<vmem>>[vector<16xi32>, vector<16xi32>, vector<16xi32>], vector<16xi32>,
        %add3A_368 = arith.constant 2 : i32
        %add3A_369 = vector.broadcast %add3A_368 : i32 to vector<16xi32>
        %add3A_370 = arith.addi %mul3A_7, %add3A_369 : vector<16xi32>
        %bitcast3A_371 = vector.bitcast %get3A_361 : vector<16xf32> to vector<16xi32>
        tpu.vector_store_idx %arg19[%add3A_351, %add3A_364, %add3A_370], %bitcast3A_371 : memref<5x128x8xi32, #tpu.memory_space<vmem>>[vector<16xi32>, vector<16xi32>, vector<16xi32>], vector<16xi32>,
        %mul3A_372 = arith.constant 640 : i32
        %mul3A_373 = arith.muli %add3A_20, %mul3A_372 : i32
        %add3A_374 = arith.constant 256 : i32
        %add3A_375 = arith.addi %mul3A_373, %add3A_374 : i32
        %add3A_376 = arith.constant 16 : i32
        %add3A_377 = arith.addi %add3A_375, %add3A_376 : i32
        %add3A_378 = vector.broadcast %add3A_377 : i32 to vector<16xi32>
        %add3A_379 = arith.addi %add3A_378, %iota3A : vector<16xi32>
        %get3A_380 = arith.constant 272 : index
        %get3A_381 = tpu.vector_load %arg18[%get3A_380] {strides = array<i32>} : memref<640xf32, #tpu.memory_space<vmem>>, vector<16xf32>,
        %add3A_382 = arith.constant 16 : i32
        %add3A_383 = vector.broadcast %add3A_382 : i32 to vector<16xi32>
        %add3A_384 = arith.addi %add3A_383, %iota3A : vector<16xi32>
        tpu.vector_store_idx %arg19[%add3A_351, %add3A_384, %mul3A_7], %add3A_379 : memref<5x128x8xi32, #tpu.memory_space<vmem>>[vector<16xi32>, vector<16xi32>, vector<16xi32>], vector<16xi32>,
        %add3A_385 = arith.constant 1 : i32
        %add3A_386 = vector.broadcast %add3A_385 : i32 to vector<16xi32>
        %add3A_387 = arith.addi %mul3A_7, %add3A_386 : vector<16xi32>
        tpu.vector_store_idx %arg19[%add3A_351, %add3A_384, %add3A_387], %add3A_379 : memref<5x128x8xi32, #tpu.memory_space<vmem>>[vector<16xi32>, vector<16xi32>, vector<16xi32>], vector<16xi32>,
        %add3A_388 = arith.constant 2 : i32
        %add3A_389 = vector.broadcast %add3A_388 : i32 to vector<16xi32>
        %add3A_390 = arith.addi %mul3A_7, %add3A_389 : vector<16xi32>
        %bitcast3A_391 = vector.bitcast %get3A_381 : vector<16xf32> to vector<16xi32>
        tpu.vector_store_idx %arg19[%add3A_351, %add3A_384, %add3A_390], %bitcast3A_391 : memref<5x128x8xi32, #tpu.memory_space<vmem>>[vector<16xi32>, vector<16xi32>, vector<16xi32>], vector<16xi32>,
        %mul3A_392 = arith.constant 640 : i32
        %mul3A_393 = arith.muli %add3A_20, %mul3A_392 : i32
        %add3A_394 = arith.constant 256 : i32
        %add3A_395 = arith.addi %mul3A_393, %add3A_394 : i32
        %add3A_396 = arith.constant 32 : i32
        %add3A_397 = arith.addi %add3A_395, %add3A_396 : i32
        %add3A_398 = vector.broadcast %add3A_397 : i32 to vector<16xi32>
        %add3A_399 = arith.addi %add3A_398, %iota3A : vector<16xi32>
        %get3A_400 = arith.constant 288 : index
        %get3A_401 = tpu.vector_load %arg18[%get3A_400] {strides = array<i32>} : memref<640xf32, #tpu.memory_space<vmem>>, vector<16xf32>,
        %add3A_402 = arith.constant 32 : i32
        %add3A_403 = vector.broadcast %add3A_402 : i32 to vector<16xi32>
        %add3A_404 = arith.addi %add3A_403, %iota3A : vector<16xi32>
        tpu.vector_store_idx %arg19[%add3A_351, %add3A_404, %mul3A_7], %add3A_399 : memref<5x128x8xi32, #tpu.memory_space<vmem>>[vector<16xi32>, vector<16xi32>, vector<16xi32>], vector<16xi32>,
        %add3A_405 = arith.constant 1 : i32
        %add3A_406 = vector.broadcast %add3A_405 : i32 to vector<16xi32>
        %add3A_407 = arith.addi %mul3A_7, %add3A_406 : vector<16xi32>
        tpu.vector_store_idx %arg19[%add3A_351, %add3A_404, %add3A_407], %add3A_399 : memref<5x128x8xi32, #tpu.memory_space<vmem>>[vector<16xi32>, vector<16xi32>, vector<16xi32>], vector<16xi32>,
        %add3A_408 = arith.constant 2 : i32
        %add3A_409 = vector.broadcast %add3A_408 : i32 to vector<16xi32>
        %add3A_410 = arith.addi %mul3A_7, %add3A_409 : vector<16xi32>
        %bitcast3A_411 = vector.bitcast %get3A_401 : vector<16xf32> to vector<16xi32>
        tpu.vector_store_idx %arg19[%add3A_351, %add3A_404, %add3A_410], %bitcast3A_411 : memref<5x128x8xi32, #tpu.memory_space<vmem>>[vector<16xi32>, vector<16xi32>, vector<16xi32>], vector<16xi32>,
        %mul3A_412 = arith.constant 640 : i32
        %mul3A_413 = arith.muli %add3A_20, %mul3A_412 : i32
        %add3A_414 = arith.constant 256 : i32
        %add3A_415 = arith.addi %mul3A_413, %add3A_414 : i32
        %add3A_416 = arith.constant 48 : i32
        %add3A_417 = arith.addi %add3A_415, %add3A_416 : i32
        %add3A_418 = vector.broadcast %add3A_417 : i32 to vector<16xi32>
        %add3A_419 = arith.addi %add3A_418, %iota3A : vector<16xi32>
        %get3A_420 = arith.constant 304 : index
        %get3A_421 = tpu.vector_load %arg18[%get3A_420] {strides = array<i32>} : memref<640xf32, #tpu.memory_space<vmem>>, vector<16xf32>,
        %add3A_422 = arith.constant 48 : i32
        %add3A_423 = vector.broadcast %add3A_422 : i32 to vector<16xi32>
        %add3A_424 = arith.addi %add3A_423, %iota3A : vector<16xi32>
        tpu.vector_store_idx %arg19[%add3A_351, %add3A_424, %mul3A_7], %add3A_419 : memref<5x128x8xi32, #tpu.memory_space<vmem>>[vector<16xi32>, vector<16xi32>, vector<16xi32>], vector<16xi32>,
        %add3A_425 = arith.constant 1 : i32
        %add3A_426 = vector.broadcast %add3A_425 : i32 to vector<16xi32>
        %add3A_427 = arith.addi %mul3A_7, %add3A_426 : vector<16xi32>
        tpu.vector_store_idx %arg19[%add3A_351, %add3A_424, %add3A_427], %add3A_419 : memref<5x128x8xi32, #tpu.memory_space<vmem>>[vector<16xi32>, vector<16xi32>, vector<16xi32>], vector<16xi32>,
        %add3A_428 = arith.constant 2 : i32
        %add3A_429 = vector.broadcast %add3A_428 : i32 to vector<16xi32>
        %add3A_430 = arith.addi %mul3A_7, %add3A_429 : vector<16xi32>
        %bitcast3A_431 = vector.bitcast %get3A_421 : vector<16xf32> to vector<16xi32>
        tpu.vector_store_idx %arg19[%add3A_351, %add3A_424, %add3A_430], %bitcast3A_431 : memref<5x128x8xi32, #tpu.memory_space<vmem>>[vector<16xi32>, vector<16xi32>, vector<16xi32>], vector<16xi32>,
        %mul3A_432 = arith.constant 640 : i32
        %mul3A_433 = arith.muli %add3A_20, %mul3A_432 : i32
        %add3A_434 = arith.constant 256 : i32
        %add3A_435 = arith.addi %mul3A_433, %add3A_434 : i32
        %add3A_436 = arith.constant 64 : i32
        %add3A_437 = arith.addi %add3A_435, %add3A_436 : i32
        %add3A_438 = vector.broadcast %add3A_437 : i32 to vector<16xi32>
        %add3A_439 = arith.addi %add3A_438, %iota3A : vector<16xi32>
        %get3A_440 = arith.constant 320 : index
        %get3A_441 = tpu.vector_load %arg18[%get3A_440] {strides = array<i32>} : memref<640xf32, #tpu.memory_space<vmem>>, vector<16xf32>,
        %add3A_442 = arith.constant 64 : i32
        %add3A_443 = vector.broadcast %add3A_442 : i32 to vector<16xi32>
        %add3A_444 = arith.addi %add3A_443, %iota3A : vector<16xi32>
        tpu.vector_store_idx %arg19[%add3A_351, %add3A_444, %mul3A_7], %add3A_439 : memref<5x128x8xi32, #tpu.memory_space<vmem>>[vector<16xi32>, vector<16xi32>, vector<16xi32>], vector<16xi32>,
        %add3A_445 = arith.constant 1 : i32
        %add3A_446 = vector.broadcast %add3A_445 : i32 to vector<16xi32>
        %add3A_447 = arith.addi %mul3A_7, %add3A_446 : vector<16xi32>
        tpu.vector_store_idx %arg19[%add3A_351, %add3A_444, %add3A_447], %add3A_439 : memref<5x128x8xi32, #tpu.memory_space<vmem>>[vector<16xi32>, vector<16xi32>, vector<16xi32>], vector<16xi32>,
        %add3A_448 = arith.constant 2 : i32
        %add3A_449 = vector.broadcast %add3A_448 : i32 to vector<16xi32>
        %add3A_450 = arith.addi %mul3A_7, %add3A_449 : vector<16xi32>
        %bitcast3A_451 = vector.bitcast %get3A_441 : vector<16xf32> to vector<16xi32>
        tpu.vector_store_idx %arg19[%add3A_351, %add3A_444, %add3A_450], %bitcast3A_451 : memref<5x128x8xi32, #tpu.memory_space<vmem>>[vector<16xi32>, vector<16xi32>, vector<16xi32>], vector<16xi32>,
        %mul3A_452 = arith.constant 640 : i32
        %mul3A_453 = arith.muli %add3A_20, %mul3A_452 : i32
        %add3A_454 = arith.constant 256 : i32
        %add3A_455 = arith.addi %mul3A_453, %add3A_454 : i32
        %add3A_456 = arith.constant 80 : i32
        %add3A_457 = arith.addi %add3A_455, %add3A_456 : i32
        %add3A_458 = vector.broadcast %add3A_457 : i32 to vector<16xi32>
        %add3A_459 = arith.addi %add3A_458, %iota3A : vector<16xi32>
        %get3A_460 = arith.constant 336 : index
        %get3A_461 = tpu.vector_load %arg18[%get3A_460] {strides = array<i32>} : memref<640xf32, #tpu.memory_space<vmem>>, vector<16xf32>,
        %add3A_462 = arith.constant 80 : i32
        %add3A_463 = vector.broadcast %add3A_462 : i32 to vector<16xi32>
        %add3A_464 = arith.addi %add3A_463, %iota3A : vector<16xi32>
        tpu.vector_store_idx %arg19[%add3A_351, %add3A_464, %mul3A_7], %add3A_459 : memref<5x128x8xi32, #tpu.memory_space<vmem>>[vector<16xi32>, vector<16xi32>, vector<16xi32>], vector<16xi32>,
        %add3A_465 = arith.constant 1 : i32
        %add3A_466 = vector.broadcast %add3A_465 : i32 to vector<16xi32>
        %add3A_467 = arith.addi %mul3A_7, %add3A_466 : vector<16xi32>
        tpu.vector_store_idx %arg19[%add3A_351, %add3A_464, %add3A_467], %add3A_459 : memref<5x128x8xi32, #tpu.memory_space<vmem>>[vector<16xi32>, vector<16xi32>, vector<16xi32>], vector<16xi32>,
        %add3A_468 = arith.constant 2 : i32
        %add3A_469 = vector.broadcast %add3A_468 : i32 to vector<16xi32>
        %add3A_470 = arith.addi %mul3A_7, %add3A_469 : vector<16xi32>
        %bitcast3A_471 = vector.bitcast %get3A_461 : vector<16xf32> to vector<16xi32>
        tpu.vector_store_idx %arg19[%add3A_351, %add3A_464, %add3A_470], %bitcast3A_471 : memref<5x128x8xi32, #tpu.memory_space<vmem>>[vector<16xi32>, vector<16xi32>, vector<16xi32>], vector<16xi32>,
        %mul3A_472 = arith.constant 640 : i32
        %mul3A_473 = arith.muli %add3A_20, %mul3A_472 : i32
        %add3A_474 = arith.constant 256 : i32
        %add3A_475 = arith.addi %mul3A_473, %add3A_474 : i32
        %add3A_476 = arith.constant 96 : i32
        %add3A_477 = arith.addi %add3A_475, %add3A_476 : i32
        %add3A_478 = vector.broadcast %add3A_477 : i32 to vector<16xi32>
        %add3A_479 = arith.addi %add3A_478, %iota3A : vector<16xi32>
        %get3A_480 = arith.constant 352 : index
        %get3A_481 = tpu.vector_load %arg18[%get3A_480] {strides = array<i32>} : memref<640xf32, #tpu.memory_space<vmem>>, vector<16xf32>,
        %add3A_482 = arith.constant 96 : i32
        %add3A_483 = vector.broadcast %add3A_482 : i32 to vector<16xi32>
        %add3A_484 = arith.addi %add3A_483, %iota3A : vector<16xi32>
        tpu.vector_store_idx %arg19[%add3A_351, %add3A_484, %mul3A_7], %add3A_479 : memref<5x128x8xi32, #tpu.memory_space<vmem>>[vector<16xi32>, vector<16xi32>, vector<16xi32>], vector<16xi32>,
        %add3A_485 = arith.constant 1 : i32
        %add3A_486 = vector.broadcast %add3A_485 : i32 to vector<16xi32>
        %add3A_487 = arith.addi %mul3A_7, %add3A_486 : vector<16xi32>
        tpu.vector_store_idx %arg19[%add3A_351, %add3A_484, %add3A_487], %add3A_479 : memref<5x128x8xi32, #tpu.memory_space<vmem>>[vector<16xi32>, vector<16xi32>, vector<16xi32>], vector<16xi32>,
        %add3A_488 = arith.constant 2 : i32
        %add3A_489 = vector.broadcast %add3A_488 : i32 to vector<16xi32>
        %add3A_490 = arith.addi %mul3A_7, %add3A_489 : vector<16xi32>
        %bitcast3A_491 = vector.bitcast %get3A_481 : vector<16xf32> to vector<16xi32>
        tpu.vector_store_idx %arg19[%add3A_351, %add3A_484, %add3A_490], %bitcast3A_491 : memref<5x128x8xi32, #tpu.memory_space<vmem>>[vector<16xi32>, vector<16xi32>, vector<16xi32>], vector<16xi32>,
        %mul3A_492 = arith.constant 640 : i32
        %mul3A_493 = arith.muli %add3A_20, %mul3A_492 : i32
        %add3A_494 = arith.constant 256 : i32
        %add3A_495 = arith.addi %mul3A_493, %add3A_494 : i32
        %add3A_496 = arith.constant 112 : i32
        %add3A_497 = arith.addi %add3A_495, %add3A_496 : i32
        %add3A_498 = vector.broadcast %add3A_497 : i32 to vector<16xi32>
        %add3A_499 = arith.addi %add3A_498, %iota3A : vector<16xi32>
        %get3A_500 = arith.constant 368 : index
        %get3A_501 = tpu.vector_load %arg18[%get3A_500] {strides = array<i32>} : memref<640xf32, #tpu.memory_space<vmem>>, vector<16xf32>,
        %add3A_502 = arith.constant 112 : i32
        %add3A_503 = vector.broadcast %add3A_502 : i32 to vector<16xi32>
        %add3A_504 = arith.addi %add3A_503, %iota3A : vector<16xi32>
        tpu.vector_store_idx %arg19[%add3A_351, %add3A_504, %mul3A_7], %add3A_499 : memref<5x128x8xi32, #tpu.memory_space<vmem>>[vector<16xi32>, vector<16xi32>, vector<16xi32>], vector<16xi32>,
        %add3A_505 = arith.constant 1 : i32
        %add3A_506 = vector.broadcast %add3A_505 : i32 to vector<16xi32>
        %add3A_507 = arith.addi %mul3A_7, %add3A_506 : vector<16xi32>
        tpu.vector_store_idx %arg19[%add3A_351, %add3A_504, %add3A_507], %add3A_499 : memref<5x128x8xi32, #tpu.memory_space<vmem>>[vector<16xi32>, vector<16xi32>, vector<16xi32>], vector<16xi32>,
        %add3A_508 = arith.constant 2 : i32
        %add3A_509 = vector.broadcast %add3A_508 : i32 to vector<16xi32>
        %add3A_510 = arith.addi %mul3A_7, %add3A_509 : vector<16xi32>
        %bitcast3A_511 = vector.bitcast %get3A_501 : vector<16xf32> to vector<16xi32>
        tpu.vector_store_idx %arg19[%add3A_351, %add3A_504, %add3A_510], %bitcast3A_511 : memref<5x128x8xi32, #tpu.memory_space<vmem>>[vector<16xi32>, vector<16xi32>, vector<16xi32>], vector<16xi32>,
        %add3A_512 = arith.constant 3 : i32
        %add3A_513 = vector.broadcast %add3A_512 : i32 to vector<16xi32>
        %add3A_514 = arith.addi %mul3A_7, %add3A_513 : vector<16xi32>
        %mul3A_515 = arith.constant 640 : i32
        %mul3A_516 = arith.muli %add3A_20, %mul3A_515 : i32
        %add3A_517 = arith.constant 384 : i32
        %add3A_518 = arith.addi %mul3A_516, %add3A_517 : i32
        %add3A_519 = arith.constant 0 : i32
        %add3A_520 = arith.addi %add3A_518, %add3A_519 : i32
        %add3A_521 = vector.broadcast %add3A_520 : i32 to vector<16xi32>
        %add3A_522 = arith.addi %add3A_521, %iota3A : vector<16xi32>
        %get3A_523 = arith.constant 384 : index
        %get3A_524 = tpu.vector_load %arg18[%get3A_523] {strides = array<i32>} : memref<640xf32, #tpu.memory_space<vmem>>, vector<16xf32>,
        %add3A_525 = arith.constant 0 : i32
        %add3A_526 = vector.broadcast %add3A_525 : i32 to vector<16xi32>
        %add3A_527 = arith.addi %add3A_526, %iota3A : vector<16xi32>
        tpu.vector_store_idx %arg19[%add3A_514, %add3A_527, %mul3A_7], %add3A_522 : memref<5x128x8xi32, #tpu.memory_space<vmem>>[vector<16xi32>, vector<16xi32>, vector<16xi32>], vector<16xi32>,
        %add3A_528 = arith.constant 1 : i32
        %add3A_529 = vector.broadcast %add3A_528 : i32 to vector<16xi32>
        %add3A_530 = arith.addi %mul3A_7, %add3A_529 : vector<16xi32>
        tpu.vector_store_idx %arg19[%add3A_514, %add3A_527, %add3A_530], %add3A_522 : memref<5x128x8xi32, #tpu.memory_space<vmem>>[vector<16xi32>, vector<16xi32>, vector<16xi32>], vector<16xi32>,
        %add3A_531 = arith.constant 2 : i32
        %add3A_532 = vector.broadcast %add3A_531 : i32 to vector<16xi32>
        %add3A_533 = arith.addi %mul3A_7, %add3A_532 : vector<16xi32>
        %bitcast3A_534 = vector.bitcast %get3A_524 : vector<16xf32> to vector<16xi32>
        tpu.vector_store_idx %arg19[%add3A_514, %add3A_527, %add3A_533], %bitcast3A_534 : memref<5x128x8xi32, #tpu.memory_space<vmem>>[vector<16xi32>, vector<16xi32>, vector<16xi32>], vector<16xi32>,
        %mul3A_535 = arith.constant 640 : i32
        %mul3A_536 = arith.muli %add3A_20, %mul3A_535 : i32
        %add3A_537 = arith.constant 384 : i32
        %add3A_538 = arith.addi %mul3A_536, %add3A_537 : i32
        %add3A_539 = arith.constant 16 : i32
        %add3A_540 = arith.addi %add3A_538, %add3A_539 : i32
        %add3A_541 = vector.broadcast %add3A_540 : i32 to vector<16xi32>
        %add3A_542 = arith.addi %add3A_541, %iota3A : vector<16xi32>
        %get3A_543 = arith.constant 400 : index
        %get3A_544 = tpu.vector_load %arg18[%get3A_543] {strides = array<i32>} : memref<640xf32, #tpu.memory_space<vmem>>, vector<16xf32>,
        %add3A_545 = arith.constant 16 : i32
        %add3A_546 = vector.broadcast %add3A_545 : i32 to vector<16xi32>
        %add3A_547 = arith.addi %add3A_546, %iota3A : vector<16xi32>
        tpu.vector_store_idx %arg19[%add3A_514, %add3A_547, %mul3A_7], %add3A_542 : memref<5x128x8xi32, #tpu.memory_space<vmem>>[vector<16xi32>, vector<16xi32>, vector<16xi32>], vector<16xi32>,
        %add3A_548 = arith.constant 1 : i32
        %add3A_549 = vector.broadcast %add3A_548 : i32 to vector<16xi32>
        %add3A_550 = arith.addi %mul3A_7, %add3A_549 : vector<16xi32>
        tpu.vector_store_idx %arg19[%add3A_514, %add3A_547, %add3A_550], %add3A_542 : memref<5x128x8xi32, #tpu.memory_space<vmem>>[vector<16xi32>, vector<16xi32>, vector<16xi32>], vector<16xi32>,
        %add3A_551 = arith.constant 2 : i32
        %add3A_552 = vector.broadcast %add3A_551 : i32 to vector<16xi32>
        %add3A_553 = arith.addi %mul3A_7, %add3A_552 : vector<16xi32>
        %bitcast3A_554 = vector.bitcast %get3A_544 : vector<16xf32> to vector<16xi32>
        tpu.vector_store_idx %arg19[%add3A_514, %add3A_547, %add3A_553], %bitcast3A_554 : memref<5x128x8xi32, #tpu.memory_space<vmem>>[vector<16xi32>, vector<16xi32>, vector<16xi32>], vector<16xi32>,
        %mul3A_555 = arith.constant 640 : i32
        %mul3A_556 = arith.muli %add3A_20, %mul3A_555 : i32
        %add3A_557 = arith.constant 384 : i32
        %add3A_558 = arith.addi %mul3A_556, %add3A_557 : i32
        %add3A_559 = arith.constant 32 : i32
        %add3A_560 = arith.addi %add3A_558, %add3A_559 : i32
        %add3A_561 = vector.broadcast %add3A_560 : i32 to vector<16xi32>
        %add3A_562 = arith.addi %add3A_561, %iota3A : vector<16xi32>
        %get3A_563 = arith.constant 416 : index
        %get3A_564 = tpu.vector_load %arg18[%get3A_563] {strides = array<i32>} : memref<640xf32, #tpu.memory_space<vmem>>, vector<16xf32>,
        %add3A_565 = arith.constant 32 : i32
        %add3A_566 = vector.broadcast %add3A_565 : i32 to vector<16xi32>
        %add3A_567 = arith.addi %add3A_566, %iota3A : vector<16xi32>
        tpu.vector_store_idx %arg19[%add3A_514, %add3A_567, %mul3A_7], %add3A_562 : memref<5x128x8xi32, #tpu.memory_space<vmem>>[vector<16xi32>, vector<16xi32>, vector<16xi32>], vector<16xi32>,
        %add3A_568 = arith.constant 1 : i32
        %add3A_569 = vector.broadcast %add3A_568 : i32 to vector<16xi32>
        %add3A_570 = arith.addi %mul3A_7, %add3A_569 : vector<16xi32>
        tpu.vector_store_idx %arg19[%add3A_514, %add3A_567, %add3A_570], %add3A_562 : memref<5x128x8xi32, #tpu.memory_space<vmem>>[vector<16xi32>, vector<16xi32>, vector<16xi32>], vector<16xi32>,
        %add3A_571 = arith.constant 2 : i32
        %add3A_572 = vector.broadcast %add3A_571 : i32 to vector<16xi32>
        %add3A_573 = arith.addi %mul3A_7, %add3A_572 : vector<16xi32>
        %bitcast3A_574 = vector.bitcast %get3A_564 : vector<16xf32> to vector<16xi32>
        tpu.vector_store_idx %arg19[%add3A_514, %add3A_567, %add3A_573], %bitcast3A_574 : memref<5x128x8xi32, #tpu.memory_space<vmem>>[vector<16xi32>, vector<16xi32>, vector<16xi32>], vector<16xi32>,
        %mul3A_575 = arith.constant 640 : i32
        %mul3A_576 = arith.muli %add3A_20, %mul3A_575 : i32
        %add3A_577 = arith.constant 384 : i32
        %add3A_578 = arith.addi %mul3A_576, %add3A_577 : i32
        %add3A_579 = arith.constant 48 : i32
        %add3A_580 = arith.addi %add3A_578, %add3A_579 : i32
        %add3A_581 = vector.broadcast %add3A_580 : i32 to vector<16xi32>
        %add3A_582 = arith.addi %add3A_581, %iota3A : vector<16xi32>
        %get3A_583 = arith.constant 432 : index
        %get3A_584 = tpu.vector_load %arg18[%get3A_583] {strides = array<i32>} : memref<640xf32, #tpu.memory_space<vmem>>, vector<16xf32>,
        %add3A_585 = arith.constant 48 : i32
        %add3A_586 = vector.broadcast %add3A_585 : i32 to vector<16xi32>
        %add3A_587 = arith.addi %add3A_586, %iota3A : vector<16xi32>
        tpu.vector_store_idx %arg19[%add3A_514, %add3A_587, %mul3A_7], %add3A_582 : memref<5x128x8xi32, #tpu.memory_space<vmem>>[vector<16xi32>, vector<16xi32>, vector<16xi32>], vector<16xi32>,
        %add3A_588 = arith.constant 1 : i32
        %add3A_589 = vector.broadcast %add3A_588 : i32 to vector<16xi32>
        %add3A_590 = arith.addi %mul3A_7, %add3A_589 : vector<16xi32>
        tpu.vector_store_idx %arg19[%add3A_514, %add3A_587, %add3A_590], %add3A_582 : memref<5x128x8xi32, #tpu.memory_space<vmem>>[vector<16xi32>, vector<16xi32>, vector<16xi32>], vector<16xi32>,
        %add3A_591 = arith.constant 2 : i32
        %add3A_592 = vector.broadcast %add3A_591 : i32 to vector<16xi32>
        %add3A_593 = arith.addi %mul3A_7, %add3A_592 : vector<16xi32>
        %bitcast3A_594 = vector.bitcast %get3A_584 : vector<16xf32> to vector<16xi32>
        tpu.vector_store_idx %arg19[%add3A_514, %add3A_587, %add3A_593], %bitcast3A_594 : memref<5x128x8xi32, #tpu.memory_space<vmem>>[vector<16xi32>, vector<16xi32>, vector<16xi32>], vector<16xi32>,
        %mul3A_595 = arith.constant 640 : i32
        %mul3A_596 = arith.muli %add3A_20, %mul3A_595 : i32
        %add3A_597 = arith.constant 384 : i32
        %add3A_598 = arith.addi %mul3A_596, %add3A_597 : i32
        %add3A_599 = arith.constant 64 : i32
        %add3A_600 = arith.addi %add3A_598, %add3A_599 : i32
        %add3A_601 = vector.broadcast %add3A_600 : i32 to vector<16xi32>
        %add3A_602 = arith.addi %add3A_601, %iota3A : vector<16xi32>
        %get3A_603 = arith.constant 448 : index
        %get3A_604 = tpu.vector_load %arg18[%get3A_603] {strides = array<i32>} : memref<640xf32, #tpu.memory_space<vmem>>, vector<16xf32>,
        %add3A_605 = arith.constant 64 : i32
        %add3A_606 = vector.broadcast %add3A_605 : i32 to vector<16xi32>
        %add3A_607 = arith.addi %add3A_606, %iota3A : vector<16xi32>
        tpu.vector_store_idx %arg19[%add3A_514, %add3A_607, %mul3A_7], %add3A_602 : memref<5x128x8xi32, #tpu.memory_space<vmem>>[vector<16xi32>, vector<16xi32>, vector<16xi32>], vector<16xi32>,
        %add3A_608 = arith.constant 1 : i32
        %add3A_609 = vector.broadcast %add3A_608 : i32 to vector<16xi32>
        %add3A_610 = arith.addi %mul3A_7, %add3A_609 : vector<16xi32>
        tpu.vector_store_idx %arg19[%add3A_514, %add3A_607, %add3A_610], %add3A_602 : memref<5x128x8xi32, #tpu.memory_space<vmem>>[vector<16xi32>, vector<16xi32>, vector<16xi32>], vector<16xi32>,
        %add3A_611 = arith.constant 2 : i32
        %add3A_612 = vector.broadcast %add3A_611 : i32 to vector<16xi32>
        %add3A_613 = arith.addi %mul3A_7, %add3A_612 : vector<16xi32>
        %bitcast3A_614 = vector.bitcast %get3A_604 : vector<16xf32> to vector<16xi32>
        tpu.vector_store_idx %arg19[%add3A_514, %add3A_607, %add3A_613], %bitcast3A_614 : memref<5x128x8xi32, #tpu.memory_space<vmem>>[vector<16xi32>, vector<16xi32>, vector<16xi32>], vector<16xi32>,
        %mul3A_615 = arith.constant 640 : i32
        %mul3A_616 = arith.muli %add3A_20, %mul3A_615 : i32
        %add3A_617 = arith.constant 384 : i32
        %add3A_618 = arith.addi %mul3A_616, %add3A_617 : i32
        %add3A_619 = arith.constant 80 : i32
        %add3A_620 = arith.addi %add3A_618, %add3A_619 : i32
        %add3A_621 = vector.broadcast %add3A_620 : i32 to vector<16xi32>
        %add3A_622 = arith.addi %add3A_621, %iota3A : vector<16xi32>
        %get3A_623 = arith.constant 464 : index
        %get3A_624 = tpu.vector_load %arg18[%get3A_623] {strides = array<i32>} : memref<640xf32, #tpu.memory_space<vmem>>, vector<16xf32>,
        %add3A_625 = arith.constant 80 : i32
        %add3A_626 = vector.broadcast %add3A_625 : i32 to vector<16xi32>
        %add3A_627 = arith.addi %add3A_626, %iota3A : vector<16xi32>
        tpu.vector_store_idx %arg19[%add3A_514, %add3A_627, %mul3A_7], %add3A_622 : memref<5x128x8xi32, #tpu.memory_space<vmem>>[vector<16xi32>, vector<16xi32>, vector<16xi32>], vector<16xi32>,
        %add3A_628 = arith.constant 1 : i32
        %add3A_629 = vector.broadcast %add3A_628 : i32 to vector<16xi32>
        %add3A_630 = arith.addi %mul3A_7, %add3A_629 : vector<16xi32>
        tpu.vector_store_idx %arg19[%add3A_514, %add3A_627, %add3A_630], %add3A_622 : memref<5x128x8xi32, #tpu.memory_space<vmem>>[vector<16xi32>, vector<16xi32>, vector<16xi32>], vector<16xi32>,
        %add3A_631 = arith.constant 2 : i32
        %add3A_632 = vector.broadcast %add3A_631 : i32 to vector<16xi32>
        %add3A_633 = arith.addi %mul3A_7, %add3A_632 : vector<16xi32>
        %bitcast3A_634 = vector.bitcast %get3A_624 : vector<16xf32> to vector<16xi32>
        tpu.vector_store_idx %arg19[%add3A_514, %add3A_627, %add3A_633], %bitcast3A_634 : memref<5x128x8xi32, #tpu.memory_space<vmem>>[vector<16xi32>, vector<16xi32>, vector<16xi32>], vector<16xi32>,
        %mul3A_635 = arith.constant 640 : i32
        %mul3A_636 = arith.muli %add3A_20, %mul3A_635 : i32
        %add3A_637 = arith.constant 384 : i32
        %add3A_638 = arith.addi %mul3A_636, %add3A_637 : i32
        %add3A_639 = arith.constant 96 : i32
        %add3A_640 = arith.addi %add3A_638, %add3A_639 : i32
        %add3A_641 = vector.broadcast %add3A_640 : i32 to vector<16xi32>
        %add3A_642 = arith.addi %add3A_641, %iota3A : vector<16xi32>
        %get3A_643 = arith.constant 480 : index
        %get3A_644 = tpu.vector_load %arg18[%get3A_643] {strides = array<i32>} : memref<640xf32, #tpu.memory_space<vmem>>, vector<16xf32>,
        %add3A_645 = arith.constant 96 : i32
        %add3A_646 = vector.broadcast %add3A_645 : i32 to vector<16xi32>
        %add3A_647 = arith.addi %add3A_646, %iota3A : vector<16xi32>
        tpu.vector_store_idx %arg19[%add3A_514, %add3A_647, %mul3A_7], %add3A_642 : memref<5x128x8xi32, #tpu.memory_space<vmem>>[vector<16xi32>, vector<16xi32>, vector<16xi32>], vector<16xi32>,
        %add3A_648 = arith.constant 1 : i32
        %add3A_649 = vector.broadcast %add3A_648 : i32 to vector<16xi32>
        %add3A_650 = arith.addi %mul3A_7, %add3A_649 : vector<16xi32>
        tpu.vector_store_idx %arg19[%add3A_514, %add3A_647, %add3A_650], %add3A_642 : memref<5x128x8xi32, #tpu.memory_space<vmem>>[vector<16xi32>, vector<16xi32>, vector<16xi32>], vector<16xi32>,
        %add3A_651 = arith.constant 2 : i32
        %add3A_652 = vector.broadcast %add3A_651 : i32 to vector<16xi32>
        %add3A_653 = arith.addi %mul3A_7, %add3A_652 : vector<16xi32>
        %bitcast3A_654 = vector.bitcast %get3A_644 : vector<16xf32> to vector<16xi32>
        tpu.vector_store_idx %arg19[%add3A_514, %add3A_647, %add3A_653], %bitcast3A_654 : memref<5x128x8xi32, #tpu.memory_space<vmem>>[vector<16xi32>, vector<16xi32>, vector<16xi32>], vector<16xi32>,
        %mul3A_655 = arith.constant 640 : i32
        %mul3A_656 = arith.muli %add3A_20, %mul3A_655 : i32
        %add3A_657 = arith.constant 384 : i32
        %add3A_658 = arith.addi %mul3A_656, %add3A_657 : i32
        %add3A_659 = arith.constant 112 : i32
        %add3A_660 = arith.addi %add3A_658, %add3A_659 : i32
        %add3A_661 = vector.broadcast %add3A_660 : i32 to vector<16xi32>
        %add3A_662 = arith.addi %add3A_661, %iota3A : vector<16xi32>
        %get3A_663 = arith.constant 496 : index
        %get3A_664 = tpu.vector_load %arg18[%get3A_663] {strides = array<i32>} : memref<640xf32, #tpu.memory_space<vmem>>, vector<16xf32>,
        %add3A_665 = arith.constant 112 : i32
        %add3A_666 = vector.broadcast %add3A_665 : i32 to vector<16xi32>
        %add3A_667 = arith.addi %add3A_666, %iota3A : vector<16xi32>
        tpu.vector_store_idx %arg19[%add3A_514, %add3A_667, %mul3A_7], %add3A_662 : memref<5x128x8xi32, #tpu.memory_space<vmem>>[vector<16xi32>, vector<16xi32>, vector<16xi32>], vector<16xi32>,
        %add3A_668 = arith.constant 1 : i32
        %add3A_669 = vector.broadcast %add3A_668 : i32 to vector<16xi32>
        %add3A_670 = arith.addi %mul3A_7, %add3A_669 : vector<16xi32>
        tpu.vector_store_idx %arg19[%add3A_514, %add3A_667, %add3A_670], %add3A_662 : memref<5x128x8xi32, #tpu.memory_space<vmem>>[vector<16xi32>, vector<16xi32>, vector<16xi32>], vector<16xi32>,
        %add3A_671 = arith.constant 2 : i32
        %add3A_672 = vector.broadcast %add3A_671 : i32 to vector<16xi32>
        %add3A_673 = arith.addi %mul3A_7, %add3A_672 : vector<16xi32>
        %bitcast3A_674 = vector.bitcast %get3A_664 : vector<16xf32> to vector<16xi32>
        tpu.vector_store_idx %arg19[%add3A_514, %add3A_667, %add3A_673], %bitcast3A_674 : memref<5x128x8xi32, #tpu.memory_space<vmem>>[vector<16xi32>, vector<16xi32>, vector<16xi32>], vector<16xi32>,
        %add3A_675 = arith.constant 4 : i32
        %add3A_676 = vector.broadcast %add3A_675 : i32 to vector<16xi32>
        %add3A_677 = arith.addi %mul3A_7, %add3A_676 : vector<16xi32>
        %mul3A_678 = arith.constant 640 : i32
        %mul3A_679 = arith.muli %add3A_20, %mul3A_678 : i32
        %add3A_680 = arith.constant 512 : i32
        %add3A_681 = arith.addi %mul3A_679, %add3A_680 : i32
        %add3A_682 = arith.constant 0 : i32
        %add3A_683 = arith.addi %add3A_681, %add3A_682 : i32
        %add3A_684 = vector.broadcast %add3A_683 : i32 to vector<16xi32>
        %add3A_685 = arith.addi %add3A_684, %iota3A : vector<16xi32>
        %get3A_686 = arith.constant 512 : index
        %get3A_687 = tpu.vector_load %arg18[%get3A_686] {strides = array<i32>} : memref<640xf32, #tpu.memory_space<vmem>>, vector<16xf32>,
        %add3A_688 = arith.constant 0 : i32
        %add3A_689 = vector.broadcast %add3A_688 : i32 to vector<16xi32>
        %add3A_690 = arith.addi %add3A_689, %iota3A : vector<16xi32>
        tpu.vector_store_idx %arg19[%add3A_677, %add3A_690, %mul3A_7], %add3A_685 : memref<5x128x8xi32, #tpu.memory_space<vmem>>[vector<16xi32>, vector<16xi32>, vector<16xi32>], vector<16xi32>,
        %add3A_691 = arith.constant 1 : i32
        %add3A_692 = vector.broadcast %add3A_691 : i32 to vector<16xi32>
        %add3A_693 = arith.addi %mul3A_7, %add3A_692 : vector<16xi32>
        tpu.vector_store_idx %arg19[%add3A_677, %add3A_690, %add3A_693], %add3A_685 : memref<5x128x8xi32, #tpu.memory_space<vmem>>[vector<16xi32>, vector<16xi32>, vector<16xi32>], vector<16xi32>,
        %add3A_694 = arith.constant 2 : i32
        %add3A_695 = vector.broadcast %add3A_694 : i32 to vector<16xi32>
        %add3A_696 = arith.addi %mul3A_7, %add3A_695 : vector<16xi32>
        %bitcast3A_697 = vector.bitcast %get3A_687 : vector<16xf32> to vector<16xi32>
        tpu.vector_store_idx %arg19[%add3A_677, %add3A_690, %add3A_696], %bitcast3A_697 : memref<5x128x8xi32, #tpu.memory_space<vmem>>[vector<16xi32>, vector<16xi32>, vector<16xi32>], vector<16xi32>,
        %mul3A_698 = arith.constant 640 : i32
        %mul3A_699 = arith.muli %add3A_20, %mul3A_698 : i32
        %add3A_700 = arith.constant 512 : i32
        %add3A_701 = arith.addi %mul3A_699, %add3A_700 : i32
        %add3A_702 = arith.constant 16 : i32
        %add3A_703 = arith.addi %add3A_701, %add3A_702 : i32
        %add3A_704 = vector.broadcast %add3A_703 : i32 to vector<16xi32>
        %add3A_705 = arith.addi %add3A_704, %iota3A : vector<16xi32>
        %get3A_706 = arith.constant 528 : index
        %get3A_707 = tpu.vector_load %arg18[%get3A_706] {strides = array<i32>} : memref<640xf32, #tpu.memory_space<vmem>>, vector<16xf32>,
        %add3A_708 = arith.constant 16 : i32
        %add3A_709 = vector.broadcast %add3A_708 : i32 to vector<16xi32>
        %add3A_710 = arith.addi %add3A_709, %iota3A : vector<16xi32>
        tpu.vector_store_idx %arg19[%add3A_677, %add3A_710, %mul3A_7], %add3A_705 : memref<5x128x8xi32, #tpu.memory_space<vmem>>[vector<16xi32>, vector<16xi32>, vector<16xi32>], vector<16xi32>,
        %add3A_711 = arith.constant 1 : i32
        %add3A_712 = vector.broadcast %add3A_711 : i32 to vector<16xi32>
        %add3A_713 = arith.addi %mul3A_7, %add3A_712 : vector<16xi32>
        tpu.vector_store_idx %arg19[%add3A_677, %add3A_710, %add3A_713], %add3A_705 : memref<5x128x8xi32, #tpu.memory_space<vmem>>[vector<16xi32>, vector<16xi32>, vector<16xi32>], vector<16xi32>,
        %add3A_714 = arith.constant 2 : i32
        %add3A_715 = vector.broadcast %add3A_714 : i32 to vector<16xi32>
        %add3A_716 = arith.addi %mul3A_7, %add3A_715 : vector<16xi32>
        %bitcast3A_717 = vector.bitcast %get3A_707 : vector<16xf32> to vector<16xi32>
        tpu.vector_store_idx %arg19[%add3A_677, %add3A_710, %add3A_716], %bitcast3A_717 : memref<5x128x8xi32, #tpu.memory_space<vmem>>[vector<16xi32>, vector<16xi32>, vector<16xi32>], vector<16xi32>,
        %mul3A_718 = arith.constant 640 : i32
        %mul3A_719 = arith.muli %add3A_20, %mul3A_718 : i32
        %add3A_720 = arith.constant 512 : i32
        %add3A_721 = arith.addi %mul3A_719, %add3A_720 : i32
        %add3A_722 = arith.constant 32 : i32
        %add3A_723 = arith.addi %add3A_721, %add3A_722 : i32
        %add3A_724 = vector.broadcast %add3A_723 : i32 to vector<16xi32>
        %add3A_725 = arith.addi %add3A_724, %iota3A : vector<16xi32>
        %get3A_726 = arith.constant 544 : index
        %get3A_727 = tpu.vector_load %arg18[%get3A_726] {strides = array<i32>} : memref<640xf32, #tpu.memory_space<vmem>>, vector<16xf32>,
        %add3A_728 = arith.constant 32 : i32
        %add3A_729 = vector.broadcast %add3A_728 : i32 to vector<16xi32>
        %add3A_730 = arith.addi %add3A_729, %iota3A : vector<16xi32>
        tpu.vector_store_idx %arg19[%add3A_677, %add3A_730, %mul3A_7], %add3A_725 : memref<5x128x8xi32, #tpu.memory_space<vmem>>[vector<16xi32>, vector<16xi32>, vector<16xi32>], vector<16xi32>,
        %add3A_731 = arith.constant 1 : i32
        %add3A_732 = vector.broadcast %add3A_731 : i32 to vector<16xi32>
        %add3A_733 = arith.addi %mul3A_7, %add3A_732 : vector<16xi32>
        tpu.vector_store_idx %arg19[%add3A_677, %add3A_730, %add3A_733], %add3A_725 : memref<5x128x8xi32, #tpu.memory_space<vmem>>[vector<16xi32>, vector<16xi32>, vector<16xi32>], vector<16xi32>,
        %add3A_734 = arith.constant 2 : i32
        %add3A_735 = vector.broadcast %add3A_734 : i32 to vector<16xi32>
        %add3A_736 = arith.addi %mul3A_7, %add3A_735 : vector<16xi32>
        %bitcast3A_737 = vector.bitcast %get3A_727 : vector<16xf32> to vector<16xi32>
        tpu.vector_store_idx %arg19[%add3A_677, %add3A_730, %add3A_736], %bitcast3A_737 : memref<5x128x8xi32, #tpu.memory_space<vmem>>[vector<16xi32>, vector<16xi32>, vector<16xi32>], vector<16xi32>,
        %mul3A_738 = arith.constant 640 : i32
        %mul3A_739 = arith.muli %add3A_20, %mul3A_738 : i32
        %add3A_740 = arith.constant 512 : i32
        %add3A_741 = arith.addi %mul3A_739, %add3A_740 : i32
        %add3A_742 = arith.constant 48 : i32
        %add3A_743 = arith.addi %add3A_741, %add3A_742 : i32
        %add3A_744 = vector.broadcast %add3A_743 : i32 to vector<16xi32>
        %add3A_745 = arith.addi %add3A_744, %iota3A : vector<16xi32>
        %get3A_746 = arith.constant 560 : index
        %get3A_747 = tpu.vector_load %arg18[%get3A_746] {strides = array<i32>} : memref<640xf32, #tpu.memory_space<vmem>>, vector<16xf32>,
        %add3A_748 = arith.constant 48 : i32
        %add3A_749 = vector.broadcast %add3A_748 : i32 to vector<16xi32>
        %add3A_750 = arith.addi %add3A_749, %iota3A : vector<16xi32>
        tpu.vector_store_idx %arg19[%add3A_677, %add3A_750, %mul3A_7], %add3A_745 : memref<5x128x8xi32, #tpu.memory_space<vmem>>[vector<16xi32>, vector<16xi32>, vector<16xi32>], vector<16xi32>,
        %add3A_751 = arith.constant 1 : i32
        %add3A_752 = vector.broadcast %add3A_751 : i32 to vector<16xi32>
        %add3A_753 = arith.addi %mul3A_7, %add3A_752 : vector<16xi32>
        tpu.vector_store_idx %arg19[%add3A_677, %add3A_750, %add3A_753], %add3A_745 : memref<5x128x8xi32, #tpu.memory_space<vmem>>[vector<16xi32>, vector<16xi32>, vector<16xi32>], vector<16xi32>,
        %add3A_754 = arith.constant 2 : i32
        %add3A_755 = vector.broadcast %add3A_754 : i32 to vector<16xi32>
        %add3A_756 = arith.addi %mul3A_7, %add3A_755 : vector<16xi32>
        %bitcast3A_757 = vector.bitcast %get3A_747 : vector<16xf32> to vector<16xi32>
        tpu.vector_store_idx %arg19[%add3A_677, %add3A_750, %add3A_756], %bitcast3A_757 : memref<5x128x8xi32, #tpu.memory_space<vmem>>[vector<16xi32>, vector<16xi32>, vector<16xi32>], vector<16xi32>,
        %mul3A_758 = arith.constant 640 : i32
        %mul3A_759 = arith.muli %add3A_20, %mul3A_758 : i32
        %add3A_760 = arith.constant 512 : i32
        %add3A_761 = arith.addi %mul3A_759, %add3A_760 : i32
        %add3A_762 = arith.constant 64 : i32
        %add3A_763 = arith.addi %add3A_761, %add3A_762 : i32
        %add3A_764 = vector.broadcast %add3A_763 : i32 to vector<16xi32>
        %add3A_765 = arith.addi %add3A_764, %iota3A : vector<16xi32>
        %get3A_766 = arith.constant 576 : index
        %get3A_767 = tpu.vector_load %arg18[%get3A_766] {strides = array<i32>} : memref<640xf32, #tpu.memory_space<vmem>>, vector<16xf32>,
        %add3A_768 = arith.constant 64 : i32
        %add3A_769 = vector.broadcast %add3A_768 : i32 to vector<16xi32>
        %add3A_770 = arith.addi %add3A_769, %iota3A : vector<16xi32>
        tpu.vector_store_idx %arg19[%add3A_677, %add3A_770, %mul3A_7], %add3A_765 : memref<5x128x8xi32, #tpu.memory_space<vmem>>[vector<16xi32>, vector<16xi32>, vector<16xi32>], vector<16xi32>,
        %add3A_771 = arith.constant 1 : i32
        %add3A_772 = vector.broadcast %add3A_771 : i32 to vector<16xi32>
        %add3A_773 = arith.addi %mul3A_7, %add3A_772 : vector<16xi32>
        tpu.vector_store_idx %arg19[%add3A_677, %add3A_770, %add3A_773], %add3A_765 : memref<5x128x8xi32, #tpu.memory_space<vmem>>[vector<16xi32>, vector<16xi32>, vector<16xi32>], vector<16xi32>,
        %add3A_774 = arith.constant 2 : i32
        %add3A_775 = vector.broadcast %add3A_774 : i32 to vector<16xi32>
        %add3A_776 = arith.addi %mul3A_7, %add3A_775 : vector<16xi32>
        %bitcast3A_777 = vector.bitcast %get3A_767 : vector<16xf32> to vector<16xi32>
        tpu.vector_store_idx %arg19[%add3A_677, %add3A_770, %add3A_776], %bitcast3A_777 : memref<5x128x8xi32, #tpu.memory_space<vmem>>[vector<16xi32>, vector<16xi32>, vector<16xi32>], vector<16xi32>,
        %mul3A_778 = arith.constant 640 : i32
        %mul3A_779 = arith.muli %add3A_20, %mul3A_778 : i32
        %add3A_780 = arith.constant 512 : i32
        %add3A_781 = arith.addi %mul3A_779, %add3A_780 : i32
        %add3A_782 = arith.constant 80 : i32
        %add3A_783 = arith.addi %add3A_781, %add3A_782 : i32
        %add3A_784 = vector.broadcast %add3A_783 : i32 to vector<16xi32>
        %add3A_785 = arith.addi %add3A_784, %iota3A : vector<16xi32>
        %get3A_786 = arith.constant 592 : index
        %get3A_787 = tpu.vector_load %arg18[%get3A_786] {strides = array<i32>} : memref<640xf32, #tpu.memory_space<vmem>>, vector<16xf32>,
        %add3A_788 = arith.constant 80 : i32
        %add3A_789 = vector.broadcast %add3A_788 : i32 to vector<16xi32>
        %add3A_790 = arith.addi %add3A_789, %iota3A : vector<16xi32>
        tpu.vector_store_idx %arg19[%add3A_677, %add3A_790, %mul3A_7], %add3A_785 : memref<5x128x8xi32, #tpu.memory_space<vmem>>[vector<16xi32>, vector<16xi32>, vector<16xi32>], vector<16xi32>,
        %add3A_791 = arith.constant 1 : i32
        %add3A_792 = vector.broadcast %add3A_791 : i32 to vector<16xi32>
        %add3A_793 = arith.addi %mul3A_7, %add3A_792 : vector<16xi32>
        tpu.vector_store_idx %arg19[%add3A_677, %add3A_790, %add3A_793], %add3A_785 : memref<5x128x8xi32, #tpu.memory_space<vmem>>[vector<16xi32>, vector<16xi32>, vector<16xi32>], vector<16xi32>,
        %add3A_794 = arith.constant 2 : i32
        %add3A_795 = vector.broadcast %add3A_794 : i32 to vector<16xi32>
        %add3A_796 = arith.addi %mul3A_7, %add3A_795 : vector<16xi32>
        %bitcast3A_797 = vector.bitcast %get3A_787 : vector<16xf32> to vector<16xi32>
        tpu.vector_store_idx %arg19[%add3A_677, %add3A_790, %add3A_796], %bitcast3A_797 : memref<5x128x8xi32, #tpu.memory_space<vmem>>[vector<16xi32>, vector<16xi32>, vector<16xi32>], vector<16xi32>,
        %mul3A_798 = arith.constant 640 : i32
        %mul3A_799 = arith.muli %add3A_20, %mul3A_798 : i32
        %add3A_800 = arith.constant 512 : i32
        %add3A_801 = arith.addi %mul3A_799, %add3A_800 : i32
        %add3A_802 = arith.constant 96 : i32
        %add3A_803 = arith.addi %add3A_801, %add3A_802 : i32
        %add3A_804 = vector.broadcast %add3A_803 : i32 to vector<16xi32>
        %add3A_805 = arith.addi %add3A_804, %iota3A : vector<16xi32>
        %get3A_806 = arith.constant 608 : index
        %get3A_807 = tpu.vector_load %arg18[%get3A_806] {strides = array<i32>} : memref<640xf32, #tpu.memory_space<vmem>>, vector<16xf32>,
        %add3A_808 = arith.constant 96 : i32
        %add3A_809 = vector.broadcast %add3A_808 : i32 to vector<16xi32>
        %add3A_810 = arith.addi %add3A_809, %iota3A : vector<16xi32>
        tpu.vector_store_idx %arg19[%add3A_677, %add3A_810, %mul3A_7], %add3A_805 : memref<5x128x8xi32, #tpu.memory_space<vmem>>[vector<16xi32>, vector<16xi32>, vector<16xi32>], vector<16xi32>,
        %add3A_811 = arith.constant 1 : i32
        %add3A_812 = vector.broadcast %add3A_811 : i32 to vector<16xi32>
        %add3A_813 = arith.addi %mul3A_7, %add3A_812 : vector<16xi32>
        tpu.vector_store_idx %arg19[%add3A_677, %add3A_810, %add3A_813], %add3A_805 : memref<5x128x8xi32, #tpu.memory_space<vmem>>[vector<16xi32>, vector<16xi32>, vector<16xi32>], vector<16xi32>,
        %add3A_814 = arith.constant 2 : i32
        %add3A_815 = vector.broadcast %add3A_814 : i32 to vector<16xi32>
        %add3A_816 = arith.addi %mul3A_7, %add3A_815 : vector<16xi32>
        %bitcast3A_817 = vector.bitcast %get3A_807 : vector<16xf32> to vector<16xi32>
        tpu.vector_store_idx %arg19[%add3A_677, %add3A_810, %add3A_816], %bitcast3A_817 : memref<5x128x8xi32, #tpu.memory_space<vmem>>[vector<16xi32>, vector<16xi32>, vector<16xi32>], vector<16xi32>,
        %mul3A_818 = arith.constant 640 : i32
        %mul3A_819 = arith.muli %add3A_20, %mul3A_818 : i32
        %add3A_820 = arith.constant 512 : i32
        %add3A_821 = arith.addi %mul3A_819, %add3A_820 : i32
        %add3A_822 = arith.constant 112 : i32
        %add3A_823 = arith.addi %add3A_821, %add3A_822 : i32
        %add3A_824 = vector.broadcast %add3A_823 : i32 to vector<16xi32>
        %add3A_825 = arith.addi %add3A_824, %iota3A : vector<16xi32>
        %get3A_826 = arith.constant 624 : index
        %get3A_827 = tpu.vector_load %arg18[%get3A_826] {strides = array<i32>} : memref<640xf32, #tpu.memory_space<vmem>>, vector<16xf32>,
        %add3A_828 = arith.constant 112 : i32
        %add3A_829 = vector.broadcast %add3A_828 : i32 to vector<16xi32>
        %add3A_830 = arith.addi %add3A_829, %iota3A : vector<16xi32>
        tpu.vector_store_idx %arg19[%add3A_677, %add3A_830, %mul3A_7], %add3A_825 : memref<5x128x8xi32, #tpu.memory_space<vmem>>[vector<16xi32>, vector<16xi32>, vector<16xi32>], vector<16xi32>,
        %add3A_831 = arith.constant 1 : i32
        %add3A_832 = vector.broadcast %add3A_831 : i32 to vector<16xi32>
        %add3A_833 = arith.addi %mul3A_7, %add3A_832 : vector<16xi32>
        tpu.vector_store_idx %arg19[%add3A_677, %add3A_830, %add3A_833], %add3A_825 : memref<5x128x8xi32, #tpu.memory_space<vmem>>[vector<16xi32>, vector<16xi32>, vector<16xi32>], vector<16xi32>,
        %add3A_834 = arith.constant 2 : i32
        %add3A_835 = vector.broadcast %add3A_834 : i32 to vector<16xi32>
        %add3A_836 = arith.addi %mul3A_7, %add3A_835 : vector<16xi32>
        %bitcast3A_837 = vector.bitcast %get3A_827 : vector<16xf32> to vector<16xi32>
        tpu.vector_store_idx %arg19[%add3A_677, %add3A_830, %add3A_836], %bitcast3A_837 : memref<5x128x8xi32, #tpu.memory_space<vmem>>[vector<16xi32>, vector<16xi32>, vector<16xi32>], vector<16xi32>,
        %scan3A_838 = arith.constant 0 : i32
        %scan3A_839 = arith.constant 5 : i32
        %scan3A_840 = arith.addi %scan3A_838, %scan3A_839 : i32
        %scan3A_841 = arith.constant 1 : i32
        scf.for %scan3A_848 = %scan3A_838 to %scan3A_840 step %scan3A_841  : i32 {
          %dma_start3A = arith.constant 0 : i32
          %dma_start3A_849 = arith.constant 0 : i32
          %dma_start3A_850 = tpu.memref_slice %arg19[%scan3A_848, %dma_start3A, %dma_start3A_849] : memref<5x128x8xi32, #tpu.memory_space<vmem>> -> memref<1x128x8xi32, #tpu.memory_space<vmem>>
          %dma_start3A_851 = tpu.memref_squeeze %dma_start3A_850 : memref<1x128x8xi32, #tpu.memory_space<vmem>> -> memref<128x8xi32, #tpu.memory_space<vmem>>
          %dma_start3A_852 = arith.constant 0 : i32
          %dma_start3A_853 = tpu.memref_slice %arg17[%scan3A_848, %dma_start3A_852] : memref<5x128xi32, #tpu.memory_space<vmem>> -> memref<1x128xi32, #tpu.memory_space<vmem>>
          %dma_start3A_854 = tpu.memref_squeeze %dma_start3A_853 : memref<1x128xi32, #tpu.memory_space<vmem>> -> memref<128xi32, #tpu.memory_space<vmem>>
          %dma_start3A_855 = arith.constant 0 : i32
          %dma_start3A_856 = arith.constant 0 : i32
          %dma_start3A_857 = tpu.memref_slice %arg9[%dma_start3A_855, %dma_start3A_856] : memref<13200000x8xi32, #tpu.memory_space<hbm>> -> memref<13200000x8xi32, #tpu.memory_space<hbm>>
          tpu.enqueue_indirect_dma source(%dma_start3A_851 : memref<128x8xi32, #tpu.memory_space<vmem>>) target(%dma_start3A_857 : memref<13200000x8xi32, #tpu.memory_space<hbm>>) offsets(%dma_start3A_854 : memref<128xi32, #tpu.memory_space<vmem>>) semaphore(%arg20 : memref<!tpu.dma_semaphore, #tpu.memory_space<semaphore_mem>>)
        }
        %scan3A_842 = arith.constant 5 : i32
        %scan3A_843 = arith.constant 0 : i32
        %scan3A_844 = arith.constant 5 : i32
        %scan3A_845 = arith.addi %scan3A_843, %scan3A_844 : i32
        %scan3A_846 = arith.constant 1 : i32
        scf.for %scan3A_848 = %scan3A_843 to %scan3A_845 step %scan3A_846  : i32 {
          %dma_wait3A = arith.constant 0 : i32
          %dma_wait3A_849 = arith.constant 0 : i32
          %dma_wait3A_850 = tpu.memref_slice %arg19[%scan3A_848, %dma_wait3A, %dma_wait3A_849] : memref<5x128x8xi32, #tpu.memory_space<vmem>> -> memref<1x128x8xi32, #tpu.memory_space<vmem>>
          %dma_wait3A_851 = tpu.memref_squeeze %dma_wait3A_850 : memref<1x128x8xi32, #tpu.memory_space<vmem>> -> memref<128x8xi32, #tpu.memory_space<vmem>>
          %dma_wait3A_852 = arith.constant 0 : i32
          %dma_wait3A_853 = tpu.memref_slice %arg17[%scan3A_848, %dma_wait3A_852] : memref<5x128xi32, #tpu.memory_space<vmem>> -> memref<1x128xi32, #tpu.memory_space<vmem>>
          %dma_wait3A_854 = tpu.memref_squeeze %dma_wait3A_853 : memref<1x128xi32, #tpu.memory_space<vmem>> -> memref<128xi32, #tpu.memory_space<vmem>>
          %dma_wait3A_855 = arith.constant 0 : i32
          %dma_wait3A_856 = arith.constant 0 : i32
          %dma_wait3A_857 = tpu.memref_slice %arg9[%dma_wait3A_855, %dma_wait3A_856] : memref<13200000x8xi32, #tpu.memory_space<hbm>> -> memref<13200000x8xi32, #tpu.memory_space<hbm>>
          tpu.wait_indirect_dma semaphore(%arg20 : memref<!tpu.dma_semaphore, #tpu.memory_space<semaphore_mem>>) src(%dma_wait3A_851 : memref<128x8xi32, #tpu.memory_space<vmem>>) dst(%dma_wait3A_857 : memref<13200000x8xi32, #tpu.memory_space<hbm>>)
        }
        %scan3A_847 = arith.constant 5 : i32
      } else {
      }
    }
    %scan3A_16 = arith.constant 20 : i32
    return
  }
}

module attributes {stable_mosaic.version = 14 : i64} {
  func.func @_ew_body(%arg0: i32, %arg1: memref<1000x512xf32, #tpu.memory_space<vmem>>, %arg2: memref<1000x256xf32, #tpu.memory_space<vmem>>, %arg3: memref<1000x256xf32, #tpu.memory_space<vmem>>, %arg4: memref<1000x512xf32, #tpu.memory_space<vmem>>, %arg5: memref<1000x256xf32, #tpu.memory_space<vmem>>) attributes {dimension_semantics = [#tpu.dimension_semantics<arbitrary>], iteration_bounds = array<i64: 25>, scalar_prefetch = 0 : i64, scratch_operands = 0 : i64, tpu.core_type = #tpu.core_type<tc>, window_params = [{transform_indices = @transform_0, window_bounds = array<i64: 1000, 512>}, {transform_indices = @transform_1, window_bounds = array<i64: 1000, 256>}, {transform_indices = @transform_2, window_bounds = array<i64: 1000, 256>}, {transform_indices = @transform_3, window_bounds = array<i64: 1000, 512>}, {transform_indices = @transform_4, window_bounds = array<i64: 1000, 256>}]} {
    %get3A = arith.constant 0 : index
    %get3A_0 = arith.constant 0 : index
    %get3A_1 = vector.load %arg1[%get3A, %get3A_0] : memref<1000x512xf32, #tpu.memory_space<vmem>>, vector<1000x512xf32>
    %get3A_2 = arith.constant 0 : index
    %get3A_3 = arith.constant 0 : index
    %get3A_4 = vector.load %arg1[%get3A_2, %get3A_3] : memref<1000x512xf32, #tpu.memory_space<vmem>>, vector<1000x512xf32>
    %mul3A = arith.mulf %get3A_1, %get3A_4 : vector<1000x512xf32>
    %swap3A = arith.constant 0 : index
    %swap3A_5 = arith.constant 0 : index
    %swap3A_6 = vector.load %arg4[%swap3A, %swap3A_5] : memref<1000x512xf32, #tpu.memory_space<vmem>>, vector<1000x512xf32>
    tpu.vector_store %arg4[%swap3A, %swap3A_5], %mul3A {strides = array<i32>} : memref<1000x512xf32, #tpu.memory_space<vmem>>, vector<1000x512xf32>,
    %get3A_7 = arith.constant 0 : index
    %get3A_8 = arith.constant 0 : index
    %get3A_9 = vector.load %arg2[%get3A_7, %get3A_8] : memref<1000x256xf32, #tpu.memory_space<vmem>>, vector<1000x256xf32>
    %get3A_10 = arith.constant 0 : index
    %get3A_11 = arith.constant 0 : index
    %get3A_12 = vector.load %arg3[%get3A_10, %get3A_11] : memref<1000x256xf32, #tpu.memory_space<vmem>>, vector<1000x256xf32>
    %mul3A_13 = arith.mulf %get3A_9, %get3A_12 : vector<1000x256xf32>
    %neg3A = arith.constant 0.000000e+00 : f32
    %neg3A_14 = vector.broadcast %neg3A : f32 to vector<1000x256xf32>
    %neg3A_15 = arith.subf %neg3A_14, %mul3A_13 : vector<1000x256xf32>
    %swap3A_16 = arith.constant 0 : index
    %swap3A_17 = arith.constant 0 : index
    %swap3A_18 = vector.load %arg5[%swap3A_16, %swap3A_17] : memref<1000x256xf32, #tpu.memory_space<vmem>>, vector<1000x256xf32>
    tpu.vector_store %arg5[%swap3A_16, %swap3A_17], %neg3A_15 {strides = array<i32>} : memref<1000x256xf32, #tpu.memory_space<vmem>>, vector<1000x256xf32>,
    return
  }
  func.func @transform_0(%arg0: i32) -> (i32, i32) {
    %c0_i32 = arith.constant 0 : i32
    %c0_i32_0 = arith.constant 0 : i32
    return %arg0, %c0_i32 : i32, i32
  }
  func.func @transform_1(%arg0: i32) -> (i32, i32) {
    %c0_i32 = arith.constant 0 : i32
    %c0_i32_0 = arith.constant 0 : i32
    return %arg0, %c0_i32 : i32, i32
  }
  func.func @transform_2(%arg0: i32) -> (i32, i32) {
    %c0_i32 = arith.constant 0 : i32
    %c0_i32_0 = arith.constant 0 : i32
    return %arg0, %c0_i32 : i32, i32
  }
  func.func @transform_3(%arg0: i32) -> (i32, i32) {
    %c0_i32 = arith.constant 0 : i32
    %c0_i32_0 = arith.constant 0 : i32
    return %arg0, %c0_i32 : i32, i32
  }
  func.func @transform_4(%arg0: i32) -> (i32, i32) {
    %c0_i32 = arith.constant 0 : i32
    %c0_i32_0 = arith.constant 0 : i32
    return %arg0, %c0_i32 : i32, i32
  }
}

</mosaic_0001>

<sc_bundles>
// kernel: gather_offload_async_start.1
scs
__scs_entry_jumppad:
0x0: {  	(pc) =	sbr.rel $0x88, $3  }
0x1: {  	(tag) =	ssettag $0x0;
	lr =	simm.s32 $0x1  }
0x2: {  	[smem:$0x3F9F] =	sst lr;
	_ =	strace $0xD0000000  }
0x3: {  	_ = 	snop  }
0x4: {  	_ = 	snop  }
0x5: {  	_ = 	snop  }
0x6: {  	_ = 	snop  }
0x7: {  	_ = 	snop  }
__scs_overlays_trampoline_lowered:
0x8: {  	[smem:$0x3FAE] =	sst s0  }
0x9: {  	[smem:$0x3FAF] =	sst s1  }
0xa: {  	[smem:$0x3FB0] =	sst s2  }
0xb: {  	[smem:$0x3FB1] =	sst s3  }
0xc: {  	[smem:$0x3FB2] =	sst s4  }
0xd: {  	[smem:$0x3FB3] =	sst s5  }
0xe: {  	[smem:$0x3FB4] =	sst s6  }
0xf: {  	[smem:$0x3FB5] =	sst s7  }
0x10: {  	[smem:$0x3FB6] =	sst s8  }
0x11: {  	[smem:$0x3FB7] =	sst s9;
	s0 =	simm.s32 @!p0 $0x0  }
0x12: {  	s1 =	sld [smem:$0x3F9D];
	s0 =	simm.s32 @p0 $0x1  }
0x13: {  	[smem:$0x3FB8] =	sst s0;
	s0 =	simm.s32 @!p1 $0x0  }
0x14: {  	s2 =	sld [smem:$0x3F9C];
	s0 =	simm.s32 @p1 $0x1  }
0x15: {  	[smem:$0x3FB9] =	sst s0;
	s0 =	simm.s32 @!p2 $0x0  }
0x16: {  	s3 =	sld [smem:$0x3FDB];
	s0 =	simm.s32 @p2 $0x1  }
0x17: {  	s4 =	simm.s32 $0x1BF5;
	[smem:$0x3FBB] =	sst s0  }
0x18: {  	s0 =	sld [smem:$0x3F9E];
	_ =	swait.ge [sflag:s4], $0x0  }
0x19: {  	s7 =	sld [smem:$0x3F9F]  }
0x1a: {  	s8 =	sadd.s32 $0xFFFFE003, lr  }
0x1b: {  	s9 =	sadd.s32 $0xFFFFFEF7, lr;
	s5 =	simm.s32 $0xFFFFFFFF;
	p2 =	slt.u32 s8, $0xFFFFF086  }
0x1c: {  	p1 =	slt.u32 s9, $0xF7A;
	s5 =	simm.s32 @!p2 $0x0  }
0x1d: {  	s5 =	simm.s32 @p1 $0x1;
	p0 =	seq.s32 s7, s2  }
0x1e: {  	s7 =	smul.u32 @!p0 $0xF7A, s2;
	p2 =	seq.s32 @!p0 s5, $0x0  }
0x1f: {  	s9 =	smul.u32 $0xF7A, s1;
	s8 =	simm.s32 @!p0 $0x1BF5;
	p2 =	por !p2, p0  }
0x20: {  	[sflag:s8] =	ssyncset.s32 @!p0 $0xFFFFF086;
	s6 =	sadd.s32 @!p0 s3, s7;
	s7 =	simm.s32 @!p0 $0x108  }
0x21: {  	s3 =	sadd.s32 s3, s9;
	s6 =	sadd.s32 @!p0 $0x88, s6;
	s7 =	simm.s32 @p2 $0x1082  }
0x22: {  	[simem:s7], [sflag:s8] =	dma.local @!p0 [hbm:s6], $0xF7A  }
0x23: {  	s9 =	sor.u32 $0xD0000000, s2;
	s6 =	simm.s32 $0x108;
	_ =	swait.ge @!p0 [sflag:s8], $0x0  }
0x24: {  	s3 =	sadd.s32 $0x88, s3;
	s6 =	simm.s32 @!p1 $0x1082;
	[sflag:s4] =	ssyncset.s32 $0xFFFFF086  }
0x25: {  	[simem:s6], [sflag:s4] =	dma.local [hbm:s3], $0xF7A  }
0x26: {  	[smem:$0x3F9F] =	sst s1;
	(tag) =	ssettag s2;
	_ =	strace s9  }
0x27: {  	s1 =	sld [smem:$0x3FAF]  }
0x28: {  	s2 =	sld [smem:$0x3FB0]  }
0x29: {  	s4 =	sld [smem:$0x3FB2]  }
0x2a: {  	p0 =	seq.s32 s5, $0x0;
	s5 =	sld [smem:$0x3FB3]  }
0x2b: {  	s6 =	sld [smem:$0x3FB4]  }
0x2c: {  	s7 =	sld [smem:$0x3FB5]  }
0x2d: {  	s3 =	simm.s32 $0x108;
	s8 =	sld [smem:$0x3FB6]  }
0x2e: {  	s3 =	simm.s32 @!p0 $0x1082;
	s9 =	sld [smem:$0x3FB7]  }
0x2f: {  	lr =	sadd.s32 s0, s3;
	s0 =	sld [smem:$0x3FAE]  }
0x30: {  	s3 =	sld [smem:$0x3FB1]  }
0x31: {  	[smem:$0x3FBA] =	sst s10  }
0x32: {  	s10 =	sld [smem:$0x3FB8];
	_ =	sdelay $0x3  }
0x33: {  	p0 =	seq.s32 s10, $0x1;
	s10 =	sld [smem:$0x3FBA];
	_ =	sdelay $0x3  }
0x34: {  	[smem:$0x3FBA] =	sst s10  }
0x35: {  	s10 =	sld [smem:$0x3FB9];
	_ =	sdelay $0x3  }
0x36: {  	p1 =	seq.s32 s10, $0x1;
	s10 =	sld [smem:$0x3FBA];
	_ =	sdelay $0x3  }
0x37: {  	[smem:$0x3FBA] =	sst s10  }
0x38: {  	s10 =	sld [smem:$0x3FBB]  }
0x39: {  	_ = 	snop;
	(pc) =	sbr.ind lr, $3  }
0x3a: {  	_ = 	snop  }
0x3b: {  	_ = 	snop  }
0x3c: {  	p2 =	seq.s32 s10, $0x1;
	s10 =	sld [smem:$0x3FBA]  }
0x3d: {  	_ =	shalt  }
0x3e: {  	_ =	shalt  }
0x3f: {  	_ =	shalt  }
0x40: {  	_ =	shalt  }
0x41: {  	_ =	shalt  }
0x42: {  	_ =	shalt  }
0x43: {  	_ =	shalt  }
0x44: {  	_ =	shalt  }
0x45: {  	_ =	shalt  }
0x46: {  	_ =	shalt  }
0x47: {  	_ =	shalt  }
0x48: {  	_ =	shalt  }
0x49: {  	_ =	shalt  }
0x4a: {  	_ =	shalt  }
0x4b: {  	_ =	shalt  }
0x4c: {  	_ =	shalt  }
0x4d: {  	_ =	shalt  }
0x4e: {  	_ =	shalt  }
0x4f: {  	_ =	shalt  }
0x50: {  	_ =	shalt  }
0x51: {  	_ =	shalt  }
0x52: {  	_ =	shalt  }
0x53: {  	_ =	shalt  }
0x54: {  	_ =	shalt  }
0x55: {  	_ =	shalt  }
0x56: {  	_ =	shalt  }
0x57: {  	_ =	shalt  }
0x58: {  	_ =	shalt  }
0x59: {  	_ =	shalt  }
0x5a: {  	_ =	shalt  }
0x5b: {  	_ =	shalt  }
0x5c: {  	_ =	shalt  }
0x5d: {  	_ =	shalt  }
0x5e: {  	_ =	shalt  }
0x5f: {  	_ =	shalt  }
0x60: {  	_ =	shalt  }
0x61: {  	_ =	shalt  }
0x62: {  	_ =	shalt  }
0x63: {  	_ =	shalt  }
0x64: {  	_ =	shalt  }
0x65: {  	_ =	shalt  }
0x66: {  	_ =	shalt  }
0x67: {  	_ =	shalt  }
0x68: {  	_ =	shalt  }
0x69: {  	_ =	shalt  }
0x6a: {  	_ =	shalt  }
0x6b: {  	_ =	shalt  }
0x6c: {  	_ =	shalt  }
0x6d: {  	_ =	shalt  }
0x6e: {  	_ =	shalt  }
0x6f: {  	_ =	shalt  }
0x70: {  	_ =	shalt  }
0x71: {  	_ =	shalt  }
0x72: {  	_ =	shalt  }
0x73: {  	_ =	shalt  }
0x74: {  	_ =	shalt  }
0x75: {  	_ =	shalt  }
0x76: {  	_ =	shalt  }
0x77: {  	_ =	shalt  }
0x78: {  	_ =	shalt  }
0x79: {  	_ =	shalt  }
0x7a: {  	_ =	shalt  }
0x7b: {  	_ =	shalt  }
0x7c: {  	_ =	shalt  }
0x7d: {  	_ =	shalt  }
0x7e: {  	_ =	shalt  }
0x7f: {  	_ =	shalt  }
0x80: {  	_ =	shalt  }
0x81: {  	_ =	shalt  }
0x82: {  	_ =	shalt  }
0x83: {  	_ =	shalt  }
0x84: {  	_ =	shalt  }
0x85: {  	_ =	shalt  }
0x86: {  	_ =	shalt  }
0x87: {  	_ =	shalt  }
.Lfunc_end0:
.L_simem_size_0:
called_computation.5_lowered:
.L_overlay_start_0:
0x88: {  	s2 =	sld [smem:$0x3FD9]  }
0x89: {  	s3 =	sld [smem:$0x3FFE];
	_ =	sdelay $0x1  }
0x8a: {  	s1 =	srdreg.scid  }
0x8b: {  	s0 =	sand.u32 $0x1, s1  }
0x8c: {  	s17 =	sshll.u32 s0, $0xA;
	s2 =	sadd.s32 s3, s2  }
0x8d: {  	s2 =	sadd.s32 s2, s17  }
0x8e: {  	[smem:$0x3FC6] =	sst s2  }
0x8f: {  	_ = 	snop  }
0x90: {  	(tm) =	ssettm $0x1  }
0x91: {  	s18 =	sld [smem:$0x3FFB];
	_ =	sdelay $0x3  }
0x92: {  	_ =	strace s18  }
0x93: {  	s2 =	sld [smem:$0x3FFC];
	_ =	sdelay $0x3  }
0x94: {  	_ =	strace s2  }
0x95: {  	s2 =	sld [smem:$0x3FFD];
	_ =	sdelay $0x3  }
0x96: {  	_ =	strace s2  }
0x97: {  	_ =	strace $0x8FFFFFFF  }
0x98: {  	s19 =	sld [smem:$0x3FDB];
	_ =	sdelay $0x1  }
0x99: {  	s20 =	simm.s32 $_scs_section_size  }
0x9a: {  	s4 =	simm.s32 $_size__tile_overlayer_lowered;
	s5 =	simm.s32 $_tile_overlayer_lowered  }
0x9b: {  	s6 =	simm.s32 $0x1BFF;
	s21 =	sshll.u32 s5, $0x1;
	s3 =	sadd.s32 s20, s19  }
0x9c: {  	s22 =	simm.s32 $0x0;
	s4 =	sshll.u32 s4, $0x1;
	s5 =	sadd.s32 s21, s3  }
0x9d: {  	[timem:s22], [sflag:s6] =	dma.local [hbm:s5], s4  }
0x9e: {  	_ =	swait.ge [sflag:s6], s4  }
0x9f: {  	s4 =	ssub.s32 $0x0, s4;
	[sflag:s6] =	ssyncset.done $0x0  }
0xa0: {  	[sflag:s6] =	ssyncadd.s32 s4;
	_ =	sdelay $0x1  }
0xa1: {  	s23 =	simm.s32 $0x1B8B  }
0xa2: {  	_ =	swait.ge [sflag:s23], $0x1  }
0xa3: {  	[sflag:s23] =	ssyncset.done $0x0  }
0xa4: {  	[sflag:s23] =	ssyncadd.s32 $0xFFFFFFFF  }
0xa5: {  	s4 =	sld [smem:$0x0]  }
0xa6: {  	s5 =	sand.u32 $0xFFFFFFFE, s1  }
0xa7: {  	p0 =	sne.s32 s1, s5  }
0xa8: {  	s5 =	sshll.u32 @p0 s5, $0xE  }
0xa9: {  	s5 =	sadd.s32 @p0 $0x11B8D, s5;
	s6 =	sshll.u32 @p0 s4, $0x11  }
0xaa: {  	s5 =	sor.u32 @p0 s6, s5  }
0xab: {  	[sflag:s5] =	ssyncadd.remote.s32 @p0 $0x1;
	_ =	sdelay $0x1  }
0xac: {  	s5 =	simm.s32 @p0 $0x1B8D  }
0xad: {  	_ =	swait.eq @p0 [sflag:s5], $0x1  }
0xae: {  	[sflag:s5] =	ssyncadd.s32 @p0 $0xFFFFFFFF  }
0xaf: {  	s6 =	sshll.u32 @!p0 s1, $0xE  }
0xb0: {  	s6 =	sor.u32 @!p0 $0x4000, s6;
	s5 =	simm.s32 @!p0 $0x1B8D  }
0xb1: {  	s4 =	sshll.u32 @!p0 s4, $0x11;
	s6 =	sadd.s32 @!p0 $0x11B8D, s6;
	_ =	swait.eq @!p0 [sflag:s5], $0x1  }
0xb2: {  	s4 =	sor.u32 @!p0 s4, s6;
	[sflag:s5] =	ssyncadd.s32 @!p0 $0xFFFFFFFF  }
0xb3: {  	s25 =	simm.s32 $0x1B8E;
	s24 =	sld [smem:$0x3FFE];
	[sflag:s4] =	ssyncadd.remote.s32 @!p0 $0x1  }
0xb4: {  	s26 =	simm.s32 $execute0_lowered;
	[smem:$0x3FD2] =	sst s25  }
0xb5: {  	s5 =	sshll.u32 s26, $0x1;
	_ =	strace $0x80000052;
	[dreg:$0x1] =	wrdreg $0xFFFFFFFF  }
0xb6: {  	s28 =	simm.s32 $_size_execute0_lowered;
	s3 =	sadd.s32 s3, s5;
	[dreg:$0x0] =	wrdreg $0x0  }
0xb7: {  	s5 =	sshll.u32 s28, $0x1;
	[dreg:$0x2] =	wrdreg s3  }
0xb8: {  	[dreg:$0x3] =	wrdreg s5  }
0xb9: {  	[dreg:$0x4] =	wrdreg $0xC0  }
0xba: {  	_ =	task [dreg:s22], $0x5FFFF  }
0xbb: {  	[dreg:$0x1] =	wrdreg $0xFFFFFFFF  }
0xbc: {  	[dreg:$0x0] =	wrdreg $0x60  }
0xbd: {  	[dreg:$0x2] =	wrdreg s24  }
0xbe: {  	[dreg:$0x3] =	wrdreg $0x9  }
0xbf: {  	_ =	task.clear_ibuf [dreg:s22], $0x4FFFF;
	_ =	strace $0x90000052  }
0xc0: {  	s29 =	simm.s32 $0x9;
	_ =	strace $0x80000054  }
0xc1: {  	_ =	swait.ge [sflag:s29], $0x1  }
0xc2: {  	[sflag:s29] =	ssyncadd.s32 $0xFFFFFFFF  }
0xc3: {  	_ =	strace $0x90000054  }
0xc4: {  	_ =	sfence  }
0xc5: {  	s30 =	sld [smem:$0x0];
	_ =	sdelay $0x2  }
0xc6: {  	s31 =	sshll.u32 s1, $0xD;
	s1 =	sshrl.u32 s1, $0x2  }
0xc7: {  	s4 =	sand.u32 $0x4000, s31;
	s1 =	sadd.s32 s1, s30  }
0xc8: {  	s0 =	sor.u32 s4, s0;
	s1 =	sshll.u32 s1, $0x11  }
0xc9: {  	s0 =	sor.u32 s1, s0  }
0xca: {  	s0 =	sadd.s32 $0x8F2B, s0  }
0xcb: {  	[sflag:s0] =	ssyncadd.remote.s32 $0x1  }
0xcc: {  	_ =	sfence.sel $0xFFFF  }
0xcd: {  	[dreg:$0x0] =	wrdreg $0xFFFFFFFF;
	(pc) =	sbr.abs _section_cstart, $3  }
0xce: {  	[dreg:$0x1] =	wrdreg $0xFFFFFFFF  }
0xcf: {  	_ =	task.clear_ibuf [dreg:s22], $0x2FFFF;
	_ =	strace $0x9FFFFFFF  }
0xd0: {  	(tm) =	ssettm $0x7FFFFFFF  }
0xd1: {  	_ =	shalt  }
tec
execute0_lowered:
.L_overlay_start_1:
0x0: {  	(tag) =	ssettag $0x1  }
0x1: {  	s0 =	stileid.u32;
	s1 =	srdreg.scid  }
0x2: {  	s1 =	sand.u32 $0x1, s1;
	s2 =	sshll.u32 s0, $0x1  }
0x3: {  	s1 =	sor.u32 s2, s1  }
0x4: {  	s2 =	smul.u32 $0x7D00, s1;
	_ =	sdelay $0x1  }
0x5: {  	s6 =	ssub.s32 $0x30D400, s2  }
0x6: {  	s3 =	smulhi.u32 $0x83127, s6  }
0x7: {  	s8 =	rddreg [dreg:$0x0];
	s5 =	simm.s32 $0x1;
	s10 =	simm.s32 $0x3  }
0x8: {  	s13 =	simm.s32 $0x0;
	s12 =	simm.s32 $0x0;
	s7 =	sshrl.u32 s3, $0x7  }
0x9: {  	s1 =	rddreg [dreg:$0x1];
	_ =	strace $0x80000053;
	s9 =	smul.u32 $0xFA000, s7  }
.Ltmp0:
0xa: {  	s4 =	sadd.s32 $0x32EDC00, s8;
	[sflag:s5] =	ssyncpa.u1 $0x0;
	(pc) =	sbr.rel .LBB2_1-.Ltmp0, $4  }
0xb: {  	s11 =	smov.u32 s2;
	p0 =	sne.s32 s6, s9;
	s9 =	simm.s32 $0x1  }
0xc: {  	s3 =	sadd.s32 $0xF4600, s8;
	s6 =	simm.s32 $0x2;
	s9 =	simm.s32 @!p0 $0x0  }
0xd: {  	s8 =	sadd.s32 $0x328C000, s8;
	[sflag:s6] =	ssyncpa.u1 $0x0;
	s7 =	sadd.s32 s9, s7  }
0xe: {  	vm0 =	vmmov $0xffff;
	[sflag:s10] =	ssyncpa.u1 $0x0;
	s10 =	simm.s32 $0x0;
	s9 =	sadd.s32 $0x1, s7  }
.LBB2_4:
0xf: {  	v2 =	vnsel vm1, $0x0, v2  }
0x10: {  	vm1 =	vgt.s32 v0, $0x0;
	v2 =	vmin.u32 v2, $0x30D3FF  }
0x11: {  	v0 =	vnsel vm1, $0x0, v0  }
0x12: {  	v0 =	vmin.u32 v0, $0x30D3FF  }
0x13: {  	[tilespmem:s18], [sflag:$0x1] =	stream.indirect_vreg.gather [hbm4b:s3+s10], $0x1, v1, vm0, $0x4038;
	[tilespmem:$0x1F400] =	vst v63  }
0x14: {  	(ifvalue) =	ssetifvalue $0x7FFFFFFF  }
0x15: {  	[tilespmem:s15], [sflag:$0x1] =	stream.indirect_vreg.gather [hbm4b:s3+s10], $0x1, v2, vm0, $0x4038;
	[tilespmem:$0x1F400] =	vst v63  }
0x16: {  	s29 =	sadd.s32 $0x10, s15;
	(ifvalue) =	ssetifvalue $0x7FFFFFFF  }
0x17: {  	[tilespmem:s29], [sflag:$0x1] =	stream.indirect_vreg.gather [hbm4b:s3+s10], $0x1, v0, vm0, $0x4038;
	[tilespmem:$0x1F400] =	vst v63  }
0x18: {  	_ =	swait.ge [sflag:s5], $0x7D00  }
0x19: {  	s30 =	sshrl.u32 s13, $0x3;
	[sflag:s5] =	ssyncset.done $0x0  }
0x1a: {  	s31 =	sand.u32 $0x7, s13;
	s15 =	sadd.s32 s8, s30;
	[sflag:s5] =	ssyncadd.s32 $0xFFFF8300  }
0x1b: {  	[hbm4b:s15+s31] =	stream.linear.scatter [tilespmem:s14], [sflag:$0x3], $0x7D00, $0x38;
	[tilespmem:$0x1F400] =	vst v63  }
.LBB2_5:
0x1c: {  	s15 =	sadd.s32 $0xFA000, s11  }
0x1d: {  	p1 =	sgt.s32 s15, $0x30D3FF  }
0x1e: {  	s15 =	smov.u32 @p1 s2;
	p1 =	sne.s32 s12, s9  }
.Ltmp1:
0x1f: {  	p0 =	slt.u32 s12, $0x2;
	(pc) =	sbr.rel @!p1 .LBB2_6-.Ltmp1, $4  }
0x20: {  	s14 =	simm.s32 @!p0 $0x3  }
0x21: {  	_ =	swait.ge @!p0 [sflag:s14], $0x7D00  }
0x22: {  	s16 =	sadd.s32 $0x1, s12;
	s13 =	smov.u32 s11;
	[sflag:s14] =	ssyncset.done @!p0 $0x0  }
0x23: {  	s12 =	smov.u32 s16;
	s11 =	smov.u32 s15;
	[sflag:s14] =	ssyncadd.s32 @!p0 $0xFFFF8300  }
.LBB2_1:
0x24: {  	p0 =	sge.u32 s12, s7  }
0x25: {  	s14 =	sxor.u32 @!p0 $0xFFFFFFFF, s12  }
0x26: {  	s14 =	sand.u32 @!p0 $0x1, s14  }
0x27: {  	s14 =	smul.u32 @!p0 $0x1F400, s14  }
0x28: {  	s31 =	sadd.s32 $0xFFFFFFFF, s12;
	s15 =	sshrl.u32 @!p0 s11, $0x3  }
0x29: {  	s16 =	sand.u32 @!p0 $0x7, s11;
	s15 =	sadd.s32 @!p0 s4, s15;
	s14 =	sshrl.u32 @!p0 s14, $0x2  }
0x2a: {  	[tilespmem:s14], [sflag:$0x2] =	stream.linear.gather @!p0 [hbm4b:s15+s16], $0x7D00, $0x38;
	[tilespmem:$0x1F400] =	vst v63  }
0x2b: {  	p0 =	sge.u32 s31, s7  }
.Ltmp2:
0x2c: {  	_ = 	snop;
	(pc) =	sbr.rel @p0 .LBB2_5-.Ltmp2, $1  }
0x2d: {  	_ =	sdelay $0x3  }
0x2e: {  	s14 =	sand.u32 $0x1, s12  }
0x2f: {  	_ =	swait.ge [sflag:s6], $0x7D00;
	p0 =	seq.s32 s14, $0x1;
	s14 =	simm.s32 $0x7D00  }
0x30: {  	[sflag:s6] =	ssyncset.done $0x0;
	s14 =	simm.s32 @!p0 $0x0  }
0x31: {  	[sflag:s6] =	ssyncadd.s32 $0xFFFF8300;
	(ifvalue) =	ssetifvalue $0x7FFFFFFF;
	v0 =	vld.msk [tilespmem:s14+$0x0 ss:$0x1], $0xffff;
	_ =	sdelay $0x4  }
0x32: {  	s15 =	sadd.s32 $0x10, s14;
	vm1 =	vgt.s32 v0, $0x0  }
0x33: {  	v2 =	vld.msk [tilespmem:s15+$0x0 ss:$0x1], $0xffff;
	v1 =	vnsel vm1, $0x0, v0  }
0x34: {  	v1 =	vmin.u32 v1, $0x30D3FF;
	_ =	sdelay $0x2  }
0x35: {  	s17 =	simm.s32 $0x20;
	s14 =	sadd.s32 $0xFA00, s14;
	s16 =	sadd.s32 $0x10, s15  }
0x36: {  	s15 =	sadd.s32 $0x10, s14;
	s18 =	smov.u32 s14;
	v0 =	vld.msk [tilespmem:s16+$0x0 ss:$0x1], $0xffff;
	vm1 =	vgt.s32 v2, $0x0;
	(ifvalue) =	ssetifvalue $0x7FFFFFFF  }
.LBB2_3:
0x37: {  	[tilespmem:s18], [sflag:$0x1] =	stream.indirect_vreg.gather [hbm4b:s3+s10], $0x1, v1, vm0, $0x4038;
	[tilespmem:$0x1F400] =	vst v63  }
0x38: {  	s17 =	sadd.s32 $0x10, s17  }
0x39: {  	v2 =	vnsel vm1, $0x0, v2;
	p0 =	slt.u32 s17, $0x7CF0  }
.Ltmp3:
0x3a: {  	s18 =	smov.u32 s15;
	v1 =	vmin.u32 v2, $0x30D3FF;
	(pc) =	sbr.rel @p0 .LBB2_3-.Ltmp3, $3  }
0x3b: {  	_ =	sdelay $0x1  }
0x3c: {  	s16 =	sadd.s32 $0x10, s16  }
0x3d: {  	vm1 =	vgt.s32 v0, $0x0;
	s15 =	sadd.s32 $0x10, s15;
	v2 =	vmov v0;
	(ifvalue) =	ssetifvalue $0x7FFFFFFF;
	v0 =	vld.msk [tilespmem:s16+$0x0 ss:$0x1], $0xffff  }
.Ltmp4:
0x3e: {  	_ = 	snop;
	(pc) =	sbr.rel .LBB2_4-.Ltmp4, $1  }
0x3f: {  	_ =	sdelay $0x3  }
.LBB2_6:
0x40: {  	_ =	sfence.sel $0x180000  }
0x41: {  	s2 =	simm.s32 $0x2;
	[bflag:$0x0] =	sbarrier.arrive $0xFFFF  }
0x42: {  	s30 =	simm.s32 $0x3;
	[sflag:s2] =	ssyncpa.u1 $0x1  }
0x43: {  	s31 =	simm.s32 $0x1;
	[sflag:s30] =	ssyncpa.u1 $0x1  }
0x44: {  	[sflag:s31] =	ssyncpa.u1 $0x1  }
0x45: {  	p0 =	sne.s32 s0, $0x0;
	_ =	strace $0x90000053  }
0x46: {  	s0 =	sadd.s32 @!p0 $0x100000, s1;
	[bflag:$0x2] =	sbarrier.arrive $0xFFFF  }
0x47: {  	[sflag:s0] =	ssyncadd.tile.s32 @!p0 $0x1;
	_ =	shalt  }
.Lfunc_end2:
_tile_overlayer_lowered:
.L_overlay_start_2:
0x48: {  	(tag) =	ssettag $0x2  }
0x49: {  	s0 =	rddreg [dreg:$0x0];
	s2 =	stileid.u32  }
0x4a: {  	s1 =	rddreg [dreg:$0x1];
	p0 =	sne.s32 s2, $0x0  }
0x4b: {  	s3 =	rddreg [dreg:$0x2];
	[bflag:$0x3] =	sbarrier.arrive $0xFFFF;
	s2 =	simm.s32 @!p0 $0x1C01  }
0x4c: {  	[timem:s3], [sflag:s2] =	dma.local @!p0 [hbm:s0], s1  }
0x4d: {  	s0 =	simm.s32 @!p0 $0x1  }
0x4e: {  	_ =	swait.ge @!p0 [sflag:s0], s1  }
0x4f: {  	s1 =	ssub.s32 @!p0 $0x0, s1;
	[sflag:s0] =	ssyncset.done @!p0 $0x0  }
0x50: {  	[sflag:s0] =	ssyncadd.s32 @!p0 s1  }
0x51: {  	[bflag:$0x3] =	sbarrier.arrive $0xFFFF  }
0x52: {  	_ =	shalt  }

// kernel: gather_offload_async_start.2
scs
__scs_entry_jumppad:
0x0: {  	(pc) =	sbr.rel $0x88, $3  }
0x1: {  	(tag) =	ssettag $0x0;
	lr =	simm.s32 $0x1  }
0x2: {  	[smem:$0x3F9F] =	sst lr;
	_ =	strace $0xD0000000  }
0x3: {  	_ = 	snop  }
0x4: {  	_ = 	snop  }
0x5: {  	_ = 	snop  }
0x6: {  	_ = 	snop  }
0x7: {  	_ = 	snop  }
__scs_overlays_trampoline_lowered:
0x8: {  	[smem:$0x3FAE] =	sst s0  }
0x9: {  	[smem:$0x3FAF] =	sst s1  }
0xa: {  	[smem:$0x3FB0] =	sst s2  }
0xb: {  	[smem:$0x3FB1] =	sst s3  }
0xc: {  	[smem:$0x3FB2] =	sst s4  }
0xd: {  	[smem:$0x3FB3] =	sst s5  }
0xe: {  	[smem:$0x3FB4] =	sst s6  }
0xf: {  	[smem:$0x3FB5] =	sst s7  }
0x10: {  	[smem:$0x3FB6] =	sst s8  }
0x11: {  	[smem:$0x3FB7] =	sst s9;
	s0 =	simm.s32 @!p0 $0x0  }
0x12: {  	s1 =	sld [smem:$0x3F9D];
	s0 =	simm.s32 @p0 $0x1  }
0x13: {  	[smem:$0x3FB8] =	sst s0;
	s0 =	simm.s32 @!p1 $0x0  }
0x14: {  	s2 =	sld [smem:$0x3F9C];
	s0 =	simm.s32 @p1 $0x1  }
0x15: {  	[smem:$0x3FB9] =	sst s0;
	s0 =	simm.s32 @!p2 $0x0  }
0x16: {  	s3 =	sld [smem:$0x3FDB];
	s0 =	simm.s32 @p2 $0x1  }
0x17: {  	s4 =	simm.s32 $0x1BF5;
	[smem:$0x3FBB] =	sst s0  }
0x18: {  	s0 =	sld [smem:$0x3F9E];
	_ =	swait.ge [sflag:s4], $0x0  }
0x19: {  	s7 =	sld [smem:$0x3F9F]  }
0x1a: {  	s8 =	sadd.s32 $0xFFFFE003, lr  }
0x1b: {  	s9 =	sadd.s32 $0xFFFFFEF7, lr;
	s5 =	simm.s32 $0xFFFFFFFF;
	p2 =	slt.u32 s8, $0xFFFFF086  }
0x1c: {  	p1 =	slt.u32 s9, $0xF7A;
	s5 =	simm.s32 @!p2 $0x0  }
0x1d: {  	s5 =	simm.s32 @p1 $0x1;
	p0 =	seq.s32 s7, s2  }
0x1e: {  	s7 =	smul.u32 @!p0 $0xF7A, s2;
	p2 =	seq.s32 @!p0 s5, $0x0  }
0x1f: {  	s9 =	smul.u32 $0xF7A, s1;
	s8 =	simm.s32 @!p0 $0x1BF5;
	p2 =	por !p2, p0  }
0x20: {  	[sflag:s8] =	ssyncset.s32 @!p0 $0xFFFFF086;
	s6 =	sadd.s32 @!p0 s3, s7;
	s7 =	simm.s32 @!p0 $0x108  }
0x21: {  	s3 =	sadd.s32 s3, s9;
	s6 =	sadd.s32 @!p0 $0x88, s6;
	s7 =	simm.s32 @p2 $0x1082  }
0x22: {  	[simem:s7], [sflag:s8] =	dma.local @!p0 [hbm:s6], $0xF7A  }
0x23: {  	s9 =	sor.u32 $0xD0000000, s2;
	s6 =	simm.s32 $0x108;
	_ =	swait.ge @!p0 [sflag:s8], $0x0  }
0x24: {  	s3 =	sadd.s32 $0x88, s3;
	s6 =	simm.s32 @!p1 $0x1082;
	[sflag:s4] =	ssyncset.s32 $0xFFFFF086  }
0x25: {  	[simem:s6], [sflag:s4] =	dma.local [hbm:s3], $0xF7A  }
0x26: {  	[smem:$0x3F9F] =	sst s1;
	(tag) =	ssettag s2;
	_ =	strace s9  }
0x27: {  	s1 =	sld [smem:$0x3FAF]  }
0x28: {  	s2 =	sld [smem:$0x3FB0]  }
0x29: {  	s4 =	sld [smem:$0x3FB2]  }
0x2a: {  	p0 =	seq.s32 s5, $0x0;
	s5 =	sld [smem:$0x3FB3]  }
0x2b: {  	s6 =	sld [smem:$0x3FB4]  }
0x2c: {  	s7 =	sld [smem:$0x3FB5]  }
0x2d: {  	s3 =	simm.s32 $0x108;
	s8 =	sld [smem:$0x3FB6]  }
0x2e: {  	s3 =	simm.s32 @!p0 $0x1082;
	s9 =	sld [smem:$0x3FB7]  }
0x2f: {  	lr =	sadd.s32 s0, s3;
	s0 =	sld [smem:$0x3FAE]  }
0x30: {  	s3 =	sld [smem:$0x3FB1]  }
0x31: {  	[smem:$0x3FBA] =	sst s10  }
0x32: {  	s10 =	sld [smem:$0x3FB8];
	_ =	sdelay $0x3  }
0x33: {  	p0 =	seq.s32 s10, $0x1;
	s10 =	sld [smem:$0x3FBA];
	_ =	sdelay $0x3  }
0x34: {  	[smem:$0x3FBA] =	sst s10  }
0x35: {  	s10 =	sld [smem:$0x3FB9];
	_ =	sdelay $0x3  }
0x36: {  	p1 =	seq.s32 s10, $0x1;
	s10 =	sld [smem:$0x3FBA];
	_ =	sdelay $0x3  }
0x37: {  	[smem:$0x3FBA] =	sst s10  }
0x38: {  	s10 =	sld [smem:$0x3FBB]  }
0x39: {  	_ = 	snop;
	(pc) =	sbr.ind lr, $3  }
0x3a: {  	_ = 	snop  }
0x3b: {  	_ = 	snop  }
0x3c: {  	p2 =	seq.s32 s10, $0x1;
	s10 =	sld [smem:$0x3FBA]  }
0x3d: {  	_ =	shalt  }
0x3e: {  	_ =	shalt  }
0x3f: {  	_ =	shalt  }
0x40: {  	_ =	shalt  }
0x41: {  	_ =	shalt  }
0x42: {  	_ =	shalt  }
0x43: {  	_ =	shalt  }
0x44: {  	_ =	shalt  }
0x45: {  	_ =	shalt  }
0x46: {  	_ =	shalt  }
0x47: {  	_ =	shalt  }
0x48: {  	_ =	shalt  }
0x49: {  	_ =	shalt  }
0x4a: {  	_ =	shalt  }
0x4b: {  	_ =	shalt  }
0x4c: {  	_ =	shalt  }
0x4d: {  	_ =	shalt  }
0x4e: {  	_ =	shalt  }
0x4f: {  	_ =	shalt  }
0x50: {  	_ =	shalt  }
0x51: {  	_ =	shalt  }
0x52: {  	_ =	shalt  }
0x53: {  	_ =	shalt  }
0x54: {  	_ =	shalt  }
0x55: {  	_ =	shalt  }
0x56: {  	_ =	shalt  }
0x57: {  	_ =	shalt  }
0x58: {  	_ =	shalt  }
0x59: {  	_ =	shalt  }
0x5a: {  	_ =	shalt  }
0x5b: {  	_ =	shalt  }
0x5c: {  	_ =	shalt  }
0x5d: {  	_ =	shalt  }
0x5e: {  	_ =	shalt  }
0x5f: {  	_ =	shalt  }
0x60: {  	_ =	shalt  }
0x61: {  	_ =	shalt  }
0x62: {  	_ =	shalt  }
0x63: {  	_ =	shalt  }
0x64: {  	_ =	shalt  }
0x65: {  	_ =	shalt  }
0x66: {  	_ =	shalt  }
0x67: {  	_ =	shalt  }
0x68: {  	_ =	shalt  }
0x69: {  	_ =	shalt  }
0x6a: {  	_ =	shalt  }
0x6b: {  	_ =	shalt  }
0x6c: {  	_ =	shalt  }
0x6d: {  	_ =	shalt  }
0x6e: {  	_ =	shalt  }
0x6f: {  	_ =	shalt  }
0x70: {  	_ =	shalt  }
0x71: {  	_ =	shalt  }
0x72: {  	_ =	shalt  }
0x73: {  	_ =	shalt  }
0x74: {  	_ =	shalt  }
0x75: {  	_ =	shalt  }
0x76: {  	_ =	shalt  }
0x77: {  	_ =	shalt  }
0x78: {  	_ =	shalt  }
0x79: {  	_ =	shalt  }
0x7a: {  	_ =	shalt  }
0x7b: {  	_ =	shalt  }
0x7c: {  	_ =	shalt  }
0x7d: {  	_ =	shalt  }
0x7e: {  	_ =	shalt  }
0x7f: {  	_ =	shalt  }
0x80: {  	_ =	shalt  }
0x81: {  	_ =	shalt  }
0x82: {  	_ =	shalt  }
0x83: {  	_ =	shalt  }
0x84: {  	_ =	shalt  }
0x85: {  	_ =	shalt  }
0x86: {  	_ =	shalt  }
0x87: {  	_ =	shalt  }
.Lfunc_end0:
.L_simem_size_0:
called_computation.6_lowered:
.L_overlay_start_0:
0x88: {  	s2 =	sld [smem:$0x3FD9]  }
0x89: {  	s3 =	sld [smem:$0x3FFE];
	_ =	sdelay $0x1  }
0x8a: {  	s1 =	srdreg.scid  }
0x8b: {  	s0 =	sand.u32 $0x1, s1  }
0x8c: {  	s15 =	sshll.u32 s0, $0xA;
	s2 =	sadd.s32 s3, s2  }
0x8d: {  	s2 =	sadd.s32 s2, s15  }
0x8e: {  	[smem:$0x3FC6] =	sst s2  }
0x8f: {  	_ = 	snop  }
0x90: {  	s2 =	sld [smem:$0x3FD0];
	_ =	sdelay $0x2  }
0x91: {  	s16 =	simm.s32 $0xD;
	s4 =	simm.s32 $0x10  }
0x92: {  	[smem:s4], [sflag:s16] =	dma.local [hbm:s2], $0x1  }
0x93: {  	_ =	swait.eq [sflag:s16], $0x1  }
0x94: {  	[sflag:s16] =	ssyncset.done $0x0  }
0x95: {  	[sflag:s16] =	ssyncadd.s32 $0xFFFFFFFF  }
0x96: {  	s17 =	sld [smem:$0x10];
	(tm) =	ssettm $0x1  }
0x97: {  	s18 =	sld [smem:$0x3FFB];
	_ =	sdelay $0x3  }
0x98: {  	_ =	strace s18  }
0x99: {  	s2 =	sld [smem:$0x3FFC];
	_ =	sdelay $0x3  }
0x9a: {  	_ =	strace s2  }
0x9b: {  	s2 =	sld [smem:$0x3FFD];
	_ =	sdelay $0x3  }
0x9c: {  	_ =	strace s2  }
0x9d: {  	_ =	strace $0x8FFFFFFF  }
0x9e: {  	s19 =	sld [smem:$0x3FDB];
	_ =	sdelay $0x1  }
0x9f: {  	s20 =	simm.s32 $_scs_section_size  }
0xa0: {  	s5 =	simm.s32 $_size__tile_overlayer_lowered;
	s6 =	simm.s32 $_tile_overlayer_lowered  }
0xa1: {  	s7 =	simm.s32 $0x1BFF;
	s21 =	sshll.u32 s6, $0x1;
	s4 =	sadd.s32 s20, s19  }
0xa2: {  	s22 =	simm.s32 $0x0;
	s5 =	sshll.u32 s5, $0x1;
	s6 =	sadd.s32 s21, s4  }
0xa3: {  	[timem:s22], [sflag:s7] =	dma.local [hbm:s6], s5  }
0xa4: {  	_ =	swait.ge [sflag:s7], s5  }
0xa5: {  	s5 =	ssub.s32 $0x0, s5;
	[sflag:s7] =	ssyncset.done $0x0  }
0xa6: {  	[sflag:s7] =	ssyncadd.s32 s5;
	_ =	sdelay $0x1  }
0xa7: {  	s23 =	simm.s32 $0x1B8B  }
0xa8: {  	_ =	swait.ge [sflag:s23], $0x1  }
0xa9: {  	[sflag:s23] =	ssyncset.done $0x0  }
0xaa: {  	[sflag:s23] =	ssyncadd.s32 $0xFFFFFFFF  }
0xab: {  	s5 =	sld [smem:$0x0]  }
0xac: {  	s6 =	sand.u32 $0xFFFFFFFE, s1  }
0xad: {  	p0 =	sne.s32 s1, s6  }
0xae: {  	s6 =	sshll.u32 @p0 s6, $0xE  }
0xaf: {  	s6 =	sadd.s32 @p0 $0x11B8D, s6;
	s7 =	sshll.u32 @p0 s5, $0x11  }
0xb0: {  	s6 =	sor.u32 @p0 s7, s6  }
0xb1: {  	[sflag:s6] =	ssyncadd.remote.s32 @p0 $0x1;
	_ =	sdelay $0x1  }
0xb2: {  	s6 =	simm.s32 @p0 $0x1B8D  }
0xb3: {  	_ =	swait.eq @p0 [sflag:s6], $0x1  }
0xb4: {  	[sflag:s6] =	ssyncadd.s32 @p0 $0xFFFFFFFF  }
0xb5: {  	s7 =	sshll.u32 @!p0 s1, $0xE  }
0xb6: {  	s7 =	sor.u32 @!p0 $0x4000, s7;
	s6 =	simm.s32 @!p0 $0x1B8D  }
0xb7: {  	s5 =	sshll.u32 @!p0 s5, $0x11;
	s7 =	sadd.s32 @!p0 $0x11B8D, s7;
	_ =	swait.eq @!p0 [sflag:s6], $0x1  }
0xb8: {  	s5 =	sor.u32 @!p0 s5, s7;
	[sflag:s6] =	ssyncadd.s32 @!p0 $0xFFFFFFFF  }
0xb9: {  	s25 =	simm.s32 $0x1B8E;
	s24 =	sld [smem:$0x3FFE];
	[sflag:s5] =	ssyncadd.remote.s32 @!p0 $0x1  }
0xba: {  	s26 =	simm.s32 $execute0_lowered;
	[smem:$0x3FD2] =	sst s25  }
0xbb: {  	s6 =	sshll.u32 s26, $0x1;
	_ =	strace $0x80000055;
	[dreg:$0x1] =	wrdreg $0xFFFFFFFF  }
0xbc: {  	s28 =	simm.s32 $_size_execute0_lowered;
	s4 =	sadd.s32 s4, s6;
	[dreg:$0x0] =	wrdreg $0x0  }
0xbd: {  	s6 =	sshll.u32 s28, $0x1;
	[dreg:$0x2] =	wrdreg s4  }
0xbe: {  	[dreg:$0x3] =	wrdreg s6  }
0xbf: {  	[dreg:$0x4] =	wrdreg $0xC0  }
0xc0: {  	_ =	task [dreg:s22], $0x5FFFF  }
0xc1: {  	[dreg:$0x1] =	wrdreg $0xFFFFFFFF  }
0xc2: {  	[dreg:$0x0] =	wrdreg $0x60  }
0xc3: {  	[dreg:$0x2] =	wrdreg s17  }
0xc4: {  	[dreg:$0x3] =	wrdreg s24  }
0xc5: {  	[dreg:$0x4] =	wrdreg $0xA  }
0xc6: {  	_ =	task.clear_ibuf [dreg:s22], $0x5FFFF;
	_ =	strace $0x90000055  }
0xc7: {  	s29 =	simm.s32 $0xA;
	_ =	strace $0x80000057  }
0xc8: {  	_ =	swait.ge [sflag:s29], $0x1  }
0xc9: {  	[sflag:s29] =	ssyncadd.s32 $0xFFFFFFFF  }
0xca: {  	_ =	strace $0x90000057  }
0xcb: {  	_ =	sfence  }
0xcc: {  	s30 =	sld [smem:$0x0];
	_ =	sdelay $0x2  }
0xcd: {  	s31 =	sshll.u32 s1, $0xD;
	s1 =	sshrl.u32 s1, $0x2  }
0xce: {  	s4 =	sand.u32 $0x4000, s31;
	s1 =	sadd.s32 s1, s30  }
0xcf: {  	s0 =	sor.u32 s4, s0;
	s1 =	sshll.u32 s1, $0x11  }
0xd0: {  	s0 =	sor.u32 s1, s0  }
0xd1: {  	s0 =	sadd.s32 $0x8F2B, s0  }
0xd2: {  	[sflag:s0] =	ssyncadd.remote.s32 $0x1  }
0xd3: {  	_ =	sfence.sel $0xFFFF  }
0xd4: {  	[dreg:$0x0] =	wrdreg $0xFFFFFFFF;
	(pc) =	sbr.abs _section_cstart, $3  }
0xd5: {  	[dreg:$0x1] =	wrdreg $0xFFFFFFFF  }
0xd6: {  	_ =	task.clear_ibuf [dreg:s22], $0x2FFFF;
	_ =	strace $0x9FFFFFFF  }
0xd7: {  	(tm) =	ssettm $0x7FFFFFFF  }
tec
execute0_lowered:
.L_overlay_start_1:
0x0: {  	(tag) =	ssettag $0x1  }
0x1: {  	s0 =	stileid.u32;
	s1 =	srdreg.scid  }
0x2: {  	s1 =	sand.u32 $0x1, s1;
	s2 =	sshll.u32 s0, $0x1  }
0x3: {  	s1 =	sor.u32 s2, s1  }
0x4: {  	s2 =	smul.u32 $0x1900, s1;
	_ =	sdelay $0x1  }
0x5: {  	s6 =	ssub.s32 $0x30D400, s2  }
0x6: {  	s3 =	rddreg [dreg:$0x0];
	s31 =	smulhi.u32 $0x28F5C3, s6  }
0x7: {  	s8 =	rddreg [dreg:$0x1];
	s5 =	simm.s32 $0x1  }
0x8: {  	s10 =	simm.s32 $0x3;
	s13 =	simm.s32 $0x0;
	s7 =	sshrl.u32 s31, $0x7  }
0x9: {  	s12 =	simm.s32 $0x0;
	s4 =	sadd.s32 $0x32EDC00, s8;
	s9 =	smul.u32 $0x32000, s7  }
.Ltmp0:
0xa: {  	s8 =	sadd.s32 $0x1A83A00, s8;
	s1 =	rddreg [dreg:$0x2];
	(pc) =	sbr.rel .LBB2_1-.Ltmp0, $4  }
0xb: {  	_ =	strace $0x80000056;
	p0 =	sne.s32 s6, s9;
	s9 =	simm.s32 $0x1  }
0xc: {  	[sflag:s5] =	ssyncpa.u1 $0x0;
	s6 =	simm.s32 $0x2;
	s9 =	simm.s32 @!p0 $0x0  }
0xd: {  	s11 =	smov.u32 s2;
	[sflag:s6] =	ssyncpa.u1 $0x0;
	s7 =	sadd.s32 s9, s7  }
0xe: {  	vm0 =	vmmov $0xffff;
	v0 =	vlaneseq.u32;
	[sflag:s10] =	ssyncpa.u1 $0x0;
	s10 =	simm.s32 $0x0;
	s9 =	sadd.s32 $0x1, s7  }
.LBB2_4:
0xf: {  	_ =	sdelay $0x3  }
0x10: {  	[tilespmem:s22], [sflag:$0x1] =	stream.indirect_vreg.gather [hbm4b:s3+s10], $0x1, v1, vm0, $0x4038;
	[tilespmem:$0xFA00] =	vst v63  }
0x11: {  	s15 =	sadd.s32 s19, s15  }
0x12: {  	v1 =	vld.msk [tilespmem:s15+$0x0 ss:$0x1], $0xffff;
	_ =	sdelay $0x4  }
0x13: {  	vm1 =	vgt.s32 v1, $0x0  }
0x14: {  	p0 =	sgt.s32 s18, $0x0;
	v1 =	vnsel vm1, $0x0, v1  }
0x15: {  	s18 =	simm.s32 @!p0 $0x0;
	v1 =	vmin.u32 v1, $0x30D3FF  }
0x16: {  	s25 =	smin.u32 s18, $0x10;
	v2 =	vshll.u32 v1, $0x2  }
0x17: {  	v3 =	vmov s25;
	v1 =	vand.u32 $0x7F, v1;
	v2 =	vand.u32 $0xFFFE00, v2  }
0x18: {  	vm1 =	vgt.u32 v3, v0;
	v1 =	vor.u32 v1, v2  }
0x19: {  	v2 =	vnsel vm1, $0x7FFFFFFF, v1;
	_ =	sdelay $0x1  }
0x1a: {  	s26 =	sand.u32 $0x7E00, s16;
	v3 =	vor.u32 $0x80, v1  }
0x1b: {  	s28 =	sand.u32 $0x70, s17;
	(ifvalue) =	ssetifvalue $0x7FFFFFFF;
	s15 =	sadd.s32 s26, s14;
	v3 =	vnsel vm1, $0x7FFFFFFF, v3  }
0x1c: {  	s15 =	sadd.s32 s28, s15;
	(ifvalue) =	ssetifvalue $0x7FFFFFFF  }
0x1d: {  	v4 =	vor.u32 $0x100, v1;
	[tilespmem:s15], [sflag:$0x1] =	stream.indirect_vreg.gather [hbm4b:s3+s10], $0x1, v2, vm0, $0x4038;
	[tilespmem:$0xFA00] =	vst v63  }
0x1e: {  	(ifvalue) =	ssetifvalue $0x7FFFFFFF;
	v2 =	vnsel vm1, $0x7FFFFFFF, v4  }
0x1f: {  	s16 =	sadd.s32 $0x80, s15;
	(ifvalue) =	ssetifvalue $0x7FFFFFFF  }
0x20: {  	v1 =	vor.u32 $0x180, v1;
	[tilespmem:s16], [sflag:$0x1] =	stream.indirect_vreg.gather [hbm4b:s3+s10], $0x1, v3, vm0, $0x4038;
	[tilespmem:$0xFA00] =	vst v63  }
0x21: {  	v1 =	vnsel vm1, $0x7FFFFFFF, v1;
	(ifvalue) =	ssetifvalue $0x7FFFFFFF  }
0x22: {  	s29 =	sadd.s32 $0x100, s15;
	(ifvalue) =	ssetifvalue $0x7FFFFFFF  }
0x23: {  	[tilespmem:s29], [sflag:$0x1] =	stream.indirect_vreg.gather [hbm4b:s3+s10], $0x1, v2, vm0, $0x4038;
	[tilespmem:$0xFA00] =	vst v63  }
0x24: {  	(ifvalue) =	ssetifvalue $0x7FFFFFFF  }
0x25: {  	s30 =	sshll.u32 s13, $0x2;
	s15 =	sadd.s32 $0x180, s15;
	(ifvalue) =	ssetifvalue $0x7FFFFFFF  }
0x26: {  	[tilespmem:s15], [sflag:$0x1] =	stream.indirect_vreg.gather [hbm4b:s3+s10], $0x1, v1, vm0, $0x4038;
	[tilespmem:$0xFA00] =	vst v63  }
0x27: {  	s31 =	sand.u32 $0x78, s13;
	s15 =	sand.u32 $0xFFFFFE00, s30  }
0x28: {  	_ =	swait.ge [sflag:s5], $0x6400;
	s13 =	sor.u32 s31, s15  }
0x29: {  	[sflag:s5] =	ssyncset.done $0x0;
	s13 =	sshrl.u32 s13, $0x3  }
0x2a: {  	[sflag:s5] =	ssyncadd.s32 $0xFFFF9C00;
	s13 =	sadd.s32 s8, s13  }
0x2b: {  	[hbm:s13] =	stream.linear.scatter [tilespmem:s14], [sflag:$0x3], $0x6400, $0x38;
	[tilespmem:$0xFA00] =	vst v63  }
.LBB2_5:
0x2c: {  	s15 =	sadd.s32 $0x32000, s11  }
0x2d: {  	p1 =	sgt.s32 s15, $0x30D3FF  }
0x2e: {  	s15 =	smov.u32 @p1 s2;
	p1 =	sne.s32 s12, s9  }
.Ltmp1:
0x2f: {  	p0 =	slt.u32 s12, $0x2;
	(pc) =	sbr.rel @!p1 .LBB2_6-.Ltmp1, $4  }
0x30: {  	s14 =	simm.s32 @!p0 $0x3  }
0x31: {  	_ =	swait.ge @!p0 [sflag:s14], $0x6400  }
0x32: {  	s16 =	sadd.s32 $0x1, s12;
	s13 =	smov.u32 s11;
	[sflag:s14] =	ssyncset.done @!p0 $0x0  }
0x33: {  	s12 =	smov.u32 s16;
	s11 =	smov.u32 s15;
	[sflag:s14] =	ssyncadd.s32 @!p0 $0xFFFF9C00  }
.LBB2_1:
0x34: {  	p0 =	sge.u32 s12, s7  }
0x35: {  	s14 =	sxor.u32 @!p0 $0xFFFFFFFF, s12  }
0x36: {  	s14 =	sand.u32 @!p0 $0x1, s14  }
0x37: {  	s14 =	smul.u32 @!p0 $0x6400, s14  }
0x38: {  	s31 =	sadd.s32 $0xFFFFFFFF, s12;
	s15 =	sshrl.u32 @!p0 s11, $0x3  }
0x39: {  	s16 =	sand.u32 @!p0 $0x7, s11;
	s15 =	sadd.s32 @!p0 s4, s15;
	s14 =	sshrl.u32 @!p0 s14, $0x2  }
0x3a: {  	[tilespmem:s14], [sflag:$0x2] =	stream.linear.gather @!p0 [hbm4b:s15+s16], $0x1900, $0x38;
	[tilespmem:$0xFA00] =	vst v63  }
0x3b: {  	p0 =	sge.u32 s31, s7  }
.Ltmp2:
0x3c: {  	_ = 	snop;
	(pc) =	sbr.rel @p0 .LBB2_5-.Ltmp2, $1  }
0x3d: {  	_ =	sdelay $0x3  }
0x3e: {  	s14 =	sand.u32 $0x1, s12  }
0x3f: {  	p0 =	seq.s32 s14, $0x1;
	s14 =	simm.s32 $0x6400  }
0x40: {  	_ =	swait.ge [sflag:s6], $0x1900;
	s14 =	simm.s32 @!p0 $0x0  }
0x41: {  	[sflag:s6] =	ssyncset.done $0x0;
	s15 =	sshrl.u32 s14, $0x2  }
0x42: {  	[sflag:s6] =	ssyncadd.s32 $0xFFFFE700;
	s16 =	sadd.s32 $0x0, s15  }
0x43: {  	v1 =	vld.msk [tilespmem:s16+$0x0 ss:$0x1], $0xffff;
	_ =	sdelay $0x2  }
0x44: {  	s17 =	ssub.s32 $0x30D400, s13  }
0x45: {  	p0 =	slt.s32 s17, $0x1900  }
0x46: {  	s17 =	simm.s32 @!p0 $0x1900;
	vm1 =	vgt.s32 v1, $0x0  }
0x47: {  	p0 =	sgt.s32 s17, $0x0;
	s16 =	smov.u32 s17;
	v1 =	vnsel vm1, $0x0, v1  }
0x48: {  	s16 =	simm.s32 @!p0 $0x0;
	v1 =	vmin.u32 v1, $0x30D3FF  }
0x49: {  	s16 =	smin.u32 s16, $0x10;
	v2 =	vshll.u32 v1, $0x2  }
0x4a: {  	v3 =	vmov s16;
	v1 =	vand.u32 $0x7F, v1;
	v2 =	vand.u32 $0xFFFE00, v2  }
0x4b: {  	vm1 =	vgt.u32 v3, v0;
	v1 =	vor.u32 v1, v2  }
0x4c: {  	v2 =	vnsel vm1, $0x7FFFFFFF, v1  }
0x4d: {  	s31 =	simm.s32 $0x0  }
0x4e: {  	s18 =	sand.u32 $0x7E00, s31;
	s14 =	sadd.s32 $0x3200, s14;
	v3 =	vor.u32 $0x80, v1  }
0x4f: {  	s18 =	sadd.s32 s18, s14;
	(ifvalue) =	ssetifvalue $0x7FFFFFFF;
	s16 =	sand.u32 $0x70, s31;
	v3 =	vnsel vm1, $0x7FFFFFFF, v3  }
0x50: {  	(ifvalue) =	ssetifvalue $0x7FFFFFFF;
	s20 =	sadd.s32 s16, s18  }
0x51: {  	v4 =	vor.u32 $0x100, v1;
	[tilespmem:s20], [sflag:$0x1] =	stream.indirect_vreg.gather [hbm4b:s3+s10], $0x1, v2, vm0, $0x4038;
	[tilespmem:$0xFA00] =	vst v63  }
0x52: {  	(ifvalue) =	ssetifvalue $0x7FFFFFFF;
	v2 =	vnsel vm1, $0x7FFFFFFF, v4  }
0x53: {  	s16 =	sadd.s32 $0x80, s20;
	(ifvalue) =	ssetifvalue $0x7FFFFFFF  }
0x54: {  	v1 =	vor.u32 $0x180, v1;
	[tilespmem:s16], [sflag:$0x1] =	stream.indirect_vreg.gather [hbm4b:s3+s10], $0x1, v3, vm0, $0x4038;
	[tilespmem:$0xFA00] =	vst v63  }
0x55: {  	s19 =	simm.s32 $0x10;
	v1 =	vnsel vm1, $0x7FFFFFFF, v1;
	(ifvalue) =	ssetifvalue $0x7FFFFFFF  }
0x56: {  	s21 =	simm.s32 $0x80;
	s18 =	sadd.s32 $0x100, s20;
	(ifvalue) =	ssetifvalue $0x7FFFFFFF  }
0x57: {  	[tilespmem:s18], [sflag:$0x1] =	stream.indirect_vreg.gather [hbm4b:s3+s10], $0x1, v2, vm0, $0x4038;
	[tilespmem:$0xFA00] =	vst v63  }
0x58: {  	s22 =	sadd.s32 $0x180, s20;
	s16 =	simm.s32 $0x40;
	(ifvalue) =	ssetifvalue $0x7FFFFFFF  }
0x59: {  	s18 =	sadd.s32 $0xFFFFFFF0, s17;
	s17 =	simm.s32 $0x10;
	(ifvalue) =	ssetifvalue $0x7FFFFFFF  }
.LBB2_3:
0x5a: {  	[tilespmem:s22], [sflag:$0x1] =	stream.indirect_vreg.gather [hbm4b:s3+s10], $0x1, v1, vm0, $0x4038;
	[tilespmem:$0xFA00] =	vst v63  }
0x5b: {  	s22 =	smov.u32 s21  }
0x5c: {  	s20 =	sadd.s32 $0x40, s21;
	s23 =	sadd.s32 s19, s15;
	s19 =	sshra.s32 s22, $0x2  }
0x5d: {  	p0 =	sne.s32 s21, $0x63C0;
	v1 =	vld.msk [tilespmem:s23+$0x0 ss:$0x1], $0xffff  }
0x5e: {  	(ifvalue) =	ssetifvalue $0x7FFFFFFF;
	_ =	sdelay $0x4  }
0x5f: {  	vm1 =	vgt.s32 v1, $0x0  }
0x60: {  	p1 =	sgt.s32 s18, $0x0;
	s21 =	smov.u32 s18;
	v1 =	vnsel vm1, $0x0, v1  }
0x61: {  	s21 =	simm.s32 @!p1 $0x0;
	v1 =	vmin.u32 v1, $0x30D3FF  }
0x62: {  	s21 =	smin.u32 s21, $0x10;
	v2 =	vshll.u32 v1, $0x2  }
0x63: {  	v3 =	vmov s21;
	v1 =	vand.u32 $0x7F, v1;
	v2 =	vand.u32 $0xFFFE00, v2  }
0x64: {  	vm1 =	vgt.u32 v3, v0;
	v1 =	vor.u32 v1, v2  }
0x65: {  	v2 =	vnsel vm1, $0x7FFFFFFF, v1;
	v3 =	vor.u32 $0x80, v1;
	v4 =	vor.u32 $0x100, v1  }
0x66: {  	v1 =	vor.u32 $0x180, v1  }
0x67: {  	s21 =	sand.u32 $0x7E00, s16;
	s16 =	smov.u32 s22  }
0x68: {  	s22 =	sand.u32 $0x70, s17;
	s21 =	sadd.s32 s21, s14;
	v3 =	vnsel vm1, $0x7FFFFFFF, v3  }
0x69: {  	s21 =	sadd.s32 s22, s21;
	(ifvalue) =	ssetifvalue $0x7FFFFFFF  }
0x6a: {  	[tilespmem:s21], [sflag:$0x1] =	stream.indirect_vreg.gather [hbm4b:s3+s10], $0x1, v2, vm0, $0x4038;
	[tilespmem:$0xFA00] =	vst v63  }
0x6b: {  	v2 =	vnsel vm1, $0x7FFFFFFF, v4;
	(ifvalue) =	ssetifvalue $0x7FFFFFFF  }
0x6c: {  	s22 =	sadd.s32 $0x80, s21;
	(ifvalue) =	ssetifvalue $0x7FFFFFFF  }
0x6d: {  	[tilespmem:s22], [sflag:$0x1] =	stream.indirect_vreg.gather [hbm4b:s3+s10], $0x1, v3, vm0, $0x4038;
	[tilespmem:$0xFA00] =	vst v63  }
.Ltmp3:
0x6e: {  	v1 =	vnsel vm1, $0x7FFFFFFF, v1;
	(ifvalue) =	ssetifvalue $0x7FFFFFFF;
	(pc) =	sbr.rel @p0 .LBB2_3-.Ltmp3, $4  }
0x6f: {  	s22 =	sadd.s32 $0x100, s21;
	(ifvalue) =	ssetifvalue $0x7FFFFFFF  }
0x70: {  	[tilespmem:s22], [sflag:$0x1] =	stream.indirect_vreg.gather [hbm4b:s3+s10], $0x1, v2, vm0, $0x4038;
	[tilespmem:$0xFA00] =	vst v63  }
0x71: {  	s18 =	sadd.s32 $0xFFFFFFF0, s18;
	s17 =	sadd.s32 $0x10, s17;
	(ifvalue) =	ssetifvalue $0x7FFFFFFF  }
0x72: {  	s22 =	sadd.s32 $0x180, s21;
	s21 =	smov.u32 s20;
	(ifvalue) =	ssetifvalue $0x7FFFFFFF  }
.Ltmp4:
0x73: {  	_ = 	snop;
	(pc) =	sbr.rel .LBB2_4-.Ltmp4, $1  }
0x74: {  	_ =	sdelay $0x3  }
.LBB2_6:
0x75: {  	_ =	sfence.sel $0x180000  }
0x76: {  	s2 =	simm.s32 $0x2;
	[bflag:$0x0] =	sbarrier.arrive $0xFFFF  }
0x77: {  	s30 =	simm.s32 $0x3;
	[sflag:s2] =	ssyncpa.u1 $0x1  }
0x78: {  	s31 =	simm.s32 $0x1;
	[sflag:s30] =	ssyncpa.u1 $0x1  }
0x79: {  	[sflag:s31] =	ssyncpa.u1 $0x1  }
0x7a: {  	p0 =	sne.s32 s0, $0x0;
	_ =	strace $0x90000056  }
0x7b: {  	s0 =	sadd.s32 @!p0 $0x100000, s1;
	[bflag:$0x2] =	sbarrier.arrive $0xFFFF  }
0x7c: {  	[sflag:s0] =	ssyncadd.tile.s32 @!p0 $0x1;
	_ =	shalt  }
.Lfunc_end2:
_tile_overlayer_lowered:
.L_overlay_start_2:
0x7d: {  	(tag) =	ssettag $0x2  }
0x7e: {  	s0 =	rddreg [dreg:$0x0];
	s2 =	stileid.u32  }
0x7f: {  	s1 =	rddreg [dreg:$0x1];
	p0 =	sne.s32 s2, $0x0  }
0x80: {  	s3 =	rddreg [dreg:$0x2];
	[bflag:$0x3] =	sbarrier.arrive $0xFFFF;
	s2 =	simm.s32 @!p0 $0x1C01  }
0x81: {  	[timem:s3], [sflag:s2] =	dma.local @!p0 [hbm:s0], s1  }
0x82: {  	s0 =	simm.s32 @!p0 $0x1  }
0x83: {  	_ =	swait.ge @!p0 [sflag:s0], s1  }
0x84: {  	s1 =	ssub.s32 @!p0 $0x0, s1;
	[sflag:s0] =	ssyncset.done @!p0 $0x0  }
0x85: {  	[sflag:s0] =	ssyncadd.s32 @!p0 s1  }
0x86: {  	[bflag:$0x3] =	sbarrier.arrive $0xFFFF  }
0x87: {  	_ =	shalt  }

// kernel: gather_offload_async_start
scs
__scs_entry_jumppad:
0x0: {  	(pc) =	sbr.rel $0x88, $3  }
0x1: {  	(tag) =	ssettag $0x0;
	lr =	simm.s32 $0x1  }
0x2: {  	[smem:$0x3F9F] =	sst lr;
	_ =	strace $0xD0000000  }
0x3: {  	_ = 	snop  }
0x4: {  	_ = 	snop  }
0x5: {  	_ = 	snop  }
0x6: {  	_ = 	snop  }
0x7: {  	_ = 	snop  }
__scs_overlays_trampoline_lowered:
0x8: {  	[smem:$0x3FAE] =	sst s0  }
0x9: {  	[smem:$0x3FAF] =	sst s1  }
0xa: {  	[smem:$0x3FB0] =	sst s2  }
0xb: {  	[smem:$0x3FB1] =	sst s3  }
0xc: {  	[smem:$0x3FB2] =	sst s4  }
0xd: {  	[smem:$0x3FB3] =	sst s5  }
0xe: {  	[smem:$0x3FB4] =	sst s6  }
0xf: {  	[smem:$0x3FB5] =	sst s7  }
0x10: {  	[smem:$0x3FB6] =	sst s8  }
0x11: {  	[smem:$0x3FB7] =	sst s9;
	s0 =	simm.s32 @!p0 $0x0  }
0x12: {  	s1 =	sld [smem:$0x3F9D];
	s0 =	simm.s32 @p0 $0x1  }
0x13: {  	[smem:$0x3FB8] =	sst s0;
	s0 =	simm.s32 @!p1 $0x0  }
0x14: {  	s2 =	sld [smem:$0x3F9C];
	s0 =	simm.s32 @p1 $0x1  }
0x15: {  	[smem:$0x3FB9] =	sst s0;
	s0 =	simm.s32 @!p2 $0x0  }
0x16: {  	s3 =	sld [smem:$0x3FDB];
	s0 =	simm.s32 @p2 $0x1  }
0x17: {  	s4 =	simm.s32 $0x1BF5;
	[smem:$0x3FBB] =	sst s0  }
0x18: {  	s0 =	sld [smem:$0x3F9E];
	_ =	swait.ge [sflag:s4], $0x0  }
0x19: {  	s7 =	sld [smem:$0x3F9F]  }
0x1a: {  	s8 =	sadd.s32 $0xFFFFE003, lr  }
0x1b: {  	s9 =	sadd.s32 $0xFFFFFEF7, lr;
	s5 =	simm.s32 $0xFFFFFFFF;
	p2 =	slt.u32 s8, $0xFFFFF086  }
0x1c: {  	p1 =	slt.u32 s9, $0xF7A;
	s5 =	simm.s32 @!p2 $0x0  }
0x1d: {  	s5 =	simm.s32 @p1 $0x1;
	p0 =	seq.s32 s7, s2  }
0x1e: {  	s7 =	smul.u32 @!p0 $0xF7A, s2;
	p2 =	seq.s32 @!p0 s5, $0x0  }
0x1f: {  	s9 =	smul.u32 $0xF7A, s1;
	s8 =	simm.s32 @!p0 $0x1BF5;
	p2 =	por !p2, p0  }
0x20: {  	[sflag:s8] =	ssyncset.s32 @!p0 $0xFFFFF086;
	s6 =	sadd.s32 @!p0 s3, s7;
	s7 =	simm.s32 @!p0 $0x108  }
0x21: {  	s3 =	sadd.s32 s3, s9;
	s6 =	sadd.s32 @!p0 $0x88, s6;
	s7 =	simm.s32 @p2 $0x1082  }
0x22: {  	[simem:s7], [sflag:s8] =	dma.local @!p0 [hbm:s6], $0xF7A  }
0x23: {  	s9 =	sor.u32 $0xD0000000, s2;
	s6 =	simm.s32 $0x108;
	_ =	swait.ge @!p0 [sflag:s8], $0x0  }
0x24: {  	s3 =	sadd.s32 $0x88, s3;
	s6 =	simm.s32 @!p1 $0x1082;
	[sflag:s4] =	ssyncset.s32 $0xFFFFF086  }
0x25: {  	[simem:s6], [sflag:s4] =	dma.local [hbm:s3], $0xF7A  }
0x26: {  	[smem:$0x3F9F] =	sst s1;
	(tag) =	ssettag s2;
	_ =	strace s9  }
0x27: {  	s1 =	sld [smem:$0x3FAF]  }
0x28: {  	s2 =	sld [smem:$0x3FB0]  }
0x29: {  	s4 =	sld [smem:$0x3FB2]  }
0x2a: {  	p0 =	seq.s32 s5, $0x0;
	s5 =	sld [smem:$0x3FB3]  }
0x2b: {  	s6 =	sld [smem:$0x3FB4]  }
0x2c: {  	s7 =	sld [smem:$0x3FB5]  }
0x2d: {  	s3 =	simm.s32 $0x108;
	s8 =	sld [smem:$0x3FB6]  }
0x2e: {  	s3 =	simm.s32 @!p0 $0x1082;
	s9 =	sld [smem:$0x3FB7]  }
0x2f: {  	lr =	sadd.s32 s0, s3;
	s0 =	sld [smem:$0x3FAE]  }
0x30: {  	s3 =	sld [smem:$0x3FB1]  }
0x31: {  	[smem:$0x3FBA] =	sst s10  }
0x32: {  	s10 =	sld [smem:$0x3FB8];
	_ =	sdelay $0x3  }
0x33: {  	p0 =	seq.s32 s10, $0x1;
	s10 =	sld [smem:$0x3FBA];
	_ =	sdelay $0x3  }
0x34: {  	[smem:$0x3FBA] =	sst s10  }
0x35: {  	s10 =	sld [smem:$0x3FB9];
	_ =	sdelay $0x3  }
0x36: {  	p1 =	seq.s32 s10, $0x1;
	s10 =	sld [smem:$0x3FBA];
	_ =	sdelay $0x3  }
0x37: {  	[smem:$0x3FBA] =	sst s10  }
0x38: {  	s10 =	sld [smem:$0x3FBB]  }
0x39: {  	_ = 	snop;
	(pc) =	sbr.ind lr, $3  }
0x3a: {  	_ = 	snop  }
0x3b: {  	_ = 	snop  }
0x3c: {  	p2 =	seq.s32 s10, $0x1;
	s10 =	sld [smem:$0x3FBA]  }
0x3d: {  	_ =	shalt  }
0x3e: {  	_ =	shalt  }
0x3f: {  	_ =	shalt  }
0x40: {  	_ =	shalt  }
0x41: {  	_ =	shalt  }
0x42: {  	_ =	shalt  }
0x43: {  	_ =	shalt  }
0x44: {  	_ =	shalt  }
0x45: {  	_ =	shalt  }
0x46: {  	_ =	shalt  }
0x47: {  	_ =	shalt  }
0x48: {  	_ =	shalt  }
0x49: {  	_ =	shalt  }
0x4a: {  	_ =	shalt  }
0x4b: {  	_ =	shalt  }
0x4c: {  	_ =	shalt  }
0x4d: {  	_ =	shalt  }
0x4e: {  	_ =	shalt  }
0x4f: {  	_ =	shalt  }
0x50: {  	_ =	shalt  }
0x51: {  	_ =	shalt  }
0x52: {  	_ =	shalt  }
0x53: {  	_ =	shalt  }
0x54: {  	_ =	shalt  }
0x55: {  	_ =	shalt  }
0x56: {  	_ =	shalt  }
0x57: {  	_ =	shalt  }
0x58: {  	_ =	shalt  }
0x59: {  	_ =	shalt  }
0x5a: {  	_ =	shalt  }
0x5b: {  	_ =	shalt  }
0x5c: {  	_ =	shalt  }
0x5d: {  	_ =	shalt  }
0x5e: {  	_ =	shalt  }
0x5f: {  	_ =	shalt  }
0x60: {  	_ =	shalt  }
0x61: {  	_ =	shalt  }
0x62: {  	_ =	shalt  }
0x63: {  	_ =	shalt  }
0x64: {  	_ =	shalt  }
0x65: {  	_ =	shalt  }
0x66: {  	_ =	shalt  }
0x67: {  	_ =	shalt  }
0x68: {  	_ =	shalt  }
0x69: {  	_ =	shalt  }
0x6a: {  	_ =	shalt  }
0x6b: {  	_ =	shalt  }
0x6c: {  	_ =	shalt  }
0x6d: {  	_ =	shalt  }
0x6e: {  	_ =	shalt  }
0x6f: {  	_ =	shalt  }
0x70: {  	_ =	shalt  }
0x71: {  	_ =	shalt  }
0x72: {  	_ =	shalt  }
0x73: {  	_ =	shalt  }
0x74: {  	_ =	shalt  }
0x75: {  	_ =	shalt  }
0x76: {  	_ =	shalt  }
0x77: {  	_ =	shalt  }
0x78: {  	_ =	shalt  }
0x79: {  	_ =	shalt  }
0x7a: {  	_ =	shalt  }
0x7b: {  	_ =	shalt  }
0x7c: {  	_ =	shalt  }
0x7d: {  	_ =	shalt  }
0x7e: {  	_ =	shalt  }
0x7f: {  	_ =	shalt  }
0x80: {  	_ =	shalt  }
0x81: {  	_ =	shalt  }
0x82: {  	_ =	shalt  }
0x83: {  	_ =	shalt  }
0x84: {  	_ =	shalt  }
0x85: {  	_ =	shalt  }
0x86: {  	_ =	shalt  }
0x87: {  	_ =	shalt  }
.Lfunc_end0:
.L_simem_size_0:
called_computation.4_lowered:
.L_overlay_start_0:
0x88: {  	s2 =	sld [smem:$0x3FD9]  }
0x89: {  	s3 =	sld [smem:$0x3FFE];
	_ =	sdelay $0x1  }
0x8a: {  	s1 =	srdreg.scid  }
0x8b: {  	s0 =	sand.u32 $0x1, s1  }
0x8c: {  	s16 =	sshll.u32 s0, $0xA;
	s2 =	sadd.s32 s3, s2  }
0x8d: {  	s2 =	sadd.s32 s2, s16  }
0x8e: {  	[smem:$0x3FC6] =	sst s2  }
0x8f: {  	_ = 	snop  }
0x90: {  	(tm) =	ssettm $0x1  }
0x91: {  	s17 =	sld [smem:$0x3FFB];
	_ =	sdelay $0x3  }
0x92: {  	_ =	strace s17  }
0x93: {  	s2 =	sld [smem:$0x3FFC];
	_ =	sdelay $0x3  }
0x94: {  	_ =	strace s2  }
0x95: {  	s2 =	sld [smem:$0x3FFD];
	_ =	sdelay $0x3  }
0x96: {  	_ =	strace s2  }
0x97: {  	_ =	strace $0x8FFFFFFF  }
0x98: {  	s18 =	sld [smem:$0x3FDB];
	_ =	sdelay $0x1  }
0x99: {  	s19 =	simm.s32 $_scs_section_size  }
0x9a: {  	s4 =	simm.s32 $_size__tile_overlayer_lowered;
	s5 =	simm.s32 $_tile_overlayer_lowered  }
0x9b: {  	s22 =	simm.s32 $0x1BFF;
	s21 =	sshll.u32 s5, $0x1;
	s2 =	sadd.s32 s19, s18  }
0x9c: {  	s6 =	simm.s32 $0x0;
	s20 =	sshll.u32 s4, $0x1;
	s4 =	sadd.s32 s21, s2  }
0x9d: {  	[timem:s6], [sflag:s22] =	dma.local [hbm:s4], s20  }
0x9e: {  	_ =	swait.ge [sflag:s22], s20  }
0x9f: {  	s3 =	ssub.s32 $0x0, s20;
	[sflag:s22] =	ssyncset.done $0x0  }
0xa0: {  	[sflag:s22] =	ssyncadd.s32 s3;
	_ =	sdelay $0x1  }
0xa1: {  	s23 =	simm.s32 $0x1B8B  }
0xa2: {  	_ =	swait.ge [sflag:s23], $0x1  }
0xa3: {  	[sflag:s23] =	ssyncset.done $0x0  }
0xa4: {  	s25 =	simm.s32 $0x1B8E;
	s24 =	sld [smem:$0x3FFE];
	[sflag:s23] =	ssyncadd.s32 $0xFFFFFFFF  }
0xa5: {  	s26 =	simm.s32 $execute0_lowered;
	[smem:$0x3FD2] =	sst s25  }
0xa6: {  	s4 =	sshll.u32 s26, $0x1;
	_ =	strace $0x80000046;
	[dreg:$0x1] =	wrdreg $0xFFFFFFFF  }
0xa7: {  	s28 =	simm.s32 $_size_execute0_lowered;
	s2 =	sadd.s32 s2, s4;
	[dreg:$0x0] =	wrdreg $0x0  }
0xa8: {  	s4 =	sshll.u32 s28, $0x1;
	[dreg:$0x2] =	wrdreg s2  }
0xa9: {  	[dreg:$0x3] =	wrdreg s4  }
0xaa: {  	[dreg:$0x4] =	wrdreg $0xC0  }
0xab: {  	_ =	task [dreg:s6], $0x5FFFF  }
0xac: {  	[dreg:$0x1] =	wrdreg $0xFFFFFFFF  }
0xad: {  	[dreg:$0x0] =	wrdreg $0x60  }
0xae: {  	[dreg:$0x2] =	wrdreg s24  }
0xaf: {  	[dreg:$0x3] =	wrdreg $0xA  }
0xb0: {  	_ =	task.clear_ibuf [dreg:s6], $0x4FFFF;
	_ =	strace $0x90000046  }
0xb1: {  	s29 =	simm.s32 $0xA;
	_ =	strace $0x80000048  }
0xb2: {  	_ =	swait.ge [sflag:s29], $0x1  }
0xb3: {  	[sflag:s29] =	ssyncadd.s32 $0xFFFFFFFF  }
0xb4: {  	_ =	strace $0x90000048  }
0xb5: {  	_ =	sfence  }
0xb6: {  	s30 =	sld [smem:$0x0];
	_ =	sdelay $0x2  }
0xb7: {  	s31 =	sshll.u32 s1, $0xD;
	s1 =	sshrl.u32 s1, $0x2  }
0xb8: {  	s3 =	sand.u32 $0x4000, s31;
	s1 =	sadd.s32 s1, s30  }
0xb9: {  	s0 =	sor.u32 s3, s0;
	s1 =	sshll.u32 s1, $0x11  }
0xba: {  	s0 =	sor.u32 s1, s0  }
0xbb: {  	s0 =	sadd.s32 $0x8F2B, s0  }
0xbc: {  	[sflag:s0] =	ssyncadd.remote.s32 $0x1  }
0xbd: {  	_ =	sfence.sel $0xFFFF  }
0xbe: {  	[dreg:$0x0] =	wrdreg $0xFFFFFFFF;
	(pc) =	sbr.abs _section_cstart, $3  }
0xbf: {  	[dreg:$0x1] =	wrdreg $0xFFFFFFFF  }
0xc0: {  	_ =	task.clear_ibuf [dreg:s6], $0x2FFFF;
	_ =	strace $0x9FFFFFFF  }
0xc1: {  	(tm) =	ssettm $0x7FFFFFFF  }
tec
execute0_lowered:
.L_overlay_start_1:
0x0: {  	(tag) =	ssettag $0x1  }
0x1: {  	s0 =	stileid.u32;
	s1 =	srdreg.scid  }
0x2: {  	s1 =	sand.u32 $0x1, s1;
	s2 =	sshll.u32 s0, $0x1  }
0x3: {  	s1 =	sor.u32 s2, s1  }
0x4: {  	s2 =	smul.u32 $0x7D00, s1;
	_ =	sdelay $0x1  }
0x5: {  	s6 =	ssub.s32 $0x30D400, s2  }
0x6: {  	s3 =	smulhi.u32 $0x83127, s6  }
0x7: {  	s8 =	rddreg [dreg:$0x0];
	s5 =	simm.s32 $0x1;
	s10 =	simm.s32 $0x3  }
0x8: {  	s13 =	simm.s32 $0x0;
	s12 =	simm.s32 $0x0;
	s7 =	sshrl.u32 s3, $0x7  }
0x9: {  	s1 =	rddreg [dreg:$0x1];
	_ =	strace $0x80000047;
	s9 =	smul.u32 $0xFA000, s7  }
.Ltmp0:
0xa: {  	s4 =	sadd.s32 $0x32EDC00, s8;
	[sflag:s5] =	ssyncpa.u1 $0x0;
	(pc) =	sbr.rel .LBB2_1-.Ltmp0, $4  }
0xb: {  	s11 =	smov.u32 s2;
	p0 =	sne.s32 s6, s9;
	s9 =	simm.s32 $0x1  }
0xc: {  	s3 =	sadd.s32 $0x92A00, s8;
	s6 =	simm.s32 $0x2;
	s9 =	simm.s32 @!p0 $0x0  }
0xd: {  	s8 =	sadd.s32 $0x19C0200, s8;
	[sflag:s6] =	ssyncpa.u1 $0x0;
	s7 =	sadd.s32 s9, s7  }
0xe: {  	vm0 =	vmmov $0xffff;
	[sflag:s10] =	ssyncpa.u1 $0x0;
	s10 =	simm.s32 $0x0;
	s9 =	sadd.s32 $0x1, s7  }
.LBB2_4:
0xf: {  	v2 =	vnsel vm1, $0x0, v2  }
0x10: {  	vm1 =	vgt.s32 v0, $0x0;
	v2 =	vmin.u32 v2, $0x30D3FF  }
0x11: {  	v0 =	vnsel vm1, $0x0, v0  }
0x12: {  	v0 =	vmin.u32 v0, $0x30D3FF  }
0x13: {  	[tilespmem:s18], [sflag:$0x1] =	stream.indirect_vreg.gather [hbm4b:s3+s10], $0x1, v1, vm0, $0x4038;
	[tilespmem:$0x1F400] =	vst v63  }
0x14: {  	(ifvalue) =	ssetifvalue $0x7FFFFFFF  }
0x15: {  	[tilespmem:s15], [sflag:$0x1] =	stream.indirect_vreg.gather [hbm4b:s3+s10], $0x1, v2, vm0, $0x4038;
	[tilespmem:$0x1F400] =	vst v63  }
0x16: {  	s29 =	sadd.s32 $0x10, s15;
	(ifvalue) =	ssetifvalue $0x7FFFFFFF  }
0x17: {  	[tilespmem:s29], [sflag:$0x1] =	stream.indirect_vreg.gather [hbm4b:s3+s10], $0x1, v0, vm0, $0x4038;
	[tilespmem:$0x1F400] =	vst v63  }
0x18: {  	_ =	swait.ge [sflag:s5], $0x7D00  }
0x19: {  	s30 =	sshrl.u32 s13, $0x3;
	[sflag:s5] =	ssyncset.done $0x0  }
0x1a: {  	s31 =	sand.u32 $0x7, s13;
	s15 =	sadd.s32 s8, s30;
	[sflag:s5] =	ssyncadd.s32 $0xFFFF8300  }
0x1b: {  	[hbm4b:s15+s31] =	stream.linear.scatter [tilespmem:s14], [sflag:$0x3], $0x7D00, $0x38;
	[tilespmem:$0x1F400] =	vst v63  }
.LBB2_5:
0x1c: {  	s15 =	sadd.s32 $0xFA000, s11  }
0x1d: {  	p1 =	sgt.s32 s15, $0x30D3FF  }
0x1e: {  	s15 =	smov.u32 @p1 s2;
	p1 =	sne.s32 s12, s9  }
.Ltmp1:
0x1f: {  	p0 =	slt.u32 s12, $0x2;
	(pc) =	sbr.rel @!p1 .LBB2_6-.Ltmp1, $4  }
0x20: {  	s14 =	simm.s32 @!p0 $0x3  }
0x21: {  	_ =	swait.ge @!p0 [sflag:s14], $0x7D00  }
0x22: {  	s16 =	sadd.s32 $0x1, s12;
	s13 =	smov.u32 s11;
	[sflag:s14] =	ssyncset.done @!p0 $0x0  }
0x23: {  	s12 =	smov.u32 s16;
	s11 =	smov.u32 s15;
	[sflag:s14] =	ssyncadd.s32 @!p0 $0xFFFF8300  }
.LBB2_1:
0x24: {  	p0 =	sge.u32 s12, s7  }
0x25: {  	s14 =	sxor.u32 @!p0 $0xFFFFFFFF, s12  }
0x26: {  	s14 =	sand.u32 @!p0 $0x1, s14  }
0x27: {  	s14 =	smul.u32 @!p0 $0x1F400, s14  }
0x28: {  	s31 =	sadd.s32 $0xFFFFFFFF, s12;
	s15 =	sshrl.u32 @!p0 s11, $0x3  }
0x29: {  	s16 =	sand.u32 @!p0 $0x7, s11;
	s15 =	sadd.s32 @!p0 s4, s15;
	s14 =	sshrl.u32 @!p0 s14, $0x2  }
0x2a: {  	[tilespmem:s14], [sflag:$0x2] =	stream.linear.gather @!p0 [hbm4b:s15+s16], $0x7D00, $0x38;
	[tilespmem:$0x1F400] =	vst v63  }
0x2b: {  	p0 =	sge.u32 s31, s7  }
.Ltmp2:
0x2c: {  	_ = 	snop;
	(pc) =	sbr.rel @p0 .LBB2_5-.Ltmp2, $1  }
0x2d: {  	_ =	sdelay $0x3  }
0x2e: {  	s14 =	sand.u32 $0x1, s12  }
0x2f: {  	_ =	swait.ge [sflag:s6], $0x7D00;
	p0 =	seq.s32 s14, $0x1;
	s14 =	simm.s32 $0x7D00  }
0x30: {  	[sflag:s6] =	ssyncset.done $0x0;
	s14 =	simm.s32 @!p0 $0x0  }
0x31: {  	[sflag:s6] =	ssyncadd.s32 $0xFFFF8300;
	(ifvalue) =	ssetifvalue $0x7FFFFFFF;
	v0 =	vld.msk [tilespmem:s14+$0x0 ss:$0x1], $0xffff;
	_ =	sdelay $0x4  }
0x32: {  	s15 =	sadd.s32 $0x10, s14;
	vm1 =	vgt.s32 v0, $0x0  }
0x33: {  	v2 =	vld.msk [tilespmem:s15+$0x0 ss:$0x1], $0xffff;
	v1 =	vnsel vm1, $0x0, v0  }
0x34: {  	v1 =	vmin.u32 v1, $0x30D3FF;
	_ =	sdelay $0x2  }
0x35: {  	s17 =	simm.s32 $0x20;
	s14 =	sadd.s32 $0xFA00, s14;
	s16 =	sadd.s32 $0x10, s15  }
0x36: {  	s15 =	sadd.s32 $0x10, s14;
	s18 =	smov.u32 s14;
	v0 =	vld.msk [tilespmem:s16+$0x0 ss:$0x1], $0xffff;
	vm1 =	vgt.s32 v2, $0x0;
	(ifvalue) =	ssetifvalue $0x7FFFFFFF  }
.LBB2_3:
0x37: {  	[tilespmem:s18], [sflag:$0x1] =	stream.indirect_vreg.gather [hbm4b:s3+s10], $0x1, v1, vm0, $0x4038;
	[tilespmem:$0x1F400] =	vst v63  }
0x38: {  	s17 =	sadd.s32 $0x10, s17  }
0x39: {  	v2 =	vnsel vm1, $0x0, v2;
	p0 =	slt.u32 s17, $0x7CF0  }
.Ltmp3:
0x3a: {  	s18 =	smov.u32 s15;
	v1 =	vmin.u32 v2, $0x30D3FF;
	(pc) =	sbr.rel @p0 .LBB2_3-.Ltmp3, $3  }
0x3b: {  	_ =	sdelay $0x1  }
0x3c: {  	s16 =	sadd.s32 $0x10, s16  }
0x3d: {  	vm1 =	vgt.s32 v0, $0x0;
	s15 =	sadd.s32 $0x10, s15;
	v2 =	vmov v0;
	(ifvalue) =	ssetifvalue $0x7FFFFFFF;
	v0 =	vld.msk [tilespmem:s16+$0x0 ss:$0x1], $0xffff  }
.Ltmp4:
0x3e: {  	_ = 	snop;
	(pc) =	sbr.rel .LBB2_4-.Ltmp4, $1  }
0x3f: {  	_ =	sdelay $0x3  }
.LBB2_6:
0x40: {  	_ =	sfence.sel $0x180000  }
0x41: {  	s2 =	simm.s32 $0x2;
	[bflag:$0x0] =	sbarrier.arrive $0xFFFF  }
0x42: {  	s30 =	simm.s32 $0x3;
	[sflag:s2] =	ssyncpa.u1 $0x1  }
0x43: {  	s31 =	simm.s32 $0x1;
	[sflag:s30] =	ssyncpa.u1 $0x1  }
0x44: {  	[sflag:s31] =	ssyncpa.u1 $0x1  }
0x45: {  	p0 =	sne.s32 s0, $0x0;
	_ =	strace $0x90000047  }
0x46: {  	s0 =	sadd.s32 @!p0 $0x100000, s1;
	[bflag:$0x2] =	sbarrier.arrive $0xFFFF  }
0x47: {  	[sflag:s0] =	ssyncadd.tile.s32 @!p0 $0x1;
	_ =	shalt  }
.Lfunc_end2:
_tile_overlayer_lowered:
.L_overlay_start_2:
0x48: {  	(tag) =	ssettag $0x2  }
0x49: {  	s0 =	rddreg [dreg:$0x0];
	s2 =	stileid.u32  }
0x4a: {  	s1 =	rddreg [dreg:$0x1];
	p0 =	sne.s32 s2, $0x0  }
0x4b: {  	s3 =	rddreg [dreg:$0x2];
	[bflag:$0x3] =	sbarrier.arrive $0xFFFF;
	s2 =	simm.s32 @!p0 $0x1C01  }
0x4c: {  	[timem:s3], [sflag:s2] =	dma.local @!p0 [hbm:s0], s1  }
0x4d: {  	s0 =	simm.s32 @!p0 $0x1  }
0x4e: {  	_ =	swait.ge @!p0 [sflag:s0], s1  }
0x4f: {  	s1 =	ssub.s32 @!p0 $0x0, s1;
	[sflag:s0] =	ssyncset.done @!p0 $0x0  }
0x50: {  	[sflag:s0] =	ssyncadd.s32 @!p0 s1  }
0x51: {  	[bflag:$0x3] =	sbarrier.arrive $0xFFFF  }
0x52: {  	_ =	shalt  }

// kernel: kernel.4.cloned.1.call-start
scs
__scs_entry_jumppad:
0x0: {  	(pc) =	sbr.rel $0x88, $3  }
0x1: {  	(tag) =	ssettag $0x0;
	lr =	simm.s32 $0x1  }
0x2: {  	[smem:$0x3F9F] =	sst lr;
	_ =	strace $0xD0000000  }
0x3: {  	_ = 	snop  }
0x4: {  	_ = 	snop  }
0x5: {  	_ = 	snop  }
0x6: {  	_ = 	snop  }
0x7: {  	_ = 	snop  }
__scs_overlays_trampoline_lowered:
0x8: {  	[smem:$0x3FAE] =	sst s0  }
0x9: {  	[smem:$0x3FAF] =	sst s1  }
0xa: {  	[smem:$0x3FB0] =	sst s2  }
0xb: {  	[smem:$0x3FB1] =	sst s3  }
0xc: {  	[smem:$0x3FB2] =	sst s4  }
0xd: {  	[smem:$0x3FB3] =	sst s5  }
0xe: {  	[smem:$0x3FB4] =	sst s6  }
0xf: {  	[smem:$0x3FB5] =	sst s7  }
0x10: {  	[smem:$0x3FB6] =	sst s8  }
0x11: {  	[smem:$0x3FB7] =	sst s9;
	s0 =	simm.s32 @!p0 $0x0  }
0x12: {  	s1 =	sld [smem:$0x3F9D];
	s0 =	simm.s32 @p0 $0x1  }
0x13: {  	[smem:$0x3FB8] =	sst s0;
	s0 =	simm.s32 @!p1 $0x0  }
0x14: {  	s2 =	sld [smem:$0x3F9C];
	s0 =	simm.s32 @p1 $0x1  }
0x15: {  	[smem:$0x3FB9] =	sst s0;
	s0 =	simm.s32 @!p2 $0x0  }
0x16: {  	s3 =	sld [smem:$0x3FDB];
	s0 =	simm.s32 @p2 $0x1  }
0x17: {  	s4 =	simm.s32 $0x1BF5;
	[smem:$0x3FBB] =	sst s0  }
0x18: {  	s0 =	sld [smem:$0x3F9E];
	_ =	swait.ge [sflag:s4], $0x0  }
0x19: {  	s7 =	sld [smem:$0x3F9F]  }
0x1a: {  	s8 =	sadd.s32 $0xFFFFE003, lr  }
0x1b: {  	s9 =	sadd.s32 $0xFFFFFEF7, lr;
	s5 =	simm.s32 $0xFFFFFFFF;
	p2 =	slt.u32 s8, $0xFFFFF086  }
0x1c: {  	p1 =	slt.u32 s9, $0xF7A;
	s5 =	simm.s32 @!p2 $0x0  }
0x1d: {  	s5 =	simm.s32 @p1 $0x1;
	p0 =	seq.s32 s7, s2  }
0x1e: {  	s7 =	smul.u32 @!p0 $0xF7A, s2;
	p2 =	seq.s32 @!p0 s5, $0x0  }
0x1f: {  	s9 =	smul.u32 $0xF7A, s1;
	s8 =	simm.s32 @!p0 $0x1BF5;
	p2 =	por !p2, p0  }
0x20: {  	[sflag:s8] =	ssyncset.s32 @!p0 $0xFFFFF086;
	s6 =	sadd.s32 @!p0 s3, s7;
	s7 =	simm.s32 @!p0 $0x108  }
0x21: {  	s3 =	sadd.s32 s3, s9;
	s6 =	sadd.s32 @!p0 $0x88, s6;
	s7 =	simm.s32 @p2 $0x1082  }
0x22: {  	[simem:s7], [sflag:s8] =	dma.local @!p0 [hbm:s6], $0xF7A  }
0x23: {  	s9 =	sor.u32 $0xD0000000, s2;
	s6 =	simm.s32 $0x108;
	_ =	swait.ge @!p0 [sflag:s8], $0x0  }
0x24: {  	s3 =	sadd.s32 $0x88, s3;
	s6 =	simm.s32 @!p1 $0x1082;
	[sflag:s4] =	ssyncset.s32 $0xFFFFF086  }
0x25: {  	[simem:s6], [sflag:s4] =	dma.local [hbm:s3], $0xF7A  }
0x26: {  	[smem:$0x3F9F] =	sst s1;
	(tag) =	ssettag s2;
	_ =	strace s9  }
0x27: {  	s1 =	sld [smem:$0x3FAF]  }
0x28: {  	s2 =	sld [smem:$0x3FB0]  }
0x29: {  	s4 =	sld [smem:$0x3FB2]  }
0x2a: {  	p0 =	seq.s32 s5, $0x0;
	s5 =	sld [smem:$0x3FB3]  }
0x2b: {  	s6 =	sld [smem:$0x3FB4]  }
0x2c: {  	s7 =	sld [smem:$0x3FB5]  }
0x2d: {  	s3 =	simm.s32 $0x108;
	s8 =	sld [smem:$0x3FB6]  }
0x2e: {  	s3 =	simm.s32 @!p0 $0x1082;
	s9 =	sld [smem:$0x3FB7]  }
0x2f: {  	lr =	sadd.s32 s0, s3;
	s0 =	sld [smem:$0x3FAE]  }
0x30: {  	s3 =	sld [smem:$0x3FB1]  }
0x31: {  	[smem:$0x3FBA] =	sst s10  }
0x32: {  	s10 =	sld [smem:$0x3FB8];
	_ =	sdelay $0x3  }
0x33: {  	p0 =	seq.s32 s10, $0x1;
	s10 =	sld [smem:$0x3FBA];
	_ =	sdelay $0x3  }
0x34: {  	[smem:$0x3FBA] =	sst s10  }
0x35: {  	s10 =	sld [smem:$0x3FB9];
	_ =	sdelay $0x3  }
0x36: {  	p1 =	seq.s32 s10, $0x1;
	s10 =	sld [smem:$0x3FBA];
	_ =	sdelay $0x3  }
0x37: {  	[smem:$0x3FBA] =	sst s10  }
0x38: {  	s10 =	sld [smem:$0x3FBB]  }
0x39: {  	_ = 	snop;
	(pc) =	sbr.ind lr, $3  }
0x3a: {  	_ = 	snop  }
0x3b: {  	_ = 	snop  }
0x3c: {  	p2 =	seq.s32 s10, $0x1;
	s10 =	sld [smem:$0x3FBA]  }
0x3d: {  	_ =	shalt  }
0x3e: {  	_ =	shalt  }
0x3f: {  	_ =	shalt  }
0x40: {  	_ =	shalt  }
0x41: {  	_ =	shalt  }
0x42: {  	_ =	shalt  }
0x43: {  	_ =	shalt  }
0x44: {  	_ =	shalt  }
0x45: {  	_ =	shalt  }
0x46: {  	_ =	shalt  }
0x47: {  	_ =	shalt  }
0x48: {  	_ =	shalt  }
0x49: {  	_ =	shalt  }
0x4a: {  	_ =	shalt  }
0x4b: {  	_ =	shalt  }
0x4c: {  	_ =	shalt  }
0x4d: {  	_ =	shalt  }
0x4e: {  	_ =	shalt  }
0x4f: {  	_ =	shalt  }
0x50: {  	_ =	shalt  }
0x51: {  	_ =	shalt  }
0x52: {  	_ =	shalt  }
0x53: {  	_ =	shalt  }
0x54: {  	_ =	shalt  }
0x55: {  	_ =	shalt  }
0x56: {  	_ =	shalt  }
0x57: {  	_ =	shalt  }
0x58: {  	_ =	shalt  }
0x59: {  	_ =	shalt  }
0x5a: {  	_ =	shalt  }
0x5b: {  	_ =	shalt  }
0x5c: {  	_ =	shalt  }
0x5d: {  	_ =	shalt  }
0x5e: {  	_ =	shalt  }
0x5f: {  	_ =	shalt  }
0x60: {  	_ =	shalt  }
0x61: {  	_ =	shalt  }
0x62: {  	_ =	shalt  }
0x63: {  	_ =	shalt  }
0x64: {  	_ =	shalt  }
0x65: {  	_ =	shalt  }
0x66: {  	_ =	shalt  }
0x67: {  	_ =	shalt  }
0x68: {  	_ =	shalt  }
0x69: {  	_ =	shalt  }
0x6a: {  	_ =	shalt  }
0x6b: {  	_ =	shalt  }
0x6c: {  	_ =	shalt  }
0x6d: {  	_ =	shalt  }
0x6e: {  	_ =	shalt  }
0x6f: {  	_ =	shalt  }
0x70: {  	_ =	shalt  }
0x71: {  	_ =	shalt  }
0x72: {  	_ =	shalt  }
0x73: {  	_ =	shalt  }
0x74: {  	_ =	shalt  }
0x75: {  	_ =	shalt  }
0x76: {  	_ =	shalt  }
0x77: {  	_ =	shalt  }
0x78: {  	_ =	shalt  }
0x79: {  	_ =	shalt  }
0x7a: {  	_ =	shalt  }
0x7b: {  	_ =	shalt  }
0x7c: {  	_ =	shalt  }
0x7d: {  	_ =	shalt  }
0x7e: {  	_ =	shalt  }
0x7f: {  	_ =	shalt  }
0x80: {  	_ =	shalt  }
0x81: {  	_ =	shalt  }
0x82: {  	_ =	shalt  }
0x83: {  	_ =	shalt  }
0x84: {  	_ =	shalt  }
0x85: {  	_ =	shalt  }
0x86: {  	_ =	shalt  }
0x87: {  	_ =	shalt  }
.Lfunc_end0:
.L_simem_size_0:
called_computation.7_lowered:
.L_overlay_start_0:
0x88: {  	s2 =	sld [smem:$0x3FD9]  }
0x89: {  	s3 =	sld [smem:$0x3FFE];
	_ =	sdelay $0x1  }
0x8a: {  	s1 =	srdreg.scid  }
0x8b: {  	s0 =	sand.u32 $0x1, s1  }
0x8c: {  	s14 =	sshll.u32 s0, $0xA;
	s2 =	sadd.s32 s3, s2  }
0x8d: {  	s2 =	sadd.s32 s2, s14  }
0x8e: {  	[smem:$0x3FC6] =	sst s2  }
0x8f: {  	_ = 	snop  }
0x90: {  	s2 =	sld [smem:$0x3FD0];
	_ =	sdelay $0x2  }
0x91: {  	s15 =	simm.s32 $0xD;
	s4 =	simm.s32 $0x10  }
0x92: {  	[smem:s4], [sflag:s15] =	dma.local [hbm:s2], $0x1  }
0x93: {  	_ =	swait.eq [sflag:s15], $0x1  }
0x94: {  	[sflag:s15] =	ssyncset.done $0x0  }
0x95: {  	s16 =	sld [smem:$0x10];
	[sflag:s15] =	ssyncadd.s32 $0xFFFFFFFF  }
0x96: {  	s17 =	sld [smem:$0x11];
	(tm) =	ssettm $0x1  }
0x97: {  	s18 =	sld [smem:$0x3FFB];
	_ =	sdelay $0x3  }
0x98: {  	_ =	strace s18  }
0x99: {  	s4 =	sld [smem:$0x3FFC];
	_ =	sdelay $0x3  }
0x9a: {  	_ =	strace s4  }
0x9b: {  	s4 =	sld [smem:$0x3FFD];
	_ =	sdelay $0x3  }
0x9c: {  	_ =	strace s4  }
0x9d: {  	_ =	strace $0x8FFFFFFF  }
0x9e: {  	s19 =	sld [smem:$0x3FDB];
	_ =	sdelay $0x1  }
0x9f: {  	s5 =	simm.s32 $_scs_section_size  }
0xa0: {  	s6 =	simm.s32 $_size__tile_overlayer_lowered;
	s7 =	simm.s32 $_tile_overlayer_lowered  }
0xa1: {  	s22 =	simm.s32 $0x1BFF;
	s21 =	sshll.u32 s7, $0x1;
	s4 =	sadd.s32 s5, s19  }
0xa2: {  	s8 =	simm.s32 $0x0;
	s20 =	sshll.u32 s6, $0x1;
	s6 =	sadd.s32 s21, s4  }
0xa3: {  	[timem:s8], [sflag:s22] =	dma.local [hbm:s6], s20  }
0xa4: {  	_ =	swait.ge [sflag:s22], s20  }
0xa5: {  	s5 =	ssub.s32 $0x0, s20;
	[sflag:s22] =	ssyncset.done $0x0  }
0xa6: {  	[sflag:s22] =	ssyncadd.s32 s5;
	_ =	sdelay $0x1  }
0xa7: {  	s23 =	simm.s32 $0x1B8B  }
0xa8: {  	_ =	swait.ge [sflag:s23], $0x1  }
0xa9: {  	[sflag:s23] =	ssyncset.done $0x0  }
0xaa: {  	s25 =	simm.s32 $0x1B8E;
	s24 =	sld [smem:$0x3FFE];
	[sflag:s23] =	ssyncadd.s32 $0xFFFFFFFF  }
0xab: {  	s26 =	simm.s32 $execute0_lowered;
	[smem:$0x3FD2] =	sst s25  }
0xac: {  	s6 =	sshll.u32 s26, $0x1;
	_ =	strace $0x8000005E;
	[dreg:$0x1] =	wrdreg $0xFFFFFFFF  }
0xad: {  	s28 =	simm.s32 $_size_execute0_lowered;
	s4 =	sadd.s32 s4, s6;
	[dreg:$0x0] =	wrdreg $0x0  }
0xae: {  	s6 =	sshll.u32 s28, $0x1;
	[dreg:$0x2] =	wrdreg s4  }
0xaf: {  	[dreg:$0x3] =	wrdreg s6  }
0xb0: {  	[dreg:$0x4] =	wrdreg $0xC0  }
0xb1: {  	_ =	task [dreg:s8], $0x5FFFF  }
0xb2: {  	[dreg:$0x1] =	wrdreg $0xFFFFFFFF  }
0xb3: {  	[dreg:$0x0] =	wrdreg $0x60  }
0xb4: {  	[dreg:$0x2] =	wrdreg s24  }
0xb5: {  	[dreg:$0x3] =	wrdreg s16  }
0xb6: {  	[dreg:$0x4] =	wrdreg s17  }
0xb7: {  	[dreg:$0x5] =	wrdreg $0x9  }
0xb8: {  	_ =	task.clear_ibuf [dreg:s8], $0x6FFFF;
	_ =	strace $0x9000005E  }
0xb9: {  	s29 =	simm.s32 $0x9;
	_ =	strace $0x80000060  }
0xba: {  	_ =	swait.ge [sflag:s29], $0x1  }
0xbb: {  	[sflag:s29] =	ssyncadd.s32 $0xFFFFFFFF  }
0xbc: {  	_ =	strace $0x90000060  }
0xbd: {  	_ =	sfence  }
0xbe: {  	s30 =	sld [smem:$0x0];
	_ =	sdelay $0x2  }
0xbf: {  	s31 =	sshll.u32 s1, $0xD;
	s1 =	sshrl.u32 s1, $0x2  }
0xc0: {  	s3 =	sand.u32 $0x4000, s31;
	s1 =	sadd.s32 s1, s30  }
0xc1: {  	s0 =	sor.u32 s3, s0;
	s1 =	sshll.u32 s1, $0x11  }
0xc2: {  	s0 =	sor.u32 s1, s0  }
0xc3: {  	s0 =	sadd.s32 $0x8F2B, s0  }
0xc4: {  	[sflag:s0] =	ssyncadd.remote.s32 $0x1  }
0xc5: {  	_ =	sfence.sel $0xFFFF  }
0xc6: {  	[dreg:$0x0] =	wrdreg $0xFFFFFFFF;
	(pc) =	sbr.abs _section_cstart, $3  }
0xc7: {  	[dreg:$0x1] =	wrdreg $0xFFFFFFFF  }
0xc8: {  	_ =	task.clear_ibuf [dreg:s8], $0x2FFFF;
	_ =	strace $0x9FFFFFFF  }
0xc9: {  	(tm) =	ssettm $0x7FFFFFFF  }
tec
execute0_lowered:
.L_overlay_start_1:
0x0: {  	(tag) =	ssettag $0x1  }
0x1: {  	v0 =	vlaneseq.u32  }
0x2: {  	v2 =	vimm.s32 $0x0;
	vm0 =	vcmask $0x300;
	v1 =	vmul.u32 $0x8, v0  }
0x3: {  	v2 =	vsel vm0, $0x3, v2;
	v3 =	vshrl.u32 v0, $0x2  }
0x4: {  	v4 =	vand.u32 $0x3, v0;
	v7 =	vor.u32 $0x4, v3;
	v5 =	vor.u32 $0x1, v1  }
0x5: {  	v6 =	vor.u32 $0x2, v1;
	v8 =	vor.u32 $0x80, v1;
	v9 =	vor.u32 $0x81, v1  }
0x6: {  	v10 =	vor.u32 $0x82, v1;
	v11 =	vor.u32 $0x100, v1;
	v12 =	vor.u32 $0x101, v1  }
0x7: {  	v13 =	vor.u32 $0x102, v1;
	v14 =	vor.u32 $0x180, v1;
	v15 =	vor.u32 $0x181, v1  }
0x8: {  	v16 =	vor.u32 $0x182, v1;
	v17 =	vor.u32 $0x200, v1;
	v18 =	vor.u32 $0x201, v1  }
0x9: {  	s0 =	rddreg [dreg:$0x0];
	s4 =	simm.s32 $0x0;
	v19 =	vor.u32 $0x202, v1;
	v20 =	vor.u32 $0x280, v1;
	v21 =	vor.u32 $0x281, v1  }
0xa: {  	s12 =	stileid.u32;
	s15 =	simm.s32 $0x400;
	s16 =	simm.s32 $0x800;
	v22 =	vor.u32 $0x282, v1;
	v23 =	vor.u32 $0x300, v1;
	v24 =	vor.u32 $0x301, v1  }
0xb: {  	s17 =	simm.s32 $0xC00;
	s19 =	simm.s32 $0x3000;
	s18 =	simm.s32 $0xB180;
	v25 =	vor.u32 $0x302, v1;
	v26 =	vor.u32 $0x380, v1;
	v27 =	vor.u32 $0x381, v1  }
0xc: {  	s21 =	simm.s32 $0xC100;
	s22 =	simm.s32 $0xB200;
	s23 =	simm.s32 $0xC500;
	v28 =	vor.u32 $0x382, v1;
	v29 =	vor.u32 $0x400, v1;
	v39 =	vor.u32 $0x581, v1  }
0xd: {  	[smem:$0x7FF] =	sst s4;
	s2 =	smul.u32 $0x500, s12;
	s5 =	sadd.s32 $0x37200, s0;
	v40 =	vor.u32 $0x582, v1;
	v41 =	vor.u32 $0x600, v1;
	v42 =	vor.u32 $0x601, v1  }
0xe: {  	s1 =	srdreg.scid;
	_ =	strace $0x8000005F;
	v43 =	vor.u32 $0x602, v1;
	v44 =	vor.u32 $0x680, v1;
	[tilespmem:$0x1FF60] =	vst v29;
	v29 =	vor.u32 $0x401, v1  }
0xf: {  	s14 =	simm.s32 $0x2;
	s20 =	simm.s32 $0x80;
	s6 =	sadd.s32 $0x19C0200, s0;
	v45 =	vor.u32 $0x681, v1;
	v46 =	vor.u32 $0x682, v1;
	[tilespmem:$0x1FF70] =	vst v29;
	v29 =	vor.u32 $0x402, v1  }
0x10: {  	s31 =	simm.s32 $0x1;
	s1 =	sand.u32 $0x1, s1;
	s8 =	sadd.s32 $0x1A21E00, s0;
	v47 =	vor.u32 $0x700, v1;
	v48 =	vor.u32 $0x701, v1;
	[tilespmem:$0x1FF80] =	vst v29;
	v29 =	vor.u32 $0x480, v1  }
0x11: {  	s7 =	sadd.s32 $0x328C000, s0;
	s3 =	smul.u32 $0x280, s1;
	s10 =	ssub.s32 $0x2, s1;
	v49 =	vor.u32 $0x702, v1;
	v50 =	vor.u32 $0x780, v1;
	[tilespmem:$0x1FF90] =	vst v29;
	v29 =	vor.u32 $0x481, v1  }
0x12: {  	s28 =	sshll.u32 s12, $0x1;
	s12 =	simm.s32 $0x0;
	s11 =	sshrl.u32 s10, $0x1;
	v51 =	vor.u32 $0x781, v1;
	v52 =	vor.u32 $0x782, v1;
	[tilespmem:$0x1FFA0] =	vst v29;
	v29 =	vor.u32 $0x482, v1  }
.Ltmp0:
0x13: {  	v53 =	vor.u32 $0x800, v1;
	v54 =	vor.u32 $0x801, v1;
	s9 =	sadd.s32 s3, s2;
	s26 =	ssub.s32 s10, s11;
	[tilespmem:$0x1FFB0] =	vst v29;
	v29 =	vor.u32 $0x500, v1;
	(pc) =	sbr.rel .LBB2_1-.Ltmp0, $4  }
0x14: {  	v55 =	vor.u32 $0x802, v1;
	v56 =	vor.u32 $0x880, v1;
	s10 =	sor.u32 s1, s28;
	s29 =	sshrl.u32 s9, $0x3;
	s30 =	smax.u32 s26, $0x1;
	[tilespmem:$0x1FFC0] =	vst v29;
	v29 =	vor.u32 $0x501, v1  }
0x15: {  	v57 =	vor.u32 $0x881, v1;
	v58 =	vor.u32 $0x882, v1;
	s11 =	simm.s32 $0xB500;
	[dreg:$0x4] =	wrdreg s30;
	s0 =	sadd.s32 s29, s0;
	[tilespmem:$0x1FFD0] =	vst v29;
	v29 =	vor.u32 $0x502, v1  }
0x16: {  	v59 =	vor.u32 $0x900, v1;
	v60 =	vor.u32 $0x901, v1;
	s1 =	simm.s32 $0xB100;
	[dreg:$0x5] =	wrdreg s0;
	s0 =	sadd.s32 $0xC400, s0;
	[tilespmem:$0x1FFE0] =	vst v29;
	v29 =	vor.u32 $0x580, v1  }
0x17: {  	v61 =	vor.u32 $0x902, v1;
	v62 =	vor.u32 $0x980, v1;
	v63 =	vor.u32 $0x981, v1;
	s3 =	simm.s32 $0xBD00;
	[dreg:$0x6] =	wrdreg s0;
	s0 =	simm.s32 $0xB000;
	[tilespmem:$0x1FFF0] =	vst v29  }
.LBB2_11:
0x18: {  	s12 =	rddreg [dreg:$0x7]  }
0x19: {  	s2 =	rddreg [dreg:$0x4];
	s12 =	sadd.s32 $0x1, s12  }
0x1a: {  	p0 =	sne.s32 s12, s2  }
.Ltmp1:
0x1b: {  	_ = 	snop;
	(pc) =	sbr.rel @!p0 .LBB2_12-.Ltmp1, $1  }
0x1c: {  	_ =	sdelay $0x3  }
.LBB2_1:
.Ltmp2:
0x1d: {  	(pc) =	sbr.rel .LBB2_2-.Ltmp2, $2  }
0x1e: {  	_ =	sdelay $0x2  }
0x1f: {  	[dreg:$0x7] =	wrdreg s12;
	s24 =	simm.s32 $0x0  }
.LBB2_6:
0x20: {  	s24 =	sadd.s32 $0x1, s24  }
0x21: {  	p0 =	sne.s32 s24, $0x62  }
.Ltmp3:
0x22: {  	_ = 	snop;
	(pc) =	sbr.rel @!p0 .LBB2_7-.Ltmp3, $1  }
0x23: {  	_ =	sdelay $0x3  }
.LBB2_2:
0x24: {  	s2 =	sshll.u32 s24, $0x5  }
0x25: {  	s2 =	sor.u32 s10, s2  }
0x26: {  	p0 =	sgt.u32 s2, $0xC34  }
.Ltmp4:
0x27: {  	_ = 	snop;
	(pc) =	sbr.rel @p0 .LBB2_6-.Ltmp4, $1  }
0x28: {  	_ =	sdelay $0x3  }
0x29: {  	s12 =	sshll.u32 s2, $0x7  }
0x2a: {  	s25 =	simm.s32 $0x0;
	s13 =	sadd.s32 s5, s12  }
0x2b: {  	[tilespmem:s25], [sflag:$0x2] =	stream.linear.gather [hbm4b:s13+s25], $0x400, $0x38;
	[tilespmem:$0xC900] =	vst v63  }
0x2c: {  	_ =	swait.ge [sflag:s14], $0x400  }
0x2d: {  	[sflag:s14] =	ssyncset.done $0x0  }
0x2e: {  	[sflag:s14] =	ssyncadd.s32 $0xFFFFFC00  }
0x2f: {  	s26 =	rddreg [dreg:$0x1]  }
0x30: {  	s13 =	sadd.s32 s26, s12  }
0x31: {  	[tilespmem:s15], [sflag:$0x2] =	stream.linear.gather [hbm4b:s13+s25], $0x400, $0x38;
	[tilespmem:$0xC900] =	vst v63  }
0x32: {  	_ =	swait.ge [sflag:s14], $0x400  }
0x33: {  	[sflag:s14] =	ssyncset.done $0x0  }
0x34: {  	s26 =	sadd.s32 s6, s12;
	[sflag:s14] =	ssyncadd.s32 $0xFFFFFC00  }
0x35: {  	[tilespmem:s16], [sflag:$0x2] =	stream.linear.gather [hbm4b:s26+s25], $0x400, $0x38;
	[tilespmem:$0xC900] =	vst v63  }
0x36: {  	_ =	swait.ge [sflag:s14], $0x400  }
0x37: {  	[sflag:s14] =	ssyncset.done $0x0  }
0x38: {  	s12 =	sadd.s32 s7, s12;
	s26 =	simm.s32 $0x0;
	[sflag:s14] =	ssyncadd.s32 $0xFFFFFC00  }
0x39: {  	v29 =	vmov s26;
	[tilespmem:s17], [sflag:$0x2] =	stream.linear.gather [hbm4b:s12+s25], $0x400, $0x38;
	[tilespmem:$0xC900] =	vst v63  }
0x3a: {  	v29 =	vshrl.u32 v29, $0x3;
	_ =	swait.ge [sflag:s14], $0x400  }
0x3b: {  	v29 =	vshll.u32 v29, v2;
	[sflag:s14] =	ssyncset.done $0x0  }
0x3c: {  	v29 =	vbroadcast v29, $0x0;
	[sflag:s14] =	ssyncadd.s32 $0xFFFFFC00  }
0x3d: {  	s12 =	sshll.u32 s2, $0x9;
	s13 =	rddreg [dreg:$0x2]  }
0x3e: {  	s26 =	simm.s32 $0x1000;
	v30 =	vor.u32 v3, v29;
	s2 =	sadd.s32 s13, s12  }
0x3f: {  	[tilespmem:s26], [sflag:$0x2] =	stream.linear.gather [hbm4b:s2+s25], $0x1000, $0x38;
	[tilespmem:$0xC900] =	vst v63  }
0x40: {  	_ =	swait.ge [sflag:s14], $0x1000  }
0x41: {  	[sflag:s14] =	ssyncset.done $0x0  }
0x42: {  	[sflag:s14] =	ssyncadd.s32 $0xFFFFF000  }
0x43: {  	v31 =	vld.idx.msk [tilespmem:v30+s15+$0x0], $0xffff  }
0x44: {  	v32 =	vld.idx.msk [tilespmem:v30+s16+$0x0], $0xffff  }
0x45: {  	v33 =	vld.idx.msk [tilespmem:v30+s4+$0x0], $0xffff  }
0x46: {  	s2 =	simm.s32 $0x0;
	v30 =	vld.idx.msk [tilespmem:v30+s17+$0x0], $0xffff  }
0x47: {  	v34 =	vor.u32 s2, v1  }
0x48: {  	s13 =	simm.s32 $0x1040;
	v35 =	vor.u32 s2, v5;
	v31 =	vmul.u32 v4, v31  }
0x49: {  	v37 =	vor.u32 s2, v6;
	v36 =	vld [tilespmem:s13+$0xFFFFFFC0]  }
0x4a: {  	v29 =	vor.u32 v7, v29;
	s26 =	simm.s32 $0x2040;
	v32 =	vshll.u32 v32, $0x2;
	v31 =	vadd.s32 v33, v31  }
0x4b: {  	v30 =	vshll.u32 v30, $0x2;
	[tilespmem:s26+$0xFFFFFFC0] =	vst v31;
	v31 =	vor.u32 v4, v32  }
0x4c: {  	v30 =	vor.u32 v4, v30;
	[tilespmem:v34+s19+$0x0] =	vst.idx.msk $0xffff, v31  }
0x4d: {  	[tilespmem:v35+s19+$0x0] =	vst.idx.msk $0xffff, v30  }
0x4e: {  	[tilespmem:v37+s19+$0x0] =	vst.idx.msk $0xffff, v36  }
0x4f: {  	v30 =	vld.idx.msk [tilespmem:v29+s15+$0x0], $0xffff  }
0x50: {  	s12 =	simm.s32 $0x8;
	v31 =	vld.idx.msk [tilespmem:v29+s16+$0x0], $0xffff  }
0x51: {  	v37 =	vmov s12;
	v32 =	vld.idx.msk [tilespmem:v29+s4+$0x0], $0xffff  }
0x52: {  	v29 =	vld.idx.msk [tilespmem:v29+s17+$0x0], $0xffff;
	v33 =	vshrl.u32 v37, $0x3  }
0x53: {  	v34 =	vor.u32 s2, v8;
	v33 =	vshll.u32 v33, v2  }
0x54: {  	v35 =	vor.u32 s2, v9;
	v33 =	vbroadcast v33, $0x0;
	v30 =	vmul.u32 v4, v30  }
0x55: {  	v36 =	vld [tilespmem:s13+$0xFFFFFFD0];
	v37 =	vor.u32 s2, v10  }
0x56: {  	v38 =	vor.u32 v3, v33;
	v31 =	vshll.u32 v31, $0x2;
	v30 =	vadd.s32 v32, v30  }
0x57: {  	v29 =	vshll.u32 v29, $0x2;
	[tilespmem:s26+$0xFFFFFFD0] =	vst v30;
	v30 =	vor.u32 v4, v31  }
0x58: {  	v29 =	vor.u32 v4, v29;
	[tilespmem:v34+s19+$0x0] =	vst.idx.msk $0xffff, v30  }
0x59: {  	[tilespmem:v35+s19+$0x0] =	vst.idx.msk $0xffff, v29  }
0x5a: {  	[tilespmem:v37+s19+$0x0] =	vst.idx.msk $0xffff, v36  }
0x5b: {  	v29 =	vld.idx.msk [tilespmem:v38+s15+$0x0], $0xffff  }
0x5c: {  	s12 =	simm.s32 $0xC;
	v30 =	vld.idx.msk [tilespmem:v38+s16+$0x0], $0xffff  }
0x5d: {  	v36 =	vmov s12;
	v31 =	vld.idx.msk [tilespmem:v38+s4+$0x0], $0xffff  }
0x5e: {  	v32 =	vld.idx.msk [tilespmem:v38+s17+$0x0], $0xffff;
	v33 =	vshrl.u32 v36, $0x3  }
0x5f: {  	v34 =	vor.u32 s2, v11;
	v33 =	vshll.u32 v33, v2  }
0x60: {  	v35 =	vor.u32 s2, v12;
	v33 =	vbroadcast v33, $0x0;
	v29 =	vmul.u32 v4, v29  }
0x61: {  	v37 =	vor.u32 s2, v13;
	v36 =	vld [tilespmem:s13+$0xFFFFFFE0]  }
0x62: {  	v30 =	vshll.u32 v30, $0x2;
	v29 =	vadd.s32 v31, v29;
	v31 =	vor.u32 v7, v33  }
0x63: {  	[tilespmem:s26+$0xFFFFFFE0] =	vst v29;
	v29 =	vor.u32 v4, v30;
	v30 =	vshll.u32 v32, $0x2  }
0x64: {  	[tilespmem:v34+s19+$0x0] =	vst.idx.msk $0xffff, v29;
	v29 =	vor.u32 v4, v30  }
0x65: {  	[tilespmem:v35+s19+$0x0] =	vst.idx.msk $0xffff, v29  }
0x66: {  	[tilespmem:v37+s19+$0x0] =	vst.idx.msk $0xffff, v36  }
0x67: {  	v29 =	vld.idx.msk [tilespmem:v31+s15+$0x0], $0xffff  }
0x68: {  	s12 =	simm.s32 $0x10;
	v30 =	vld.idx.msk [tilespmem:v31+s16+$0x0], $0xffff  }
0x69: {  	v37 =	vmov s12;
	v32 =	vld.idx.msk [tilespmem:v31+s4+$0x0], $0xffff  }
0x6a: {  	v31 =	vld.idx.msk [tilespmem:v31+s17+$0x0], $0xffff;
	v33 =	vshrl.u32 v37, $0x3  }
0x6b: {  	v34 =	vor.u32 s2, v14;
	v33 =	vshll.u32 v33, v2  }
0x6c: {  	v35 =	vor.u32 s2, v15;
	v33 =	vbroadcast v33, $0x0;
	v29 =	vmul.u32 v4, v29  }
0x6d: {  	v36 =	vld [tilespmem:s13+$0xFFFFFFF0];
	v37 =	vor.u32 s2, v16  }
0x6e: {  	v38 =	vor.u32 v3, v33;
	v30 =	vshll.u32 v30, $0x2;
	v29 =	vadd.s32 v32, v29  }
0x6f: {  	[tilespmem:s26+$0xFFFFFFF0] =	vst v29;
	v29 =	vor.u32 v4, v30;
	v30 =	vshll.u32 v31, $0x2  }
0x70: {  	[tilespmem:v34+s19+$0x0] =	vst.idx.msk $0xffff, v29;
	v29 =	vor.u32 v4, v30  }
0x71: {  	[tilespmem:v35+s19+$0x0] =	vst.idx.msk $0xffff, v29  }
0x72: {  	[tilespmem:v37+s19+$0x0] =	vst.idx.msk $0xffff, v36  }
0x73: {  	v29 =	vld.idx.msk [tilespmem:v38+s15+$0x0], $0xffff  }
0x74: {  	s12 =	simm.s32 $0x14;
	v30 =	vld.idx.msk [tilespmem:v38+s16+$0x0], $0xffff  }
0x75: {  	v36 =	vmov s12;
	v31 =	vld.idx.msk [tilespmem:v38+s4+$0x0], $0xffff  }
0x76: {  	v32 =	vld.idx.msk [tilespmem:v38+s17+$0x0], $0xffff;
	v33 =	vshrl.u32 v36, $0x3  }
0x77: {  	v34 =	vor.u32 s2, v17;
	v33 =	vshll.u32 v33, v2  }
0x78: {  	v35 =	vor.u32 s2, v18;
	v33 =	vbroadcast v33, $0x0;
	v29 =	vmul.u32 v4, v29  }
0x79: {  	v37 =	vor.u32 s2, v19;
	v36 =	vld [tilespmem:s13+$0x0]  }
0x7a: {  	v30 =	vshll.u32 v30, $0x2;
	v29 =	vadd.s32 v31, v29;
	v31 =	vor.u32 v7, v33  }
0x7b: {  	[tilespmem:s26+$0x0] =	vst v29;
	v29 =	vor.u32 v4, v30;
	v30 =	vshll.u32 v32, $0x2  }
0x7c: {  	[tilespmem:v34+s19+$0x0] =	vst.idx.msk $0xffff, v29;
	v29 =	vor.u32 v4, v30  }
0x7d: {  	[tilespmem:v35+s19+$0x0] =	vst.idx.msk $0xffff, v29  }
0x7e: {  	[tilespmem:v37+s19+$0x0] =	vst.idx.msk $0xffff, v36  }
0x7f: {  	v29 =	vld.idx.msk [tilespmem:v31+s15+$0x0], $0xffff  }
0x80: {  	s12 =	simm.s32 $0x18;
	v30 =	vld.idx.msk [tilespmem:v31+s4+$0x0], $0xffff  }
0x81: {  	v37 =	vmov s12;
	v32 =	vld.idx.msk [tilespmem:v31+s16+$0x0], $0xffff  }
0x82: {  	v31 =	vld.idx.msk [tilespmem:v31+s17+$0x0], $0xffff;
	v33 =	vshrl.u32 v37, $0x3  }
0x83: {  	v34 =	vor.u32 s2, v20;
	v33 =	vshll.u32 v33, v2  }
0x84: {  	v35 =	vor.u32 s2, v21;
	v33 =	vbroadcast v33, $0x0;
	v29 =	vmul.u32 v4, v29  }
0x85: {  	v36 =	vld [tilespmem:s13+$0x10];
	v37 =	vor.u32 s2, v22  }
0x86: {  	v38 =	vor.u32 v3, v33;
	v29 =	vadd.s32 v30, v29;
	v30 =	vshll.u32 v32, $0x2  }
0x87: {  	[tilespmem:s26+$0x10] =	vst v29;
	v29 =	vor.u32 v4, v30;
	v30 =	vshll.u32 v31, $0x2  }
0x88: {  	[tilespmem:v34+s19+$0x0] =	vst.idx.msk $0xffff, v29;
	v29 =	vor.u32 v4, v30  }
0x89: {  	[tilespmem:v35+s19+$0x0] =	vst.idx.msk $0xffff, v29  }
0x8a: {  	[tilespmem:v37+s19+$0x0] =	vst.idx.msk $0xffff, v36  }
0x8b: {  	v29 =	vld.idx.msk [tilespmem:v38+s15+$0x0], $0xffff  }
0x8c: {  	s12 =	simm.s32 $0x1C;
	v30 =	vld.idx.msk [tilespmem:v38+s4+$0x0], $0xffff  }
0x8d: {  	v36 =	vmov s12;
	v31 =	vld.idx.msk [tilespmem:v38+s16+$0x0], $0xffff  }
0x8e: {  	v32 =	vld.idx.msk [tilespmem:v38+s17+$0x0], $0xffff;
	v33 =	vshrl.u32 v36, $0x3  }
0x8f: {  	v34 =	vor.u32 s2, v23;
	v33 =	vshll.u32 v33, v2  }
0x90: {  	v35 =	vor.u32 s2, v24;
	v33 =	vbroadcast v33, $0x0;
	v29 =	vmul.u32 v4, v29  }
0x91: {  	v37 =	vor.u32 s2, v25;
	v36 =	vld [tilespmem:s13+$0x20]  }
0x92: {  	v29 =	vadd.s32 v30, v29;
	v30 =	vshll.u32 v31, $0x2;
	v31 =	vor.u32 v7, v33  }
0x93: {  	[tilespmem:s26+$0x20] =	vst v29;
	v29 =	vor.u32 v4, v30;
	v30 =	vshll.u32 v32, $0x2  }
0x94: {  	[tilespmem:v34+s19+$0x0] =	vst.idx.msk $0xffff, v29;
	v29 =	vor.u32 v4, v30  }
0x95: {  	[tilespmem:v35+s19+$0x0] =	vst.idx.msk $0xffff, v29  }
0x96: {  	[tilespmem:v37+s19+$0x0] =	vst.idx.msk $0xffff, v36  }
0x97: {  	v29 =	vld.idx.msk [tilespmem:v31+s15+$0x0], $0xffff  }
0x98: {  	v32 =	vld.idx.msk [tilespmem:v31+s4+$0x0], $0xffff  }
0x99: {  	v33 =	vld.idx.msk [tilespmem:v31+s16+$0x0], $0xffff  }
0x9a: {  	s12 =	simm.s32 $0x20;
	v31 =	vld.idx.msk [tilespmem:v31+s17+$0x0], $0xffff  }
0x9b: {  	v30 =	vmov s12  }
0x9c: {  	v34 =	vor.u32 s2, v26;
	v36 =	vshrl.u32 v30, $0x3;
	v29 =	vmul.u32 v4, v29  }
0x9d: {  	v35 =	vor.u32 s2, v27;
	v36 =	vshll.u32 v36, v2  }
0x9e: {  	v32 =	vadd.s32 v32, v29;
	v29 =	vbroadcast v36, $0x0  }
0x9f: {  	v30 =	vld [tilespmem:s13+$0x30];
	v33 =	vshll.u32 v33, $0x2;
	v31 =	vshll.u32 v31, $0x2;
	[tilespmem:s26+$0x30] =	vst v32;
	v32 =	vor.u32 s2, v28  }
0xa0: {  	v37 =	vor.u32 v4, v33;
	v38 =	vor.u32 v4, v31;
	v31 =	vor.u32 v3, v29  }
0xa1: {  	[tilespmem:v34+s19+$0x0] =	vst.idx.msk $0xffff, v37  }
0xa2: {  	s29 =	simm.s32 $0x3C;
	s30 =	simm.s32 $0x5C;
	s28 =	simm.s32 $0x10C0;
	[tilespmem:v35+s19+$0x0] =	vst.idx.msk $0xffff, v38  }
.LBB2_4:
0xa3: {  	s25 =	sadd.s32 $0x1, s25  }
0xa4: {  	[tilespmem:v32+s19+$0x0] =	vst.idx.msk $0xffff, v30;
	s26 =	sadd.s32 $0x80, s26;
	s13 =	smov.u32 s30;
	s12 =	sadd.s32 $0x20, s30  }
0xa5: {  	p0 =	sne.s32 s30, $0x3FC;
	v30 =	vld.idx.msk [tilespmem:v31+s15+$0x0], $0xffff  }
0xa6: {  	v32 =	vld.idx.msk [tilespmem:v31+s16+$0x0], $0xffff  }
0xa7: {  	v33 =	vld.idx.msk [tilespmem:v31+s4+$0x0], $0xffff  }
0xa8: {  	v31 =	vld.idx.msk [tilespmem:v31+s17+$0x0], $0xffff  }
0xa9: {  	s2 =	sshll.u32 s25, $0xA  }
0xaa: {  	v34 =	vor.u32 s2, v1  }
0xab: {  	v35 =	vor.u32 s2, v5;
	v30 =	vmul.u32 v4, v30  }
0xac: {  	v37 =	vor.u32 s2, v6;
	v32 =	vshll.u32 v32, $0x2;
	v36 =	vld [tilespmem:s28+$0xFFFFFFC0]  }
0xad: {  	v29 =	vor.u32 v7, v29;
	v30 =	vadd.s32 v33, v30  }
0xae: {  	v31 =	vshll.u32 v31, $0x2;
	[tilespmem:s26+$0xFFFFFFC0] =	vst v30;
	v30 =	vor.u32 v4, v32  }
0xaf: {  	[tilespmem:v34+s19+$0x0] =	vst.idx.msk $0xffff, v30;
	v30 =	vor.u32 v4, v31  }
0xb0: {  	[tilespmem:v35+s19+$0x0] =	vst.idx.msk $0xffff, v30  }
0xb1: {  	[tilespmem:v37+s19+$0x0] =	vst.idx.msk $0xffff, v36  }
0xb2: {  	v30 =	vld.idx.msk [tilespmem:v29+s15+$0x0], $0xffff  }
0xb3: {  	v31 =	vld.idx.msk [tilespmem:v29+s16+$0x0], $0xffff  }
0xb4: {  	s30 =	sadd.s32 $0xFFFFFFEC, s29;
	v32 =	vld.idx.msk [tilespmem:v29+s4+$0x0], $0xffff  }
0xb5: {  	v33 =	vmov s30;
	v29 =	vld.idx.msk [tilespmem:v29+s17+$0x0], $0xffff  }
0xb6: {  	v33 =	vshrl.u32 v33, $0x3  }
0xb7: {  	v33 =	vshll.u32 v33, v2;
	v34 =	vor.u32 s2, v8  }
0xb8: {  	v33 =	vbroadcast v33, $0x0;
	v35 =	vor.u32 s2, v9;
	v30 =	vmul.u32 v4, v30  }
0xb9: {  	v37 =	vor.u32 s2, v10;
	v31 =	vshll.u32 v31, $0x2;
	v36 =	vld [tilespmem:s28+$0xFFFFFFD0]  }
0xba: {  	v30 =	vadd.s32 v32, v30;
	v32 =	vor.u32 v3, v33  }
0xbb: {  	v29 =	vshll.u32 v29, $0x2;
	[tilespmem:s26+$0xFFFFFFD0] =	vst v30;
	v30 =	vor.u32 v4, v31  }
0xbc: {  	v29 =	vor.u32 v4, v29;
	[tilespmem:v34+s19+$0x0] =	vst.idx.msk $0xffff, v30  }
0xbd: {  	[tilespmem:v35+s19+$0x0] =	vst.idx.msk $0xffff, v29  }
0xbe: {  	[tilespmem:v37+s19+$0x0] =	vst.idx.msk $0xffff, v36  }
0xbf: {  	v29 =	vld.idx.msk [tilespmem:v32+s15+$0x0], $0xffff  }
0xc0: {  	v30 =	vld.idx.msk [tilespmem:v32+s16+$0x0], $0xffff  }
0xc1: {  	s30 =	sadd.s32 $0xFFFFFFF0, s29;
	v31 =	vld.idx.msk [tilespmem:v32+s4+$0x0], $0xffff  }
0xc2: {  	v33 =	vmov s30;
	v32 =	vld.idx.msk [tilespmem:v32+s17+$0x0], $0xffff  }
0xc3: {  	v33 =	vshrl.u32 v33, $0x3  }
0xc4: {  	v33 =	vshll.u32 v33, v2;
	v34 =	vor.u32 s2, v11  }
0xc5: {  	v33 =	vbroadcast v33, $0x0;
	v35 =	vor.u32 s2, v12;
	v29 =	vmul.u32 v4, v29  }
0xc6: {  	v37 =	vor.u32 s2, v13;
	v30 =	vshll.u32 v30, $0x2;
	v36 =	vld [tilespmem:s28+$0xFFFFFFE0]  }
0xc7: {  	v29 =	vadd.s32 v31, v29;
	v31 =	vor.u32 v7, v33  }
0xc8: {  	[tilespmem:s26+$0xFFFFFFE0] =	vst v29;
	v29 =	vor.u32 v4, v30;
	v30 =	vshll.u32 v32, $0x2  }
0xc9: {  	[tilespmem:v34+s19+$0x0] =	vst.idx.msk $0xffff, v29;
	v29 =	vor.u32 v4, v30  }
0xca: {  	[tilespmem:v35+s19+$0x0] =	vst.idx.msk $0xffff, v29  }
0xcb: {  	[tilespmem:v37+s19+$0x0] =	vst.idx.msk $0xffff, v36  }
0xcc: {  	v29 =	vld.idx.msk [tilespmem:v31+s15+$0x0], $0xffff  }
0xcd: {  	v30 =	vld.idx.msk [tilespmem:v31+s16+$0x0], $0xffff  }
0xce: {  	s30 =	sadd.s32 $0xFFFFFFF4, s29;
	v32 =	vld.idx.msk [tilespmem:v31+s4+$0x0], $0xffff  }
0xcf: {  	v33 =	vmov s30;
	v31 =	vld.idx.msk [tilespmem:v31+s17+$0x0], $0xffff  }
0xd0: {  	v33 =	vshrl.u32 v33, $0x3  }
0xd1: {  	v33 =	vshll.u32 v33, v2;
	v34 =	vor.u32 s2, v14  }
0xd2: {  	v33 =	vbroadcast v33, $0x0;
	v35 =	vor.u32 s2, v15;
	v29 =	vmul.u32 v4, v29  }
0xd3: {  	v37 =	vor.u32 s2, v16;
	v30 =	vshll.u32 v30, $0x2;
	v36 =	vld [tilespmem:s28+$0xFFFFFFF0]  }
0xd4: {  	v29 =	vadd.s32 v32, v29;
	v32 =	vor.u32 v3, v33  }
0xd5: {  	[tilespmem:s26+$0xFFFFFFF0] =	vst v29;
	v29 =	vor.u32 v4, v30;
	v30 =	vshll.u32 v31, $0x2  }
0xd6: {  	[tilespmem:v34+s19+$0x0] =	vst.idx.msk $0xffff, v29;
	v29 =	vor.u32 v4, v30  }
0xd7: {  	[tilespmem:v35+s19+$0x0] =	vst.idx.msk $0xffff, v29  }
0xd8: {  	[tilespmem:v37+s19+$0x0] =	vst.idx.msk $0xffff, v36  }
0xd9: {  	v29 =	vld.idx.msk [tilespmem:v32+s15+$0x0], $0xffff  }
0xda: {  	v30 =	vld.idx.msk [tilespmem:v32+s16+$0x0], $0xffff  }
0xdb: {  	s30 =	sadd.s32 $0xFFFFFFF8, s29;
	v31 =	vld.idx.msk [tilespmem:v32+s4+$0x0], $0xffff  }
0xdc: {  	v33 =	vmov s30;
	v32 =	vld.idx.msk [tilespmem:v32+s17+$0x0], $0xffff  }
0xdd: {  	v33 =	vshrl.u32 v33, $0x3  }
0xde: {  	v33 =	vshll.u32 v33, v2;
	v34 =	vor.u32 s2, v17  }
0xdf: {  	v33 =	vbroadcast v33, $0x0;
	v35 =	vor.u32 s2, v18;
	v29 =	vmul.u32 v4, v29  }
0xe0: {  	v37 =	vor.u32 s2, v19;
	v30 =	vshll.u32 v30, $0x2;
	v36 =	vld [tilespmem:s28+$0x0]  }
0xe1: {  	v29 =	vadd.s32 v31, v29;
	v31 =	vor.u32 v7, v33  }
0xe2: {  	[tilespmem:s26+$0x0] =	vst v29;
	v29 =	vor.u32 v4, v30;
	v30 =	vshll.u32 v32, $0x2  }
0xe3: {  	[tilespmem:v34+s19+$0x0] =	vst.idx.msk $0xffff, v29;
	v29 =	vor.u32 v4, v30  }
0xe4: {  	[tilespmem:v35+s19+$0x0] =	vst.idx.msk $0xffff, v29  }
0xe5: {  	[tilespmem:v37+s19+$0x0] =	vst.idx.msk $0xffff, v36  }
0xe6: {  	v29 =	vld.idx.msk [tilespmem:v31+s15+$0x0], $0xffff  }
0xe7: {  	v30 =	vld.idx.msk [tilespmem:v31+s4+$0x0], $0xffff  }
0xe8: {  	s30 =	sadd.s32 $0xFFFFFFFC, s29;
	v32 =	vld.idx.msk [tilespmem:v31+s16+$0x0], $0xffff  }
0xe9: {  	v33 =	vmov s30;
	v31 =	vld.idx.msk [tilespmem:v31+s17+$0x0], $0xffff  }
0xea: {  	v33 =	vshrl.u32 v33, $0x3;
	v34 =	vld [tilespmem:s28+$0x10]  }
0xeb: {  	v33 =	vshll.u32 v33, v2;
	v35 =	vor.u32 s2, v20  }
0xec: {  	v33 =	vbroadcast v33, $0x0;
	v36 =	vor.u32 s2, v21;
	v29 =	vmul.u32 v4, v29  }
0xed: {  	v37 =	vor.u32 s2, v22  }
0xee: {  	v29 =	vadd.s32 v30, v29;
	v30 =	vshll.u32 v32, $0x2;
	v32 =	vor.u32 v3, v33  }
0xef: {  	[tilespmem:s26+$0x10] =	vst v29;
	v29 =	vor.u32 v4, v30;
	v30 =	vshll.u32 v31, $0x2  }
0xf0: {  	[tilespmem:v35+s19+$0x0] =	vst.idx.msk $0xffff, v29;
	v29 =	vor.u32 v4, v30  }
0xf1: {  	[tilespmem:v36+s19+$0x0] =	vst.idx.msk $0xffff, v29  }
0xf2: {  	[tilespmem:v37+s19+$0x0] =	vst.idx.msk $0xffff, v34  }
0xf3: {  	v29 =	vld.idx.msk [tilespmem:v32+s15+$0x0], $0xffff  }
0xf4: {  	v30 =	vld.idx.msk [tilespmem:v32+s4+$0x0], $0xffff  }
0xf5: {  	v31 =	vld.idx.msk [tilespmem:v32+s16+$0x0], $0xffff  }
0xf6: {  	v33 =	vmov s29;
	s29 =	smov.u32 s13;
	v32 =	vld.idx.msk [tilespmem:v32+s17+$0x0], $0xffff  }
0xf7: {  	v33 =	vshrl.u32 v33, $0x3;
	v34 =	vld [tilespmem:s28+$0x20]  }
0xf8: {  	v33 =	vshll.u32 v33, v2;
	v35 =	vor.u32 s2, v23  }
0xf9: {  	v33 =	vbroadcast v33, $0x0;
	v36 =	vor.u32 s2, v24;
	v29 =	vmul.u32 v4, v29  }
0xfa: {  	v37 =	vor.u32 s2, v25  }
0xfb: {  	v29 =	vadd.s32 v30, v29;
	v30 =	vshll.u32 v31, $0x2;
	v31 =	vor.u32 v7, v33  }
0xfc: {  	[tilespmem:s26+$0x20] =	vst v29;
	v29 =	vor.u32 v4, v30;
	v30 =	vshll.u32 v32, $0x2  }
0xfd: {  	[tilespmem:v35+s19+$0x0] =	vst.idx.msk $0xffff, v29;
	v29 =	vor.u32 v4, v30  }
0xfe: {  	[tilespmem:v36+s19+$0x0] =	vst.idx.msk $0xffff, v29  }
0xff: {  	[tilespmem:v37+s19+$0x0] =	vst.idx.msk $0xffff, v34  }
0x100: {  	v32 =	vld.idx.msk [tilespmem:v31+s15+$0x0], $0xffff  }
0x101: {  	v33 =	vld.idx.msk [tilespmem:v31+s4+$0x0], $0xffff  }
0x102: {  	s13 =	sadd.s32 $0xFFFFFFE4, s29;
	v34 =	vld.idx.msk [tilespmem:v31+s16+$0x0], $0xffff  }
0x103: {  	v29 =	vmov s13;
	v35 =	vld.idx.msk [tilespmem:v31+s17+$0x0], $0xffff  }
0x104: {  	v29 =	vshrl.u32 v29, $0x3;
	v30 =	vld [tilespmem:s28+$0x30]  }
0x105: {  	v36 =	vor.u32 s2, v26;
	v29 =	vshll.u32 v29, v2  }
0x106: {  	v38 =	vor.u32 s2, v27;
	v29 =	vbroadcast v29, $0x0;
	v37 =	vmul.u32 v4, v32  }
.Ltmp5:
0x107: {  	v32 =	vor.u32 s2, v28;
	(pc) =	sbr.rel @p0 .LBB2_4-.Ltmp5, $4  }
0x108: {  	v31 =	vor.u32 v3, v29;
	v33 =	vadd.s32 v33, v37;
	v34 =	vshll.u32 v34, $0x2  }
0x109: {  	[tilespmem:s26+$0x30] =	vst v33;
	v33 =	vor.u32 v4, v34;
	v34 =	vshll.u32 v35, $0x2  }
0x10a: {  	[tilespmem:v36+s19+$0x0] =	vst.idx.msk $0xffff, v33;
	v33 =	vor.u32 v4, v34  }
0x10b: {  	s30 =	smov.u32 s12;
	s28 =	sadd.s32 $0x80, s28;
	[tilespmem:v38+s19+$0x0] =	vst.idx.msk $0xffff, v33  }
0x10c: {  	_ =	sdelay $0x3  }
0x10d: {  	[tilespmem:v32+s19+$0x0] =	vst.idx.msk $0xffff, v30  }
0x10e: {  	v30 =	vld.idx.msk [tilespmem:v31+s15+$0x0], $0xffff  }
0x10f: {  	v32 =	vld.idx.msk [tilespmem:v31+s16+$0x0], $0xffff  }
0x110: {  	s2 =	sadd.s32 $0x1, s25;
	v33 =	vld.idx.msk [tilespmem:v31+s4+$0x0], $0xffff  }
0x111: {  	v31 =	vld.idx.msk [tilespmem:v31+s17+$0x0], $0xffff;
	s2 =	sshll.u32 s2, $0xA  }
0x112: {  	v34 =	vor.u32 s2, v1  }
0x113: {  	v35 =	vor.u32 s2, v5;
	v30 =	vmul.u32 v4, v30  }
0x114: {  	v36 =	vld [tilespmem:s28+$0xFFFFFFC0];
	v37 =	vor.u32 s2, v6  }
0x115: {  	s13 =	sadd.s32 $0x80, s26;
	v29 =	vor.u32 v7, v29;
	v32 =	vshll.u32 v32, $0x2;
	v30 =	vadd.s32 v33, v30  }
0x116: {  	v31 =	vshll.u32 v31, $0x2;
	[tilespmem:s13+$0xFFFFFFC0] =	vst v30;
	v30 =	vor.u32 v4, v32  }
0x117: {  	[tilespmem:v34+s19+$0x0] =	vst.idx.msk $0xffff, v30;
	v30 =	vor.u32 v4, v31  }
0x118: {  	[tilespmem:v35+s19+$0x0] =	vst.idx.msk $0xffff, v30  }
0x119: {  	[tilespmem:v37+s19+$0x0] =	vst.idx.msk $0xffff, v36  }
0x11a: {  	v30 =	vld.idx.msk [tilespmem:v29+s15+$0x0], $0xffff  }
0x11b: {  	s12 =	sadd.s32 $0xFFFFFFEC, s29;
	v31 =	vld.idx.msk [tilespmem:v29+s16+$0x0], $0xffff  }
0x11c: {  	v37 =	vmov s12;
	v32 =	vld.idx.msk [tilespmem:v29+s4+$0x0], $0xffff  }
0x11d: {  	v29 =	vld.idx.msk [tilespmem:v29+s17+$0x0], $0xffff;
	v33 =	vshrl.u32 v37, $0x3  }
0x11e: {  	v34 =	vor.u32 s2, v8;
	v33 =	vshll.u32 v33, v2  }
0x11f: {  	v35 =	vor.u32 s2, v9;
	v33 =	vbroadcast v33, $0x0;
	v30 =	vmul.u32 v4, v30  }
0x120: {  	v36 =	vld [tilespmem:s28+$0xFFFFFFD0];
	v37 =	vor.u32 s2, v10  }
0x121: {  	v38 =	vor.u32 v3, v33;
	v31 =	vshll.u32 v31, $0x2;
	v30 =	vadd.s32 v32, v30  }
0x122: {  	v29 =	vshll.u32 v29, $0x2;
	[tilespmem:s13+$0xFFFFFFD0] =	vst v30;
	v30 =	vor.u32 v4, v31  }
0x123: {  	v29 =	vor.u32 v4, v29;
	[tilespmem:v34+s19+$0x0] =	vst.idx.msk $0xffff, v30  }
0x124: {  	[tilespmem:v35+s19+$0x0] =	vst.idx.msk $0xffff, v29  }
0x125: {  	[tilespmem:v37+s19+$0x0] =	vst.idx.msk $0xffff, v36  }
0x126: {  	v29 =	vld.idx.msk [tilespmem:v38+s15+$0x0], $0xffff  }
0x127: {  	s26 =	sadd.s32 $0xFFFFFFF0, s29;
	v30 =	vld.idx.msk [tilespmem:v38+s16+$0x0], $0xffff  }
0x128: {  	v36 =	vmov s26;
	v31 =	vld.idx.msk [tilespmem:v38+s4+$0x0], $0xffff  }
0x129: {  	v32 =	vld.idx.msk [tilespmem:v38+s17+$0x0], $0xffff;
	v33 =	vshrl.u32 v36, $0x3  }
0x12a: {  	v34 =	vor.u32 s2, v11;
	v33 =	vshll.u32 v33, v2  }
0x12b: {  	v35 =	vor.u32 s2, v12;
	v33 =	vbroadcast v33, $0x0;
	v29 =	vmul.u32 v4, v29  }
0x12c: {  	v37 =	vor.u32 s2, v13;
	v36 =	vld [tilespmem:s28+$0xFFFFFFE0]  }
0x12d: {  	v30 =	vshll.u32 v30, $0x2;
	v29 =	vadd.s32 v31, v29;
	v31 =	vor.u32 v7, v33  }
0x12e: {  	[tilespmem:s13+$0xFFFFFFE0] =	vst v29;
	v29 =	vor.u32 v4, v30;
	v30 =	vshll.u32 v32, $0x2  }
0x12f: {  	[tilespmem:v34+s19+$0x0] =	vst.idx.msk $0xffff, v29;
	v29 =	vor.u32 v4, v30  }
0x130: {  	[tilespmem:v35+s19+$0x0] =	vst.idx.msk $0xffff, v29  }
0x131: {  	[tilespmem:v37+s19+$0x0] =	vst.idx.msk $0xffff, v36  }
0x132: {  	v29 =	vld.idx.msk [tilespmem:v31+s15+$0x0], $0xffff  }
0x133: {  	s30 =	sadd.s32 $0xFFFFFFF4, s29;
	v30 =	vld.idx.msk [tilespmem:v31+s16+$0x0], $0xffff  }
0x134: {  	v37 =	vmov s30;
	v32 =	vld.idx.msk [tilespmem:v31+s4+$0x0], $0xffff  }
0x135: {  	v31 =	vld.idx.msk [tilespmem:v31+s17+$0x0], $0xffff;
	v33 =	vshrl.u32 v37, $0x3  }
0x136: {  	v34 =	vor.u32 s2, v14;
	v33 =	vshll.u32 v33, v2  }
0x137: {  	v35 =	vor.u32 s2, v15;
	v33 =	vbroadcast v33, $0x0;
	v29 =	vmul.u32 v4, v29  }
0x138: {  	v36 =	vld [tilespmem:s28+$0xFFFFFFF0];
	v37 =	vor.u32 s2, v16  }
0x139: {  	v38 =	vor.u32 v3, v33;
	v30 =	vshll.u32 v30, $0x2;
	v29 =	vadd.s32 v32, v29  }
0x13a: {  	[tilespmem:s13+$0xFFFFFFF0] =	vst v29;
	v29 =	vor.u32 v4, v30;
	v30 =	vshll.u32 v31, $0x2  }
0x13b: {  	[tilespmem:v34+s19+$0x0] =	vst.idx.msk $0xffff, v29;
	v29 =	vor.u32 v4, v30  }
0x13c: {  	[tilespmem:v35+s19+$0x0] =	vst.idx.msk $0xffff, v29  }
0x13d: {  	[tilespmem:v37+s19+$0x0] =	vst.idx.msk $0xffff, v36  }
0x13e: {  	v29 =	vld.idx.msk [tilespmem:v38+s15+$0x0], $0xffff  }
0x13f: {  	s25 =	sadd.s32 $0xFFFFFFF8, s29;
	v30 =	vld.idx.msk [tilespmem:v38+s16+$0x0], $0xffff  }
0x140: {  	v37 =	vmov s25;
	v31 =	vld.idx.msk [tilespmem:v38+s4+$0x0], $0xffff  }
0x141: {  	v32 =	vld.idx.msk [tilespmem:v38+s17+$0x0], $0xffff;
	v33 =	vshrl.u32 v37, $0x3  }
0x142: {  	v34 =	vor.u32 s2, v17;
	v33 =	vshll.u32 v33, v2  }
0x143: {  	v35 =	vor.u32 s2, v18;
	v33 =	vbroadcast v33, $0x0;
	v29 =	vmul.u32 v4, v29  }
0x144: {  	v36 =	vld [tilespmem:s28+$0x0];
	v37 =	vor.u32 s2, v19  }
0x145: {  	v30 =	vshll.u32 v30, $0x2;
	v29 =	vadd.s32 v31, v29;
	v31 =	vor.u32 v7, v33  }
0x146: {  	[tilespmem:s13+$0x0] =	vst v29;
	v29 =	vor.u32 v4, v30;
	v30 =	vshll.u32 v32, $0x2  }
0x147: {  	[tilespmem:v34+s19+$0x0] =	vst.idx.msk $0xffff, v29;
	v29 =	vor.u32 v4, v30  }
0x148: {  	[tilespmem:v35+s19+$0x0] =	vst.idx.msk $0xffff, v29  }
0x149: {  	[tilespmem:v37+s19+$0x0] =	vst.idx.msk $0xffff, v36  }
0x14a: {  	v29 =	vld.idx.msk [tilespmem:v31+s15+$0x0], $0xffff  }
0x14b: {  	s26 =	sadd.s32 $0xFFFFFFFC, s29;
	v30 =	vld.idx.msk [tilespmem:v31+s4+$0x0], $0xffff  }
0x14c: {  	v38 =	vmov s26;
	v33 =	vld.idx.msk [tilespmem:v31+s16+$0x0], $0xffff  }
0x14d: {  	v32 =	vshrl.u32 v38, $0x3;
	v31 =	vld.idx.msk [tilespmem:v31+s17+$0x0], $0xffff  }
0x14e: {  	v34 =	vor.u32 s2, v20;
	v32 =	vshll.u32 v32, v2  }
0x14f: {  	v35 =	vor.u32 s2, v21;
	v32 =	vbroadcast v32, $0x0;
	v29 =	vmul.u32 v4, v29  }
0x150: {  	v37 =	vor.u32 s2, v22;
	v36 =	vld [tilespmem:s28+$0x10]  }
0x151: {  	v32 =	vor.u32 v3, v32;
	v29 =	vadd.s32 v30, v29;
	v30 =	vshll.u32 v33, $0x2  }
0x152: {  	[tilespmem:s13+$0x10] =	vst v29;
	v29 =	vor.u32 v4, v30;
	v30 =	vshll.u32 v31, $0x2  }
0x153: {  	[tilespmem:v34+s19+$0x0] =	vst.idx.msk $0xffff, v29;
	v29 =	vor.u32 v4, v30  }
0x154: {  	[tilespmem:v35+s19+$0x0] =	vst.idx.msk $0xffff, v29  }
0x155: {  	[tilespmem:v37+s19+$0x0] =	vst.idx.msk $0xffff, v36  }
0x156: {  	v29 =	vld.idx.msk [tilespmem:v32+s15+$0x0], $0xffff  }
0x157: {  	v30 =	vld.idx.msk [tilespmem:v32+s4+$0x0], $0xffff  }
0x158: {  	v31 =	vmov s29;
	v33 =	vld.idx.msk [tilespmem:v32+s16+$0x0], $0xffff  }
0x159: {  	v31 =	vshrl.u32 v31, $0x3;
	v32 =	vld.idx.msk [tilespmem:v32+s17+$0x0], $0xffff  }
0x15a: {  	v34 =	vor.u32 s2, v23;
	v31 =	vshll.u32 v31, v2  }
0x15b: {  	v35 =	vor.u32 s2, v24;
	v31 =	vbroadcast v31, $0x0;
	v29 =	vmul.u32 v4, v29  }
0x15c: {  	v37 =	vor.u32 s2, v25;
	v36 =	vld [tilespmem:s28+$0x20]  }
0x15d: {  	v31 =	vor.u32 v7, v31;
	v29 =	vadd.s32 v30, v29;
	v30 =	vshll.u32 v33, $0x2  }
0x15e: {  	[tilespmem:s13+$0x20] =	vst v29;
	v29 =	vor.u32 v4, v30;
	v30 =	vshll.u32 v32, $0x2  }
0x15f: {  	[tilespmem:v34+s19+$0x0] =	vst.idx.msk $0xffff, v29;
	v29 =	vor.u32 v4, v30  }
0x160: {  	[tilespmem:v35+s19+$0x0] =	vst.idx.msk $0xffff, v29  }
0x161: {  	[tilespmem:v37+s19+$0x0] =	vst.idx.msk $0xffff, v36  }
0x162: {  	v29 =	vld.idx.msk [tilespmem:v31+s15+$0x0], $0xffff  }
0x163: {  	v30 =	vld.idx.msk [tilespmem:v31+s4+$0x0], $0xffff  }
0x164: {  	v32 =	vld.idx.msk [tilespmem:v31+s16+$0x0], $0xffff  }
0x165: {  	v31 =	vld.idx.msk [tilespmem:v31+s17+$0x0], $0xffff  }
0x166: {  	v33 =	vor.u32 s2, v26  }
0x167: {  	v34 =	vor.u32 s2, v27;
	v29 =	vmul.u32 v4, v29  }
0x168: {  	v36 =	vor.u32 s2, v28;
	v35 =	vld [tilespmem:s28+$0x30]  }
0x169: {  	v29 =	vadd.s32 v30, v29;
	v30 =	vshll.u32 v32, $0x2  }
0x16a: {  	[tilespmem:s13+$0x30] =	vst v29;
	v29 =	vor.u32 v4, v30;
	v30 =	vshll.u32 v31, $0x2  }
0x16b: {  	[tilespmem:v33+s19+$0x0] =	vst.idx.msk $0xffff, v29;
	v29 =	vor.u32 v4, v30  }
0x16c: {  	[tilespmem:v34+s19+$0x0] =	vst.idx.msk $0xffff, v29  }
0x16d: {  	s28 =	simm.s32 $0x2000;
	[tilespmem:v36+s19+$0x0] =	vst.idx.msk $0xffff, v35  }
0x16e: {  	[hbm4b:s8+s20] =	stream.indirect.scatter [tilespmem:s19], [sflag:$0x1], $0x8, s28, s20, $0xb8;
	[tilespmem:$0xC900] =	vst v63  }
0x16f: {  	s30 =	simm.s32 $0x3400;
	s29 =	simm.s32 $0x2080  }
0x170: {  	[hbm4b:s8+s20] =	stream.indirect.scatter [tilespmem:s30], [sflag:$0x1], $0x8, s29, s20, $0xb8;
	[tilespmem:$0xC900] =	vst v63  }
0x171: {  	s25 =	simm.s32 $0x3800;
	s13 =	simm.s32 $0x2100  }
0x172: {  	[hbm4b:s8+s20] =	stream.indirect.scatter [tilespmem:s25], [sflag:$0x1], $0x8, s13, s20, $0xb8;
	[tilespmem:$0xC900] =	vst v63  }
0x173: {  	s26 =	simm.s32 $0x2180;
	s28 =	simm.s32 $0x3C00  }
0x174: {  	[hbm4b:s8+s20] =	stream.indirect.scatter [tilespmem:s28], [sflag:$0x1], $0x8, s26, s20, $0xb8;
	[tilespmem:$0xC900] =	vst v63  }
0x175: {  	s29 =	simm.s32 $0x2200;
	s30 =	simm.s32 $0x4000  }
0x176: {  	[hbm4b:s8+s20] =	stream.indirect.scatter [tilespmem:s30], [sflag:$0x1], $0x8, s29, s20, $0xb8;
	[tilespmem:$0xC900] =	vst v63  }
0x177: {  	s13 =	simm.s32 $0x2280;
	s25 =	simm.s32 $0x4400  }
0x178: {  	[hbm4b:s8+s20] =	stream.indirect.scatter [tilespmem:s25], [sflag:$0x1], $0x8, s13, s20, $0xb8;
	[tilespmem:$0xC900] =	vst v63  }
0x179: {  	s26 =	simm.s32 $0x2300;
	s28 =	simm.s32 $0x4800  }
0x17a: {  	[hbm4b:s8+s20] =	stream.indirect.scatter [tilespmem:s28], [sflag:$0x1], $0x8, s26, s20, $0xb8;
	[tilespmem:$0xC900] =	vst v63  }
0x17b: {  	s29 =	simm.s32 $0x2380;
	s30 =	simm.s32 $0x4C00  }
0x17c: {  	[hbm4b:s8+s20] =	stream.indirect.scatter [tilespmem:s30], [sflag:$0x1], $0x8, s29, s20, $0xb8;
	[tilespmem:$0xC900] =	vst v63  }
0x17d: {  	s13 =	simm.s32 $0x2400;
	s25 =	simm.s32 $0x5000  }
0x17e: {  	[hbm4b:s8+s20] =	stream.indirect.scatter [tilespmem:s25], [sflag:$0x1], $0x8, s13, s20, $0xb8;
	[tilespmem:$0xC900] =	vst v63  }
0x17f: {  	s26 =	simm.s32 $0x2480;
	s28 =	simm.s32 $0x5400  }
0x180: {  	[hbm4b:s8+s20] =	stream.indirect.scatter [tilespmem:s28], [sflag:$0x1], $0x8, s26, s20, $0xb8;
	[tilespmem:$0xC900] =	vst v63  }
0x181: {  	s29 =	simm.s32 $0x2500;
	s30 =	simm.s32 $0x5800  }
0x182: {  	[hbm4b:s8+s20] =	stream.indirect.scatter [tilespmem:s30], [sflag:$0x1], $0x8, s29, s20, $0xb8;
	[tilespmem:$0xC900] =	vst v63  }
0x183: {  	s13 =	simm.s32 $0x2580;
	s25 =	simm.s32 $0x5C00  }
0x184: {  	[hbm4b:s8+s20] =	stream.indirect.scatter [tilespmem:s25], [sflag:$0x1], $0x8, s13, s20, $0xb8;
	[tilespmem:$0xC900] =	vst v63  }
0x185: {  	s26 =	simm.s32 $0x2600;
	s28 =	simm.s32 $0x6000  }
0x186: {  	[hbm4b:s8+s20] =	stream.indirect.scatter [tilespmem:s28], [sflag:$0x1], $0x8, s26, s20, $0xb8;
	[tilespmem:$0xC900] =	vst v63  }
0x187: {  	s29 =	simm.s32 $0x2680;
	s30 =	simm.s32 $0x6400  }
0x188: {  	[hbm4b:s8+s20] =	stream.indirect.scatter [tilespmem:s30], [sflag:$0x1], $0x8, s29, s20, $0xb8;
	[tilespmem:$0xC900] =	vst v63  }
0x189: {  	s13 =	simm.s32 $0x2700;
	s25 =	simm.s32 $0x6800  }
0x18a: {  	[hbm4b:s8+s20] =	stream.indirect.scatter [tilespmem:s25], [sflag:$0x1], $0x8, s13, s20, $0xb8;
	[tilespmem:$0xC900] =	vst v63  }
0x18b: {  	s26 =	simm.s32 $0x2780;
	s28 =	simm.s32 $0x6C00  }
0x18c: {  	[hbm4b:s8+s20] =	stream.indirect.scatter [tilespmem:s28], [sflag:$0x1], $0x8, s26, s20, $0xb8;
	[tilespmem:$0xC900] =	vst v63  }
0x18d: {  	s29 =	simm.s32 $0x2800;
	s30 =	simm.s32 $0x7000  }
0x18e: {  	[hbm4b:s8+s20] =	stream.indirect.scatter [tilespmem:s30], [sflag:$0x1], $0x8, s29, s20, $0xb8;
	[tilespmem:$0xC900] =	vst v63  }
0x18f: {  	s13 =	simm.s32 $0x2880;
	s25 =	simm.s32 $0x7400  }
0x190: {  	[hbm4b:s8+s20] =	stream.indirect.scatter [tilespmem:s25], [sflag:$0x1], $0x8, s13, s20, $0xb8;
	[tilespmem:$0xC900] =	vst v63  }
0x191: {  	s26 =	simm.s32 $0x2900;
	s28 =	simm.s32 $0x7800  }
0x192: {  	[hbm4b:s8+s20] =	stream.indirect.scatter [tilespmem:s28], [sflag:$0x1], $0x8, s26, s20, $0xb8;
	[tilespmem:$0xC900] =	vst v63  }
0x193: {  	s29 =	simm.s32 $0x2980;
	s30 =	simm.s32 $0x7C00  }
0x194: {  	[hbm4b:s8+s20] =	stream.indirect.scatter [tilespmem:s30], [sflag:$0x1], $0x8, s29, s20, $0xb8;
	[tilespmem:$0xC900] =	vst v63  }
0x195: {  	s13 =	simm.s32 $0x2A00;
	s25 =	simm.s32 $0x8000  }
0x196: {  	[hbm4b:s8+s20] =	stream.indirect.scatter [tilespmem:s25], [sflag:$0x1], $0x8, s13, s20, $0xb8;
	[tilespmem:$0xC900] =	vst v63  }
0x197: {  	s26 =	simm.s32 $0x2A80;
	s28 =	simm.s32 $0x8400  }
0x198: {  	[hbm4b:s8+s20] =	stream.indirect.scatter [tilespmem:s28], [sflag:$0x1], $0x8, s26, s20, $0xb8;
	[tilespmem:$0xC900] =	vst v63  }
0x199: {  	s29 =	simm.s32 $0x2B00;
	s30 =	simm.s32 $0x8800  }
0x19a: {  	[hbm4b:s8+s20] =	stream.indirect.scatter [tilespmem:s30], [sflag:$0x1], $0x8, s29, s20, $0xb8;
	[tilespmem:$0xC900] =	vst v63  }
0x19b: {  	s13 =	simm.s32 $0x2B80;
	s25 =	simm.s32 $0x8C00  }
0x19c: {  	[hbm4b:s8+s20] =	stream.indirect.scatter [tilespmem:s25], [sflag:$0x1], $0x8, s13, s20, $0xb8;
	[tilespmem:$0xC900] =	vst v63  }
0x19d: {  	s26 =	simm.s32 $0x2C00;
	s28 =	simm.s32 $0x9000  }
0x19e: {  	[hbm4b:s8+s20] =	stream.indirect.scatter [tilespmem:s28], [sflag:$0x1], $0x8, s26, s20, $0xb8;
	[tilespmem:$0xC900] =	vst v63  }
0x19f: {  	s29 =	simm.s32 $0x2C80;
	s30 =	simm.s32 $0x9400  }
0x1a0: {  	[hbm4b:s8+s20] =	stream.indirect.scatter [tilespmem:s30], [sflag:$0x1], $0x8, s29, s20, $0xb8;
	[tilespmem:$0xC900] =	vst v63  }
0x1a1: {  	s13 =	simm.s32 $0x2D00;
	s25 =	simm.s32 $0x9800  }
0x1a2: {  	[hbm4b:s8+s20] =	stream.indirect.scatter [tilespmem:s25], [sflag:$0x1], $0x8, s13, s20, $0xb8;
	[tilespmem:$0xC900] =	vst v63  }
0x1a3: {  	s26 =	simm.s32 $0x2D80;
	s28 =	simm.s32 $0x9C00  }
0x1a4: {  	[hbm4b:s8+s20] =	stream.indirect.scatter [tilespmem:s28], [sflag:$0x1], $0x8, s26, s20, $0xb8;
	[tilespmem:$0xC900] =	vst v63  }
0x1a5: {  	s29 =	simm.s32 $0x2E00;
	s30 =	simm.s32 $0xA000  }
0x1a6: {  	[hbm4b:s8+s20] =	stream.indirect.scatter [tilespmem:s30], [sflag:$0x1], $0x8, s29, s20, $0xb8;
	[tilespmem:$0xC900] =	vst v63  }
0x1a7: {  	s13 =	simm.s32 $0x2E80;
	s25 =	simm.s32 $0xA400  }
0x1a8: {  	[hbm4b:s8+s20] =	stream.indirect.scatter [tilespmem:s25], [sflag:$0x1], $0x8, s13, s20, $0xb8;
	[tilespmem:$0xC900] =	vst v63  }
0x1a9: {  	s26 =	simm.s32 $0x2F00;
	s28 =	simm.s32 $0xA800  }
0x1aa: {  	[hbm4b:s8+s20] =	stream.indirect.scatter [tilespmem:s28], [sflag:$0x1], $0x8, s26, s20, $0xb8;
	[tilespmem:$0xC900] =	vst v63  }
0x1ab: {  	s29 =	simm.s32 $0x2F80;
	s30 =	simm.s32 $0xAC00  }
0x1ac: {  	[hbm4b:s8+s20] =	stream.indirect.scatter [tilespmem:s30], [sflag:$0x1], $0x8, s29, s20, $0xb8;
	[tilespmem:$0xC900] =	vst v63  }
0x1ad: {  	_ =	swait.ge [sflag:s31], $0x400  }
0x1ae: {  	[sflag:s31] =	ssyncset.done $0x0  }
0x1af: {  	[sflag:s31] =	ssyncadd.s32 $0xFFFFFC00  }
0x1b0: {  	_ =	swait.ge [sflag:s31], $0x400  }
0x1b1: {  	[sflag:s31] =	ssyncset.done $0x0  }
0x1b2: {  	[sflag:s31] =	ssyncadd.s32 $0xFFFFFC00  }
0x1b3: {  	_ =	swait.ge [sflag:s31], $0x400  }
0x1b4: {  	[sflag:s31] =	ssyncset.done $0x0  }
0x1b5: {  	[sflag:s31] =	ssyncadd.s32 $0xFFFFFC00  }
0x1b6: {  	_ =	swait.ge [sflag:s31], $0x400  }
0x1b7: {  	[sflag:s31] =	ssyncset.done $0x0  }
0x1b8: {  	[sflag:s31] =	ssyncadd.s32 $0xFFFFFC00  }
0x1b9: {  	_ =	swait.ge [sflag:s31], $0x400  }
0x1ba: {  	[sflag:s31] =	ssyncset.done $0x0  }
0x1bb: {  	[sflag:s31] =	ssyncadd.s32 $0xFFFFFC00  }
0x1bc: {  	_ =	swait.ge [sflag:s31], $0x400  }
0x1bd: {  	[sflag:s31] =	ssyncset.done $0x0  }
0x1be: {  	[sflag:s31] =	ssyncadd.s32 $0xFFFFFC00  }
0x1bf: {  	_ =	swait.ge [sflag:s31], $0x400  }
0x1c0: {  	[sflag:s31] =	ssyncset.done $0x0  }
0x1c1: {  	[sflag:s31] =	ssyncadd.s32 $0xFFFFFC00  }
0x1c2: {  	_ =	swait.ge [sflag:s31], $0x400  }
0x1c3: {  	[sflag:s31] =	ssyncset.done $0x0  }
0x1c4: {  	[sflag:s31] =	ssyncadd.s32 $0xFFFFFC00  }
0x1c5: {  	_ =	swait.ge [sflag:s31], $0x400  }
0x1c6: {  	[sflag:s31] =	ssyncset.done $0x0  }
0x1c7: {  	[sflag:s31] =	ssyncadd.s32 $0xFFFFFC00  }
0x1c8: {  	_ =	swait.ge [sflag:s31], $0x400  }
0x1c9: {  	[sflag:s31] =	ssyncset.done $0x0  }
0x1ca: {  	[sflag:s31] =	ssyncadd.s32 $0xFFFFFC00  }
0x1cb: {  	_ =	swait.ge [sflag:s31], $0x400  }
0x1cc: {  	[sflag:s31] =	ssyncset.done $0x0  }
0x1cd: {  	[sflag:s31] =	ssyncadd.s32 $0xFFFFFC00  }
0x1ce: {  	_ =	swait.ge [sflag:s31], $0x400  }
0x1cf: {  	[sflag:s31] =	ssyncset.done $0x0  }
0x1d0: {  	[sflag:s31] =	ssyncadd.s32 $0xFFFFFC00  }
0x1d1: {  	_ =	swait.ge [sflag:s31], $0x400  }
0x1d2: {  	[sflag:s31] =	ssyncset.done $0x0  }
0x1d3: {  	[sflag:s31] =	ssyncadd.s32 $0xFFFFFC00  }
0x1d4: {  	_ =	swait.ge [sflag:s31], $0x400  }
0x1d5: {  	[sflag:s31] =	ssyncset.done $0x0  }
0x1d6: {  	[sflag:s31] =	ssyncadd.s32 $0xFFFFFC00  }
0x1d7: {  	_ =	swait.ge [sflag:s31], $0x400  }
0x1d8: {  	[sflag:s31] =	ssyncset.done $0x0  }
0x1d9: {  	[sflag:s31] =	ssyncadd.s32 $0xFFFFFC00  }
0x1da: {  	_ =	swait.ge [sflag:s31], $0x400  }
0x1db: {  	[sflag:s31] =	ssyncset.done $0x0  }
0x1dc: {  	[sflag:s31] =	ssyncadd.s32 $0xFFFFFC00  }
0x1dd: {  	_ =	swait.ge [sflag:s31], $0x400  }
0x1de: {  	[sflag:s31] =	ssyncset.done $0x0  }
0x1df: {  	[sflag:s31] =	ssyncadd.s32 $0xFFFFFC00  }
0x1e0: {  	_ =	swait.ge [sflag:s31], $0x400  }
0x1e1: {  	[sflag:s31] =	ssyncset.done $0x0  }
0x1e2: {  	[sflag:s31] =	ssyncadd.s32 $0xFFFFFC00  }
0x1e3: {  	_ =	swait.ge [sflag:s31], $0x400  }
0x1e4: {  	[sflag:s31] =	ssyncset.done $0x0  }
0x1e5: {  	[sflag:s31] =	ssyncadd.s32 $0xFFFFFC00  }
0x1e6: {  	_ =	swait.ge [sflag:s31], $0x400  }
0x1e7: {  	[sflag:s31] =	ssyncset.done $0x0  }
0x1e8: {  	[sflag:s31] =	ssyncadd.s32 $0xFFFFFC00  }
0x1e9: {  	_ =	swait.ge [sflag:s31], $0x400  }
0x1ea: {  	[sflag:s31] =	ssyncset.done $0x0  }
0x1eb: {  	[sflag:s31] =	ssyncadd.s32 $0xFFFFFC00  }
0x1ec: {  	_ =	swait.ge [sflag:s31], $0x400  }
0x1ed: {  	[sflag:s31] =	ssyncset.done $0x0  }
0x1ee: {  	[sflag:s31] =	ssyncadd.s32 $0xFFFFFC00  }
0x1ef: {  	_ =	swait.ge [sflag:s31], $0x400  }
0x1f0: {  	[sflag:s31] =	ssyncset.done $0x0  }
0x1f1: {  	[sflag:s31] =	ssyncadd.s32 $0xFFFFFC00  }
0x1f2: {  	_ =	swait.ge [sflag:s31], $0x400  }
0x1f3: {  	[sflag:s31] =	ssyncset.done $0x0  }
0x1f4: {  	[sflag:s31] =	ssyncadd.s32 $0xFFFFFC00  }
0x1f5: {  	_ =	swait.ge [sflag:s31], $0x400  }
0x1f6: {  	[sflag:s31] =	ssyncset.done $0x0  }
0x1f7: {  	[sflag:s31] =	ssyncadd.s32 $0xFFFFFC00  }
0x1f8: {  	_ =	swait.ge [sflag:s31], $0x400  }
0x1f9: {  	[sflag:s31] =	ssyncset.done $0x0  }
0x1fa: {  	[sflag:s31] =	ssyncadd.s32 $0xFFFFFC00  }
0x1fb: {  	_ =	swait.ge [sflag:s31], $0x400  }
0x1fc: {  	[sflag:s31] =	ssyncset.done $0x0  }
0x1fd: {  	[sflag:s31] =	ssyncadd.s32 $0xFFFFFC00  }
0x1fe: {  	_ =	swait.ge [sflag:s31], $0x400  }
0x1ff: {  	[sflag:s31] =	ssyncset.done $0x0  }
0x200: {  	[sflag:s31] =	ssyncadd.s32 $0xFFFFFC00  }
0x201: {  	_ =	swait.ge [sflag:s31], $0x400  }
0x202: {  	[sflag:s31] =	ssyncset.done $0x0  }
0x203: {  	[sflag:s31] =	ssyncadd.s32 $0xFFFFFC00  }
0x204: {  	_ =	swait.ge [sflag:s31], $0x400  }
0x205: {  	[sflag:s31] =	ssyncset.done $0x0  }
0x206: {  	[sflag:s31] =	ssyncadd.s32 $0xFFFFFC00  }
0x207: {  	_ =	swait.ge [sflag:s31], $0x400  }
.Ltmp6:
0x208: {  	[sflag:s31] =	ssyncset.done $0x0;
	(pc) =	sbr.rel .LBB2_6-.Ltmp6, $4  }
0x209: {  	[sflag:s31] =	ssyncadd.s32 $0xFFFFFC00  }
0x20a: {  	_ =	swait.ge [sflag:s31], $0x400  }
0x20b: {  	[sflag:s31] =	ssyncset.done $0x0  }
0x20c: {  	[sflag:s31] =	ssyncadd.s32 $0xFFFFFC00  }
.LBB2_7:
.Ltmp7:
0x20d: {  	(pc) =	sbr.rel .LBB2_8-.Ltmp7, $3  }
0x20e: {  	_ =	sdelay $0x1  }
0x20f: {  	s26 =	rddreg [dreg:$0x5]  }
0x210: {  	s24 =	simm.s32 $0x0;
	s25 =	smov.u32 s10;
	s28 =	rddreg [dreg:$0x6]  }
.LBB2_10:
0x211: {  	s24 =	sadd.s32 $0x5000, s24  }
0x212: {  	p0 =	sne.s32 s24, $0x64000  }
.Ltmp8:
0x213: {  	_ = 	snop;
	(pc) =	sbr.rel @!p0 .LBB2_11-.Ltmp8, $2  }
0x214: {  	_ =	sdelay $0x2  }
0x215: {  	s28 =	sadd.s32 $0xA00, s28;
	s26 =	sadd.s32 $0xA00, s26;
	s25 =	sadd.s32 $0x20, s25  }
.LBB2_8:
0x216: {  	p0 =	sgt.u32 s25, $0x270  }
.Ltmp9:
0x217: {  	_ = 	snop;
	(pc) =	sbr.rel @p0 .LBB2_10-.Ltmp9, $1  }
0x218: {  	_ =	sdelay $0x3  }
0x219: {  	[tilespmem:s0], [sflag:$0x2] =	stream.linear.gather [hbm4b:s26+s4], $0x280, $0x38;
	[tilespmem:$0xC900] =	vst v63  }
0x21a: {  	_ =	swait.ge [sflag:s14], $0x280  }
0x21b: {  	[sflag:s14] =	ssyncset.done $0x0  }
0x21c: {  	s2 =	simm.s32 $0xB280;
	[sflag:s14] =	ssyncadd.s32 $0xFFFFFD80  }
0x21d: {  	[tilespmem:s2], [sflag:$0x2] =	stream.linear.gather [hbm4b:s28+s4], $0x280, $0x38;
	[tilespmem:$0xC900] =	vst v63  }
0x21e: {  	_ =	swait.ge [sflag:s14], $0x280  }
0x21f: {  	[sflag:s14] =	ssyncset.done $0x0  }
0x220: {  	[sflag:s14] =	ssyncadd.s32 $0xFFFFFD80  }
0x221: {  	v29 =	vld [tilespmem:$0xB280]  }
0x222: {  	s29 =	sadd.s32 s24, s9  }
0x223: {  	v30 =	vor.u32 s29, v0  }
0x224: {  	[tilespmem:v1+s11+$0x0] =	vst.idx.msk $0xffff, v30  }
0x225: {  	[tilespmem:v5+s11+$0x0] =	vst.idx.msk $0xffff, v30  }
0x226: {  	[tilespmem:v6+s11+$0x0] =	vst.idx.msk $0xffff, v29  }
0x227: {  	v29 =	vld [tilespmem:$0xB290]  }
0x228: {  	s12 =	sadd.s32 $0x10, s29  }
0x229: {  	v30 =	vor.u32 s12, v0  }
0x22a: {  	[tilespmem:v8+s11+$0x0] =	vst.idx.msk $0xffff, v30  }
0x22b: {  	[tilespmem:v9+s11+$0x0] =	vst.idx.msk $0xffff, v30  }
0x22c: {  	[tilespmem:v10+s11+$0x0] =	vst.idx.msk $0xffff, v29  }
0x22d: {  	v29 =	vld [tilespmem:$0xB2A0]  }
0x22e: {  	s13 =	sadd.s32 $0x20, s29  }
0x22f: {  	v30 =	vor.u32 s13, v0  }
0x230: {  	[tilespmem:v11+s11+$0x0] =	vst.idx.msk $0xffff, v30  }
0x231: {  	[tilespmem:v12+s11+$0x0] =	vst.idx.msk $0xffff, v30  }
0x232: {  	[tilespmem:v13+s11+$0x0] =	vst.idx.msk $0xffff, v29  }
0x233: {  	v29 =	vld [tilespmem:$0xB2B0]  }
0x234: {  	s30 =	sadd.s32 $0x30, s29  }
0x235: {  	v30 =	vor.u32 s30, v0  }
0x236: {  	[tilespmem:v14+s11+$0x0] =	vst.idx.msk $0xffff, v30  }
0x237: {  	[tilespmem:v15+s11+$0x0] =	vst.idx.msk $0xffff, v30  }
0x238: {  	[tilespmem:v16+s11+$0x0] =	vst.idx.msk $0xffff, v29  }
0x239: {  	v29 =	vld [tilespmem:$0xB2C0]  }
0x23a: {  	s12 =	sadd.s32 $0x40, s29  }
0x23b: {  	v30 =	vor.u32 s12, v0  }
0x23c: {  	[tilespmem:v17+s11+$0x0] =	vst.idx.msk $0xffff, v30  }
0x23d: {  	[tilespmem:v18+s11+$0x0] =	vst.idx.msk $0xffff, v30  }
0x23e: {  	[tilespmem:v19+s11+$0x0] =	vst.idx.msk $0xffff, v29  }
0x23f: {  	v29 =	vld [tilespmem:$0xB2D0]  }
0x240: {  	s13 =	sadd.s32 $0x50, s29  }
0x241: {  	v30 =	vor.u32 s13, v0  }
0x242: {  	[tilespmem:v20+s11+$0x0] =	vst.idx.msk $0xffff, v30  }
0x243: {  	[tilespmem:v21+s11+$0x0] =	vst.idx.msk $0xffff, v30  }
0x244: {  	[tilespmem:v22+s11+$0x0] =	vst.idx.msk $0xffff, v29  }
0x245: {  	v29 =	vld [tilespmem:$0xB2E0]  }
0x246: {  	s30 =	sadd.s32 $0x60, s29  }
0x247: {  	v30 =	vor.u32 s30, v0  }
0x248: {  	[tilespmem:v23+s11+$0x0] =	vst.idx.msk $0xffff, v30  }
0x249: {  	[tilespmem:v24+s11+$0x0] =	vst.idx.msk $0xffff, v30  }
0x24a: {  	v31 =	vld [tilespmem:$0x1FF60];
	[tilespmem:v25+s11+$0x0] =	vst.idx.msk $0xffff, v29  }
0x24b: {  	v29 =	vld [tilespmem:$0xB2F0]  }
0x24c: {  	s12 =	sadd.s32 $0x70, s29  }
0x24d: {  	v30 =	vor.u32 s12, v0  }
0x24e: {  	[tilespmem:v26+s11+$0x0] =	vst.idx.msk $0xffff, v30  }
0x24f: {  	[tilespmem:v27+s11+$0x0] =	vst.idx.msk $0xffff, v30  }
0x250: {  	s13 =	sadd.s32 $0x80, s29;
	[tilespmem:v28+s11+$0x0] =	vst.idx.msk $0xffff, v29  }
0x251: {  	v30 =	vor.u32 s13, v0;
	v29 =	vld [tilespmem:$0xB300]  }
0x252: {  	[tilespmem:v31+s11+$0x0] =	vst.idx.msk $0xffff, v30;
	v31 =	vld [tilespmem:$0x1FF70];
	_ =	sdelay $0x7  }
0x253: {  	[tilespmem:v31+s11+$0x0] =	vst.idx.msk $0xffff, v30;
	v30 =	vld [tilespmem:$0x1FF80];
	_ =	sdelay $0x1  }
0x254: {  	v31 =	vld [tilespmem:$0x1FF90];
	_ =	sdelay $0x5  }
0x255: {  	s30 =	sadd.s32 $0x90, s29;
	[tilespmem:v30+s11+$0x0] =	vst.idx.msk $0xffff, v29  }
0x256: {  	v30 =	vor.u32 s30, v0;
	v29 =	vld [tilespmem:$0xB310]  }
0x257: {  	[tilespmem:v31+s11+$0x0] =	vst.idx.msk $0xffff, v30;
	v31 =	vld [tilespmem:$0x1FFA0];
	_ =	sdelay $0x7  }
0x258: {  	[tilespmem:v31+s11+$0x0] =	vst.idx.msk $0xffff, v30;
	v30 =	vld [tilespmem:$0x1FFB0];
	_ =	sdelay $0x1  }
0x259: {  	v31 =	vld [tilespmem:$0x1FFC0];
	_ =	sdelay $0x5  }
0x25a: {  	s12 =	sadd.s32 $0xA0, s29;
	[tilespmem:v30+s11+$0x0] =	vst.idx.msk $0xffff, v29  }
0x25b: {  	v30 =	vor.u32 s12, v0;
	v29 =	vld [tilespmem:$0xB320]  }
0x25c: {  	[tilespmem:v31+s11+$0x0] =	vst.idx.msk $0xffff, v30;
	v31 =	vld [tilespmem:$0x1FFD0];
	_ =	sdelay $0x7  }
0x25d: {  	[tilespmem:v31+s11+$0x0] =	vst.idx.msk $0xffff, v30;
	v30 =	vld [tilespmem:$0x1FFE0];
	_ =	sdelay $0x3  }
0x25e: {  	v31 =	vld [tilespmem:$0x1FFF0];
	_ =	sdelay $0x3  }
0x25f: {  	[tilespmem:v30+s11+$0x0] =	vst.idx.msk $0xffff, v29  }
0x260: {  	v29 =	vld [tilespmem:$0xB330]  }
0x261: {  	s13 =	sadd.s32 $0xB0, s29  }
0x262: {  	v30 =	vor.u32 s13, v0  }
0x263: {  	[tilespmem:v31+s11+$0x0] =	vst.idx.msk $0xffff, v30  }
0x264: {  	[tilespmem:v39+s11+$0x0] =	vst.idx.msk $0xffff, v30  }
0x265: {  	[tilespmem:v40+s11+$0x0] =	vst.idx.msk $0xffff, v29  }
0x266: {  	v29 =	vld [tilespmem:$0xB340]  }
0x267: {  	s30 =	sadd.s32 $0xC0, s29  }
0x268: {  	v30 =	vor.u32 s30, v0  }
0x269: {  	[tilespmem:v41+s11+$0x0] =	vst.idx.msk $0xffff, v30  }
0x26a: {  	[tilespmem:v42+s11+$0x0] =	vst.idx.msk $0xffff, v30  }
0x26b: {  	[tilespmem:v43+s11+$0x0] =	vst.idx.msk $0xffff, v29  }
0x26c: {  	v29 =	vld [tilespmem:$0xB350]  }
0x26d: {  	s12 =	sadd.s32 $0xD0, s29  }
0x26e: {  	v30 =	vor.u32 s12, v0  }
0x26f: {  	[tilespmem:v44+s11+$0x0] =	vst.idx.msk $0xffff, v30  }
0x270: {  	[tilespmem:v45+s11+$0x0] =	vst.idx.msk $0xffff, v30  }
0x271: {  	[tilespmem:v46+s11+$0x0] =	vst.idx.msk $0xffff, v29  }
0x272: {  	v29 =	vld [tilespmem:$0xB360]  }
0x273: {  	s13 =	sadd.s32 $0xE0, s29  }
0x274: {  	v30 =	vor.u32 s13, v0  }
0x275: {  	[tilespmem:v47+s11+$0x0] =	vst.idx.msk $0xffff, v30  }
0x276: {  	[tilespmem:v48+s11+$0x0] =	vst.idx.msk $0xffff, v30  }
0x277: {  	[tilespmem:v49+s11+$0x0] =	vst.idx.msk $0xffff, v29  }
0x278: {  	v29 =	vld [tilespmem:$0xB370]  }
0x279: {  	s30 =	sadd.s32 $0xF0, s29  }
0x27a: {  	v30 =	vor.u32 s30, v0  }
0x27b: {  	[tilespmem:v50+s11+$0x0] =	vst.idx.msk $0xffff, v30  }
0x27c: {  	[tilespmem:v51+s11+$0x0] =	vst.idx.msk $0xffff, v30  }
0x27d: {  	[tilespmem:v52+s11+$0x0] =	vst.idx.msk $0xffff, v29  }
0x27e: {  	v29 =	vld [tilespmem:$0xB380]  }
0x27f: {  	s12 =	sadd.s32 $0x100, s29  }
0x280: {  	v30 =	vor.u32 s12, v0  }
0x281: {  	[tilespmem:v53+s11+$0x0] =	vst.idx.msk $0xffff, v30  }
0x282: {  	[tilespmem:v54+s11+$0x0] =	vst.idx.msk $0xffff, v30  }
0x283: {  	[tilespmem:v55+s11+$0x0] =	vst.idx.msk $0xffff, v29  }
0x284: {  	v29 =	vld [tilespmem:$0xB390]  }
0x285: {  	s13 =	sadd.s32 $0x110, s29  }
0x286: {  	v30 =	vor.u32 s13, v0  }
0x287: {  	[tilespmem:v56+s11+$0x0] =	vst.idx.msk $0xffff, v30  }
0x288: {  	[tilespmem:v57+s11+$0x0] =	vst.idx.msk $0xffff, v30  }
0x289: {  	[tilespmem:v58+s11+$0x0] =	vst.idx.msk $0xffff, v29  }
0x28a: {  	v29 =	vld [tilespmem:$0xB3A0]  }
0x28b: {  	s30 =	sadd.s32 $0x120, s29  }
0x28c: {  	v30 =	vor.u32 s30, v0  }
0x28d: {  	[tilespmem:v59+s11+$0x0] =	vst.idx.msk $0xffff, v30  }
0x28e: {  	[tilespmem:v60+s11+$0x0] =	vst.idx.msk $0xffff, v30  }
0x28f: {  	[tilespmem:v61+s11+$0x0] =	vst.idx.msk $0xffff, v29  }
0x290: {  	v30 =	vor.u32 $0x982, v1;
	v29 =	vld [tilespmem:$0xB3B0]  }
0x291: {  	s12 =	sadd.s32 $0x130, s29  }
0x292: {  	v31 =	vor.u32 s12, v0  }
0x293: {  	[tilespmem:v62+s11+$0x0] =	vst.idx.msk $0xffff, v31  }
0x294: {  	[tilespmem:v63+s11+$0x0] =	vst.idx.msk $0xffff, v31;
	v31 =	vor.u32 $0xA00, v1  }
0x295: {  	[tilespmem:v30+s11+$0x0] =	vst.idx.msk $0xffff, v29;
	v29 =	vor.u32 $0xA01, v1  }
0x296: {  	v32 =	vor.u32 $0xA02, v1;
	v30 =	vld [tilespmem:$0xB3C0]  }
0x297: {  	s13 =	sadd.s32 $0x140, s29  }
0x298: {  	v33 =	vor.u32 s13, v0  }
0x299: {  	[tilespmem:v31+s11+$0x0] =	vst.idx.msk $0xffff, v33  }
0x29a: {  	[tilespmem:v29+s11+$0x0] =	vst.idx.msk $0xffff, v33;
	v29 =	vor.u32 $0xA80, v1  }
0x29b: {  	[tilespmem:v32+s11+$0x0] =	vst.idx.msk $0xffff, v30;
	v30 =	vor.u32 $0xA81, v1  }
0x29c: {  	v37 =	vor.u32 $0xA82, v1;
	v31 =	vld [tilespmem:$0xB3D0]  }
0x29d: {  	s30 =	sadd.s32 $0x150, s29  }
0x29e: {  	v38 =	vor.u32 s30, v0  }
0x29f: {  	[tilespmem:v29+s11+$0x0] =	vst.idx.msk $0xffff, v38  }
0x2a0: {  	v29 =	vor.u32 $0xB00, v1;
	[tilespmem:v30+s11+$0x0] =	vst.idx.msk $0xffff, v38  }
0x2a1: {  	v30 =	vor.u32 $0xB01, v1;
	[tilespmem:v37+s11+$0x0] =	vst.idx.msk $0xffff, v31  }
0x2a2: {  	v36 =	vor.u32 $0xB02, v1;
	v31 =	vld [tilespmem:$0xB3E0]  }
0x2a3: {  	s12 =	sadd.s32 $0x160, s29  }
0x2a4: {  	v37 =	vor.u32 s12, v0  }
0x2a5: {  	[tilespmem:v29+s11+$0x0] =	vst.idx.msk $0xffff, v37  }
0x2a6: {  	v29 =	vor.u32 $0xB80, v1;
	[tilespmem:v30+s11+$0x0] =	vst.idx.msk $0xffff, v37  }
0x2a7: {  	v30 =	vor.u32 $0xB81, v1;
	[tilespmem:v36+s11+$0x0] =	vst.idx.msk $0xffff, v31  }
0x2a8: {  	v38 =	vor.u32 $0xB82, v1;
	v31 =	vld [tilespmem:$0xB3F0]  }
0x2a9: {  	s13 =	sadd.s32 $0x170, s29  }
0x2aa: {  	v36 =	vor.u32 s13, v0  }
0x2ab: {  	[tilespmem:v29+s11+$0x0] =	vst.idx.msk $0xffff, v36  }
0x2ac: {  	v29 =	vor.u32 $0xC00, v1;
	[tilespmem:v30+s11+$0x0] =	vst.idx.msk $0xffff, v36  }
0x2ad: {  	v30 =	vor.u32 $0xC01, v1;
	[tilespmem:v38+s11+$0x0] =	vst.idx.msk $0xffff, v31  }
0x2ae: {  	v37 =	vor.u32 $0xC02, v1;
	v31 =	vld [tilespmem:$0xB400]  }
0x2af: {  	s30 =	sadd.s32 $0x180, s29  }
0x2b0: {  	v38 =	vor.u32 s30, v0  }
0x2b1: {  	[tilespmem:v29+s11+$0x0] =	vst.idx.msk $0xffff, v38  }
0x2b2: {  	v29 =	vor.u32 $0xC80, v1;
	[tilespmem:v30+s11+$0x0] =	vst.idx.msk $0xffff, v38  }
0x2b3: {  	v30 =	vor.u32 $0xC81, v1;
	[tilespmem:v37+s11+$0x0] =	vst.idx.msk $0xffff, v31  }
0x2b4: {  	v36 =	vor.u32 $0xC82, v1;
	v31 =	vld [tilespmem:$0xB410]  }
0x2b5: {  	s12 =	sadd.s32 $0x190, s29  }
0x2b6: {  	v37 =	vor.u32 s12, v0  }
0x2b7: {  	[tilespmem:v29+s11+$0x0] =	vst.idx.msk $0xffff, v37  }
0x2b8: {  	v29 =	vor.u32 $0xD00, v1;
	[tilespmem:v30+s11+$0x0] =	vst.idx.msk $0xffff, v37  }
0x2b9: {  	v30 =	vor.u32 $0xD01, v1;
	[tilespmem:v36+s11+$0x0] =	vst.idx.msk $0xffff, v31  }
0x2ba: {  	v38 =	vor.u32 $0xD02, v1;
	v31 =	vld [tilespmem:$0xB420]  }
0x2bb: {  	s13 =	sadd.s32 $0x1A0, s29  }
0x2bc: {  	v36 =	vor.u32 s13, v0  }
0x2bd: {  	[tilespmem:v29+s11+$0x0] =	vst.idx.msk $0xffff, v36  }
0x2be: {  	v29 =	vor.u32 $0xD80, v1;
	[tilespmem:v30+s11+$0x0] =	vst.idx.msk $0xffff, v36  }
0x2bf: {  	v30 =	vor.u32 $0xD81, v1;
	[tilespmem:v38+s11+$0x0] =	vst.idx.msk $0xffff, v31  }
0x2c0: {  	v37 =	vor.u32 $0xD82, v1;
	v31 =	vld [tilespmem:$0xB430]  }
0x2c1: {  	s30 =	sadd.s32 $0x1B0, s29  }
0x2c2: {  	v38 =	vor.u32 s30, v0  }
0x2c3: {  	[tilespmem:v29+s11+$0x0] =	vst.idx.msk $0xffff, v38  }
0x2c4: {  	v29 =	vor.u32 $0xE00, v1;
	[tilespmem:v30+s11+$0x0] =	vst.idx.msk $0xffff, v38  }
0x2c5: {  	v30 =	vor.u32 $0xE01, v1;
	[tilespmem:v37+s11+$0x0] =	vst.idx.msk $0xffff, v31  }
0x2c6: {  	v36 =	vor.u32 $0xE02, v1;
	v31 =	vld [tilespmem:$0xB440]  }
0x2c7: {  	s12 =	sadd.s32 $0x1C0, s29  }
0x2c8: {  	v37 =	vor.u32 s12, v0  }
0x2c9: {  	[tilespmem:v29+s11+$0x0] =	vst.idx.msk $0xffff, v37  }
0x2ca: {  	v29 =	vor.u32 $0xE80, v1;
	[tilespmem:v30+s11+$0x0] =	vst.idx.msk $0xffff, v37  }
0x2cb: {  	v30 =	vor.u32 $0xE81, v1;
	[tilespmem:v36+s11+$0x0] =	vst.idx.msk $0xffff, v31  }
0x2cc: {  	v38 =	vor.u32 $0xE82, v1;
	v31 =	vld [tilespmem:$0xB450]  }
0x2cd: {  	s13 =	sadd.s32 $0x1D0, s29  }
0x2ce: {  	v36 =	vor.u32 s13, v0  }
0x2cf: {  	[tilespmem:v29+s11+$0x0] =	vst.idx.msk $0xffff, v36  }
0x2d0: {  	v29 =	vor.u32 $0xF00, v1;
	[tilespmem:v30+s11+$0x0] =	vst.idx.msk $0xffff, v36  }
0x2d1: {  	v30 =	vor.u32 $0xF01, v1;
	[tilespmem:v38+s11+$0x0] =	vst.idx.msk $0xffff, v31  }
0x2d2: {  	v37 =	vor.u32 $0xF02, v1;
	v31 =	vld [tilespmem:$0xB460]  }
0x2d3: {  	s30 =	sadd.s32 $0x1E0, s29  }
0x2d4: {  	v38 =	vor.u32 s30, v0  }
0x2d5: {  	[tilespmem:v29+s11+$0x0] =	vst.idx.msk $0xffff, v38  }
0x2d6: {  	v29 =	vor.u32 $0xF80, v1;
	[tilespmem:v30+s11+$0x0] =	vst.idx.msk $0xffff, v38  }
0x2d7: {  	v30 =	vor.u32 $0xF81, v1;
	[tilespmem:v37+s11+$0x0] =	vst.idx.msk $0xffff, v31  }
0x2d8: {  	v36 =	vor.u32 $0xF82, v1;
	v31 =	vld [tilespmem:$0xB470]  }
0x2d9: {  	s12 =	sadd.s32 $0x1F0, s29  }
0x2da: {  	v37 =	vor.u32 s12, v0  }
0x2db: {  	[tilespmem:v29+s11+$0x0] =	vst.idx.msk $0xffff, v37  }
0x2dc: {  	v29 =	vor.u32 $0x1000, v1;
	[tilespmem:v30+s11+$0x0] =	vst.idx.msk $0xffff, v37  }
0x2dd: {  	v30 =	vor.u32 $0x1001, v1;
	[tilespmem:v36+s11+$0x0] =	vst.idx.msk $0xffff, v31  }
0x2de: {  	v38 =	vor.u32 $0x1002, v1;
	v31 =	vld [tilespmem:$0xB480]  }
0x2df: {  	s13 =	sadd.s32 $0x200, s29  }
0x2e0: {  	v36 =	vor.u32 s13, v0  }
0x2e1: {  	[tilespmem:v29+s11+$0x0] =	vst.idx.msk $0xffff, v36  }
0x2e2: {  	v29 =	vor.u32 $0x1080, v1;
	[tilespmem:v30+s11+$0x0] =	vst.idx.msk $0xffff, v36  }
0x2e3: {  	v30 =	vor.u32 $0x1081, v1;
	[tilespmem:v38+s11+$0x0] =	vst.idx.msk $0xffff, v31  }
0x2e4: {  	v37 =	vor.u32 $0x1082, v1;
	v31 =	vld [tilespmem:$0xB490]  }
0x2e5: {  	s30 =	sadd.s32 $0x210, s29  }
0x2e6: {  	v38 =	vor.u32 s30, v0  }
0x2e7: {  	[tilespmem:v29+s11+$0x0] =	vst.idx.msk $0xffff, v38  }
0x2e8: {  	v29 =	vor.u32 $0x1100, v1;
	[tilespmem:v30+s11+$0x0] =	vst.idx.msk $0xffff, v38  }
0x2e9: {  	v30 =	vor.u32 $0x1101, v1;
	[tilespmem:v37+s11+$0x0] =	vst.idx.msk $0xffff, v31  }
0x2ea: {  	v36 =	vor.u32 $0x1102, v1;
	v31 =	vld [tilespmem:$0xB4A0]  }
0x2eb: {  	s12 =	sadd.s32 $0x220, s29  }
0x2ec: {  	v37 =	vor.u32 s12, v0  }
0x2ed: {  	[tilespmem:v29+s11+$0x0] =	vst.idx.msk $0xffff, v37  }
0x2ee: {  	v29 =	vor.u32 $0x1180, v1;
	[tilespmem:v30+s11+$0x0] =	vst.idx.msk $0xffff, v37  }
0x2ef: {  	v30 =	vor.u32 $0x1181, v1;
	[tilespmem:v36+s11+$0x0] =	vst.idx.msk $0xffff, v31  }
0x2f0: {  	v38 =	vor.u32 $0x1182, v1;
	v31 =	vld [tilespmem:$0xB4B0]  }
0x2f1: {  	s13 =	sadd.s32 $0x230, s29  }
0x2f2: {  	v36 =	vor.u32 s13, v0  }
0x2f3: {  	[tilespmem:v29+s11+$0x0] =	vst.idx.msk $0xffff, v36  }
0x2f4: {  	v29 =	vor.u32 $0x1200, v1;
	[tilespmem:v30+s11+$0x0] =	vst.idx.msk $0xffff, v36  }
0x2f5: {  	v30 =	vor.u32 $0x1201, v1;
	[tilespmem:v38+s11+$0x0] =	vst.idx.msk $0xffff, v31  }
0x2f6: {  	v37 =	vor.u32 $0x1202, v1;
	v31 =	vld [tilespmem:$0xB4C0]  }
0x2f7: {  	s30 =	sadd.s32 $0x240, s29  }
0x2f8: {  	v38 =	vor.u32 s30, v0  }
0x2f9: {  	[tilespmem:v29+s11+$0x0] =	vst.idx.msk $0xffff, v38  }
0x2fa: {  	v29 =	vor.u32 $0x1280, v1;
	[tilespmem:v30+s11+$0x0] =	vst.idx.msk $0xffff, v38  }
0x2fb: {  	v30 =	vor.u32 $0x1281, v1;
	[tilespmem:v37+s11+$0x0] =	vst.idx.msk $0xffff, v31  }
0x2fc: {  	v36 =	vor.u32 $0x1282, v1;
	v31 =	vld [tilespmem:$0xB4D0]  }
0x2fd: {  	s12 =	sadd.s32 $0x250, s29  }
0x2fe: {  	v37 =	vor.u32 s12, v0  }
0x2ff: {  	[tilespmem:v29+s11+$0x0] =	vst.idx.msk $0xffff, v37  }
0x300: {  	v29 =	vor.u32 $0x1300, v1;
	[tilespmem:v30+s11+$0x0] =	vst.idx.msk $0xffff, v37  }
0x301: {  	v30 =	vor.u32 $0x1301, v1;
	[tilespmem:v36+s11+$0x0] =	vst.idx.msk $0xffff, v31  }
0x302: {  	v38 =	vor.u32 $0x1302, v1;
	v31 =	vld [tilespmem:$0xB4E0]  }
0x303: {  	s13 =	sadd.s32 $0x260, s29  }
0x304: {  	v36 =	vor.u32 s13, v0  }
0x305: {  	[tilespmem:v29+s11+$0x0] =	vst.idx.msk $0xffff, v36  }
0x306: {  	v29 =	vor.u32 $0x1380, v1;
	[tilespmem:v30+s11+$0x0] =	vst.idx.msk $0xffff, v36  }
0x307: {  	v30 =	vor.u32 $0x1381, v1;
	[tilespmem:v38+s11+$0x0] =	vst.idx.msk $0xffff, v31  }
0x308: {  	v37 =	vor.u32 $0x1382, v1;
	v31 =	vld [tilespmem:$0xB4F0]  }
0x309: {  	s29 =	sadd.s32 $0x270, s29  }
0x30a: {  	v38 =	vor.u32 s29, v0  }
0x30b: {  	[tilespmem:v29+s11+$0x0] =	vst.idx.msk $0xffff, v38  }
0x30c: {  	[tilespmem:v30+s11+$0x0] =	vst.idx.msk $0xffff, v38  }
0x30d: {  	[tilespmem:v37+s11+$0x0] =	vst.idx.msk $0xffff, v31  }
0x30e: {  	[hbm4b:s8+s20] =	stream.indirect.scatter [tilespmem:s11], [sflag:$0x1], $0x8, s0, s20, $0xb8;
	[tilespmem:$0xC900] =	vst v63  }
0x30f: {  	s30 =	simm.s32 $0xB080;
	s12 =	simm.s32 $0xB900  }
0x310: {  	[hbm4b:s8+s20] =	stream.indirect.scatter [tilespmem:s12], [sflag:$0x1], $0x8, s30, s20, $0xb8;
	[tilespmem:$0xC900] =	vst v63  }
0x311: {  	_ = 	snop  }
0x312: {  	[hbm4b:s8+s20] =	stream.indirect.scatter [tilespmem:s3], [sflag:$0x1], $0x8, s1, s20, $0xb8;
	[tilespmem:$0xC900] =	vst v63  }
0x313: {  	_ = 	snop  }
0x314: {  	[hbm4b:s8+s20] =	stream.indirect.scatter [tilespmem:s21], [sflag:$0x1], $0x8, s18, s20, $0xb8;
	[tilespmem:$0xC900] =	vst v63  }
0x315: {  	_ = 	snop  }
0x316: {  	[hbm4b:s8+s20] =	stream.indirect.scatter [tilespmem:s23], [sflag:$0x1], $0x8, s22, s20, $0xb8;
	[tilespmem:$0xC900] =	vst v63  }
0x317: {  	_ =	swait.ge [sflag:s31], $0x400  }
0x318: {  	[sflag:s31] =	ssyncset.done $0x0  }
0x319: {  	[sflag:s31] =	ssyncadd.s32 $0xFFFFFC00  }
0x31a: {  	_ =	swait.ge [sflag:s31], $0x400  }
0x31b: {  	[sflag:s31] =	ssyncset.done $0x0  }
0x31c: {  	[sflag:s31] =	ssyncadd.s32 $0xFFFFFC00  }
0x31d: {  	_ =	swait.ge [sflag:s31], $0x400  }
0x31e: {  	[sflag:s31] =	ssyncset.done $0x0  }
0x31f: {  	[sflag:s31] =	ssyncadd.s32 $0xFFFFFC00  }
0x320: {  	_ =	swait.ge [sflag:s31], $0x400  }
.Ltmp10:
0x321: {  	[sflag:s31] =	ssyncset.done $0x0;
	(pc) =	sbr.rel .LBB2_10-.Ltmp10, $4  }
0x322: {  	[sflag:s31] =	ssyncadd.s32 $0xFFFFFC00  }
0x323: {  	_ =	swait.ge [sflag:s31], $0x400  }
0x324: {  	[sflag:s31] =	ssyncset.done $0x0  }
0x325: {  	[sflag:s31] =	ssyncadd.s32 $0xFFFFFC00  }
.LBB2_12:
0x326: {  	_ =	sfence.sel $0x180000  }
0x327: {  	[bflag:$0x0] =	sbarrier.arrive $0xFFFF  }
0x328: {  	_ =	strace $0x9000005F  }
0x329: {  	s0 =	stileid.u32;
	[bflag:$0x2] =	sbarrier.arrive $0xFFFF  }
0x32a: {  	p0 =	sne.s32 s0, $0x0;
	s0 =	rddreg [dreg:$0x3]  }
0x32b: {  	s0 =	sadd.s32 @!p0 $0x100000, s0  }
0x32c: {  	[sflag:s0] =	ssyncadd.tile.s32 @!p0 $0x1;
	_ =	shalt  }
.Lfunc_end2:
_tile_overlayer_lowered:
.L_overlay_start_2:
0x32d: {  	(tag) =	ssettag $0x2  }
0x32e: {  	s0 =	rddreg [dreg:$0x0];
	s2 =	stileid.u32  }
0x32f: {  	s1 =	rddreg [dreg:$0x1];
	p0 =	sne.s32 s2, $0x0  }
0x330: {  	s3 =	rddreg [dreg:$0x2];
	[bflag:$0x3] =	sbarrier.arrive $0xFFFF;
	s2 =	simm.s32 @!p0 $0x1C02  }
0x331: {  	[timem:s3], [sflag:s2] =	dma.local @!p0 [hbm:s0], s1  }
0x332: {  	s0 =	simm.s32 @!p0 $0x2  }
0x333: {  	_ =	swait.ge @!p0 [sflag:s0], s1  }
0x334: {  	s1 =	ssub.s32 @!p0 $0x0, s1;
	[sflag:s0] =	ssyncset.done @!p0 $0x0  }
0x335: {  	[sflag:s0] =	ssyncadd.s32 @!p0 s1  }
0x336: {  	[bflag:$0x3] =	sbarrier.arrive $0xFFFF  }
0x337: {  	_ =	shalt  }

// kernel: scatter_offload_async_start.1
scs
__scs_entry_jumppad:
0x0: {  	(pc) =	sbr.rel $0x88, $3  }
0x1: {  	(tag) =	ssettag $0x0;
	lr =	simm.s32 $0x1  }
0x2: {  	[smem:$0x3F9F] =	sst lr;
	_ =	strace $0xD0000000  }
0x3: {  	_ = 	snop  }
0x4: {  	_ = 	snop  }
0x5: {  	_ = 	snop  }
0x6: {  	_ = 	snop  }
0x7: {  	_ = 	snop  }
__scs_overlays_trampoline_lowered:
0x8: {  	[smem:$0x3FAE] =	sst s0  }
0x9: {  	[smem:$0x3FAF] =	sst s1  }
0xa: {  	[smem:$0x3FB0] =	sst s2  }
0xb: {  	[smem:$0x3FB1] =	sst s3  }
0xc: {  	[smem:$0x3FB2] =	sst s4  }
0xd: {  	[smem:$0x3FB3] =	sst s5  }
0xe: {  	[smem:$0x3FB4] =	sst s6  }
0xf: {  	[smem:$0x3FB5] =	sst s7  }
0x10: {  	[smem:$0x3FB6] =	sst s8  }
0x11: {  	[smem:$0x3FB7] =	sst s9;
	s0 =	simm.s32 @!p0 $0x0  }
0x12: {  	s1 =	sld [smem:$0x3F9D];
	s0 =	simm.s32 @p0 $0x1  }
0x13: {  	[smem:$0x3FB8] =	sst s0;
	s0 =	simm.s32 @!p1 $0x0  }
0x14: {  	s2 =	sld [smem:$0x3F9C];
	s0 =	simm.s32 @p1 $0x1  }
0x15: {  	[smem:$0x3FB9] =	sst s0;
	s0 =	simm.s32 @!p2 $0x0  }
0x16: {  	s3 =	sld [smem:$0x3FDB];
	s0 =	simm.s32 @p2 $0x1  }
0x17: {  	s4 =	simm.s32 $0x1BF5;
	[smem:$0x3FBB] =	sst s0  }
0x18: {  	s0 =	sld [smem:$0x3F9E];
	_ =	swait.ge [sflag:s4], $0x0  }
0x19: {  	s7 =	sld [smem:$0x3F9F]  }
0x1a: {  	s8 =	sadd.s32 $0xFFFFE003, lr  }
0x1b: {  	s9 =	sadd.s32 $0xFFFFFEF7, lr;
	s5 =	simm.s32 $0xFFFFFFFF;
	p2 =	slt.u32 s8, $0xFFFFF086  }
0x1c: {  	p1 =	slt.u32 s9, $0xF7A;
	s5 =	simm.s32 @!p2 $0x0  }
0x1d: {  	s5 =	simm.s32 @p1 $0x1;
	p0 =	seq.s32 s7, s2  }
0x1e: {  	s7 =	smul.u32 @!p0 $0xF7A, s2;
	p2 =	seq.s32 @!p0 s5, $0x0  }
0x1f: {  	s9 =	smul.u32 $0xF7A, s1;
	s8 =	simm.s32 @!p0 $0x1BF5;
	p2 =	por !p2, p0  }
0x20: {  	[sflag:s8] =	ssyncset.s32 @!p0 $0xFFFFF086;
	s6 =	sadd.s32 @!p0 s3, s7;
	s7 =	simm.s32 @!p0 $0x108  }
0x21: {  	s3 =	sadd.s32 s3, s9;
	s6 =	sadd.s32 @!p0 $0x88, s6;
	s7 =	simm.s32 @p2 $0x1082  }
0x22: {  	[simem:s7], [sflag:s8] =	dma.local @!p0 [hbm:s6], $0xF7A  }
0x23: {  	s9 =	sor.u32 $0xD0000000, s2;
	s6 =	simm.s32 $0x108;
	_ =	swait.ge @!p0 [sflag:s8], $0x0  }
0x24: {  	s3 =	sadd.s32 $0x88, s3;
	s6 =	simm.s32 @!p1 $0x1082;
	[sflag:s4] =	ssyncset.s32 $0xFFFFF086  }
0x25: {  	[simem:s6], [sflag:s4] =	dma.local [hbm:s3], $0xF7A  }
0x26: {  	[smem:$0x3F9F] =	sst s1;
	(tag) =	ssettag s2;
	_ =	strace s9  }
0x27: {  	s1 =	sld [smem:$0x3FAF]  }
0x28: {  	s2 =	sld [smem:$0x3FB0]  }
0x29: {  	s4 =	sld [smem:$0x3FB2]  }
0x2a: {  	p0 =	seq.s32 s5, $0x0;
	s5 =	sld [smem:$0x3FB3]  }
0x2b: {  	s6 =	sld [smem:$0x3FB4]  }
0x2c: {  	s7 =	sld [smem:$0x3FB5]  }
0x2d: {  	s3 =	simm.s32 $0x108;
	s8 =	sld [smem:$0x3FB6]  }
0x2e: {  	s3 =	simm.s32 @!p0 $0x1082;
	s9 =	sld [smem:$0x3FB7]  }
0x2f: {  	lr =	sadd.s32 s0, s3;
	s0 =	sld [smem:$0x3FAE]  }
0x30: {  	s3 =	sld [smem:$0x3FB1]  }
0x31: {  	[smem:$0x3FBA] =	sst s10  }
0x32: {  	s10 =	sld [smem:$0x3FB8];
	_ =	sdelay $0x3  }
0x33: {  	p0 =	seq.s32 s10, $0x1;
	s10 =	sld [smem:$0x3FBA];
	_ =	sdelay $0x3  }
0x34: {  	[smem:$0x3FBA] =	sst s10  }
0x35: {  	s10 =	sld [smem:$0x3FB9];
	_ =	sdelay $0x3  }
0x36: {  	p1 =	seq.s32 s10, $0x1;
	s10 =	sld [smem:$0x3FBA];
	_ =	sdelay $0x3  }
0x37: {  	[smem:$0x3FBA] =	sst s10  }
0x38: {  	s10 =	sld [smem:$0x3FBB]  }
0x39: {  	_ = 	snop;
	(pc) =	sbr.ind lr, $3  }
0x3a: {  	_ = 	snop  }
0x3b: {  	_ = 	snop  }
0x3c: {  	p2 =	seq.s32 s10, $0x1;
	s10 =	sld [smem:$0x3FBA]  }
0x3d: {  	_ =	shalt  }
0x3e: {  	_ =	shalt  }
0x3f: {  	_ =	shalt  }
0x40: {  	_ =	shalt  }
0x41: {  	_ =	shalt  }
0x42: {  	_ =	shalt  }
0x43: {  	_ =	shalt  }
0x44: {  	_ =	shalt  }
0x45: {  	_ =	shalt  }
0x46: {  	_ =	shalt  }
0x47: {  	_ =	shalt  }
0x48: {  	_ =	shalt  }
0x49: {  	_ =	shalt  }
0x4a: {  	_ =	shalt  }
0x4b: {  	_ =	shalt  }
0x4c: {  	_ =	shalt  }
0x4d: {  	_ =	shalt  }
0x4e: {  	_ =	shalt  }
0x4f: {  	_ =	shalt  }
0x50: {  	_ =	shalt  }
0x51: {  	_ =	shalt  }
0x52: {  	_ =	shalt  }
0x53: {  	_ =	shalt  }
0x54: {  	_ =	shalt  }
0x55: {  	_ =	shalt  }
0x56: {  	_ =	shalt  }
0x57: {  	_ =	shalt  }
0x58: {  	_ =	shalt  }
0x59: {  	_ =	shalt  }
0x5a: {  	_ =	shalt  }
0x5b: {  	_ =	shalt  }
0x5c: {  	_ =	shalt  }
0x5d: {  	_ =	shalt  }
0x5e: {  	_ =	shalt  }
0x5f: {  	_ =	shalt  }
0x60: {  	_ =	shalt  }
0x61: {  	_ =	shalt  }
0x62: {  	_ =	shalt  }
0x63: {  	_ =	shalt  }
0x64: {  	_ =	shalt  }
0x65: {  	_ =	shalt  }
0x66: {  	_ =	shalt  }
0x67: {  	_ =	shalt  }
0x68: {  	_ =	shalt  }
0x69: {  	_ =	shalt  }
0x6a: {  	_ =	shalt  }
0x6b: {  	_ =	shalt  }
0x6c: {  	_ =	shalt  }
0x6d: {  	_ =	shalt  }
0x6e: {  	_ =	shalt  }
0x6f: {  	_ =	shalt  }
0x70: {  	_ =	shalt  }
0x71: {  	_ =	shalt  }
0x72: {  	_ =	shalt  }
0x73: {  	_ =	shalt  }
0x74: {  	_ =	shalt  }
0x75: {  	_ =	shalt  }
0x76: {  	_ =	shalt  }
0x77: {  	_ =	shalt  }
0x78: {  	_ =	shalt  }
0x79: {  	_ =	shalt  }
0x7a: {  	_ =	shalt  }
0x7b: {  	_ =	shalt  }
0x7c: {  	_ =	shalt  }
0x7d: {  	_ =	shalt  }
0x7e: {  	_ =	shalt  }
0x7f: {  	_ =	shalt  }
0x80: {  	_ =	shalt  }
0x81: {  	_ =	shalt  }
0x82: {  	_ =	shalt  }
0x83: {  	_ =	shalt  }
0x84: {  	_ =	shalt  }
0x85: {  	_ =	shalt  }
0x86: {  	_ =	shalt  }
0x87: {  	_ =	shalt  }
.Lfunc_end0:
.L_simem_size_0:
called_computation.1_lowered:
.L_overlay_start_0:
0x88: {  	s0 =	sld [smem:$0x3FD9]  }
0x89: {  	s1 =	sld [smem:$0x3FFE];
	_ =	sdelay $0x3  }
0x8a: {  	s0 =	sadd.s32 s1, s0  }
0x8b: {  	[smem:$0x3FC6] =	sst s0  }
0x8c: {  	_ = 	snop  }
0x8d: {  	(tm) =	ssettm $0x1  }
0x8e: {  	s14 =	sld [smem:$0x3FFB];
	_ =	sdelay $0x3  }
0x8f: {  	_ =	strace s14  }
0x90: {  	s0 =	sld [smem:$0x3FFC];
	_ =	sdelay $0x3  }
0x91: {  	_ =	strace s0  }
0x92: {  	s0 =	sld [smem:$0x3FFD];
	_ =	sdelay $0x3  }
0x93: {  	_ =	strace s0  }
0x94: {  	_ =	strace $0x8FFFFFFF  }
0x95: {  	s15 =	sld [smem:$0x3FDB];
	_ =	sdelay $0x1  }
0x96: {  	s16 =	simm.s32 $_scs_section_size  }
0x97: {  	s2 =	simm.s32 $_size__tile_overlayer_lowered;
	s3 =	simm.s32 $_tile_overlayer_lowered  }
0x98: {  	s4 =	simm.s32 $0x1BFF;
	s17 =	sshll.u32 s3, $0x1;
	s1 =	sadd.s32 s16, s15  }
0x99: {  	s18 =	simm.s32 $0x0;
	s2 =	sshll.u32 s2, $0x1;
	s3 =	sadd.s32 s17, s1  }
0x9a: {  	[timem:s18], [sflag:s4] =	dma.local [hbm:s3], s2  }
0x9b: {  	_ =	swait.ge [sflag:s4], s2  }
0x9c: {  	s2 =	ssub.s32 $0x0, s2;
	[sflag:s4] =	ssyncset.done $0x0  }
0x9d: {  	[sflag:s4] =	ssyncadd.s32 s2;
	_ =	sdelay $0x1  }
0x9e: {  	s19 =	simm.s32 $0x1B8B  }
0x9f: {  	_ =	swait.ge [sflag:s19], $0x1  }
0xa0: {  	[sflag:s19] =	ssyncset.done $0x0  }
0xa1: {  	s21 =	simm.s32 $0x1B8E;
	s20 =	sld [smem:$0x3FFE];
	[sflag:s19] =	ssyncadd.s32 $0xFFFFFFFF  }
0xa2: {  	s22 =	simm.s32 $execute0_lowered;
	[smem:$0x3FD2] =	sst s21  }
0xa3: {  	s3 =	sshll.u32 s22, $0x1;
	_ =	strace $0x8000004C;
	[dreg:$0x1] =	wrdreg $0xFFFFFFFF  }
0xa4: {  	s23 =	simm.s32 $_size_execute0_lowered;
	s3 =	sadd.s32 s1, s3;
	[dreg:$0x0] =	wrdreg $0x0  }
0xa5: {  	s4 =	sshll.u32 s23, $0x1;
	[dreg:$0x2] =	wrdreg s3  }
0xa6: {  	[dreg:$0x3] =	wrdreg s4  }
0xa7: {  	[dreg:$0x4] =	wrdreg $0xC0  }
0xa8: {  	s24 =	simm.s32 $execute1_lowered;
	_ =	task [dreg:s18], $0x5FFFF  }
0xa9: {  	s3 =	sshll.u32 s24, $0x1;
	[dreg:$0x1] =	wrdreg $0xFFFFFFFF  }
0xaa: {  	s1 =	sadd.s32 s1, s3;
	[dreg:$0x0] =	wrdreg $0x60  }
0xab: {  	[dreg:$0x2] =	wrdreg s1  }
0xac: {  	[dreg:$0x3] =	wrdreg s20  }
0xad: {  	[dreg:$0x4] =	wrdreg $0xB  }
0xae: {  	_ =	task.clear_ibuf [dreg:s18], $0x5FFFF;
	_ =	strace $0x9000004C  }
0xaf: {  	s25 =	simm.s32 $0xB;
	_ =	strace $0x8000004E  }
0xb0: {  	_ =	swait.ge [sflag:s25], $0x1  }
0xb1: {  	[sflag:s25] =	ssyncadd.s32 $0xFFFFFFFF  }
0xb2: {  	_ =	strace $0x9000004E  }
0xb3: {  	_ =	strace $0x8000004F;
	[dreg:$0x1] =	wrdreg $0xFFFFFFFF  }
0xb4: {  	[dreg:$0x0] =	wrdreg $0x2030  }
0xb5: {  	[dreg:$0x2] =	wrdreg s20  }
0xb6: {  	[dreg:$0x3] =	wrdreg $0xC  }
0xb7: {  	_ =	task.clear_ibuf [dreg:s18], $0x4FFFF;
	_ =	strace $0x9000004F  }
0xb8: {  	s26 =	simm.s32 $0xC;
	_ =	strace $0x80000051  }
0xb9: {  	_ =	swait.ge [sflag:s26], $0x1  }
0xba: {  	[sflag:s26] =	ssyncadd.s32 $0xFFFFFFFF  }
0xbb: {  	_ =	strace $0x90000051  }
0xbc: {  	_ =	sfence  }
0xbd: {  	s28 =	sld [smem:$0x0];
	_ =	sdelay $0x1  }
0xbe: {  	s29 =	srdreg.scid  }
0xbf: {  	s30 =	sshll.u32 s29, $0xD;
	s31 =	sshrl.u32 s29, $0x2  }
0xc0: {  	s2 =	sand.u32 $0x1, s29;
	s3 =	sand.u32 $0x4000, s30;
	s1 =	sadd.s32 s31, s28  }
0xc1: {  	s2 =	sor.u32 s3, s2;
	s1 =	sshll.u32 s1, $0x11  }
0xc2: {  	s1 =	sor.u32 s1, s2  }
0xc3: {  	s1 =	sadd.s32 $0x8F2B, s1  }
0xc4: {  	[sflag:s1] =	ssyncadd.remote.s32 $0x1  }
0xc5: {  	_ =	sfence.sel $0xFFFF  }
0xc6: {  	[dreg:$0x0] =	wrdreg $0xFFFFFFFF;
	(pc) =	sbr.abs _section_cstart, $3  }
0xc7: {  	[dreg:$0x1] =	wrdreg $0xFFFFFFFF  }
0xc8: {  	_ =	task.clear_ibuf [dreg:s18], $0x2FFFF;
	_ =	strace $0x9FFFFFFF  }
0xc9: {  	(tm) =	ssettm $0x7FFFFFFF  }
tec
execute0_lowered:
.L_overlay_start_1:
0x0: {  	(tag) =	ssettag $0x1  }
0x1: {  	s2 =	rddreg [dreg:$0x0]  }
0x2: {  	s5 =	rddreg [dreg:$0x1]  }
0x3: {  	s0 =	rddreg [dreg:$0x2];
	s3 =	stileid.u32  }
0x4: {  	[bflag:$0x3] =	sbarrier.arrive $0xFFFF;
	s1 =	simm.s32 $_size_execute1_lowered;
	s31 =	simm.s32 $0x2  }
0x5: {  	s8 =	simm.s32 $0x0;
	p0 =	sne.s32 s3, $0x0;
	s1 =	sshll.u32 s1, $0x1  }
.Ltmp0:
0x6: {  	s4 =	simm.s32 @!p0 $0x1C3F;
	s6 =	simm.s32 @!p0 $0x4060;
	(pc) =	sbr.rel .LBB2_1-.Ltmp0, $4  }
0x7: {  	[timem:s6], [sflag:s4] =	dma.local @!p0 [hbm:s2], s1  }
0x8: {  	s3 =	smul.u32 $0xC40, s3;
	s4 =	simm.s32 $0x1;
	_ =	strace $0x8000004D  }
0x9: {  	s2 =	sadd.s32 $0x30E00, s5;
	s5 =	sadd.s32 $0x34000, s5;
	[sflag:s4] =	ssyncpa.u1 $0x0  }
0xa: {  	s7 =	smov.u32 s3;
	s6 =	simm.s32 $0x0;
	[sflag:s31] =	ssyncpa.u1 $0x0  }
.LBB2_7:
0xb: {  	s10 =	sadd.s32 $0xC400, s7  }
0xc: {  	p1 =	slt.u32 s6, $0x2;
	s6 =	sadd.s32 $0x1, s6;
	p2 =	sgt.s32 s10, $0x1869F  }
0xd: {  	s10 =	smov.u32 @p2 s3;
	p2 =	sne.s32 s6, $0x4  }
.Ltmp1:
0xe: {  	_ = 	snop;
	(pc) =	sbr.rel @!p2 .LBB2_8-.Ltmp1, $4  }
0xf: {  	s9 =	simm.s32 @!p1 $0x2  }
0x10: {  	_ =	swait.ge @!p1 [sflag:s9], $0xC40  }
0x11: {  	[sflag:s9] =	ssyncset.done @!p1 $0x0  }
0x12: {  	s8 =	smov.u32 s7;
	s7 =	smov.u32 s10;
	[sflag:s9] =	ssyncadd.s32 @!p1 $0xFFFFF3C0  }
.LBB2_1:
0x13: {  	p1 =	sgt.u32 s6, $0x1  }
0x14: {  	s9 =	sxor.u32 @!p1 $0x1, s6  }
0x15: {  	s9 =	smul.u32 @!p1 $0x3100, s9  }
0x16: {  	s10 =	sshrl.u32 @!p1 s7, $0x3  }
0x17: {  	s11 =	sand.u32 @!p1 $0x7, s7;
	s10 =	sadd.s32 @!p1 s2, s10;
	s9 =	sshra.s32 @!p1 s9, $0x2  }
0x18: {  	[tilespmem:s9], [sflag:$0x1] =	stream.linear.gather @!p1 [hbm4b:s10+s11], $0xC40, $0x38;
	[tilespmem:$0x3100] =	vst v63  }
0x19: {  	p1 =	seq.s32 s6, $0x0  }
0x1a: {  	p2 =	seq.s32 @!p1 s6, $0x3  }
0x1b: {  	p1 =	por p1, p2  }
.Ltmp2:
0x1c: {  	_ = 	snop;
	(pc) =	sbr.rel @p1 .LBB2_7-.Ltmp2, $1  }
0x1d: {  	_ =	sdelay $0x3  }
0x1e: {  	s9 =	sand.u32 $0x1, s6  }
0x1f: {  	_ =	swait.ge [sflag:s4], $0xC40;
	s11 =	simm.s32 $0xC40;
	p1 =	seq.s32 s9, $0x1  }
0x20: {  	[sflag:s4] =	ssyncset.done $0x0;
	s11 =	simm.s32 @!p1 $0x0  }
0x21: {  	[sflag:s4] =	ssyncadd.s32 $0xFFFFF3C0;
	s13 =	sor.u32 $0x80, s11  }
0x22: {  	v0 =	vld [tilespmem:s13+$0x70]  }
0x23: {  	v1 =	vld [tilespmem:s13+$0xFFFFFF90]  }
0x24: {  	v2 =	vld [tilespmem:s13+$0xFFFFFFA0]  }
0x25: {  	v3 =	vld [tilespmem:s13+$0xFFFFFFB0]  }
0x26: {  	s9 =	sadd.s32 $0x1900, s11;
	v4 =	vld [tilespmem:s13+$0xFFFFFFC0]  }
0x27: {  	v5 =	vld [tilespmem:s13+$0xFFFFFFD0];
	[tilespmem:s9+$0x70] =	vst v0  }
0x28: {  	[tilespmem:s9+$0xFFFFFF90] =	vst v1;
	v0 =	vld [tilespmem:s13+$0xFFFFFFE0]  }
0x29: {  	[tilespmem:s9+$0xFFFFFFA0] =	vst v2;
	v1 =	vld [tilespmem:s13+$0xFFFFFFF0]  }
0x2a: {  	[tilespmem:s9+$0xFFFFFFB0] =	vst v3;
	v2 =	vld [tilespmem:s13+$0x0]  }
0x2b: {  	[tilespmem:s9+$0xFFFFFFC0] =	vst v4;
	v3 =	vld [tilespmem:s13+$0x10]  }
0x2c: {  	[tilespmem:s9+$0xFFFFFFD0] =	vst v5;
	v5 =	vld [tilespmem:s13+$0x20]  }
0x2d: {  	[tilespmem:s9+$0xFFFFFFE0] =	vst v0;
	v0 =	vld [tilespmem:s13+$0x30]  }
0x2e: {  	[tilespmem:s9+$0xFFFFFFF0] =	vst v1;
	v1 =	vld [tilespmem:s13+$0x40]  }
0x2f: {  	[tilespmem:s9+$0x0] =	vst v2;
	v2 =	vld [tilespmem:s13+$0x50]  }
0x30: {  	s12 =	simm.s32 $0x0;
	[tilespmem:s9+$0x10] =	vst v3;
	v3 =	vld [tilespmem:s13+$0x60]  }
0x31: {  	s10 =	sadd.s32 $0x1880, s11;
	s11 =	sshll.u32 s11, $0x2;
	v4 =	vld [tilespmem:s13+$0xFFFFFF80];
	[tilespmem:s9+$0x20] =	vst v5;
	s13 =	sadd.s32 $0x100, s13  }
.LBB2_3:
0x32: {  	v5 =	vld [tilespmem:s13+$0x70];
	s12 =	sadd.s32 $0x100, s12;
	[tilespmem:s9+$0x30] =	vst v0  }
0x33: {  	v0 =	vld [tilespmem:s13+$0xFFFFFF90];
	p1 =	slt.u32 s12, $0xB00;
	[tilespmem:s9+$0x40] =	vst v1  }
0x34: {  	v1 =	vld [tilespmem:s13+$0xFFFFFFA0];
	[tilespmem:s9+$0x50] =	vst v2  }
0x35: {  	v2 =	vld [tilespmem:s13+$0xFFFFFFB0];
	[tilespmem:s9+$0x60] =	vst v3  }
0x36: {  	v3 =	vld [tilespmem:s13+$0xFFFFFFC0];
	[tilespmem:s9+$0xFFFFFF80] =	vst v4;
	s9 =	sadd.s32 $0x100, s9  }
0x37: {  	v4 =	vld [tilespmem:s13+$0xFFFFFFD0];
	[tilespmem:s9+$0x70] =	vst v5  }
0x38: {  	[tilespmem:s9+$0xFFFFFF90] =	vst v0;
	v0 =	vld [tilespmem:s13+$0xFFFFFFE0]  }
0x39: {  	[tilespmem:s9+$0xFFFFFFA0] =	vst v1;
	v1 =	vld [tilespmem:s13+$0xFFFFFFF0]  }
0x3a: {  	[tilespmem:s9+$0xFFFFFFB0] =	vst v2;
	v2 =	vld [tilespmem:s13+$0x0]  }
0x3b: {  	[tilespmem:s9+$0xFFFFFFC0] =	vst v3;
	v3 =	vld [tilespmem:s13+$0x10]  }
0x3c: {  	[tilespmem:s9+$0xFFFFFFD0] =	vst v4;
	v5 =	vld [tilespmem:s13+$0x20]  }
.Ltmp3:
0x3d: {  	[tilespmem:s9+$0xFFFFFFE0] =	vst v0;
	v0 =	vld [tilespmem:s13+$0x30];
	(pc) =	sbr.rel @p1 .LBB2_3-.Ltmp3, $4  }
0x3e: {  	[tilespmem:s9+$0xFFFFFFF0] =	vst v1;
	v1 =	vld [tilespmem:s13+$0x40]  }
0x3f: {  	[tilespmem:s9+$0x0] =	vst v2;
	v2 =	vld [tilespmem:s13+$0x50]  }
0x40: {  	[tilespmem:s9+$0x10] =	vst v3;
	v3 =	vld [tilespmem:s13+$0x60]  }
0x41: {  	v4 =	vld [tilespmem:s13+$0xFFFFFF80];
	[tilespmem:s9+$0x20] =	vst v5;
	s13 =	sadd.s32 $0x100, s13  }
0x42: {  	[tilespmem:s9+$0x30] =	vst v0  }
0x43: {  	[tilespmem:s9+$0x40] =	vst v1  }
0x44: {  	[tilespmem:s9+$0x50] =	vst v2  }
0x45: {  	s11 =	sshrl.u32 s11, $0x2;
	[tilespmem:s9+$0x60] =	vst v3  }
0x46: {  	s12 =	simm.s32 $0xBF0;
	[tilespmem:s9+$0xFFFFFF80] =	vst v4;
	s9 =	sadd.s32 $0x2480, s11;
	s11 =	sadd.s32 $0xC00, s11  }
.LBB2_5:
0x47: {  	s12 =	sadd.s32 $0x10, s12  }
0x48: {  	v0 =	vld [tilespmem:s11+$0x0];
	p1 =	slt.u32 s12, $0xC30  }
.Ltmp4:
0x49: {  	_ = 	snop;
	(pc) =	sbr.rel @p1 .LBB2_5-.Ltmp4, $2  }
0x4a: {  	_ =	sdelay $0x2  }
0x4b: {  	s11 =	sadd.s32 $0x10, s11;
	[tilespmem:s9+$0x0] =	vst v0;
	s9 =	sadd.s32 $0x10, s9  }
.Ltmp5:
0x4c: {  	(pc) =	sbr.rel .LBB2_7-.Ltmp5, $4  }
0x4d: {  	_ = 	snop  }
0x4e: {  	s9 =	sshrl.u32 s8, $0x3  }
0x4f: {  	s31 =	sand.u32 $0x7, s8;
	s9 =	sadd.s32 s5, s9  }
0x50: {  	[hbm4b:s9+s31] =	stream.linear.scatter [tilespmem:s10], [sflag:$0x2], $0xC40, $0x38;
	[tilespmem:$0x3100] =	vst v63  }
.LBB2_8:
0x51: {  	_ =	sfence.sel $0x180000  }
0x52: {  	s2 =	simm.s32 $0x1;
	[bflag:$0x0] =	sbarrier.arrive $0xFFFF  }
0x53: {  	s31 =	simm.s32 $0x2;
	[sflag:s2] =	ssyncpa.u1 $0x1  }
0x54: {  	[sflag:s31] =	ssyncpa.u1 $0x1  }
0x55: {  	_ =	strace $0x9000004D  }
0x56: {  	s0 =	sadd.s32 @!p0 $0x100000, s0;
	[bflag:$0x2] =	sbarrier.arrive $0xFFFF  }
0x57: {  	[sflag:s0] =	ssyncadd.tile.s32 @!p0 $0x1;
	s0 =	simm.s32 @!p0 $0x3F  }
0x58: {  	_ =	swait.ge @!p0 [sflag:s0], s1  }
0x59: {  	s1 =	ssub.s32 @!p0 $0x0, s1;
	[sflag:s0] =	ssyncset.done @!p0 $0x0  }
0x5a: {  	[sflag:s0] =	ssyncadd.s32 @!p0 s1  }
0x5b: {  	[bflag:$0x3] =	sbarrier.arrive $0xFFFF  }
0x5c: {  	_ =	shalt  }
.Lfunc_end2:
execute1_lowered:
.L_overlay_start_2:
0x5d: {  	(tag) =	ssettag $0x2  }
0x5e: {  	s5 =	rddreg [dreg:$0x0]  }
0x5f: {  	s0 =	rddreg [dreg:$0x1];
	_ =	strace $0x80000050;
	s3 =	stileid.u32  }
0x60: {  	s2 =	simm.s32 $0x3E;
	s1 =	sadd.s32 $0x34000, s5;
	p0 =	sne.s32 s3, $0x0  }
0x61: {  	[sflag:s2] =	ssyncpa.u1 $0x0;
	s4 =	simm.s32 @!p0 $0x1C3E;
	s6 =	simm.s32 @!p0 $0x0  }
0x62: {  	[spmem:s6], [sflag:s4] =	dma.local @!p0 [hbm:s1], $0x3100  }
0x63: {  	s4 =	simm.s32 @!p0 $0x3E  }
0x64: {  	_ =	swait.ge @!p0 [sflag:s4], $0x3100  }
0x65: {  	s3 =	smul.u32 $0x30D40, s3;
	[sflag:s4] =	ssyncset.done @!p0 $0x0  }
.Ltmp6:
0x66: {  	s7 =	simm.s32 $0x2;
	[sflag:s4] =	ssyncadd.s32 @!p0 $0xFFFFCF00;
	(pc) =	sbr.rel .LBB3_1-.Ltmp6, $4  }
0x67: {  	s8 =	simm.s32 $0x0;
	s9 =	simm.s32 $0x0;
	[bflag:$0x0] =	sbarrier.arrive $0xFFFF  }
0x68: {  	s6 =	sadd.s32 $0x30D40, s3;
	[sflag:s2] =	ssyncpa.u1 $0x1;
	s2 =	simm.s32 $0x1  }
0x69: {  	s10 =	smov.u32 s3;
	s4 =	sadd.s32 $0x92A00, s5;
	[sflag:s2] =	ssyncpa.u1 $0x0  }
0x6a: {  	vm0 =	vmmov $0xffff;
	s5 =	sadd.s32 $0x322A400, s5;
	(ifvalue) =	ssetifvalue $0x18800;
	[sflag:s7] =	ssyncpa.u1 $0x0  }
.LBB3_5:
0x6b: {  	s9 =	sadd.s32 $0x1, s9  }
0x6c: {  	p2 =	sne.s32 s9, $0x1A  }
.Ltmp7:
0x6d: {  	_ = 	snop;
	(pc) =	sbr.rel @!p2 .LBB3_6-.Ltmp7, $4  }
0x6e: {  	_ = 	snop  }
0x6f: {  	s11 =	sadd.s32 $0x1F40, s10  }
0x70: {  	s10 =	smov.u32 s3;
	p1 =	slt.s32 s11, s6  }
0x71: {  	s10 =	smov.u32 @p1 s11  }
.LBB3_1:
0x72: {  	p1 =	seq.s32 s9, $0x19  }
0x73: {  	s11 =	sxor.u32 @!p1 $0xFFFFFFFF, s9  }
0x74: {  	s11 =	sand.u32 @!p1 $0x1, s11  }
0x75: {  	s11 =	smul.u32 @!p1 $0x1F40, s11  }
0x76: {  	s12 =	sshrl.u32 @!p1 s10, $0x3  }
0x77: {  	s15 =	sand.u32 @!p1 $0x7, s10;
	s13 =	sadd.s32 @!p1 s4, s12;
	s14 =	sadd.s32 @!p1 $0x1880, s11  }
0x78: {  	[tilespmem:s14], [sflag:$0x2] =	stream.linear.gather @!p1 [hbm4b:s13+s15], $0x1F40, $0x38;
	[tilespmem:$0x9580] =	vst v63  }
0x79: {  	p2 =	seq.s32 @!p1 s9, $0x0;
	s12 =	sadd.s32 @!p1 s5, s12;
	s11 =	sadd.s32 @!p1 $0x5700, s11  }
0x7a: {  	[tilespmem:s11], [sflag:$0x2] =	stream.linear.gather @!p1 [hbm4b:s12+s15], $0x1F40, $0x38;
	[tilespmem:$0x9580] =	vst v63  }
0x7b: {  	p1 =	por p1, !p2  }
.Ltmp8:
0x7c: {  	_ = 	snop;
	(pc) =	sbr.rel @!p1 .LBB3_5-.Ltmp8, $1  }
0x7d: {  	_ =	sdelay $0x3  }
0x7e: {  	s11 =	sand.u32 $0x1, s9  }
0x7f: {  	_ =	swait.ge [sflag:s7], $0x3E80;
	p1 =	seq.s32 s11, $0x1;
	s11 =	simm.s32 $0x1F40  }
0x80: {  	[sflag:s7] =	ssyncset.done $0x0;
	s11 =	simm.s32 @!p1 $0x0  }
0x81: {  	[sflag:s7] =	ssyncadd.s32 $0xFFFFC180;
	s13 =	sadd.s32 $0x1880, s11  }
0x82: {  	v0 =	vld.msk [tilespmem:s13+$0x0 ss:$0x1], $0xffff;
	_ =	sdelay $0x4  }
0x83: {  	v0 =	vmin.u32 v0, $0x18800;
	_ =	sdelay $0x3  }
0x84: {  	s12 =	simm.s32 $0x0;
	s11 =	sadd.s32 $0x5700, s11;
	s13 =	sadd.s32 $0x10, s13  }
0x85: {  	[spmem:s8] =	stream.indirect_vreg.scatter.add.s32 [tilespmem:s11], [sflag:$0x1], $0x1, v0, vm0, $0x4038;
	[tilespmem:$0x9580] =	vst v63  }
.LBB3_3:
0x86: {  	v0 =	vld.msk [tilespmem:s13+$0x0 ss:$0x1], $0xffff;
	s12 =	sadd.s32 $0x10, s12  }
0x87: {  	p1 =	slt.u32 s12, $0x1F30;
	_ =	sdelay $0x4  }
0x88: {  	v0 =	vmin.u32 v0, $0x18800  }
.Ltmp9:
0x89: {  	(pc) =	sbr.rel @p1 .LBB3_3-.Ltmp9, $3  }
0x8a: {  	_ =	sdelay $0x1  }
0x8b: {  	s13 =	sadd.s32 $0x10, s13;
	s11 =	sadd.s32 $0x10, s11  }
0x8c: {  	[spmem:s8] =	stream.indirect_vreg.scatter.add.s32 [tilespmem:s11], [sflag:$0x1], $0x1, v0, vm0, $0x4038;
	[tilespmem:$0x9580] =	vst v63  }
.Ltmp10:
0x8d: {  	(pc) =	sbr.rel .LBB3_5-.Ltmp10, $4  }
0x8e: {  	_ = 	snop  }
0x8f: {  	_ =	swait.ge [sflag:s2], $0x1F40  }
0x90: {  	[sflag:s2] =	ssyncset.done $0x0  }
0x91: {  	[sflag:s2] =	ssyncadd.s32 $0xFFFFE0C0  }
.LBB3_6:
0x92: {  	_ =	sfence.sel $0x180000  }
0x93: {  	s2 =	simm.s32 $0x2;
	[bflag:$0x0] =	sbarrier.arrive $0xFFFF  }
0x94: {  	s30 =	simm.s32 $0x1;
	[sflag:s2] =	ssyncpa.u1 $0x1  }
0x95: {  	[sflag:s30] =	ssyncpa.u1 $0x1  }
0x96: {  	_ =	sfence.stream.spmem  }
0x97: {  	s31 =	simm.s32 $0x3D;
	[bflag:$0x0] =	sbarrier.arrive $0xFFFF  }
0x98: {  	s2 =	simm.s32 @p0 $0x3D;
	[sflag:s31] =	ssyncpa.u1 $0x0  }
0x99: {  	[sflag:s2] =	ssyncpa.u1 @p0 $0x1  }
0x9a: {  	[bflag:$0x0] =	sbarrier.arrive @p0 $0xFFFF  }
0x9b: {  	_ =	strace @p0 $0x90000050  }
0x9c: {  	s3 =	simm.s32 @!p0 $0x1C3D;
	s2 =	simm.s32 @!p0 $0x0;
	[bflag:$0x2] =	sbarrier.arrive @p0 $0xFFFF  }
0x9d: {  	[hbm:s1], [sflag:s3] =	dma.local @!p0 [spmem:s2], $0x3100  }
0x9e: {  	s1 =	simm.s32 @!p0 $0x3D  }
0x9f: {  	_ =	swait.ge @!p0 [sflag:s1], $0x3100  }
0xa0: {  	[sflag:s1] =	ssyncset.done @!p0 $0x0  }
0xa1: {  	[sflag:s1] =	ssyncadd.s32 @!p0 $0xFFFFCF00  }
0xa2: {  	[sflag:s1] =	ssyncpa.u1 @!p0 $0x1  }
0xa3: {  	[bflag:$0x0] =	sbarrier.arrive @!p0 $0xFFFF  }
0xa4: {  	_ =	strace @!p0 $0x90000050  }
0xa5: {  	s0 =	sadd.s32 @!p0 $0x100000, s0;
	[bflag:$0x2] =	sbarrier.arrive @!p0 $0xFFFF  }
0xa6: {  	[sflag:s0] =	ssyncadd.tile.s32 @!p0 $0x1;
	_ =	shalt  }
.Lfunc_end3:
_tile_overlayer_lowered:
.L_overlay_start_3:
0xa7: {  	(tag) =	ssettag $0x3  }
0xa8: {  	s0 =	rddreg [dreg:$0x0];
	s2 =	stileid.u32  }
0xa9: {  	s1 =	rddreg [dreg:$0x1];
	p0 =	sne.s32 s2, $0x0  }
0xaa: {  	s3 =	rddreg [dreg:$0x2];
	[bflag:$0x3] =	sbarrier.arrive $0xFFFF;
	s2 =	simm.s32 @!p0 $0x1C01  }
0xab: {  	[timem:s3], [sflag:s2] =	dma.local @!p0 [hbm:s0], s1  }
0xac: {  	s0 =	simm.s32 @!p0 $0x1  }
0xad: {  	_ =	swait.ge @!p0 [sflag:s0], s1  }
0xae: {  	s1 =	ssub.s32 @!p0 $0x0, s1;
	[sflag:s0] =	ssyncset.done @!p0 $0x0  }
0xaf: {  	[sflag:s0] =	ssyncadd.s32 @!p0 s1  }
0xb0: {  	[bflag:$0x3] =	sbarrier.arrive $0xFFFF  }
0xb1: {  	_ =	shalt  }

// kernel: scatter_offload_async_start.2
scs
__scs_entry_jumppad:
0x0: {  	(pc) =	sbr.rel $0x88, $3  }
0x1: {  	(tag) =	ssettag $0x0;
	lr =	simm.s32 $0x1  }
0x2: {  	[smem:$0x3F9F] =	sst lr;
	_ =	strace $0xD0000000  }
0x3: {  	_ = 	snop  }
0x4: {  	_ = 	snop  }
0x5: {  	_ = 	snop  }
0x6: {  	_ = 	snop  }
0x7: {  	_ = 	snop  }
__scs_overlays_trampoline_lowered:
0x8: {  	[smem:$0x3FAE] =	sst s0  }
0x9: {  	[smem:$0x3FAF] =	sst s1  }
0xa: {  	[smem:$0x3FB0] =	sst s2  }
0xb: {  	[smem:$0x3FB1] =	sst s3  }
0xc: {  	[smem:$0x3FB2] =	sst s4  }
0xd: {  	[smem:$0x3FB3] =	sst s5  }
0xe: {  	[smem:$0x3FB4] =	sst s6  }
0xf: {  	[smem:$0x3FB5] =	sst s7  }
0x10: {  	[smem:$0x3FB6] =	sst s8  }
0x11: {  	[smem:$0x3FB7] =	sst s9;
	s0 =	simm.s32 @!p0 $0x0  }
0x12: {  	s1 =	sld [smem:$0x3F9D];
	s0 =	simm.s32 @p0 $0x1  }
0x13: {  	[smem:$0x3FB8] =	sst s0;
	s0 =	simm.s32 @!p1 $0x0  }
0x14: {  	s2 =	sld [smem:$0x3F9C];
	s0 =	simm.s32 @p1 $0x1  }
0x15: {  	[smem:$0x3FB9] =	sst s0;
	s0 =	simm.s32 @!p2 $0x0  }
0x16: {  	s3 =	sld [smem:$0x3FDB];
	s0 =	simm.s32 @p2 $0x1  }
0x17: {  	s4 =	simm.s32 $0x1BF5;
	[smem:$0x3FBB] =	sst s0  }
0x18: {  	s0 =	sld [smem:$0x3F9E];
	_ =	swait.ge [sflag:s4], $0x0  }
0x19: {  	s7 =	sld [smem:$0x3F9F]  }
0x1a: {  	s8 =	sadd.s32 $0xFFFFE003, lr  }
0x1b: {  	s9 =	sadd.s32 $0xFFFFFEF7, lr;
	s5 =	simm.s32 $0xFFFFFFFF;
	p2 =	slt.u32 s8, $0xFFFFF086  }
0x1c: {  	p1 =	slt.u32 s9, $0xF7A;
	s5 =	simm.s32 @!p2 $0x0  }
0x1d: {  	s5 =	simm.s32 @p1 $0x1;
	p0 =	seq.s32 s7, s2  }
0x1e: {  	s7 =	smul.u32 @!p0 $0xF7A, s2;
	p2 =	seq.s32 @!p0 s5, $0x0  }
0x1f: {  	s9 =	smul.u32 $0xF7A, s1;
	s8 =	simm.s32 @!p0 $0x1BF5;
	p2 =	por !p2, p0  }
0x20: {  	[sflag:s8] =	ssyncset.s32 @!p0 $0xFFFFF086;
	s6 =	sadd.s32 @!p0 s3, s7;
	s7 =	simm.s32 @!p0 $0x108  }
0x21: {  	s3 =	sadd.s32 s3, s9;
	s6 =	sadd.s32 @!p0 $0x88, s6;
	s7 =	simm.s32 @p2 $0x1082  }
0x22: {  	[simem:s7], [sflag:s8] =	dma.local @!p0 [hbm:s6], $0xF7A  }
0x23: {  	s9 =	sor.u32 $0xD0000000, s2;
	s6 =	simm.s32 $0x108;
	_ =	swait.ge @!p0 [sflag:s8], $0x0  }
0x24: {  	s3 =	sadd.s32 $0x88, s3;
	s6 =	simm.s32 @!p1 $0x1082;
	[sflag:s4] =	ssyncset.s32 $0xFFFFF086  }
0x25: {  	[simem:s6], [sflag:s4] =	dma.local [hbm:s3], $0xF7A  }
0x26: {  	[smem:$0x3F9F] =	sst s1;
	(tag) =	ssettag s2;
	_ =	strace s9  }
0x27: {  	s1 =	sld [smem:$0x3FAF]  }
0x28: {  	s2 =	sld [smem:$0x3FB0]  }
0x29: {  	s4 =	sld [smem:$0x3FB2]  }
0x2a: {  	p0 =	seq.s32 s5, $0x0;
	s5 =	sld [smem:$0x3FB3]  }
0x2b: {  	s6 =	sld [smem:$0x3FB4]  }
0x2c: {  	s7 =	sld [smem:$0x3FB5]  }
0x2d: {  	s3 =	simm.s32 $0x108;
	s8 =	sld [smem:$0x3FB6]  }
0x2e: {  	s3 =	simm.s32 @!p0 $0x1082;
	s9 =	sld [smem:$0x3FB7]  }
0x2f: {  	lr =	sadd.s32 s0, s3;
	s0 =	sld [smem:$0x3FAE]  }
0x30: {  	s3 =	sld [smem:$0x3FB1]  }
0x31: {  	[smem:$0x3FBA] =	sst s10  }
0x32: {  	s10 =	sld [smem:$0x3FB8];
	_ =	sdelay $0x3  }
0x33: {  	p0 =	seq.s32 s10, $0x1;
	s10 =	sld [smem:$0x3FBA];
	_ =	sdelay $0x3  }
0x34: {  	[smem:$0x3FBA] =	sst s10  }
0x35: {  	s10 =	sld [smem:$0x3FB9];
	_ =	sdelay $0x3  }
0x36: {  	p1 =	seq.s32 s10, $0x1;
	s10 =	sld [smem:$0x3FBA];
	_ =	sdelay $0x3  }
0x37: {  	[smem:$0x3FBA] =	sst s10  }
0x38: {  	s10 =	sld [smem:$0x3FBB]  }
0x39: {  	_ = 	snop;
	(pc) =	sbr.ind lr, $3  }
0x3a: {  	_ = 	snop  }
0x3b: {  	_ = 	snop  }
0x3c: {  	p2 =	seq.s32 s10, $0x1;
	s10 =	sld [smem:$0x3FBA]  }
0x3d: {  	_ =	shalt  }
0x3e: {  	_ =	shalt  }
0x3f: {  	_ =	shalt  }
0x40: {  	_ =	shalt  }
0x41: {  	_ =	shalt  }
0x42: {  	_ =	shalt  }
0x43: {  	_ =	shalt  }
0x44: {  	_ =	shalt  }
0x45: {  	_ =	shalt  }
0x46: {  	_ =	shalt  }
0x47: {  	_ =	shalt  }
0x48: {  	_ =	shalt  }
0x49: {  	_ =	shalt  }
0x4a: {  	_ =	shalt  }
0x4b: {  	_ =	shalt  }
0x4c: {  	_ =	shalt  }
0x4d: {  	_ =	shalt  }
0x4e: {  	_ =	shalt  }
0x4f: {  	_ =	shalt  }
0x50: {  	_ =	shalt  }
0x51: {  	_ =	shalt  }
0x52: {  	_ =	shalt  }
0x53: {  	_ =	shalt  }
0x54: {  	_ =	shalt  }
0x55: {  	_ =	shalt  }
0x56: {  	_ =	shalt  }
0x57: {  	_ =	shalt  }
0x58: {  	_ =	shalt  }
0x59: {  	_ =	shalt  }
0x5a: {  	_ =	shalt  }
0x5b: {  	_ =	shalt  }
0x5c: {  	_ =	shalt  }
0x5d: {  	_ =	shalt  }
0x5e: {  	_ =	shalt  }
0x5f: {  	_ =	shalt  }
0x60: {  	_ =	shalt  }
0x61: {  	_ =	shalt  }
0x62: {  	_ =	shalt  }
0x63: {  	_ =	shalt  }
0x64: {  	_ =	shalt  }
0x65: {  	_ =	shalt  }
0x66: {  	_ =	shalt  }
0x67: {  	_ =	shalt  }
0x68: {  	_ =	shalt  }
0x69: {  	_ =	shalt  }
0x6a: {  	_ =	shalt  }
0x6b: {  	_ =	shalt  }
0x6c: {  	_ =	shalt  }
0x6d: {  	_ =	shalt  }
0x6e: {  	_ =	shalt  }
0x6f: {  	_ =	shalt  }
0x70: {  	_ =	shalt  }
0x71: {  	_ =	shalt  }
0x72: {  	_ =	shalt  }
0x73: {  	_ =	shalt  }
0x74: {  	_ =	shalt  }
0x75: {  	_ =	shalt  }
0x76: {  	_ =	shalt  }
0x77: {  	_ =	shalt  }
0x78: {  	_ =	shalt  }
0x79: {  	_ =	shalt  }
0x7a: {  	_ =	shalt  }
0x7b: {  	_ =	shalt  }
0x7c: {  	_ =	shalt  }
0x7d: {  	_ =	shalt  }
0x7e: {  	_ =	shalt  }
0x7f: {  	_ =	shalt  }
0x80: {  	_ =	shalt  }
0x81: {  	_ =	shalt  }
0x82: {  	_ =	shalt  }
0x83: {  	_ =	shalt  }
0x84: {  	_ =	shalt  }
0x85: {  	_ =	shalt  }
0x86: {  	_ =	shalt  }
0x87: {  	_ =	shalt  }
.Lfunc_end0:
.L_simem_size_0:
called_computation.2_lowered:
.L_overlay_start_0:
0x88: {  	s0 =	sld [smem:$0x3FD9]  }
0x89: {  	s1 =	sld [smem:$0x3FFE];
	_ =	sdelay $0x3  }
0x8a: {  	s0 =	sadd.s32 s1, s0  }
0x8b: {  	[smem:$0x3FC6] =	sst s0  }
0x8c: {  	_ = 	snop  }
0x8d: {  	(tm) =	ssettm $0x1  }
0x8e: {  	s15 =	sld [smem:$0x3FFB];
	_ =	sdelay $0x3  }
0x8f: {  	_ =	strace s15  }
0x90: {  	s0 =	sld [smem:$0x3FFC];
	_ =	sdelay $0x3  }
0x91: {  	_ =	strace s0  }
0x92: {  	s0 =	sld [smem:$0x3FFD];
	_ =	sdelay $0x3  }
0x93: {  	_ =	strace s0  }
0x94: {  	_ =	strace $0x8FFFFFFF  }
0x95: {  	s16 =	sld [smem:$0x3FDB];
	_ =	sdelay $0x1  }
0x96: {  	s17 =	simm.s32 $_scs_section_size  }
0x97: {  	s2 =	simm.s32 $_size__tile_overlayer_lowered;
	s3 =	simm.s32 $_tile_overlayer_lowered  }
0x98: {  	s20 =	simm.s32 $0x1BFF;
	s19 =	sshll.u32 s3, $0x1;
	s0 =	sadd.s32 s17, s16  }
0x99: {  	s4 =	simm.s32 $0x0;
	s18 =	sshll.u32 s2, $0x1;
	s2 =	sadd.s32 s19, s0  }
0x9a: {  	[timem:s4], [sflag:s20] =	dma.local [hbm:s2], s18  }
0x9b: {  	_ =	swait.ge [sflag:s20], s18  }
0x9c: {  	s1 =	ssub.s32 $0x0, s18;
	[sflag:s20] =	ssyncset.done $0x0  }
0x9d: {  	[sflag:s20] =	ssyncadd.s32 s1;
	_ =	sdelay $0x1  }
0x9e: {  	s21 =	simm.s32 $0x1B8B  }
0x9f: {  	_ =	swait.ge [sflag:s21], $0x1  }
0xa0: {  	[sflag:s21] =	ssyncset.done $0x0  }
0xa1: {  	s23 =	simm.s32 $0x1B8E;
	s22 =	sld [smem:$0x3FFE];
	[sflag:s21] =	ssyncadd.s32 $0xFFFFFFFF  }
0xa2: {  	s24 =	simm.s32 $execute0_lowered;
	[smem:$0x3FD2] =	sst s23  }
0xa3: {  	s2 =	sshll.u32 s24, $0x1;
	_ =	strace $0x80000058;
	[dreg:$0x1] =	wrdreg $0xFFFFFFFF  }
0xa4: {  	s25 =	simm.s32 $_size_execute0_lowered;
	s0 =	sadd.s32 s0, s2;
	[dreg:$0x0] =	wrdreg $0x0  }
0xa5: {  	s2 =	sshll.u32 s25, $0x1;
	[dreg:$0x2] =	wrdreg s0  }
0xa6: {  	[dreg:$0x3] =	wrdreg s2  }
0xa7: {  	[dreg:$0x4] =	wrdreg $0xC0  }
0xa8: {  	_ =	task [dreg:s4], $0x5FFFF  }
0xa9: {  	[dreg:$0x1] =	wrdreg $0xFFFFFFFF  }
0xaa: {  	[dreg:$0x0] =	wrdreg $0x60  }
0xab: {  	[dreg:$0x2] =	wrdreg s22  }
0xac: {  	[dreg:$0x3] =	wrdreg $0xB  }
0xad: {  	_ =	task.clear_ibuf [dreg:s4], $0x4FFFF;
	_ =	strace $0x90000058  }
0xae: {  	s26 =	simm.s32 $0xB;
	_ =	strace $0x8000005A  }
0xaf: {  	_ =	swait.ge [sflag:s26], $0x1  }
0xb0: {  	[sflag:s26] =	ssyncadd.s32 $0xFFFFFFFF  }
0xb1: {  	_ =	strace $0x9000005A  }
0xb2: {  	_ =	sfence  }
0xb3: {  	s28 =	sld [smem:$0x0];
	_ =	sdelay $0x1  }
0xb4: {  	s29 =	srdreg.scid  }
0xb5: {  	s30 =	sshll.u32 s29, $0xD;
	s31 =	sshrl.u32 s29, $0x2  }
0xb6: {  	s1 =	sand.u32 $0x1, s29;
	s2 =	sand.u32 $0x4000, s30;
	s0 =	sadd.s32 s31, s28  }
0xb7: {  	s1 =	sor.u32 s2, s1;
	s0 =	sshll.u32 s0, $0x11  }
0xb8: {  	s0 =	sor.u32 s0, s1  }
0xb9: {  	s0 =	sadd.s32 $0x8F2B, s0  }
0xba: {  	[sflag:s0] =	ssyncadd.remote.s32 $0x1  }
0xbb: {  	_ =	sfence.sel $0xFFFF  }
0xbc: {  	[dreg:$0x0] =	wrdreg $0xFFFFFFFF;
	(pc) =	sbr.abs _section_cstart, $3  }
0xbd: {  	[dreg:$0x1] =	wrdreg $0xFFFFFFFF  }
0xbe: {  	_ =	task.clear_ibuf [dreg:s4], $0x2FFFF;
	_ =	strace $0x9FFFFFFF  }
0xbf: {  	(tm) =	ssettm $0x7FFFFFFF  }
tec
execute0_lowered:
.L_overlay_start_1:
0x0: {  	(tag) =	ssettag $0x1  }
0x1: {  	s2 =	rddreg [dreg:$0x0]  }
0x2: {  	s0 =	rddreg [dreg:$0x1];
	_ =	strace $0x80000059  }
0x3: {  	s4 =	stileid.u32;
	s5 =	simm.s32 $0x3E;
	s1 =	sadd.s32 $0x30E00, s2  }
0x4: {  	p0 =	sne.s32 s4, $0x0;
	[sflag:s5] =	ssyncpa.u1 $0x0;
	s29 =	smul.u32 $0xC, s4  }
0x5: {  	s30 =	smin.u32 s4, $0x8;
	s3 =	simm.s32 @!p0 $0x1C3E;
	s6 =	simm.s32 @!p0 $0x0  }
0x6: {  	[spmem:s6], [sflag:s3] =	dma.local @!p0 [hbm:s1], $0x3100  }
0x7: {  	s3 =	sadd.s32 s30, s29  }
0x8: {  	p1 =	slt.u32 s4, $0x8;
	s4 =	simm.s32 $0x19640;
	s3 =	smul.u32 $0x1F40, s3  }
0x9: {  	s4 =	simm.s32 @!p1 $0x17700  }
0xa: {  	s4 =	sadd.s32 s4, s3  }
0xb: {  	s4 =	smin.u32 s4, $0x186A00  }
0xc: {  	s7 =	ssub.s32 s4, s3  }
0xd: {  	p1 =	sgt.s32 s7, $0x0  }
0xe: {  	s7 =	simm.s32 @!p1 $0x0  }
0xf: {  	s6 =	simm.s32 @!p0 $0x3E;
	s31 =	smulhi.u32 $0x10624DD3, s7  }
0x10: {  	_ =	swait.ge @!p0 [sflag:s6], $0x3100  }
0x11: {  	[sflag:s6] =	ssyncset.done @!p0 $0x0;
	s8 =	sshrl.u32 s31, $0x9  }
0x12: {  	s11 =	simm.s32 $0x0;
	[sflag:s6] =	ssyncadd.s32 @!p0 $0xFFFFCF00;
	s9 =	smul.u32 $0x1F40, s8  }
.Ltmp0:
0x13: {  	s6 =	simm.s32 $0x2;
	[bflag:$0x0] =	sbarrier.arrive $0xFFFF;
	(pc) =	sbr.rel .LBB2_1-.Ltmp0, $4  }
0x14: {  	s10 =	smov.u32 s3;
	[sflag:s5] =	ssyncpa.u1 $0x1;
	s5 =	simm.s32 $0x1  }
0x15: {  	[sflag:s5] =	ssyncpa.u1 $0x0;
	p1 =	sne.s32 s7, s9;
	s9 =	simm.s32 $0x1  }
0x16: {  	(ifvalue) =	ssetifvalue $0x18800;
	[sflag:s6] =	ssyncpa.u1 $0x0;
	s9 =	simm.s32 @!p1 $0x0  }
0x17: {  	vm0 =	vmmov $0xffff;
	s7 =	sadd.s32 $0x98E00, s2;
	s8 =	sadd.s32 s9, s8;
	s9 =	simm.s32 $0x0  }
.LBB2_5:
0x18: {  	p2 =	sne.s32 s11, s8  }
.Ltmp1:
0x19: {  	_ = 	snop;
	(pc) =	sbr.rel @!p2 .LBB2_6-.Ltmp1, $4  }
0x1a: {  	_ = 	snop  }
0x1b: {  	s12 =	sadd.s32 $0x1F40, s10  }
0x1c: {  	s10 =	smov.u32 s3;
	s13 =	sadd.s32 $0x1, s11;
	p1 =	slt.s32 s12, s4  }
0x1d: {  	s11 =	smov.u32 s13;
	s10 =	smov.u32 @p1 s12  }
.LBB2_1:
0x1e: {  	p1 =	sge.u32 s11, s8  }
0x1f: {  	s12 =	sxor.u32 @!p1 $0xFFFFFFFF, s11  }
0x20: {  	s12 =	sand.u32 @!p1 $0x1, s12  }
0x21: {  	s12 =	smul.u32 @!p1 $0x1F40, s12  }
0x22: {  	s13 =	sshrl.u32 @!p1 s10, $0x3  }
0x23: {  	s16 =	sand.u32 @!p1 $0x7, s10;
	s14 =	sadd.s32 @!p1 s2, s13;
	s15 =	sadd.s32 @!p1 $0x1880, s12  }
0x24: {  	[tilespmem:s15], [sflag:$0x2] =	stream.linear.gather @!p1 [hbm4b:s14+s16], $0x1F40, $0x38;
	[tilespmem:$0x9580] =	vst v63  }
0x25: {  	s13 =	sadd.s32 @!p1 s7, s13;
	s12 =	sadd.s32 @!p1 $0x5700, s12  }
0x26: {  	[tilespmem:s12], [sflag:$0x2] =	stream.linear.gather @!p1 [hbm4b:s13+s16], $0x1F40, $0x38;
	[tilespmem:$0x9580] =	vst v63  }
0x27: {  	p1 =	seq.s32 s11, $0x0  }
.Ltmp2:
0x28: {  	_ = 	snop;
	(pc) =	sbr.rel @p1 .LBB2_5-.Ltmp2, $1  }
0x29: {  	_ =	sdelay $0x3  }
0x2a: {  	s12 =	sand.u32 $0x1, s11  }
0x2b: {  	_ =	swait.ge [sflag:s6], $0x3E80;
	p1 =	seq.s32 s12, $0x1;
	s12 =	simm.s32 $0x1F40  }
0x2c: {  	[sflag:s6] =	ssyncset.done $0x0;
	s12 =	simm.s32 @!p1 $0x0  }
0x2d: {  	[sflag:s6] =	ssyncadd.s32 $0xFFFFC180;
	s14 =	sadd.s32 $0x1880, s12  }
0x2e: {  	v0 =	vld.msk [tilespmem:s14+$0x0 ss:$0x1], $0xffff;
	_ =	sdelay $0x4  }
0x2f: {  	v0 =	vmin.u32 v0, $0x18800;
	_ =	sdelay $0x3  }
0x30: {  	s13 =	simm.s32 $0x0;
	s12 =	sadd.s32 $0x5700, s12;
	s14 =	sadd.s32 $0x10, s14  }
0x31: {  	[spmem:s9] =	stream.indirect_vreg.scatter.add.s32 [tilespmem:s12], [sflag:$0x1], $0x1, v0, vm0, $0x4038;
	[tilespmem:$0x9580] =	vst v63  }
.LBB2_3:
0x32: {  	v0 =	vld.msk [tilespmem:s14+$0x0 ss:$0x1], $0xffff;
	s13 =	sadd.s32 $0x10, s13  }
0x33: {  	p1 =	slt.u32 s13, $0x1F30;
	_ =	sdelay $0x4  }
0x34: {  	v0 =	vmin.u32 v0, $0x18800  }
.Ltmp3:
0x35: {  	(pc) =	sbr.rel @p1 .LBB2_3-.Ltmp3, $3  }
0x36: {  	_ =	sdelay $0x1  }
0x37: {  	s14 =	sadd.s32 $0x10, s14;
	s12 =	sadd.s32 $0x10, s12  }
0x38: {  	[spmem:s9] =	stream.indirect_vreg.scatter.add.s32 [tilespmem:s12], [sflag:$0x1], $0x1, v0, vm0, $0x4038;
	[tilespmem:$0x9580] =	vst v63  }
.Ltmp4:
0x39: {  	(pc) =	sbr.rel .LBB2_5-.Ltmp4, $4  }
0x3a: {  	_ = 	snop  }
0x3b: {  	_ =	swait.ge [sflag:s5], $0x1F40  }
0x3c: {  	[sflag:s5] =	ssyncset.done $0x0  }
0x3d: {  	[sflag:s5] =	ssyncadd.s32 $0xFFFFE0C0  }
.LBB2_6:
0x3e: {  	_ =	sfence.sel $0x180000  }
0x3f: {  	s2 =	simm.s32 $0x2;
	[bflag:$0x0] =	sbarrier.arrive $0xFFFF  }
0x40: {  	s30 =	simm.s32 $0x1;
	[sflag:s2] =	ssyncpa.u1 $0x1  }
0x41: {  	[sflag:s30] =	ssyncpa.u1 $0x1  }
0x42: {  	_ =	sfence.stream.spmem  }
0x43: {  	s31 =	simm.s32 $0x3D;
	[bflag:$0x0] =	sbarrier.arrive $0xFFFF  }
0x44: {  	s2 =	simm.s32 @p0 $0x3D;
	[sflag:s31] =	ssyncpa.u1 $0x0  }
0x45: {  	[sflag:s2] =	ssyncpa.u1 @p0 $0x1  }
0x46: {  	[bflag:$0x0] =	sbarrier.arrive @p0 $0xFFFF  }
0x47: {  	_ =	strace @p0 $0x90000059  }
0x48: {  	s3 =	simm.s32 @!p0 $0x1C3D;
	s2 =	simm.s32 @!p0 $0x0;
	[bflag:$0x2] =	sbarrier.arrive @p0 $0xFFFF  }
0x49: {  	[hbm:s1], [sflag:s3] =	dma.local @!p0 [spmem:s2], $0x3100  }
0x4a: {  	s1 =	simm.s32 @!p0 $0x3D  }
0x4b: {  	_ =	swait.ge @!p0 [sflag:s1], $0x3100  }
0x4c: {  	[sflag:s1] =	ssyncset.done @!p0 $0x0  }
0x4d: {  	[sflag:s1] =	ssyncadd.s32 @!p0 $0xFFFFCF00  }
0x4e: {  	[sflag:s1] =	ssyncpa.u1 @!p0 $0x1  }
0x4f: {  	[bflag:$0x0] =	sbarrier.arrive @!p0 $0xFFFF  }
0x50: {  	_ =	strace @!p0 $0x90000059  }
0x51: {  	s0 =	sadd.s32 @!p0 $0x100000, s0;
	[bflag:$0x2] =	sbarrier.arrive @!p0 $0xFFFF  }
0x52: {  	[sflag:s0] =	ssyncadd.tile.s32 @!p0 $0x1;
	_ =	shalt  }
.Lfunc_end2:
_tile_overlayer_lowered:
.L_overlay_start_2:
0x53: {  	(tag) =	ssettag $0x2  }
0x54: {  	s0 =	rddreg [dreg:$0x0];
	s2 =	stileid.u32  }
0x55: {  	s1 =	rddreg [dreg:$0x1];
	p0 =	sne.s32 s2, $0x0  }
0x56: {  	s3 =	rddreg [dreg:$0x2];
	[bflag:$0x3] =	sbarrier.arrive $0xFFFF;
	s2 =	simm.s32 @!p0 $0x1C01  }
0x57: {  	[timem:s3], [sflag:s2] =	dma.local @!p0 [hbm:s0], s1  }
0x58: {  	s0 =	simm.s32 @!p0 $0x1  }
0x59: {  	_ =	swait.ge @!p0 [sflag:s0], s1  }
0x5a: {  	s1 =	ssub.s32 @!p0 $0x0, s1;
	[sflag:s0] =	ssyncset.done @!p0 $0x0  }
0x5b: {  	[sflag:s0] =	ssyncadd.s32 @!p0 s1  }
0x5c: {  	[bflag:$0x3] =	sbarrier.arrive $0xFFFF  }
0x5d: {  	_ =	shalt  }

// kernel: scatter_offload_async_start
scs
__scs_entry_jumppad:
0x0: {  	(pc) =	sbr.rel $0x88, $3  }
0x1: {  	(tag) =	ssettag $0x0;
	lr =	simm.s32 $0x1  }
0x2: {  	[smem:$0x3F9F] =	sst lr;
	_ =	strace $0xD0000000  }
0x3: {  	_ = 	snop  }
0x4: {  	_ = 	snop  }
0x5: {  	_ = 	snop  }
0x6: {  	_ = 	snop  }
0x7: {  	_ = 	snop  }
__scs_overlays_trampoline_lowered:
0x8: {  	[smem:$0x3FAE] =	sst s0  }
0x9: {  	[smem:$0x3FAF] =	sst s1  }
0xa: {  	[smem:$0x3FB0] =	sst s2  }
0xb: {  	[smem:$0x3FB1] =	sst s3  }
0xc: {  	[smem:$0x3FB2] =	sst s4  }
0xd: {  	[smem:$0x3FB3] =	sst s5  }
0xe: {  	[smem:$0x3FB4] =	sst s6  }
0xf: {  	[smem:$0x3FB5] =	sst s7  }
0x10: {  	[smem:$0x3FB6] =	sst s8  }
0x11: {  	[smem:$0x3FB7] =	sst s9;
	s0 =	simm.s32 @!p0 $0x0  }
0x12: {  	s1 =	sld [smem:$0x3F9D];
	s0 =	simm.s32 @p0 $0x1  }
0x13: {  	[smem:$0x3FB8] =	sst s0;
	s0 =	simm.s32 @!p1 $0x0  }
0x14: {  	s2 =	sld [smem:$0x3F9C];
	s0 =	simm.s32 @p1 $0x1  }
0x15: {  	[smem:$0x3FB9] =	sst s0;
	s0 =	simm.s32 @!p2 $0x0  }
0x16: {  	s3 =	sld [smem:$0x3FDB];
	s0 =	simm.s32 @p2 $0x1  }
0x17: {  	s4 =	simm.s32 $0x1BF5;
	[smem:$0x3FBB] =	sst s0  }
0x18: {  	s0 =	sld [smem:$0x3F9E];
	_ =	swait.ge [sflag:s4], $0x0  }
0x19: {  	s7 =	sld [smem:$0x3F9F]  }
0x1a: {  	s8 =	sadd.s32 $0xFFFFE003, lr  }
0x1b: {  	s9 =	sadd.s32 $0xFFFFFEF7, lr;
	s5 =	simm.s32 $0xFFFFFFFF;
	p2 =	slt.u32 s8, $0xFFFFF086  }
0x1c: {  	p1 =	slt.u32 s9, $0xF7A;
	s5 =	simm.s32 @!p2 $0x0  }
0x1d: {  	s5 =	simm.s32 @p1 $0x1;
	p0 =	seq.s32 s7, s2  }
0x1e: {  	s7 =	smul.u32 @!p0 $0xF7A, s2;
	p2 =	seq.s32 @!p0 s5, $0x0  }
0x1f: {  	s9 =	smul.u32 $0xF7A, s1;
	s8 =	simm.s32 @!p0 $0x1BF5;
	p2 =	por !p2, p0  }
0x20: {  	[sflag:s8] =	ssyncset.s32 @!p0 $0xFFFFF086;
	s6 =	sadd.s32 @!p0 s3, s7;
	s7 =	simm.s32 @!p0 $0x108  }
0x21: {  	s3 =	sadd.s32 s3, s9;
	s6 =	sadd.s32 @!p0 $0x88, s6;
	s7 =	simm.s32 @p2 $0x1082  }
0x22: {  	[simem:s7], [sflag:s8] =	dma.local @!p0 [hbm:s6], $0xF7A  }
0x23: {  	s9 =	sor.u32 $0xD0000000, s2;
	s6 =	simm.s32 $0x108;
	_ =	swait.ge @!p0 [sflag:s8], $0x0  }
0x24: {  	s3 =	sadd.s32 $0x88, s3;
	s6 =	simm.s32 @!p1 $0x1082;
	[sflag:s4] =	ssyncset.s32 $0xFFFFF086  }
0x25: {  	[simem:s6], [sflag:s4] =	dma.local [hbm:s3], $0xF7A  }
0x26: {  	[smem:$0x3F9F] =	sst s1;
	(tag) =	ssettag s2;
	_ =	strace s9  }
0x27: {  	s1 =	sld [smem:$0x3FAF]  }
0x28: {  	s2 =	sld [smem:$0x3FB0]  }
0x29: {  	s4 =	sld [smem:$0x3FB2]  }
0x2a: {  	p0 =	seq.s32 s5, $0x0;
	s5 =	sld [smem:$0x3FB3]  }
0x2b: {  	s6 =	sld [smem:$0x3FB4]  }
0x2c: {  	s7 =	sld [smem:$0x3FB5]  }
0x2d: {  	s3 =	simm.s32 $0x108;
	s8 =	sld [smem:$0x3FB6]  }
0x2e: {  	s3 =	simm.s32 @!p0 $0x1082;
	s9 =	sld [smem:$0x3FB7]  }
0x2f: {  	lr =	sadd.s32 s0, s3;
	s0 =	sld [smem:$0x3FAE]  }
0x30: {  	s3 =	sld [smem:$0x3FB1]  }
0x31: {  	[smem:$0x3FBA] =	sst s10  }
0x32: {  	s10 =	sld [smem:$0x3FB8];
	_ =	sdelay $0x3  }
0x33: {  	p0 =	seq.s32 s10, $0x1;
	s10 =	sld [smem:$0x3FBA];
	_ =	sdelay $0x3  }
0x34: {  	[smem:$0x3FBA] =	sst s10  }
0x35: {  	s10 =	sld [smem:$0x3FB9];
	_ =	sdelay $0x3  }
0x36: {  	p1 =	seq.s32 s10, $0x1;
	s10 =	sld [smem:$0x3FBA];
	_ =	sdelay $0x3  }
0x37: {  	[smem:$0x3FBA] =	sst s10  }
0x38: {  	s10 =	sld [smem:$0x3FBB]  }
0x39: {  	_ = 	snop;
	(pc) =	sbr.ind lr, $3  }
0x3a: {  	_ = 	snop  }
0x3b: {  	_ = 	snop  }
0x3c: {  	p2 =	seq.s32 s10, $0x1;
	s10 =	sld [smem:$0x3FBA]  }
0x3d: {  	_ =	shalt  }
0x3e: {  	_ =	shalt  }
0x3f: {  	_ =	shalt  }
0x40: {  	_ =	shalt  }
0x41: {  	_ =	shalt  }
0x42: {  	_ =	shalt  }
0x43: {  	_ =	shalt  }
0x44: {  	_ =	shalt  }
0x45: {  	_ =	shalt  }
0x46: {  	_ =	shalt  }
0x47: {  	_ =	shalt  }
0x48: {  	_ =	shalt  }
0x49: {  	_ =	shalt  }
0x4a: {  	_ =	shalt  }
0x4b: {  	_ =	shalt  }
0x4c: {  	_ =	shalt  }
0x4d: {  	_ =	shalt  }
0x4e: {  	_ =	shalt  }
0x4f: {  	_ =	shalt  }
0x50: {  	_ =	shalt  }
0x51: {  	_ =	shalt  }
0x52: {  	_ =	shalt  }
0x53: {  	_ =	shalt  }
0x54: {  	_ =	shalt  }
0x55: {  	_ =	shalt  }
0x56: {  	_ =	shalt  }
0x57: {  	_ =	shalt  }
0x58: {  	_ =	shalt  }
0x59: {  	_ =	shalt  }
0x5a: {  	_ =	shalt  }
0x5b: {  	_ =	shalt  }
0x5c: {  	_ =	shalt  }
0x5d: {  	_ =	shalt  }
0x5e: {  	_ =	shalt  }
0x5f: {  	_ =	shalt  }
0x60: {  	_ =	shalt  }
0x61: {  	_ =	shalt  }
0x62: {  	_ =	shalt  }
0x63: {  	_ =	shalt  }
0x64: {  	_ =	shalt  }
0x65: {  	_ =	shalt  }
0x66: {  	_ =	shalt  }
0x67: {  	_ =	shalt  }
0x68: {  	_ =	shalt  }
0x69: {  	_ =	shalt  }
0x6a: {  	_ =	shalt  }
0x6b: {  	_ =	shalt  }
0x6c: {  	_ =	shalt  }
0x6d: {  	_ =	shalt  }
0x6e: {  	_ =	shalt  }
0x6f: {  	_ =	shalt  }
0x70: {  	_ =	shalt  }
0x71: {  	_ =	shalt  }
0x72: {  	_ =	shalt  }
0x73: {  	_ =	shalt  }
0x74: {  	_ =	shalt  }
0x75: {  	_ =	shalt  }
0x76: {  	_ =	shalt  }
0x77: {  	_ =	shalt  }
0x78: {  	_ =	shalt  }
0x79: {  	_ =	shalt  }
0x7a: {  	_ =	shalt  }
0x7b: {  	_ =	shalt  }
0x7c: {  	_ =	shalt  }
0x7d: {  	_ =	shalt  }
0x7e: {  	_ =	shalt  }
0x7f: {  	_ =	shalt  }
0x80: {  	_ =	shalt  }
0x81: {  	_ =	shalt  }
0x82: {  	_ =	shalt  }
0x83: {  	_ =	shalt  }
0x84: {  	_ =	shalt  }
0x85: {  	_ =	shalt  }
0x86: {  	_ =	shalt  }
0x87: {  	_ =	shalt  }
.Lfunc_end0:
.L_simem_size_0:
called_computation_lowered:
.L_overlay_start_0:
0x88: {  	s2 =	sld [smem:$0x3FD9]  }
0x89: {  	s3 =	sld [smem:$0x3FFE];
	_ =	sdelay $0x1  }
0x8a: {  	s1 =	srdreg.scid  }
0x8b: {  	s0 =	sand.u32 $0x1, s1  }
0x8c: {  	s15 =	sshll.u32 s0, $0xA;
	s2 =	sadd.s32 s3, s2  }
0x8d: {  	s2 =	sadd.s32 s2, s15  }
0x8e: {  	[smem:$0x3FC6] =	sst s2  }
0x8f: {  	_ = 	snop  }
0x90: {  	s2 =	sld [smem:$0x3FD0];
	_ =	sdelay $0x2  }
0x91: {  	s16 =	simm.s32 $0xD;
	s4 =	simm.s32 $0x10  }
0x92: {  	[smem:s4], [sflag:s16] =	dma.local [hbm:s2], $0x1  }
0x93: {  	_ =	swait.eq [sflag:s16], $0x1  }
0x94: {  	[sflag:s16] =	ssyncset.done $0x0  }
0x95: {  	[sflag:s16] =	ssyncadd.s32 $0xFFFFFFFF  }
0x96: {  	s17 =	sld [smem:$0x11];
	(tm) =	ssettm $0x1  }
0x97: {  	s18 =	sld [smem:$0x3FFB];
	_ =	sdelay $0x3  }
0x98: {  	_ =	strace s18  }
0x99: {  	s2 =	sld [smem:$0x3FFC];
	_ =	sdelay $0x3  }
0x9a: {  	_ =	strace s2  }
0x9b: {  	s2 =	sld [smem:$0x3FFD];
	_ =	sdelay $0x3  }
0x9c: {  	_ =	strace s2  }
0x9d: {  	_ =	strace $0x8FFFFFFF  }
0x9e: {  	s19 =	sld [smem:$0x3FDB];
	_ =	sdelay $0x1  }
0x9f: {  	s20 =	simm.s32 $_scs_section_size  }
0xa0: {  	s5 =	simm.s32 $_size__tile_overlayer_lowered;
	s6 =	simm.s32 $_tile_overlayer_lowered  }
0xa1: {  	s7 =	simm.s32 $0x1BFF;
	s21 =	sshll.u32 s6, $0x1;
	s4 =	sadd.s32 s20, s19  }
0xa2: {  	s22 =	simm.s32 $0x0;
	s5 =	sshll.u32 s5, $0x1;
	s6 =	sadd.s32 s21, s4  }
0xa3: {  	[timem:s22], [sflag:s7] =	dma.local [hbm:s6], s5  }
0xa4: {  	_ =	swait.ge [sflag:s7], s5  }
0xa5: {  	s5 =	ssub.s32 $0x0, s5;
	[sflag:s7] =	ssyncset.done $0x0  }
0xa6: {  	[sflag:s7] =	ssyncadd.s32 s5;
	_ =	sdelay $0x1  }
0xa7: {  	s23 =	simm.s32 $0x1B8B  }
0xa8: {  	_ =	swait.ge [sflag:s23], $0x1  }
0xa9: {  	[sflag:s23] =	ssyncset.done $0x0  }
0xaa: {  	[sflag:s23] =	ssyncadd.s32 $0xFFFFFFFF  }
0xab: {  	s5 =	sld [smem:$0x0]  }
0xac: {  	s6 =	sand.u32 $0xFFFFFFFE, s1  }
0xad: {  	p0 =	sne.s32 s1, s6  }
0xae: {  	s6 =	sshll.u32 @p0 s6, $0xE  }
0xaf: {  	s6 =	sadd.s32 @p0 $0x11B8D, s6;
	s7 =	sshll.u32 @p0 s5, $0x11  }
0xb0: {  	s6 =	sor.u32 @p0 s7, s6  }
0xb1: {  	[sflag:s6] =	ssyncadd.remote.s32 @p0 $0x1;
	_ =	sdelay $0x1  }
0xb2: {  	s6 =	simm.s32 @p0 $0x1B8D  }
0xb3: {  	_ =	swait.eq @p0 [sflag:s6], $0x1  }
0xb4: {  	[sflag:s6] =	ssyncadd.s32 @p0 $0xFFFFFFFF  }
0xb5: {  	s7 =	sshll.u32 @!p0 s1, $0xE  }
0xb6: {  	s7 =	sor.u32 @!p0 $0x4000, s7;
	s6 =	simm.s32 @!p0 $0x1B8D  }
0xb7: {  	s8 =	sshll.u32 @!p0 s5, $0x11;
	s7 =	sadd.s32 @!p0 $0x11B8D, s7;
	_ =	swait.eq @!p0 [sflag:s6], $0x1  }
0xb8: {  	[sflag:s6] =	ssyncadd.s32 @!p0 $0xFFFFFFFF;
	s6 =	sor.u32 @!p0 s8, s7  }
0xb9: {  	s25 =	simm.s32 $0x1B8E;
	s24 =	sld [smem:$0x3FFE];
	[sflag:s6] =	ssyncadd.remote.s32 @!p0 $0x1  }
0xba: {  	s26 =	simm.s32 $execute0_lowered;
	[smem:$0x3FD2] =	sst s25  }
0xbb: {  	s7 =	sshll.u32 s26, $0x1;
	_ =	strace $0x80000049;
	[dreg:$0x1] =	wrdreg $0xFFFFFFFF  }
0xbc: {  	s28 =	simm.s32 $_size_execute0_lowered;
	s4 =	sadd.s32 s4, s7;
	[dreg:$0x0] =	wrdreg $0x0  }
0xbd: {  	s7 =	sshll.u32 s28, $0x1;
	[dreg:$0x2] =	wrdreg s4  }
0xbe: {  	[dreg:$0x3] =	wrdreg s7  }
0xbf: {  	[dreg:$0x4] =	wrdreg $0xC0  }
0xc0: {  	_ =	task [dreg:s22], $0x5FFFF  }
0xc1: {  	[dreg:$0x1] =	wrdreg $0xFFFFFFFF  }
0xc2: {  	[dreg:$0x0] =	wrdreg $0x60  }
0xc3: {  	[dreg:$0x2] =	wrdreg s17  }
0xc4: {  	[dreg:$0x3] =	wrdreg s24  }
0xc5: {  	[dreg:$0x4] =	wrdreg s1  }
0xc6: {  	[dreg:$0x5] =	wrdreg s5  }
0xc7: {  	[dreg:$0x6] =	wrdreg $0x9  }
0xc8: {  	_ =	task.clear_ibuf [dreg:s22], $0x7FFFF;
	_ =	strace $0x90000049  }
0xc9: {  	s29 =	simm.s32 $0x9;
	_ =	strace $0x8000004B  }
0xca: {  	_ =	swait.ge [sflag:s29], $0x1  }
0xcb: {  	[sflag:s29] =	ssyncadd.s32 $0xFFFFFFFF  }
0xcc: {  	_ =	strace $0x9000004B  }
0xcd: {  	_ =	sfence  }
0xce: {  	s30 =	sld [smem:$0x0];
	_ =	sdelay $0x2  }
0xcf: {  	s31 =	sshll.u32 s1, $0xD;
	s1 =	sshrl.u32 s1, $0x2  }
0xd0: {  	s4 =	sand.u32 $0x4000, s31;
	s1 =	sadd.s32 s1, s30  }
0xd1: {  	s0 =	sor.u32 s4, s0;
	s1 =	sshll.u32 s1, $0x11  }
0xd2: {  	s0 =	sor.u32 s1, s0  }
0xd3: {  	s0 =	sadd.s32 $0x8F2B, s0  }
0xd4: {  	[sflag:s0] =	ssyncadd.remote.s32 $0x1  }
0xd5: {  	_ =	sfence.sel $0xFFFF  }
0xd6: {  	[dreg:$0x0] =	wrdreg $0xFFFFFFFF;
	(pc) =	sbr.abs _section_cstart, $3  }
0xd7: {  	[dreg:$0x1] =	wrdreg $0xFFFFFFFF  }
0xd8: {  	_ =	task.clear_ibuf [dreg:s22], $0x2FFFF;
	_ =	strace $0x9FFFFFFF  }
0xd9: {  	(tm) =	ssettm $0x7FFFFFFF  }
tec
execute0_lowered:
.L_overlay_start_1:
0x0: {  	(tag) =	ssettag $0x1  }
0x1: {  	s1 =	rddreg [dreg:$0x0]  }
0x2: {  	s11 =	rddreg [dreg:$0x1]  }
0x3: {  	s3 =	rddreg [dreg:$0x2];
	_ =	strace $0x8000004A;
	s12 =	simm.s32 $0x1  }
0x4: {  	v0 =	vimm.s32 $0x0;
	[sflag:s12] =	ssyncpa.u1 $0x0  }
0x5: {  	[tilespmem:$0x28] =	vst v0  }
0x6: {  	[tilespmem:$0x38] =	vst v0  }
0x7: {  	[tilespmem:$0x48] =	vst v0  }
0x8: {  	[tilespmem:$0x58] =	vst v0  }
0x9: {  	[tilespmem:$0x68] =	vst v0  }
0xa: {  	[tilespmem:$0x78] =	vst v0  }
0xb: {  	[tilespmem:$0x88] =	vst v0  }
0xc: {  	[tilespmem:$0x98] =	vst v0  }
0xd: {  	[tilespmem:$0xA8] =	vst v0  }
0xe: {  	[tilespmem:$0xB8] =	vst v0  }
0xf: {  	[tilespmem:$0xC8] =	vst v0  }
0x10: {  	[tilespmem:$0xD8] =	vst v0  }
0x11: {  	[tilespmem:$0xE8] =	vst v0  }
0x12: {  	[tilespmem:$0xF8] =	vst v0  }
0x13: {  	[tilespmem:$0x108] =	vst v0  }
0x14: {  	[tilespmem:$0x118] =	vst v0  }
0x15: {  	[tilespmem:$0x128] =	vst v0  }
0x16: {  	[tilespmem:$0x138] =	vst v0  }
0x17: {  	[tilespmem:$0x148] =	vst v0  }
0x18: {  	[tilespmem:$0x158] =	vst v0  }
0x19: {  	[tilespmem:$0x168] =	vst v0  }
0x1a: {  	[tilespmem:$0x178] =	vst v0  }
0x1b: {  	[tilespmem:$0x188] =	vst v0  }
0x1c: {  	[tilespmem:$0x198] =	vst v0  }
0x1d: {  	[tilespmem:$0x1A8] =	vst v0  }
0x1e: {  	[tilespmem:$0x1B8] =	vst v0  }
0x1f: {  	[tilespmem:$0x1C8] =	vst v0  }
0x20: {  	[tilespmem:$0x1D8] =	vst v0  }
0x21: {  	[tilespmem:$0x1E8] =	vst v0  }
0x22: {  	[tilespmem:$0x1F8] =	vst v0  }
0x23: {  	[tilespmem:$0x208] =	vst v0  }
0x24: {  	[tilespmem:$0x218] =	vst v0  }
0x25: {  	[tilespmem:$0x228] =	vst v0  }
0x26: {  	[tilespmem:$0x238] =	vst v0  }
0x27: {  	[tilespmem:$0x248] =	vst v0  }
0x28: {  	[tilespmem:$0x258] =	vst v0  }
0x29: {  	[tilespmem:$0x268] =	vst v0  }
0x2a: {  	[tilespmem:$0x278] =	vst v0  }
0x2b: {  	[tilespmem:$0x288] =	vst v0  }
0x2c: {  	[tilespmem:$0x298] =	vst v0  }
0x2d: {  	[tilespmem:$0x2A8] =	vst v0  }
0x2e: {  	[tilespmem:$0x2B8] =	vst v0  }
0x2f: {  	[tilespmem:$0x2C8] =	vst v0  }
0x30: {  	[tilespmem:$0x2D8] =	vst v0  }
0x31: {  	[tilespmem:$0x2E8] =	vst v0  }
0x32: {  	[tilespmem:$0x2F8] =	vst v0  }
0x33: {  	[tilespmem:$0x308] =	vst v0  }
0x34: {  	[tilespmem:$0x318] =	vst v0  }
0x35: {  	[tilespmem:$0x328] =	vst v0  }
0x36: {  	[tilespmem:$0x338] =	vst v0  }
0x37: {  	[tilespmem:$0x348] =	vst v0  }
0x38: {  	[tilespmem:$0x358] =	vst v0  }
0x39: {  	[tilespmem:$0x368] =	vst v0  }
0x3a: {  	[tilespmem:$0x378] =	vst v0  }
0x3b: {  	[tilespmem:$0x388] =	vst v0  }
0x3c: {  	[tilespmem:$0x398] =	vst v0  }
0x3d: {  	[tilespmem:$0x3A8] =	vst v0  }
0x3e: {  	[tilespmem:$0x3B8] =	vst v0  }
0x3f: {  	[tilespmem:$0x3C8] =	vst v0  }
0x40: {  	[tilespmem:$0x3D8] =	vst v0  }
0x41: {  	[tilespmem:$0x3E8] =	vst v0  }
0x42: {  	[tilespmem:$0x3F8] =	vst v0  }
0x43: {  	[tilespmem:$0x408] =	vst v0  }
0x44: {  	[tilespmem:$0x418] =	vst v0  }
0x45: {  	[tilespmem:$0x428] =	vst v0  }
0x46: {  	[tilespmem:$0x438] =	vst v0  }
0x47: {  	[tilespmem:$0x448] =	vst v0  }
0x48: {  	[tilespmem:$0x458] =	vst v0  }
0x49: {  	[tilespmem:$0x468] =	vst v0  }
0x4a: {  	[tilespmem:$0x478] =	vst v0  }
0x4b: {  	[tilespmem:$0x488] =	vst v0  }
0x4c: {  	[tilespmem:$0x498] =	vst v0  }
0x4d: {  	[tilespmem:$0x4A8] =	vst v0  }
0x4e: {  	[tilespmem:$0x4B8] =	vst v0  }
0x4f: {  	[tilespmem:$0x4C8] =	vst v0  }
0x50: {  	[tilespmem:$0x4D8] =	vst v0  }
0x51: {  	[tilespmem:$0x4E8] =	vst v0  }
0x52: {  	[tilespmem:$0x4F8] =	vst v0  }
0x53: {  	[tilespmem:$0x508] =	vst v0  }
0x54: {  	[tilespmem:$0x518] =	vst v0  }
0x55: {  	[tilespmem:$0x528] =	vst v0  }
0x56: {  	[tilespmem:$0x538] =	vst v0  }
0x57: {  	[tilespmem:$0x548] =	vst v0  }
0x58: {  	[tilespmem:$0x558] =	vst v0  }
0x59: {  	[tilespmem:$0x568] =	vst v0  }
0x5a: {  	[tilespmem:$0x578] =	vst v0  }
0x5b: {  	[tilespmem:$0x588] =	vst v0  }
0x5c: {  	[tilespmem:$0x598] =	vst v0  }
0x5d: {  	[tilespmem:$0x5A8] =	vst v0  }
0x5e: {  	[tilespmem:$0x5B8] =	vst v0  }
0x5f: {  	[tilespmem:$0x5C8] =	vst v0  }
0x60: {  	[tilespmem:$0x5D8] =	vst v0  }
0x61: {  	[tilespmem:$0x5E8] =	vst v0  }
0x62: {  	[tilespmem:$0x5F8] =	vst v0  }
0x63: {  	[tilespmem:$0x608] =	vst v0  }
0x64: {  	[tilespmem:$0x618] =	vst v0  }
0x65: {  	[tilespmem:$0x628] =	vst v0  }
0x66: {  	[tilespmem:$0x638] =	vst v0  }
0x67: {  	[tilespmem:$0x648] =	vst v0  }
0x68: {  	[tilespmem:$0x658] =	vst v0  }
0x69: {  	[tilespmem:$0x668] =	vst v0  }
0x6a: {  	[tilespmem:$0x678] =	vst v0  }
0x6b: {  	[tilespmem:$0x688] =	vst v0  }
0x6c: {  	[tilespmem:$0x698] =	vst v0  }
0x6d: {  	[tilespmem:$0x6A8] =	vst v0  }
0x6e: {  	[tilespmem:$0x6B8] =	vst v0  }
0x6f: {  	[tilespmem:$0x6C8] =	vst v0  }
0x70: {  	[tilespmem:$0x6D8] =	vst v0  }
0x71: {  	[tilespmem:$0x6E8] =	vst v0  }
0x72: {  	[tilespmem:$0x6F8] =	vst v0  }
0x73: {  	[tilespmem:$0x708] =	vst v0  }
0x74: {  	[tilespmem:$0x718] =	vst v0  }
0x75: {  	[tilespmem:$0x728] =	vst v0  }
0x76: {  	[tilespmem:$0x738] =	vst v0  }
0x77: {  	[tilespmem:$0x748] =	vst v0  }
0x78: {  	[tilespmem:$0x758] =	vst v0  }
0x79: {  	[tilespmem:$0x768] =	vst v0  }
0x7a: {  	[tilespmem:$0x778] =	vst v0  }
0x7b: {  	[tilespmem:$0x788] =	vst v0  }
0x7c: {  	[tilespmem:$0x798] =	vst v0  }
0x7d: {  	[tilespmem:$0x7A8] =	vst v0  }
0x7e: {  	[tilespmem:$0x7B8] =	vst v0  }
0x7f: {  	[tilespmem:$0x7C8] =	vst v0  }
0x80: {  	[tilespmem:$0x7D8] =	vst v0  }
0x81: {  	[tilespmem:$0x7E8] =	vst v0  }
0x82: {  	[tilespmem:$0x7F8] =	vst v0  }
0x83: {  	[tilespmem:$0x808] =	vst v0  }
0x84: {  	[tilespmem:$0x818] =	vst v0  }
0x85: {  	[tilespmem:$0x828] =	vst v0  }
0x86: {  	[tilespmem:$0x838] =	vst v0  }
0x87: {  	[tilespmem:$0x848] =	vst v0  }
0x88: {  	[tilespmem:$0x858] =	vst v0  }
0x89: {  	[tilespmem:$0x868] =	vst v0  }
0x8a: {  	[tilespmem:$0x878] =	vst v0  }
0x8b: {  	[tilespmem:$0x888] =	vst v0  }
0x8c: {  	[tilespmem:$0x898] =	vst v0  }
0x8d: {  	[tilespmem:$0x8A8] =	vst v0  }
0x8e: {  	[tilespmem:$0x8B8] =	vst v0  }
0x8f: {  	[tilespmem:$0x8C8] =	vst v0  }
0x90: {  	[tilespmem:$0x8D8] =	vst v0  }
0x91: {  	[tilespmem:$0x8E8] =	vst v0  }
0x92: {  	[tilespmem:$0x8F8] =	vst v0  }
0x93: {  	[tilespmem:$0x908] =	vst v0  }
0x94: {  	[tilespmem:$0x918] =	vst v0  }
0x95: {  	[tilespmem:$0x928] =	vst v0  }
0x96: {  	[tilespmem:$0x938] =	vst v0  }
0x97: {  	[tilespmem:$0x948] =	vst v0  }
0x98: {  	[tilespmem:$0x958] =	vst v0  }
0x99: {  	[tilespmem:$0x968] =	vst v0  }
0x9a: {  	[tilespmem:$0x978] =	vst v0  }
0x9b: {  	[tilespmem:$0x988] =	vst v0  }
0x9c: {  	[tilespmem:$0x998] =	vst v0  }
0x9d: {  	[tilespmem:$0x9A8] =	vst v0  }
0x9e: {  	[tilespmem:$0x9B8] =	vst v0  }
0x9f: {  	[tilespmem:$0x9C8] =	vst v0  }
0xa0: {  	[tilespmem:$0x9D8] =	vst v0  }
0xa1: {  	[tilespmem:$0x9E8] =	vst v0  }
0xa2: {  	[tilespmem:$0x9F8] =	vst v0  }
0xa3: {  	[tilespmem:$0xA08] =	vst v0  }
0xa4: {  	[tilespmem:$0xA18] =	vst v0  }
0xa5: {  	[tilespmem:$0xA28] =	vst v0  }
0xa6: {  	[tilespmem:$0xA38] =	vst v0  }
0xa7: {  	[tilespmem:$0xA48] =	vst v0  }
0xa8: {  	[tilespmem:$0xA58] =	vst v0  }
0xa9: {  	[tilespmem:$0xA68] =	vst v0  }
0xaa: {  	[tilespmem:$0xA78] =	vst v0  }
0xab: {  	[tilespmem:$0xA88] =	vst v0  }
0xac: {  	[tilespmem:$0xA98] =	vst v0  }
0xad: {  	[tilespmem:$0xAA8] =	vst v0  }
0xae: {  	[tilespmem:$0xAB8] =	vst v0  }
0xaf: {  	[tilespmem:$0xAC8] =	vst v0  }
0xb0: {  	[tilespmem:$0xAD8] =	vst v0  }
0xb1: {  	[tilespmem:$0xAE8] =	vst v0  }
0xb2: {  	[tilespmem:$0xAF8] =	vst v0  }
0xb3: {  	[tilespmem:$0xB08] =	vst v0  }
0xb4: {  	[tilespmem:$0xB18] =	vst v0  }
0xb5: {  	[tilespmem:$0xB28] =	vst v0  }
0xb6: {  	[tilespmem:$0xB38] =	vst v0  }
0xb7: {  	[tilespmem:$0xB48] =	vst v0  }
0xb8: {  	[tilespmem:$0xB58] =	vst v0  }
0xb9: {  	[tilespmem:$0xB68] =	vst v0  }
0xba: {  	[tilespmem:$0xB78] =	vst v0  }
0xbb: {  	[tilespmem:$0xB88] =	vst v0  }
0xbc: {  	[tilespmem:$0xB98] =	vst v0  }
0xbd: {  	[tilespmem:$0xBA8] =	vst v0  }
0xbe: {  	[tilespmem:$0xBB8] =	vst v0  }
0xbf: {  	[tilespmem:$0xBC8] =	vst v0  }
0xc0: {  	[tilespmem:$0xBD8] =	vst v0  }
0xc1: {  	[tilespmem:$0xBE8] =	vst v0  }
0xc2: {  	[tilespmem:$0xBF8] =	vst v0  }
0xc3: {  	[tilespmem:$0xC08] =	vst v0  }
0xc4: {  	[tilespmem:$0xC18] =	vst v0  }
0xc5: {  	[tilespmem:$0xC28] =	vst v0  }
0xc6: {  	[tilespmem:$0xC38] =	vst v0  }
0xc7: {  	[tilespmem:$0xC48] =	vst v0  }
0xc8: {  	[tilespmem:$0xC58] =	vst v0  }
0xc9: {  	[tilespmem:$0xC68] =	vst v0  }
0xca: {  	[tilespmem:$0xC78] =	vst v0  }
0xcb: {  	[tilespmem:$0xC88] =	vst v0  }
0xcc: {  	[tilespmem:$0xC98] =	vst v0  }
0xcd: {  	[tilespmem:$0xCA8] =	vst v0  }
0xce: {  	[tilespmem:$0xCB8] =	vst v0  }
0xcf: {  	[tilespmem:$0xCC8] =	vst v0  }
0xd0: {  	[tilespmem:$0xCD8] =	vst v0  }
0xd1: {  	[tilespmem:$0xCE8] =	vst v0  }
0xd2: {  	[tilespmem:$0xCF8] =	vst v0  }
0xd3: {  	[tilespmem:$0xD08] =	vst v0  }
0xd4: {  	[tilespmem:$0xD18] =	vst v0  }
0xd5: {  	[tilespmem:$0xD28] =	vst v0  }
0xd6: {  	[tilespmem:$0xD38] =	vst v0  }
0xd7: {  	[tilespmem:$0xD48] =	vst v0  }
0xd8: {  	[tilespmem:$0xD58] =	vst v0  }
0xd9: {  	[tilespmem:$0xD68] =	vst v0  }
0xda: {  	[tilespmem:$0xD78] =	vst v0  }
0xdb: {  	[tilespmem:$0xD88] =	vst v0  }
0xdc: {  	[tilespmem:$0xD98] =	vst v0  }
0xdd: {  	[tilespmem:$0xDA8] =	vst v0  }
0xde: {  	[tilespmem:$0xDB8] =	vst v0  }
0xdf: {  	[tilespmem:$0xDC8] =	vst v0  }
0xe0: {  	[tilespmem:$0xDD8] =	vst v0  }
0xe1: {  	[tilespmem:$0xDE8] =	vst v0  }
0xe2: {  	[tilespmem:$0xDF8] =	vst v0  }
0xe3: {  	[tilespmem:$0xE08] =	vst v0  }
0xe4: {  	[tilespmem:$0xE18] =	vst v0  }
0xe5: {  	[tilespmem:$0xE28] =	vst v0  }
0xe6: {  	[tilespmem:$0xE38] =	vst v0  }
0xe7: {  	[tilespmem:$0xE48] =	vst v0  }
0xe8: {  	[tilespmem:$0xE58] =	vst v0  }
0xe9: {  	[tilespmem:$0xE68] =	vst v0  }
0xea: {  	[tilespmem:$0xE78] =	vst v0  }
0xeb: {  	[tilespmem:$0xE88] =	vst v0  }
0xec: {  	[tilespmem:$0xE98] =	vst v0  }
0xed: {  	[tilespmem:$0xEA8] =	vst v0  }
0xee: {  	[tilespmem:$0xEB8] =	vst v0  }
0xef: {  	[tilespmem:$0xEC8] =	vst v0  }
0xf0: {  	[tilespmem:$0xED8] =	vst v0  }
0xf1: {  	[tilespmem:$0xEE8] =	vst v0  }
0xf2: {  	[tilespmem:$0xEF8] =	vst v0  }
0xf3: {  	[tilespmem:$0xF08] =	vst v0  }
0xf4: {  	[tilespmem:$0xF18] =	vst v0  }
0xf5: {  	[tilespmem:$0xF28] =	vst v0  }
0xf6: {  	[tilespmem:$0xF38] =	vst v0  }
0xf7: {  	[tilespmem:$0xF48] =	vst v0  }
0xf8: {  	[tilespmem:$0xF58] =	vst v0  }
0xf9: {  	[tilespmem:$0xF68] =	vst v0  }
0xfa: {  	[tilespmem:$0xF78] =	vst v0  }
0xfb: {  	[tilespmem:$0xF88] =	vst v0  }
0xfc: {  	[tilespmem:$0xF98] =	vst v0  }
0xfd: {  	[tilespmem:$0xFA8] =	vst v0  }
0xfe: {  	[tilespmem:$0xFB8] =	vst v0  }
0xff: {  	[tilespmem:$0xFC8] =	vst v0  }
0x100: {  	[tilespmem:$0xFD8] =	vst v0  }
0x101: {  	[tilespmem:$0xFE8] =	vst v0  }
0x102: {  	[tilespmem:$0xFF8] =	vst v0  }
0x103: {  	[tilespmem:$0x1028] =	vst v0  }
0x104: {  	[tilespmem:$0x10E8] =	vst v0  }
0x105: {  	[tilespmem:$0x1068] =	vst v0  }
0x106: {  	[tilespmem:$0x1058] =	vst v0  }
0x107: {  	[tilespmem:$0x1B28] =	vst v0  }
0x108: {  	[tilespmem:$0x1B18] =	vst v0  }
0x109: {  	[tilespmem:$0x1B08] =	vst v0  }
0x10a: {  	[tilespmem:$0x1AF8] =	vst v0  }
0x10b: {  	[tilespmem:$0x1AE8] =	vst v0  }
0x10c: {  	[tilespmem:$0x1AD8] =	vst v0  }
0x10d: {  	[tilespmem:$0x1AC8] =	vst v0  }
0x10e: {  	[tilespmem:$0x1AB8] =	vst v0  }
0x10f: {  	[tilespmem:$0x1AA8] =	vst v0  }
0x110: {  	[tilespmem:$0x1A98] =	vst v0  }
0x111: {  	[tilespmem:$0x1A88] =	vst v0  }
0x112: {  	[tilespmem:$0x1A78] =	vst v0  }
0x113: {  	[tilespmem:$0x1A68] =	vst v0  }
0x114: {  	[tilespmem:$0x1A58] =	vst v0  }
0x115: {  	[tilespmem:$0x1A48] =	vst v0  }
0x116: {  	[tilespmem:$0x1A38] =	vst v0  }
0x117: {  	[tilespmem:$0x1A28] =	vst v0  }
0x118: {  	[tilespmem:$0x1A18] =	vst v0  }
0x119: {  	[tilespmem:$0x1A08] =	vst v0  }
0x11a: {  	[tilespmem:$0x19F8] =	vst v0  }
0x11b: {  	[tilespmem:$0x19E8] =	vst v0  }
0x11c: {  	[tilespmem:$0x19D8] =	vst v0  }
0x11d: {  	[tilespmem:$0x19C8] =	vst v0  }
0x11e: {  	[tilespmem:$0x19B8] =	vst v0  }
0x11f: {  	[tilespmem:$0x19A8] =	vst v0  }
0x120: {  	[tilespmem:$0x1998] =	vst v0  }
0x121: {  	[tilespmem:$0x1988] =	vst v0  }
0x122: {  	[tilespmem:$0x1978] =	vst v0  }
0x123: {  	[tilespmem:$0x1968] =	vst v0  }
0x124: {  	[tilespmem:$0x1958] =	vst v0  }
0x125: {  	[tilespmem:$0x1948] =	vst v0  }
0x126: {  	[tilespmem:$0x1938] =	vst v0  }
0x127: {  	[tilespmem:$0x1928] =	vst v0  }
0x128: {  	[tilespmem:$0x1918] =	vst v0  }
0x129: {  	[tilespmem:$0x1908] =	vst v0  }
0x12a: {  	[tilespmem:$0x18F8] =	vst v0  }
0x12b: {  	[tilespmem:$0x18E8] =	vst v0  }
0x12c: {  	[tilespmem:$0x18D8] =	vst v0  }
0x12d: {  	[tilespmem:$0x18C8] =	vst v0  }
0x12e: {  	[tilespmem:$0x18B8] =	vst v0  }
0x12f: {  	[tilespmem:$0x18A8] =	vst v0  }
0x130: {  	[tilespmem:$0x1898] =	vst v0  }
0x131: {  	[tilespmem:$0x1888] =	vst v0  }
0x132: {  	[tilespmem:$0x1878] =	vst v0  }
0x133: {  	[tilespmem:$0x1868] =	vst v0  }
0x134: {  	[tilespmem:$0x1858] =	vst v0  }
0x135: {  	[tilespmem:$0x1848] =	vst v0  }
0x136: {  	[tilespmem:$0x1838] =	vst v0  }
0x137: {  	[tilespmem:$0x1828] =	vst v0  }
0x138: {  	[tilespmem:$0x1818] =	vst v0  }
0x139: {  	[tilespmem:$0x1808] =	vst v0  }
0x13a: {  	[tilespmem:$0x17F8] =	vst v0  }
0x13b: {  	[tilespmem:$0x17E8] =	vst v0  }
0x13c: {  	[tilespmem:$0x17D8] =	vst v0  }
0x13d: {  	[tilespmem:$0x17C8] =	vst v0  }
0x13e: {  	[tilespmem:$0x17B8] =	vst v0  }
0x13f: {  	[tilespmem:$0x17A8] =	vst v0  }
0x140: {  	[tilespmem:$0x1798] =	vst v0  }
0x141: {  	[tilespmem:$0x1788] =	vst v0  }
0x142: {  	[tilespmem:$0x1778] =	vst v0  }
0x143: {  	[tilespmem:$0x1768] =	vst v0  }
0x144: {  	[tilespmem:$0x1758] =	vst v0  }
0x145: {  	[tilespmem:$0x1748] =	vst v0  }
0x146: {  	[tilespmem:$0x1738] =	vst v0  }
0x147: {  	[tilespmem:$0x1728] =	vst v0  }
0x148: {  	[tilespmem:$0x1718] =	vst v0  }
0x149: {  	[tilespmem:$0x1708] =	vst v0  }
0x14a: {  	[tilespmem:$0x16F8] =	vst v0  }
0x14b: {  	[tilespmem:$0x16E8] =	vst v0  }
0x14c: {  	[tilespmem:$0x16D8] =	vst v0  }
0x14d: {  	[tilespmem:$0x16C8] =	vst v0  }
0x14e: {  	[tilespmem:$0x16B8] =	vst v0  }
0x14f: {  	[tilespmem:$0x16A8] =	vst v0  }
0x150: {  	[tilespmem:$0x1698] =	vst v0  }
0x151: {  	[tilespmem:$0x1688] =	vst v0  }
0x152: {  	[tilespmem:$0x1678] =	vst v0  }
0x153: {  	[tilespmem:$0x1668] =	vst v0  }
0x154: {  	[tilespmem:$0x1658] =	vst v0  }
0x155: {  	[tilespmem:$0x1648] =	vst v0  }
0x156: {  	[tilespmem:$0x1638] =	vst v0  }
0x157: {  	[tilespmem:$0x1628] =	vst v0  }
0x158: {  	[tilespmem:$0x1618] =	vst v0  }
0x159: {  	[tilespmem:$0x1608] =	vst v0  }
0x15a: {  	[tilespmem:$0x15F8] =	vst v0  }
0x15b: {  	[tilespmem:$0x15E8] =	vst v0  }
0x15c: {  	[tilespmem:$0x15D8] =	vst v0  }
0x15d: {  	[tilespmem:$0x15C8] =	vst v0  }
0x15e: {  	[tilespmem:$0x15B8] =	vst v0  }
0x15f: {  	[tilespmem:$0x15A8] =	vst v0  }
0x160: {  	[tilespmem:$0x1598] =	vst v0  }
0x161: {  	[tilespmem:$0x1588] =	vst v0  }
0x162: {  	[tilespmem:$0x1578] =	vst v0  }
0x163: {  	[tilespmem:$0x1568] =	vst v0  }
0x164: {  	[tilespmem:$0x1558] =	vst v0  }
0x165: {  	[tilespmem:$0x1548] =	vst v0  }
0x166: {  	[tilespmem:$0x1538] =	vst v0  }
0x167: {  	[tilespmem:$0x1528] =	vst v0  }
0x168: {  	[tilespmem:$0x1518] =	vst v0  }
0x169: {  	[tilespmem:$0x1508] =	vst v0  }
0x16a: {  	[tilespmem:$0x14F8] =	vst v0  }
0x16b: {  	[tilespmem:$0x14E8] =	vst v0  }
0x16c: {  	[tilespmem:$0x14D8] =	vst v0  }
0x16d: {  	[tilespmem:$0x14C8] =	vst v0  }
0x16e: {  	[tilespmem:$0x14B8] =	vst v0  }
0x16f: {  	[tilespmem:$0x14A8] =	vst v0  }
0x170: {  	[tilespmem:$0x1498] =	vst v0  }
0x171: {  	[tilespmem:$0x1488] =	vst v0  }
0x172: {  	[tilespmem:$0x1478] =	vst v0  }
0x173: {  	[tilespmem:$0x1468] =	vst v0  }
0x174: {  	[tilespmem:$0x1458] =	vst v0  }
0x175: {  	[tilespmem:$0x1448] =	vst v0  }
0x176: {  	[tilespmem:$0x1438] =	vst v0  }
0x177: {  	[tilespmem:$0x1428] =	vst v0  }
0x178: {  	[tilespmem:$0x1418] =	vst v0  }
0x179: {  	[tilespmem:$0x1408] =	vst v0  }
0x17a: {  	[tilespmem:$0x13F8] =	vst v0  }
0x17b: {  	[tilespmem:$0x13E8] =	vst v0  }
0x17c: {  	[tilespmem:$0x13D8] =	vst v0  }
0x17d: {  	[tilespmem:$0x13C8] =	vst v0  }
0x17e: {  	[tilespmem:$0x13B8] =	vst v0  }
0x17f: {  	[tilespmem:$0x13A8] =	vst v0  }
0x180: {  	[tilespmem:$0x1398] =	vst v0  }
0x181: {  	[tilespmem:$0x1388] =	vst v0  }
0x182: {  	[tilespmem:$0x1378] =	vst v0  }
0x183: {  	[tilespmem:$0x1368] =	vst v0  }
0x184: {  	[tilespmem:$0x1358] =	vst v0  }
0x185: {  	[tilespmem:$0x1348] =	vst v0  }
0x186: {  	[tilespmem:$0x1338] =	vst v0  }
0x187: {  	[tilespmem:$0x1328] =	vst v0  }
0x188: {  	[tilespmem:$0x1318] =	vst v0  }
0x189: {  	[tilespmem:$0x1308] =	vst v0  }
0x18a: {  	[tilespmem:$0x12F8] =	vst v0  }
0x18b: {  	[tilespmem:$0x12E8] =	vst v0  }
0x18c: {  	[tilespmem:$0x12D8] =	vst v0  }
0x18d: {  	[tilespmem:$0x12C8] =	vst v0  }
0x18e: {  	[tilespmem:$0x12B8] =	vst v0  }
0x18f: {  	[tilespmem:$0x12A8] =	vst v0  }
0x190: {  	[tilespmem:$0x1298] =	vst v0  }
0x191: {  	[tilespmem:$0x1288] =	vst v0  }
0x192: {  	[tilespmem:$0x1278] =	vst v0  }
0x193: {  	[tilespmem:$0x1268] =	vst v0  }
0x194: {  	[tilespmem:$0x1258] =	vst v0  }
0x195: {  	[tilespmem:$0x1248] =	vst v0  }
0x196: {  	[tilespmem:$0x1238] =	vst v0  }
0x197: {  	[tilespmem:$0x1228] =	vst v0  }
0x198: {  	[tilespmem:$0x1218] =	vst v0  }
0x199: {  	[tilespmem:$0x1208] =	vst v0  }
0x19a: {  	[tilespmem:$0x11F8] =	vst v0  }
0x19b: {  	[tilespmem:$0x11E8] =	vst v0  }
0x19c: {  	[tilespmem:$0x11D8] =	vst v0  }
0x19d: {  	[tilespmem:$0x11C8] =	vst v0  }
0x19e: {  	[tilespmem:$0x11B8] =	vst v0  }
0x19f: {  	[tilespmem:$0x11A8] =	vst v0  }
0x1a0: {  	[tilespmem:$0x1198] =	vst v0  }
0x1a1: {  	[tilespmem:$0x1188] =	vst v0  }
0x1a2: {  	[tilespmem:$0x1178] =	vst v0  }
0x1a3: {  	[tilespmem:$0x1168] =	vst v0  }
0x1a4: {  	[tilespmem:$0x1158] =	vst v0  }
0x1a5: {  	[tilespmem:$0x1148] =	vst v0  }
0x1a6: {  	[tilespmem:$0x1138] =	vst v0  }
0x1a7: {  	s4 =	stileid.u32;
	[tilespmem:$0x1128] =	vst v0  }
0x1a8: {  	s0 =	smul.u32 $0xE7, s4;
	[tilespmem:$0x1118] =	vst v0  }
0x1a9: {  	s2 =	smin.u32 s4, $0x8;
	[tilespmem:$0x1108] =	vst v0  }
0x1aa: {  	[tilespmem:$0x10F8] =	vst v0;
	s0 =	sadd.s32 s2, s0  }
0x1ab: {  	p0 =	slt.u32 s4, $0x8;
	[tilespmem:$0x10C8] =	vst v0;
	s2 =	simm.s32 $0x18780;
	s6 =	smul.u32 $0x1B0, s0  }
0x1ac: {  	s2 =	simm.s32 @!p0 $0x185D0;
	[tilespmem:$0x10D8] =	vst v0  }
0x1ad: {  	[tilespmem:$0x10B8] =	vst v0;
	s0 =	sadd.s32 s2, s6  }
0x1ae: {  	s5 =	simm.s32 $0x2;
	[tilespmem:$0x1038] =	vst v0;
	s7 =	smin.u32 s0, $0x186A00  }
0x1af: {  	s8 =	simm.s32 $0x9;
	s10 =	simm.s32 $0xA;
	[tilespmem:$0x10A8] =	vst v0;
	s0 =	ssub.s32 s7, s6  }
0x1b0: {  	s30 =	simm.s32 $0xB;
	s16 =	simm.s32 $0x0;
	[tilespmem:$0x1098] =	vst v0;
	p0 =	sgt.s32 s0, $0x0  }
0x1b1: {  	p4 =	por $0x0, $0x0;
	s17 =	simm.s32 $0xC;
	[tilespmem:$0x1088] =	vst v0;
	s0 =	simm.s32 @!p0 $0x0  }
0x1b2: {  	s21 =	simm.s32 $0x0;
	s18 =	simm.s32 $0x0;
	[tilespmem:$0x1078] =	vst v0;
	s28 =	smulhi.u32 $0x4BDA12F7, s0  }
0x1b3: {  	s20 =	simm.s32 $0x0;
	s3 =	sand.u32 $0x1, s3;
	s31 =	sshll.u32 s4, $0x5;
	[tilespmem:$0x1048] =	vst v0  }
0x1b4: {  	s2 =	sshrl.u32 s28, $0x7;
	[tilespmem:$0x1018] =	vst v0;
	[dreg:$0x6] =	wrdreg s3;
	s3 =	smul.u32 $0x30D40, s3  }
0x1b5: {  	[tilespmem:$0x1008] =	vst v0;
	[sflag:s5] =	ssyncpa.u1 $0x0;
	v0 =	vimm.s32 $0xFFFFFFFF;
	[dreg:$0x5] =	wrdreg s31;
	s29 =	smul.u32 $0x1B0, s2  }
.Ltmp0:
0x1b6: {  	[tilespmem:$0x3648] =	vst v0;
	[sflag:s8] =	ssyncpa.u1 $0x0;
	s3 =	sadd.s32 s3, s11;
	(pc) =	sbr.rel .LBB2_1-.Ltmp0, $4  }
0x1b7: {  	[sflag:s10] =	ssyncpa.u1 $0x0;
	s11 =	sadd.s32 $0x334F800, s11;
	p0 =	sne.s32 s0, s29  }
0x1b8: {  	[sflag:s30] =	ssyncpa.u1 $0x0;
	s14 =	sadd.s32 $0x328C000, s3;
	s12 =	simm.s32 @!p0 $0x0  }
0x1b9: {  	s15 =	sadd.s32 $0x322A400, s3;
	s19 =	smov.u32 s6;
	s12 =	sadd.s32 s12, s2  }
0x1ba: {  	v0 =	vlaneseq.u32;
	[dreg:$0x7] =	wrdreg s6;
	p0 =	por $0x1, $0x1;
	s4 =	sadd.s32 $0x1, s12  }
.LBB2_18:
0x1bb: {  	s0 =	simm.s32 $0x2  }
0x1bc: {  	_ =	swait.ge [sflag:s0], $0x0  }
0x1bd: {  	[sflag:s0] =	ssyncset.done $0x0;
	s0 =	simm.s32 $0x0  }
.LBB2_19:
0x1be: {  	_ =	swait.ge [sflag:s17], s0  }
0x1bf: {  	s31 =	ssub.s32 $0x0, s0;
	v1 =	vmov s23;
	vm0 =	veq.s32 v0, $0x0;
	[sflag:s17] =	ssyncset.done $0x0  }
0x1c0: {  	vm15 =	veq.s32 v0, $0x2;
	v1 =	vsel vm0, s28, v1;
	[sflag:s17] =	ssyncadd.s32 s31  }
0x1c1: {  	v1 =	vsel vm15, s21, v1;
	[sflag:s17] =	ssyncpa.u1 $0x1  }
0x1c2: {  	[tilespmem:$0x3648] =	vst v1  }
.LBB2_20:
0x1c3: {  	s0 =	sadd.s32 $0x1B0, s19  }
0x1c4: {  	s2 =	smov.u32 s6;
	p1 =	slt.s32 s0, s7  }
0x1c5: {  	s2 =	smov.u32 @p1 s0;
	p1 =	sne.s32 s20, s4  }
.Ltmp1:
0x1c6: {  	_ = 	snop;
	(pc) =	sbr.rel @!p1 .LBB2_21-.Ltmp1, $4  }
0x1c7: {  	_ = 	snop  }
0x1c8: {  	s21 =	smov.u32 s18  }
0x1c9: {  	s31 =	sadd.s32 $0x1, s20;
	s18 =	smov.u32 s19;
	p0 =	por !p0, !p0  }
0x1ca: {  	p4 =	por !p4, !p4;
	s20 =	smov.u32 s31;
	s19 =	smov.u32 s2  }
.LBB2_1:
0x1cb: {  	p2 =	sge.u32 s20, s12  }
0x1cc: {  	s0 =	smulhi.u32 @!p2 $0xAAAAAAAB, s20  }
0x1cd: {  	s2 =	smov.u32 s19;
	p3 =	sgt.s32 @!p2 s19, $0x186850  }
0x1ce: {  	s3 =	sshra.s32 @!p2 s19, $0x1F;
	p3 =	por !p3, p2;
	s0 =	sshrl.u32 @!p2 s0, $0x1  }
0x1cf: {  	s3 =	sand.u32 @!p2 s3, s19;
	s2 =	simm.s32 @p3 $0x186850;
	s0 =	smul.u32 @!p2 $0x3, s0  }
0x1d0: {  	s2 =	ssub.s32 @!p2 s2, s3  }
0x1d1: {  	s23 =	sadd.s32 $0xFFFFFFFF, s20;
	s2 =	sadd.s32 @!p2 $0xFFE797B0, s2;
	s0 =	ssub.s32 @!p2 s20, s0  }
0x1d2: {  	s3 =	sshll.u32 @!p2 s2, $0x2;
	p3 =	sgt.s32 @!p2 s2, $0x1AF;
	s0 =	smul.u32 @!p2 $0x6C0, s0  }
0x1d3: {  	s5 =	sand.u32 @!p2 $0x7, s19;
	s2 =	ssub.s32 @!p2 $0x6C0, s3;
	p3 =	por !p3, p2  }
0x1d4: {  	s3 =	sshrl.u32 @!p2 s19, $0x3;
	s2 =	sshrl.u32 @!p2 s2, $0x2;
	s0 =	sshrl.u32 @!p2 s0, $0x2  }
0x1d5: {  	s3 =	sadd.s32 @!p2 s3, s14;
	s2 =	simm.s32 @!p3 $0x0;
	s0 =	sadd.s32 @!p2 $0x3888, s0  }
0x1d6: {  	[tilespmem:s0], [sflag:$0xA] =	stream.linear.gather @!p2 [hbm4b:s3+s5], s2, $0x38;
	[tilespmem:$0x1F0F8] =	vst v63  }
0x1d7: {  	p2 =	sge.u32 s23, s12  }
0x1d8: {  	p3 =	sgt.s32 @!p2 s18, $0x186850  }
0x1d9: {  	s0 =	smov.u32 s18;
	s2 =	sshra.s32 @!p2 s18, $0x1F;
	p3 =	por !p3, p2  }
0x1da: {  	s2 =	sand.u32 @!p2 s2, s18;
	s0 =	simm.s32 @p3 $0x186850  }
0x1db: {  	s0 =	ssub.s32 @!p2 s0, s2  }
0x1dc: {  	s0 =	sadd.s32 @!p2 $0xFFE797B0, s0  }
0x1dd: {  	s2 =	sshll.u32 @!p2 s0, $0x2  }
0x1de: {  	p3 =	sgt.s32 @!p2 s0, $0x1AF;
	s0 =	ssub.s32 @!p2 $0x6C0, s2  }
0x1df: {  	s22 =	ssub.s32 @!p2 $0x186A00, s18;
	p3 =	por !p3, p2;
	s0 =	sshrl.u32 @!p2 s0, $0x2  }
0x1e0: {  	s2 =	sand.u32 @!p2 $0x1, s23;
	s0 =	simm.s32 @!p3 $0x0;
	p3 =	slt.s32 @!p2 s22, $0x1  }
0x1e1: {  	s3 =	simm.s32 @!p2 $0xA;
	s2 =	smul.u32 @!p2 $0x6C0, s2;
	p3 =	por p2, p3  }
.Ltmp2:
0x1e2: {  	_ =	swait.ge @!p2 [sflag:s3], s0;
	(pc) =	sbr.rel @p3 .LBB2_7-.Ltmp2, $4  }
0x1e3: {  	s5 =	ssub.s32 @!p2 $0x0, s0;
	[sflag:s3] =	ssyncset.done @!p2 $0x0  }
0x1e4: {  	s2 =	sshrl.u32 @!p2 s2, $0x2;
	[sflag:s3] =	ssyncadd.s32 @!p2 s5;
	s3 =	sshrl.u32 @!p2 s18, $0x3  }
0x1e5: {  	s2 =	sadd.s32 @!p2 $0x3D98, s2;
	s5 =	sand.u32 @!p2 $0x7, s18;
	s3 =	sadd.s32 @!p2 s3, s15  }
0x1e6: {  	[tilespmem:s2], [sflag:$0xB] =	stream.linear.gather @!p2 [hbm4b:s3+s5], s0, $0x38;
	[tilespmem:$0x1F0F8] =	vst v63  }
0x1e7: {  	s0 =	smulhi.u32 $0xAAAAAAAB, s23;
	_ =	sdelay $0x1  }
0x1e8: {  	s0 =	sshrl.u32 s0, $0x1  }
0x1e9: {  	s0 =	smul.u32 $0x3, s0;
	_ =	sdelay $0x1  }
0x1ea: {  	s0 =	ssub.s32 s23, s0  }
0x1eb: {  	s2 =	simm.s32 $0x1;
	s0 =	smul.u32 $0x6C0, s0  }
.Ltmp3:
0x1ec: {  	s2 =	simm.s32 @!p0 $0x0;
	(pc) =	sbr.rel .LBB2_4-.Ltmp3, $4  }
0x1ed: {  	s2 =	smul.u32 $0x36000, s2  }
0x1ee: {  	p3 =	slt.s32 @!p2 s22, $0x1B0;
	s0 =	sshrl.u32 s0, $0x2  }
0x1ef: {  	p2 =	por !p3, p2;
	s2 =	sshrl.u32 s2, $0x2;
	s0 =	sadd.s32 $0x3888, s0  }
0x1f0: {  	s24 =	simm.s32 $0x0;
	s22 =	simm.s32 @p2 $0x1B0;
	s23 =	sadd.s32 $0x40F8, s2;
	v1 =	vmov s0  }
.LBB2_3:
0x1f1: {  	p2 =	sge.s32 s24, s22  }
.Ltmp4:
0x1f2: {  	_ = 	snop;
	(pc) =	sbr.rel @p2 .LBB2_7-.Ltmp4, $2  }
0x1f3: {  	_ =	sdelay $0x2  }
0x1f4: {  	s23 =	sadd.s32 $0x800, s23  }
.LBB2_4:
0x1f5: {  	p2 =	sle.s32 s22, s24  }
.Ltmp5:
0x1f6: {  	_ = 	snop;
	(pc) =	sbr.rel @p2 .LBB2_3-.Ltmp5, $2  }
0x1f7: {  	_ =	sdelay $0x2  }
0x1f8: {  	s0 =	smov.u32 s24;
	s24 =	sadd.s32 $0x10, s24  }
0x1f9: {  	s2 =	ssub.s32 s22, s0  }
0x1fa: {  	p2 =	slt.s32 s2, $0x10  }
0x1fb: {  	s2 =	simm.s32 @!p2 $0x10  }
0x1fc: {  	v2 =	vmov s2  }
0x1fd: {  	vm0 =	vgt.s32 v2, v0;
	_ =	sdelay $0x5  }
0x1fe: {  	v2 =	vld.idx.msk [tilespmem:v1+s0+$0x0 ss:$0x1], vm0;
	_ =	sdelay $0x2  }
0x1ff: {  	p2 =	slt.s32 s24, s22;
	s2 =	smov.u32 s22  }
0x200: {  	s3 =	smov.u32 s23;
	s25 =	simm.s32 $0x0;
	s2 =	smov.u32 @p2 s24  }
.LBB2_6:
0x201: {  	(v2sf) =	vpush v2, s25;
	_ =	sdelay $0xc  }
0x202: {  	s25 =	sadd.s32 $0x1, s25  }
0x203: {  	s31 =	sadd.s32 s25, s0  }
0x204: {  	p2 =	slt.s32 s31, s2;
	s5 =	spop (v2sf)  }
.Ltmp6:
0x205: {  	s5 =	sshll.u32 s5, $0x4;
	(pc) =	sbr.rel @p2 .LBB2_6-.Ltmp6, $4  }
0x206: {  	s5 =	sand.u32 $0x1FFFFFF0, s5  }
0x207: {  	s5 =	sadd.s32 s11, s5  }
0x208: {  	[tilespmem:s3], [sflag:$0x9] =	stream.linear.gather [hbm4b:s5+s16], $0x4, $0x38;
	[tilespmem:$0x1F0F8] =	vst v63  }
0x209: {  	s3 =	sadd.s32 $0x80, s3  }
.Ltmp7:
0x20a: {  	_ = 	snop;
	(pc) =	sbr.rel .LBB2_3-.Ltmp7, $1  }
0x20b: {  	_ =	sdelay $0x3  }
.LBB2_7:
0x20c: {  	p2 =	slt.u32 s20, $0x2  }
.Ltmp8:
0x20d: {  	_ = 	snop;
	(pc) =	sbr.rel @p2 .LBB2_20-.Ltmp8, $1  }
0x20e: {  	_ =	sdelay $0x3  }
0x20f: {  	p2 =	sgt.s32 s21, $0x186850  }
0x210: {  	s0 =	smov.u32 s21;
	s2 =	sshra.s32 s21, $0x1F;
	s3 =	ssub.s32 $0x186A00, s21  }
0x211: {  	s0 =	simm.s32 @!p2 $0x186850;
	s2 =	sand.u32 s2, s21;
	p2 =	slt.s32 s3, $0x1B0  }
0x212: {  	s0 =	ssub.s32 s0, s2;
	s3 =	simm.s32 @!p2 $0x1B0  }
0x213: {  	s0 =	sadd.s32 $0xFFE797B0, s0;
	s24 =	sshll.u32 s3, $0x2  }
0x214: {  	s28 =	simm.s32 $0x9;
	s25 =	sshll.u32 s0, $0x2;
	s2 =	sand.u32 $0x3FFFFFFC, s24  }
0x215: {  	p2 =	sgt.s32 s0, $0x1AF;
	s26 =	ssub.s32 $0x6C0, s25;
	_ =	swait.ge [sflag:s28], s2  }
0x216: {  	s2 =	ssub.s32 $0x0, s2;
	[sflag:s28] =	ssyncset.done $0x0;
	s0 =	sshrl.u32 s26, $0x2  }
0x217: {  	s30 =	simm.s32 $0xB;
	[sflag:s28] =	ssyncadd.s32 s2;
	s0 =	simm.s32 @p2 $0x0  }
0x218: {  	_ =	swait.ge [sflag:s30], s0  }
0x219: {  	s0 =	ssub.s32 $0x0, s0;
	[sflag:s30] =	ssyncset.done $0x0  }
0x21a: {  	[sflag:s30] =	ssyncadd.s32 s0  }
0x21b: {  	v1 =	vld [tilespmem:$0x3648];
	_ =	sdelay $0x4  }
0x21c: {  	(v2sf) =	vpush v1, $0x0  }
0x21d: {  	(v2sf) =	vpush v1, $0x1  }
0x21e: {  	(v2sf) =	vpush v1, $0x2;
	_ =	sdelay $0x3  }
0x21f: {  	s0 =	sadd.s32 $0x1B0, s21  }
0x220: {  	s2 =	ssub.s32 $0x30D400, s21;
	p2 =	slt.s32 s7, s0  }
0x221: {  	s0 =	smov.u32 @p2 s7;
	p2 =	sgt.s32 s2, $0x0  }
0x222: {  	s25 =	ssub.s32 s0, s21;
	s2 =	simm.s32 @!p2 $0x0  }
0x223: {  	p2 =	slt.s32 s2, s25  }
0x224: {  	s25 =	smov.u32 @p2 s2  }
0x225: {  	s24 =	simm.s32 $0x1;
	p2 =	slt.s32 s25, $0x1  }
.Ltmp9:
0x226: {  	s24 =	simm.s32 @!p4 $0x0;
	(pc) =	sbr.rel @p2 .LBB2_12-.Ltmp9, $4  }
0x227: {  	s31 =	smul.u32 $0x6C0, s24  }
0x228: {  	s26 =	spop (v2sf)  }
0x229: {  	s0 =	sshrl.u32 s31, $0x2;
	s29 =	spop (v2sf)  }
0x22a: {  	s22 =	sadd.s32 $0x3D98, s0;
	s21 =	spop (v2sf)  }
0x22b: {  	s0 =	smin.u32 s25, $0x10  }
0x22c: {  	v1 =	vmov s0  }
0x22d: {  	p3 =	sgt.s32 s25, $0x10;
	vm1 =	vgt.u32 v1, v0  }
.Ltmp10:
0x22e: {  	_ = 	snop;
	(pc) =	sbr.rel @!p3 .LBB2_11-.Ltmp10, $2  }
0x22f: {  	_ =	sdelay $0x2  }
0x230: {  	s23 =	simm.s32 $0x10;
	s28 =	sadd.s32 $0xFFFFFFF0, s25;
	s0 =	smov.u32 s22;
	vm0 =	vmmov vm1  }
.LBB2_10:
0x231: {  	s2 =	smin.u32 s28, $0x10;
	s23 =	sadd.s32 $0x10, s23;
	v1 =	vld.msk [tilespmem:s0+$0x0 ss:$0x1], vm1  }
0x232: {  	v2 =	vmov s2;
	p3 =	slt.s32 s23, s25  }
0x233: {  	vm1 =	vgt.u32 v2, v0  }
.Ltmp11:
0x234: {  	(pc) =	sbr.rel @p3 .LBB2_10-.Ltmp11, $3  }
0x235: {  	_ =	sdelay $0x1  }
0x236: {  	v1 =	vshll.u32 v1, $0x4  }
0x237: {  	s28 =	sadd.s32 $0xFFFFFFF0, s28;
	[tilespmem:s0+$0x0] =	vst.msk vm0, v1;
	s0 =	sadd.s32 $0x10, s0;
	vm0 =	vmmov vm1  }
.LBB2_11:
0x238: {  	_ =	sdelay $0x4  }
0x239: {  	v1 =	vld.msk [tilespmem:s0+$0x0 ss:$0x1], vm1;
	_ =	sdelay $0x4  }
0x23a: {  	v1 =	vshll.u32 v1, $0x4  }
0x23b: {  	[tilespmem:s0+$0x0] =	vst.msk vm0, v1  }
.LBB2_12:
0x23c: {  	s0 =	sand.u32 $0x1, s20  }
0x23d: {  	s0 =	smul.u32 $0x1B0, s0  }
0x23e: {  	p3 =	sne.s32 s29, $0xFFFFFFFF  }
0x23f: {  	v1 =	vld.msk @!p3 [tilespmem:s0+$0x3D98], $0x1;
	_ =	sdelay $0x4  }
0x240: {  	(v2sf) =	vpush @!p3 v1, $0x0;
	_ =	sdelay $0xc  }
.Ltmp12:
0x241: {  	_ = 	snop;
	(pc) =	sbr.rel @p2 .LBB2_18-.Ltmp12, $4  }
0x242: {  	_ = 	snop  }
0x243: {  	s28 =	spop @!p3 (v2sf)  }
0x244: {  	s21 =	simm.s32 @!p3 $0x0;
	s23 =	smov.u32 s28  }
0x245: {  	[sflag:s17] =	ssyncpa.u1 $0x0;
	s28 =	smov.u32 @p3 s26;
	s23 =	smov.u32 @p3 s29  }
0x246: {  	v1 =	vld.msk [tilespmem:s22+$0x0], $0x1;
	_ =	sdelay $0x4  }
0x247: {  	(v2sf) =	vpush v1, $0x0;
	_ =	sdelay $0xe  }
0x248: {  	s0 =	simm.s32 @!p4 $0x0;
	s26 =	smul.u32 $0x36000, s24;
	s31 =	spop (v2sf)  }
0x249: {  	s29 =	ssub.s32 $0x0, s25;
	s0 =	simm.s32 @p4 $0x1;
	p2 =	seq.s32 s28, s31  }
0x24a: {  	s2 =	smov.u32 s28;
	[smem:$0x7FD] =	sst s0;
	p3 =	sgt.s32 @!p2 s28, $0x0  }
0x24b: {  	s0 =	sshrl.u32 s26, $0x2;
	s26 =	sadd.s32 $0x1, s29;
	p3 =	por !p3, p2  }
0x24c: {  	s2 =	simm.s32 @p3 $0x0;
	p3 =	seq.s32 s26, $0x0  }
.Ltmp13:
0x24d: {  	_ = 	snop;
	(pc) =	sbr.rel @p3 .LBB2_15-.Ltmp13, $4  }
0x24e: {  	s6 =	smov.u32 s4;
	s25 =	simm.s32 $0x0  }
0x24f: {  	s24 =	sadd.s32 $0x40F8, s0;
	s0 =	simm.s32 @!p2 $0x1;
	s3 =	smin.u32 @!p2 s2, $0x1869FF  }
0x250: {  	s30 =	sadd.s32 $0x1, s22;
	s0 =	smov.u32 @p2 s25;
	s5 =	sand.u32 @!p2 $0x1FFFF8, s3  }
0x251: {  	s2 =	simm.s32 @!p2 $0x1B38;
	s3 =	sand.u32 @!p2 $0x7, s3;
	s5 =	sadd.s32 @!p2 s1, s5  }
.LBB2_14:
0x252: {  	s4 =	smov.u32 s0  }
0x253: {  	[tilespmem:s2], [sflag:$0x2] =	stream.linear.gather @!p2 [hbm4b:s5+s3], $0x4, $0x38;
	[tilespmem:$0x1F0F8] =	vst v63  }
0x254: {  	s26 =	sadd.s32 $0x1, s26;
	s3 =	smov.u32 s31;
	v1 =	vld.msk [tilespmem:s30+$0x0], $0x1  }
0x255: {  	p3 =	seq.s32 s26, $0x0;
	_ =	sdelay $0x3  }
0x256: {  	(v2sf) =	vpush v1, $0x0;
	_ =	sdelay $0xe  }
0x257: {  	s31 =	spop (v2sf)  }
0x258: {  	p2 =	seq.s32 s3, s31  }
0x259: {  	p4 =	sgt.s32 @!p2 s3, $0x0;
	s2 =	sshll.u32 @!p2 s0, $0x6;
	s0 =	sadd.s32 @!p2 $0x1, s0  }
.Ltmp14:
0x25a: {  	p4 =	por !p4, p2;
	s2 =	sshra.s32 @!p2 s2, $0x2;
	(pc) =	sbr.rel @!p3 .LBB2_14-.Ltmp14, $4  }
0x25b: {  	s0 =	smov.u32 @p2 s4;
	s3 =	simm.s32 @p4 $0x0;
	s2 =	sadd.s32 @!p2 $0x1B38, s2  }
0x25c: {  	s3 =	smin.u32 @!p2 s3, $0x1869FF  }
0x25d: {  	s4 =	sand.u32 @!p2 $0x1FFFF8, s3;
	s3 =	sand.u32 @!p2 $0x7, s3  }
0x25e: {  	s30 =	sadd.s32 $0x1, s30;
	s5 =	sadd.s32 @!p2 s1, s4  }
.LBB2_15:
0x25f: {  	[tilespmem:s2], [sflag:$0x2] =	stream.linear.gather @!p2 [hbm4b:s5+s3], $0x4, $0x38;
	[tilespmem:$0x1F0F8] =	vst v63  }
0x260: {  	s0 =	sshll.u32 s0, $0x2  }
0x261: {  	s31 =	simm.s32 $0x2;
	s0 =	sand.u32 $0x3FFFFFFC, s0  }
0x262: {  	_ =	swait.ge [sflag:s31], s0  }
0x263: {  	s0 =	ssub.s32 $0x0, s0;
	[sflag:s31] =	ssyncset.done $0x0  }
0x264: {  	[sflag:s31] =	ssyncadd.s32 s0  }
0x265: {  	v1 =	vld.msk [tilespmem:s22+$0x0], $0x1;
	_ =	sdelay $0x4  }
0x266: {  	(v2sf) =	vpush v1, $0x0;
	_ =	sdelay $0xe  }
0x267: {  	s26 =	spop (v2sf)  }
0x268: {  	p2 =	sne.s32 s28, s26  }
0x269: {  	p4 =	sne.s32 @p2 s28, s23  }
0x26a: {  	p3 =	por !p4, !p2  }
0x26b: {  	s0 =	simm.s32 @!p3 $0x0  }
0x26c: {  	v1 =	vld.msk @!p3 [tilespmem:s0+$0x1B38], $0xf  }
0x26d: {  	p5 =	sgt.u32 @!p3 s28, $0x1869FF  }
0x26e: {  	s2 =	sshll.u32 @!p3 s21, $0x6;
	p6 =	por @p2 p5, !p4  }
0x26f: {  	s2 =	sshra.s32 @!p3 s2, $0x2;
	p1 =	por p6, !p2;
	p6 =	por p4, !p2  }
0x270: {  	s3 =	sadd.s32 @!p3 $0x28, s2;
	s4 =	sand.u32 @!p1 $0x1FFFF8, s28;
	s5 =	sshll.u32 @!p6 s21, $0x6  }
0x271: {  	s28 =	sand.u32 @!p1 $0x7, s28;
	[tilespmem:s2+$0x28] =	vst.add.f32.msk @!p3 $0xf, v1;
	s2 =	sadd.s32 @!p1 s1, s4;
	s4 =	sshra.s32 @!p6 s5, $0x2  }
0x272: {  	[hbm4b:s2+s28] =	stream.linear.scatter @!p1 [tilespmem:s3], [sflag:$0xC], $0x4, $0x38;
	[tilespmem:$0x1F0F8] =	vst v63  }
0x273: {  	s0 =	rddreg [dreg:$0x5];
	s2 =	sadd.s32 @!p6 $0x28, s4;
	s3 =	simm.s32 @!p6 $0x1  }
0x274: {  	[spmem:s0] =	stream.linear.scatter @!p6 [tilespmem:s2], [sflag:$0x1], $0x4, $0x38;
	[tilespmem:$0x1F0F8] =	vst v63  }
0x275: {  	s0 =	sadd.s32 @p2 $0x1, s21;
	_ =	swait.ge @!p6 [sflag:s3], $0x4  }
0x276: {  	s2 =	sshrl.u32 @p2 s0, $0x4;
	[sflag:s3] =	ssyncset.done @!p6 $0x0  }
0x277: {  	s2 =	smulhi.u32 @p2 $0x97B425F, s2;
	[sflag:s3] =	ssyncadd.s32 @!p6 $0xFFFFFFFC  }
0x278: {  	s28 =	sadd.s32 $0x1, s29;
	v1 =	vld.msk @p2 [tilespmem:s24+$0x0], $0xf  }
0x279: {  	p1 =	por @p2 !p5, !p4;
	p4 =	seq.s32 s28, $0x0;
	s2 =	smul.u32 @p2 $0x1B0, s2  }
.Ltmp15:
0x27a: {  	p1 =	por !p1, !p2;
	s3 =	simm.s32 @!p3 $0x0;
	(pc) =	sbr.rel @p4 .LBB2_17-.Ltmp15, $4  }
0x27b: {  	s4 =	sshll.u32 @!p2 s21, $0x6;
	s3 =	simm.s32 @!p1 $0x10;
	s0 =	ssub.s32 @p2 s0, s2  }
0x27c: {  	s29 =	simm.s32 $0x0;
	s3 =	sadd.s32 @!p3 $0x0, s3;
	s5 =	sshll.u32 @p2 s0, $0x4  }
0x27d: {  	s30 =	sshra.s32 @!p2 s4, $0x2;
	s2 =	simm.s32 @p2 $0x1;
	s3 =	smov.u32 @p3 s25;
	[tilespmem:s5+$0x28] =	vst.msk @p2 $0xf, v1  }
0x27e: {  	s21 =	smov.u32 @p2 s0;
	s29 =	smov.u32 @p2 s3;
	s25 =	smov.u32 @p2 s2;
	v1 =	vld.msk @!p2 [tilespmem:s24+$0x0], $0xf  }
.LBB2_16:
0x27f: {  	_ =	sdelay $0x3  }
0x280: {  	s22 =	sadd.s32 $0x1, s22;
	[tilespmem:s30+$0x28] =	vst.add.f32.msk @!p2 $0xf, v1  }
0x281: {  	v1 =	vld.msk [tilespmem:s22+$0x0], $0x1;
	_ =	sdelay $0x4  }
0x282: {  	(v2sf) =	vpush v1, $0x0;
	_ =	sdelay $0xe  }
0x283: {  	s0 =	smov.u32 s26;
	s26 =	spop (v2sf)  }
0x284: {  	p2 =	sne.s32 s0, s26  }
0x285: {  	p5 =	sne.s32 @p2 s0, s23  }
0x286: {  	s4 =	sshll.u32 @!p2 s21, $0x6;
	p4 =	por !p5, !p2  }
0x287: {  	s30 =	sshra.s32 @!p2 s4, $0x2;
	s4 =	sshll.u32 @!p4 s25, $0x6  }
0x288: {  	s4 =	sshra.s32 @!p4 s4, $0x2  }
0x289: {  	p1 =	sgt.u32 @!p4 s0, $0x1869FF;
	v1 =	vld.msk @!p4 [tilespmem:s4+$0x1B38], $0xf  }
0x28a: {  	s31 =	sshll.u32 @!p4 s21, $0x6;
	p6 =	por @p2 p1, !p5;
	p1 =	por @p2 !p1, !p5  }
0x28b: {  	s8 =	simm.s32 @!p4 $0x0;
	s31 =	sshra.s32 @!p4 s31, $0x2;
	p1 =	por !p1, !p2  }
0x28c: {  	p5 =	por p5, !p2;
	s8 =	simm.s32 @!p1 $0x10;
	p1 =	por p6, !p2  }
0x28d: {  	s4 =	sadd.s32 @!p4 $0x28, s31;
	s13 =	sshll.u32 @!p5 s21, $0x6;
	s10 =	sand.u32 @!p1 $0x1FFFF8, s0  }
0x28e: {  	s13 =	sshra.s32 @!p5 s13, $0x2;
	s0 =	sand.u32 @!p1 $0x7, s0;
	s10 =	sadd.s32 @!p1 s1, s10;
	[tilespmem:s31+$0x28] =	vst.add.f32.msk @!p4 $0xf, v1  }
0x28f: {  	[hbm4b:s10+s0] =	stream.linear.scatter @!p1 [tilespmem:s4], [sflag:$0xC], $0x4, $0x38;
	[tilespmem:$0x1F0F8] =	vst v63  }
0x290: {  	s2 =	rddreg [dreg:$0x5];
	s0 =	sadd.s32 @!p5 $0x28, s13;
	s4 =	simm.s32 @!p5 $0x1  }
0x291: {  	[spmem:s2] =	stream.linear.scatter @!p5 [tilespmem:s0], [sflag:$0x1], $0x4, $0x38;
	[tilespmem:$0x1F0F8] =	vst v63  }
0x292: {  	s3 =	sadd.s32 @p2 $0x1, s21;
	_ =	swait.ge @!p5 [sflag:s4], $0x4  }
0x293: {  	s5 =	sshrl.u32 @p2 s3, $0x4;
	[sflag:s4] =	ssyncset.done @!p5 $0x0  }
0x294: {  	s24 =	sadd.s32 $0x80, s24;
	s5 =	smulhi.u32 @p2 $0x97B425F, s5;
	[sflag:s4] =	ssyncadd.s32 @!p5 $0xFFFFFFFC  }
0x295: {  	s28 =	sadd.s32 $0x1, s28;
	v1 =	vld.msk @p2 [tilespmem:s24+$0x0], $0xf  }
0x296: {  	p3 =	seq.s32 s28, $0x0;
	s5 =	smul.u32 @p2 $0x1B0, s5  }
.Ltmp16:
0x297: {  	_ = 	snop;
	(pc) =	sbr.rel @!p3 .LBB2_16-.Ltmp16, $4  }
0x298: {  	s3 =	ssub.s32 @p2 s3, s5  }
0x299: {  	s8 =	sadd.s32 @!p4 s8, s29;
	s5 =	sshll.u32 @p2 s3, $0x4  }
0x29a: {  	s9 =	sadd.s32 @p2 $0x1, s25;
	s8 =	smov.u32 @p4 s29;
	[tilespmem:s5+$0x28] =	vst.msk @p2 $0xf, v1  }
0x29b: {  	s25 =	smov.u32 @p2 s9;
	s21 =	smov.u32 @p2 s3;
	s29 =	smov.u32 @p2 s8;
	v1 =	vld.msk @!p2 [tilespmem:s24+$0x0], $0xf  }
.LBB2_17:
.Ltmp17:
0x29c: {  	_ = 	snop;
	(pc) =	sbr.rel .LBB2_19-.Ltmp17, $3  }
0x29d: {  	s2 =	sld [smem:$0x7FD];
	_ =	sdelay $0x1  }
0x29e: {  	s0 =	sshrl.u32 s29, $0x2;
	s28 =	smov.u32 s26  }
0x29f: {  	s4 =	smov.u32 s6;
	s6 =	rddreg [dreg:$0x7];
	p4 =	seq.s32 s2, $0x1;
	[tilespmem:s30+$0x28] =	vst.add.f32.msk @!p2 $0xf, v1  }
.LBB2_21:
0x2a0: {  	_ =	sfence.sel $0x180000  }
0x2a1: {  	s0 =	simm.s32 $0x9;
	[bflag:$0x0] =	sbarrier.arrive $0xFFFF  }
0x2a2: {  	s24 =	simm.s32 $0xA;
	[sflag:s0] =	ssyncpa.u1 $0x1  }
0x2a3: {  	s25 =	simm.s32 $0xB;
	[sflag:s24] =	ssyncpa.u1 $0x1  }
0x2a4: {  	s26 =	simm.s32 $0x2;
	[sflag:s25] =	ssyncpa.u1 $0x1  }
0x2a5: {  	[sflag:s26] =	ssyncpa.u1 $0x1  }
0x2a6: {  	v0 =	vld [tilespmem:$0x3648];
	_ =	sdelay $0x4  }
0x2a7: {  	(v2sf) =	vpush v0, $0x0  }
0x2a8: {  	(v2sf) =	vpush v0, $0x1;
	_ =	sdelay $0x1  }
0x2a9: {  	(v2sf) =	vpush v0, $0x2;
	_ =	sdelay $0xb  }
0x2aa: {  	s0 =	spop (v2sf)  }
0x2ab: {  	s2 =	spop (v2sf)  }
0x2ac: {  	s3 =	smov.u32 s0;
	p0 =	sne.s32 s0, s2  }
0x2ad: {  	s4 =	spop (v2sf);
	s3 =	simm.s32 @!p0 $0xFFFFFFFF  }
0x2ae: {  	v2 =	vimm.s32 $0x1;
	v3 =	vlaneseq.u32;
	p0 =	seq.s32 s4, $0xFFFFFFFF;
	v1 =	vmov s3  }
0x2af: {  	s16 =	stileid.u32;
	v0 =	vperm.xlane v0, v2;
	p1 =	sne.s32 @!p0 s0, s2;
	v1 =	vperm.xlane v1, v3  }
0x2b0: {  	vm0 =	vcmask $0x3F04;
	s6 =	simm.s32 $0x3648;
	s0 =	simm.s32 @!p0 $0x1;
	p1 =	por !p1, p0  }
0x2b1: {  	s3 =	sshll.u32 s16, $0x1;
	s2 =	sshll.u32 @!p0 s4, $0x6;
	s0 =	simm.s32 @p1 $0x0;
	v0 =	vsel vm0, v1, v0  }
0x2b2: {  	s5 =	sor.u32 $0x200, s3;
	s2 =	sshra.s32 @!p0 s2, $0x2;
	s0 =	sor.u32 @!p0 s0, s3;
	[tilespmem:$0x3648] =	vst v0  }
0x2b3: {  	[spmem:s5] =	stream.linear.scatter [tilespmem:s6], [sflag:$0x1], $0x2, $0x38;
	[tilespmem:$0x1F0F8] =	vst v63  }
0x2b4: {  	s2 =	sadd.s32 @!p0 $0x28, s2;
	s0 =	sshll.u32 @!p0 s0, $0x4  }
0x2b5: {  	[spmem:s0] =	stream.linear.scatter @!p0 [tilespmem:s2], [sflag:$0x1], $0x10, $0x38;
	[tilespmem:$0x1F0F8] =	vst v63  }
0x2b6: {  	s0 =	simm.s32 @!p0 $0x12  }
0x2b7: {  	s28 =	simm.s32 $0x1;
	s0 =	simm.s32 @p0 $0x2  }
0x2b8: {  	_ =	swait.ge [sflag:s28], s0  }
0x2b9: {  	s0 =	ssub.s32 $0x0, s0;
	[sflag:s28] =	ssyncset.done $0x0  }
0x2ba: {  	p0 =	sne.s32 s16, $0x0;
	[sflag:s28] =	ssyncadd.s32 s0  }
.Ltmp18:
0x2bb: {  	_ =	sfence.stream.spmem;
	(pc) =	sbr.rel @p0 .LBB2_38-.Ltmp18, $4  }
0x2bc: {  	s29 =	simm.s32 $0x3;
	[bflag:$0x0] =	sbarrier.arrive $0xFFFF  }
0x2bd: {  	s30 =	simm.s32 $0x4;
	[sflag:s29] =	ssyncpa.u1 $0x1  }
0x2be: {  	s31 =	simm.s32 $0x3C;
	[sflag:s30] =	ssyncpa.u1 $0x1  }
0x2bf: {  	s17 =	rddreg [dreg:$0x6];
	[sflag:s31] =	ssyncpa.u1 $0x1  }
0x2c0: {  	_ =	sfence.stream.spmem;
	s0 =	simm.s32 $0x5  }
0x2c1: {  	s2 =	simm.s32 $0x200;
	s3 =	simm.s32 $0x3658;
	[sflag:s0] =	ssyncpa.u1 $0x0  }
0x2c2: {  	[tilespmem:s3], [sflag:$0x5] =	stream.linear.gather [spmem:s2], $0x20, $0x38;
	[tilespmem:$0x1F0F8] =	vst v63  }
0x2c3: {  	s26 =	simm.s32 $0x0;
	s28 =	simm.s32 $0x3678  }
0x2c4: {  	[tilespmem:s28], [sflag:$0x5] =	stream.linear.gather [spmem:s26], $0x200, $0x38;
	[tilespmem:$0x1F0F8] =	vst v63  }
0x2c5: {  	_ =	swait.ge [sflag:s0], $0x220  }
0x2c6: {  	[sflag:s0] =	ssyncset.done $0x0  }
0x2c7: {  	s29 =	simm.s32 $0x0;
	[sflag:s0] =	ssyncadd.s32 $0xFFFFFDE0  }
0x2c8: {  	v0 =	vld.msk [tilespmem:s29+$0x3658], $0x1;
	_ =	sdelay $0x1  }
0x2c9: {  	s30 =	simm.s32 $0x1  }
0x2ca: {  	v1 =	vld.msk [tilespmem:s30+$0x3658], $0x1;
	_ =	sdelay $0x1  }
0x2cb: {  	(v2sf) =	vpush v0, $0x0;
	_ =	sdelay $0x2  }
0x2cc: {  	(v2sf) =	vpush v1, $0x0;
	_ =	sdelay $0x2  }
0x2cd: {  	s31 =	simm.s32 $0x2  }
0x2ce: {  	v0 =	vld.msk [tilespmem:s31+$0x3658], $0x1;
	_ =	sdelay $0x2  }
0x2cf: {  	s6 =	simm.s32 $0xFFFFFFFF;
	s2 =	simm.s32 $0xFFFFFFFF;
	s0 =	simm.s32 $0xC  }
.LBB2_23:
0x2d0: {  	s3 =	smov.u32 s6;
	s4 =	smov.u32 s2  }
0x2d1: {  	s2 =	sshra.s32 s0, $0x2;
	p1 =	sne.s32 s0, $0x7C;
	s0 =	sadd.s32 $0x4, s0;
	(v2sf) =	vpush v0, $0x0  }
0x2d2: {  	v0 =	vld.msk [tilespmem:s2+$0x3658], $0x1  }
.Ltmp19:
0x2d3: {  	(pc) =	sbr.rel @p1 .LBB2_23-.Ltmp19, $4  }
0x2d4: {  	s6 =	spop (v2sf)  }
0x2d5: {  	p2 =	sne.s32 s4, $0xFFFFFFFF;
	s2 =	smov.u32 s6  }
0x2d6: {  	p3 =	seq.s32 s6, $0xFFFFFFFF;
	s2 =	smov.u32 @p2 s4  }
0x2d7: {  	s6 =	smov.u32 @p3 s3;
	s2 =	smov.u32 @p3 s4  }
0x2d8: {  	(v2sf) =	vpush v0, $0x0;
	_ =	sdelay $0x8  }
0x2d9: {  	s0 =	spop (v2sf)  }
0x2da: {  	p1 =	sne.s32 s2, $0xFFFFFFFF;
	s3 =	smov.u32 s0  }
0x2db: {  	s9 =	simm.s32 $0x6;
	p2 =	seq.s32 s0, $0xFFFFFFFF;
	s3 =	smov.u32 @p1 s2  }
0x2dc: {  	s10 =	simm.s32 $0x3638;
	s3 =	smov.u32 @p2 s2;
	s2 =	spop (v2sf)  }
0x2dd: {  	s0 =	smov.u32 @p2 s6;
	p1 =	sne.s32 s3, $0xFFFFFFFF;
	s4 =	smov.u32 s2  }
.Ltmp20:
0x2de: {  	p2 =	seq.s32 s2, $0xFFFFFFFF;
	s4 =	smov.u32 @p1 s3;
	(pc) =	sbr.rel .LBB2_25-.Ltmp20, $4  }
0x2df: {  	s11 =	simm.s32 $0x0;
	s4 =	smov.u32 @p2 s3;
	s7 =	spop (v2sf)  }
0x2e0: {  	[sflag:s9] =	ssyncpa.u1 $0x0;
	p1 =	sne.s32 s4, $0xFFFFFFFF;
	s8 =	smov.u32 s7  }
0x2e1: {  	s2 =	smov.u32 @p2 s0;
	p2 =	seq.s32 s7, $0xFFFFFFFF;
	s8 =	smov.u32 @p1 s4  }
0x2e2: {  	s6 =	simm.s32 $0x0;
	s7 =	smov.u32 @p2 s2;
	s8 =	smov.u32 @p2 s4  }
.LBB2_30:
0x2e3: {  	p1 =	sgt.u32 s12, $0x1869FF  }
0x2e4: {  	p2 =	seq.s32 @!p1 s12, s8  }
0x2e5: {  	p1 =	por p1, p2  }
0x2e6: {  	p2 =	sne.s32 @!p1 s12, s7  }
0x2e7: {  	p1 =	por p1, !p2  }
0x2e8: {  	s0 =	sshll.u32 @p1 s11, $0x6  }
0x2e9: {  	s0 =	sand.u32 @!p1 $0x1FFFF8, s12  }
0x2ea: {  	s2 =	sand.u32 @!p1 $0x7, s12;
	s0 =	sadd.s32 @!p1 s1, s0  }
0x2eb: {  	[tilespmem:s10], [sflag:$0x6] =	stream.linear.gather @!p1 [hbm4b:s0+s2], $0x4, $0x38;
	[tilespmem:$0x1F0F8] =	vst v63  }
0x2ec: {  	_ =	swait.ge @!p1 [sflag:s9], $0x4  }
0x2ed: {  	[sflag:s9] =	ssyncset.done @!p1 $0x0  }
0x2ee: {  	[sflag:s9] =	ssyncadd.s32 @!p1 $0xFFFFFFFC  }
0x2ef: {  	v1 =	vld @!p1 [tilespmem:$0x3638];
	_ =	sdelay $0x2  }
0x2f0: {  	s0 =	sshll.u32 @!p1 s11, $0x6  }
0x2f1: {  	s2 =	sshrl.u32 @!p1 s0, $0x2  }
0x2f2: {  	[tilespmem:s2+$0x3678] =	vst.add.f32.msk @!p1 $0xffff, v1  }
0x2f3: {  	s0 =	sshrl.u32 s0, $0x2;
	[tilespmem:s6+$0x3658] =	vst.msk $0x1, v0  }
0x2f4: {  	v0 =	vld [tilespmem:s0+$0x3678];
	_ =	sdelay $0x2  }
0x2f5: {  	s31 =	sshll.u32 s6, $0x6  }
0x2f6: {  	s0 =	sshra.s32 s31, $0x2  }
0x2f7: {  	s6 =	sadd.s32 $0x1, s6;
	[tilespmem:s0+$0x3678] =	vst v0  }
.LBB2_32:
0x2f8: {  	s11 =	sadd.s32 $0x1, s11  }
0x2f9: {  	p1 =	sne.s32 s11, $0x20  }
.Ltmp21:
0x2fa: {  	_ = 	snop;
	(pc) =	sbr.rel @!p1 .LBB2_33-.Ltmp21, $1  }
0x2fb: {  	_ =	sdelay $0x3  }
.LBB2_25:
0x2fc: {  	v0 =	vld.msk [tilespmem:s11+$0x3658], $0x1;
	_ =	sdelay $0x4  }
0x2fd: {  	(v2sf) =	vpush v0, $0x0;
	_ =	sdelay $0xe  }
0x2fe: {  	s12 =	spop (v2sf)  }
0x2ff: {  	p1 =	seq.s32 s12, $0xFFFFFFFF  }
.Ltmp22:
0x300: {  	_ = 	snop;
	(pc) =	sbr.rel @p1 .LBB2_32-.Ltmp22, $1  }
0x301: {  	_ =	sdelay $0x3  }
0x302: {  	p1 =	slt.s32 s6, $0x1  }
.Ltmp23:
0x303: {  	_ = 	snop;
	(pc) =	sbr.rel @p1 .LBB2_30-.Ltmp23, $1  }
0x304: {  	_ =	sdelay $0x3  }
0x305: {  	s13 =	simm.s32 $0x3658;
	p1 =	por $0x0, $0x0  }
0x306: {  	v1 =	vld.msk @!p1 [tilespmem:s13+$0x0], $0x1;
	_ =	sdelay $0x4  }
0x307: {  	(v2sf) =	vpush @!p1 v1, $0x0;
	_ =	sdelay $0xd  }
0x308: {  	p3 =	sne.s32 s6, $0x1  }
.Ltmp24:
0x309: {  	s0 =	spop @!p1 (v2sf);
	(pc) =	sbr.rel @!p3 .LBB2_29-.Ltmp24, $4  }
0x30a: {  	p2 =	seq.s32 @!p1 s12, s0  }
0x30b: {  	s14 =	simm.s32 $0x0;
	p2 =	por !p2, p1  }
0x30c: {  	s0 =	simm.s32 $0xFFFFFFFF;
	s14 =	simm.s32 @p2 $0xFFFFFFFF  }
0x30d: {  	s15 =	simm.s32 $0x1;
	s14 =	smov.u32 @p1 s0  }
.LBB2_28:
0x30e: {  	s0 =	smov.u32 s14;
	p1 =	sne.s32 s14, $0xFFFFFFFF  }
0x30f: {  	s13 =	sadd.s32 $0x1, s13;
	s14 =	smov.u32 s15;
	s15 =	sadd.s32 $0x1, s15  }
0x310: {  	p2 =	sne.s32 s6, s15;
	v1 =	vld.msk @!p1 [tilespmem:s13+$0x0], $0x1;
	_ =	sdelay $0x4  }
0x311: {  	(v2sf) =	vpush @!p1 v1, $0x0;
	_ =	sdelay $0xe  }
.Ltmp25:
0x312: {  	s2 =	spop @!p1 (v2sf);
	(pc) =	sbr.rel @p2 .LBB2_28-.Ltmp25, $4  }
0x313: {  	p3 =	seq.s32 @!p1 s12, s2  }
0x314: {  	p3 =	por !p3, p1  }
0x315: {  	s14 =	simm.s32 @p3 $0xFFFFFFFF  }
0x316: {  	s14 =	smov.u32 @p1 s0  }
.LBB2_29:
0x317: {  	p1 =	sne.s32 s14, $0xFFFFFFFF  }
.Ltmp26:
0x318: {  	_ = 	snop;
	(pc) =	sbr.rel @!p1 .LBB2_30-.Ltmp26, $1  }
0x319: {  	_ =	sdelay $0x3  }
0x31a: {  	s0 =	sshll.u32 s11, $0x4  }
0x31b: {  	s0 =	sand.u32 $0x3FFFFFF0, s0  }
0x31c: {  	v0 =	vld [tilespmem:s0+$0x3678]  }
.Ltmp27:
0x31d: {  	_ = 	snop;
	(pc) =	sbr.rel .LBB2_32-.Ltmp27, $4  }
0x31e: {  	_ = 	snop  }
0x31f: {  	s31 =	sshll.u32 s14, $0x6  }
0x320: {  	s0 =	sshra.s32 s31, $0x2  }
0x321: {  	[tilespmem:s0+$0x3678] =	vst.add.f32.msk $0xffff, v0  }
.LBB2_33:
0x322: {  	s0 =	simm.s32 $0x6;
	p1 =	seq.s32 s6, $0x0  }
0x323: {  	[sflag:s0] =	ssyncpa.u1 $0x1;
	v0 =	vimm.s32 @p1 $0xFFFFFFFF  }
0x324: {  	s9 =	sadd.s32 $0xFFFFFFFF, s6;
	[tilespmem:$0x3878] =	vst @p1 v0  }
0x325: {  	v0 =	vld.msk @!p1 [tilespmem:s9+$0x3658], $0x1;
	_ =	sdelay $0x1  }
0x326: {  	v1 =	vld.msk @!p1 [tilespmem:$0x3658], $0x1;
	_ =	sdelay $0x2  }
0x327: {  	p2 =	seq.s32 @!p1 s9, $0x0;
	v0 =	vbroadcast @!p1 v0, $0x0  }
0x328: {  	vm0 =	vmmov @!p1 $0x1;
	p2 =	por !p2, p1  }
0x329: {  	v1 =	vnsel @!p1 vm0, $0xFFFFFFFF, v1;
	vm0 =	vcmask @!p1 $0x308;
	v0 =	vpsel !p2, $0xFFFFFFFF, v0  }
0x32a: {  	p2 =	sne.s32 @!p1 s8, s7;
	v0 =	vsel @!p1 vm0, v1, v0  }
0x32b: {  	s0 =	simm.s32 @!p1 $0x3678;
	s2 =	simm.s32 @!p1 $0x0;
	p3 =	por !p2, p1;
	[tilespmem:$0x3878] =	vst @!p1 v0  }
0x32c: {  	[spmem:s2] =	stream.linear.scatter @!p1 [tilespmem:s0], [sflag:$0x1], $0x10, $0x38;
	[tilespmem:$0x1F0F8] =	vst v63  }
0x32d: {  	s0 =	sshll.u32 @!p3 s9, $0x6  }
0x32e: {  	s0 =	sshra.s32 @!p3 s0, $0x2  }
0x32f: {  	s2 =	simm.s32 @!p3 $0x10;
	s0 =	sadd.s32 @!p3 $0x3678, s0  }
0x330: {  	[spmem:s2] =	stream.linear.scatter @!p3 [tilespmem:s0], [sflag:$0x1], $0x10, $0x38;
	[tilespmem:$0x1F0F8] =	vst v63  }
0x331: {  	s0 =	simm.s32 @!p3 $0x1  }
0x332: {  	_ =	swait.ge @!p3 [sflag:s0], $0x20  }
0x333: {  	p1 =	por p2, p1;
	[sflag:s0] =	ssyncset.done @!p3 $0x0  }
0x334: {  	[sflag:s0] =	ssyncadd.s32 @!p3 $0xFFFFFFE0;
	s0 =	simm.s32 @!p1 $0x1  }
0x335: {  	_ =	swait.ge @!p1 [sflag:s0], $0x10  }
0x336: {  	s29 =	simm.s32 $0x3878;
	[sflag:s0] =	ssyncset.done @!p1 $0x0  }
0x337: {  	s30 =	simm.s32 $0x200;
	s31 =	simm.s32 $0x1;
	[sflag:s0] =	ssyncadd.s32 @!p1 $0xFFFFFFF0  }
0x338: {  	[spmem:s30] =	stream.linear.scatter [tilespmem:s29], [sflag:$0x1], $0x10, $0x38;
	[tilespmem:$0x1F0F8] =	vst v63  }
0x339: {  	_ =	swait.ge [sflag:s31], $0x10  }
0x33a: {  	[sflag:s31] =	ssyncset.done $0x0  }
0x33b: {  	p1 =	seq.s32 s17, $0x0;
	s8 =	rddreg [dreg:$0x2];
	[sflag:s31] =	ssyncadd.s32 $0xFFFFFFF0  }
0x33c: {  	s2 =	sshll.u32 @p1 s8, $0xE;
	s7 =	rddreg [dreg:$0x3]  }
0x33d: {  	s0 =	sadd.s32 @p1 $0x15C3C, s2;
	s2 =	sshll.u32 @p1 s7, $0x11  }
0x33e: {  	_ =	sfence.stream.spmem;
	s0 =	sor.u32 @p1 s2, s0  }
0x33f: {  	[sflag:s0] =	ssyncadd.remote.s32 @p1 $0x1;
	s0 =	simm.s32 @p1 $0x4  }
0x340: {  	s3 =	simm.s32 @!p1 $0x3C;
	s2 =	sand.u32 $0xFFFFFFFE, s8;
	_ =	swait.ge @p1 [sflag:s0], $0x6  }
0x341: {  	s4 =	simm.s32 @!p1 $0x0;
	s2 =	sadd.s32 @!p1 $0x4, s2;
	[sflag:s0] =	ssyncset.done @p1 $0x0  }
0x342: {  	s5 =	simm.s32 @!p1 $0x20;
	[sflag:s0] =	ssyncadd.s32 @p1 $0xFFFFFFFA;
	s0 =	sshll.u32 @!p1 s2, $0x1A  }
0x343: {  	s2 =	sshll.u32 @!p1 s2, $0xD;
	s0 =	sor.u32 @!p1 s0, s7;
	_ =	swait.eq @!p1 [sflag:s3], $0x1  }
0x344: {  	s2 =	sor.u32 @!p1 $0x1C04, s2;
	s3 =	simm.s32 @!p1 $0x1C03;
	s0 =	sor.u32 @!p1 $0x80004000, s0  }
0x345: {  	[spmem:s5], [sflag:s2] =	dma.general @!p1 [spmem:s4], [sflag:s3], length:$0x4, [dreg:$0x0], stride_count:$0x0, ici_dest:s0, dma_misc:DstOpCode:WRITE  }
0x346: {  	p2 =	slt.s32 s9, $0x2;
	s4 =	simm.s32 @!p1 $0x40;
	s5 =	simm.s32 @!p1 $0x42  }
0x347: {  	[spmem:s5], [sflag:s2] =	dma.general @!p1 [spmem:s4], [sflag:s3], length:$0x2, [dreg:$0x0], stride_count:$0x0, ici_dest:s0, dma_misc:DstOpCode:WRITE  }
.Ltmp28:
0x348: {  	s0 =	simm.s32 @!p1 $0x3;
	(pc) =	sbr.rel @p2 .LBB2_37-.Ltmp28, $4  }
0x349: {  	s2 =	sshll.u32 @!p1 s8, $0xE;
	_ =	swait.ge @!p1 [sflag:s0], $0x6  }
0x34a: {  	s3 =	sshll.u32 @!p1 s7, $0x11;
	s2 =	sadd.s32 @!p1 $0x11C3C, s2;
	[sflag:s0] =	ssyncset.done @!p1 $0x0  }
0x34b: {  	[sflag:s0] =	ssyncadd.s32 @!p1 $0xFFFFFFFA;
	s0 =	sor.u32 @!p1 s3, s2  }
0x34c: {  	[sflag:s0] =	ssyncadd.remote.s32 @!p1 $0xFFFFFFFF;
	s0 =	simm.s32 $0x0  }
0x34d: {  	s0 =	simm.s32 $0x3659  }
0x34e: {  	v0 =	vld.msk [tilespmem:s0+$0x0], $0x1;
	_ =	sdelay $0x4  }
0x34f: {  	(v2sf) =	vpush v0, $0x0;
	_ =	sdelay $0xd  }
0x350: {  	s3 =	sadd.s32 $0xFFFFFFFE, s6  }
0x351: {  	s3 =	sadd.s32 $0xFFFFFFFF, s3;
	s0 =	spop (v2sf)  }
0x352: {  	p2 =	sne.s32 s3, $0x0;
	p1 =	sgt.u32 s0, $0x1869FF  }
.Ltmp29:
0x353: {  	s4 =	sand.u32 @!p1 $0x1FFFF8, s0;
	(pc) =	sbr.rel @!p2 .LBB2_36-.Ltmp29, $4  }
0x354: {  	s2 =	simm.s32 $0x3688;
	s0 =	sand.u32 @!p1 $0x7, s0;
	s4 =	sadd.s32 @!p1 s1, s4  }
0x355: {  	[hbm4b:s4+s0] =	stream.linear.scatter @!p1 [tilespmem:s2], [sflag:$0x5], $0x4, $0x38;
	[tilespmem:$0x1F0F8] =	vst v63  }
0x356: {  	s0 =	simm.s32 $0x0  }
0x357: {  	s6 =	simm.s32 $0x0;
	s7 =	simm.s32 $0x365A;
	s0 =	simm.s32 @!p1 $0x10  }
.LBB2_35:
0x358: {  	v0 =	vld.msk [tilespmem:s7+$0x0], $0x1;
	s3 =	sadd.s32 $0xFFFFFFFF, s3;
	s6 =	sadd.s32 s6, s0  }
0x359: {  	p1 =	sne.s32 s3, $0x0;
	_ =	sdelay $0x3  }
0x35a: {  	(v2sf) =	vpush v0, $0x0;
	_ =	sdelay $0xe  }
.Ltmp30:
0x35b: {  	s4 =	spop (v2sf);
	(pc) =	sbr.rel @p1 .LBB2_35-.Ltmp30, $4  }
0x35c: {  	s0 =	simm.s32 $0x0;
	p2 =	sgt.u32 s4, $0x1869FF  }
0x35d: {  	s2 =	sadd.s32 $0x10, s2;
	s0 =	simm.s32 @!p2 $0x10;
	s5 =	sand.u32 @!p2 $0x1FFFF8, s4  }
0x35e: {  	s7 =	sadd.s32 $0x1, s7;
	s4 =	sand.u32 @!p2 $0x7, s4;
	s5 =	sadd.s32 @!p2 s1, s5  }
0x35f: {  	[hbm4b:s5+s4] =	stream.linear.scatter @!p2 [tilespmem:s2], [sflag:$0x5], $0x4, $0x38;
	[tilespmem:$0x1F0F8] =	vst v63  }
.LBB2_36:
0x360: {  	s0 =	sadd.s32 s6, s0  }
0x361: {  	s0 =	sshrl.u32 s0, $0x2  }
.LBB2_37:
0x362: {  	s2 =	simm.s32 $0x5  }
0x363: {  	_ =	swait.ge [sflag:s2], s0  }
0x364: {  	s31 =	ssub.s32 $0x0, s0;
	[sflag:s2] =	ssyncset.done $0x0  }
0x365: {  	[sflag:s2] =	ssyncadd.s32 s31  }
0x366: {  	[sflag:s2] =	ssyncpa.u1 $0x1  }
.LBB2_38:
0x367: {  	s0 =	sor.u32 s17, s16  }
0x368: {  	p1 =	sne.s32 s0, $0x0  }
.Ltmp31:
0x369: {  	_ = 	snop;
	(pc) =	sbr.rel @p1 .LBB2_53-.Ltmp31, $3  }
0x36a: {  	_ =	sdelay $0x1  }
0x36b: {  	[bflag:$0x0] =	sbarrier.arrive $0xFFFF  }
0x36c: {  	_ =	sfence  }
0x36d: {  	s0 =	simm.s32 $0x7  }
0x36e: {  	s2 =	simm.s32 $0x200;
	s3 =	simm.s32 $0x3658;
	[sflag:s0] =	ssyncpa.u1 $0x0  }
0x36f: {  	[tilespmem:s3], [sflag:$0x7] =	stream.linear.gather [spmem:s2], $0x20, $0x38;
	[tilespmem:$0x1F0F8] =	vst v63  }
0x370: {  	s30 =	simm.s32 $0x3678;
	s2 =	simm.s32 $0x0  }
0x371: {  	[tilespmem:s30], [sflag:$0x7] =	stream.linear.gather [spmem:s2], $0x200, $0x38;
	[tilespmem:$0x1F0F8] =	vst v63  }
.Ltmp32:
0x372: {  	_ = 	snop;
	(pc) =	sbr.rel .LBB2_40-.Ltmp32, $4  }
0x373: {  	_ =	swait.ge [sflag:s0], $0x220  }
0x374: {  	[sflag:s0] =	ssyncset.done $0x0  }
0x375: {  	s31 =	simm.s32 $0x8;
	[sflag:s0] =	ssyncadd.s32 $0xFFFFFDE0  }
0x376: {  	s3 =	simm.s32 $0x0;
	[sflag:s31] =	ssyncpa.u1 $0x0  }
.LBB2_45:
0x377: {  	p1 =	slt.u32 s4, $0x186A00  }
0x378: {  	s0 =	sand.u32 @p1 $0x1FFFF8, s4  }
0x379: {  	s4 =	sand.u32 @p1 $0x7, s4;
	s5 =	simm.s32 @p1 $0x3638;
	s0 =	sadd.s32 @p1 s1, s0  }
0x37a: {  	[tilespmem:s5], [sflag:$0x8] =	stream.linear.gather @p1 [hbm4b:s0+s4], $0x4, $0x38;
	[tilespmem:$0x1F0F8] =	vst v63  }
0x37b: {  	s0 =	simm.s32 @p1 $0x8  }
0x37c: {  	_ =	swait.ge @p1 [sflag:s0], $0x4  }
0x37d: {  	[sflag:s0] =	ssyncset.done @p1 $0x0  }
0x37e: {  	[sflag:s0] =	ssyncadd.s32 @p1 $0xFFFFFFFC  }
0x37f: {  	v1 =	vld @p1 [tilespmem:$0x3638];
	_ =	sdelay $0x2  }
0x380: {  	s0 =	sshll.u32 @p1 s3, $0x6  }
0x381: {  	s5 =	sshll.u32 @!p1 s3, $0x6;
	s4 =	sshrl.u32 @p1 s0, $0x2  }
0x382: {  	s5 =	smov.u32 @p1 s0;
	[tilespmem:s4+$0x3678] =	vst.add.f32.msk @p1 $0xffff, v1  }
0x383: {  	s0 =	sshrl.u32 s5, $0x2;
	[tilespmem:s2+$0x3658] =	vst.msk $0x1, v0  }
0x384: {  	v0 =	vld [tilespmem:s0+$0x3678];
	_ =	sdelay $0x2  }
0x385: {  	s31 =	sshll.u32 s2, $0x6  }
0x386: {  	s0 =	sshra.s32 s31, $0x2  }
0x387: {  	s2 =	sadd.s32 $0x1, s2;
	[tilespmem:s0+$0x3678] =	vst v0  }
.LBB2_47:
0x388: {  	s3 =	sadd.s32 $0x1, s3  }
0x389: {  	p1 =	sne.s32 s3, $0x20  }
.Ltmp33:
0x38a: {  	_ = 	snop;
	(pc) =	sbr.rel @!p1 .LBB2_48-.Ltmp33, $1  }
0x38b: {  	_ =	sdelay $0x3  }
.LBB2_40:
0x38c: {  	v0 =	vld.msk [tilespmem:s3+$0x3658], $0x1;
	_ =	sdelay $0x4  }
0x38d: {  	(v2sf) =	vpush v0, $0x0;
	_ =	sdelay $0xe  }
0x38e: {  	s4 =	spop (v2sf)  }
0x38f: {  	p1 =	seq.s32 s4, $0xFFFFFFFF  }
.Ltmp34:
0x390: {  	_ = 	snop;
	(pc) =	sbr.rel @p1 .LBB2_47-.Ltmp34, $1  }
0x391: {  	_ =	sdelay $0x3  }
0x392: {  	p1 =	slt.s32 s2, $0x1  }
.Ltmp35:
0x393: {  	_ = 	snop;
	(pc) =	sbr.rel @p1 .LBB2_45-.Ltmp35, $1  }
0x394: {  	_ =	sdelay $0x3  }
0x395: {  	s5 =	simm.s32 $0x3658;
	p1 =	por $0x0, $0x0  }
0x396: {  	v1 =	vld.msk @!p1 [tilespmem:s5+$0x0], $0x1;
	_ =	sdelay $0x4  }
0x397: {  	(v2sf) =	vpush @!p1 v1, $0x0;
	_ =	sdelay $0xd  }
0x398: {  	p3 =	sne.s32 s2, $0x1  }
.Ltmp36:
0x399: {  	s0 =	spop @!p1 (v2sf);
	(pc) =	sbr.rel @!p3 .LBB2_44-.Ltmp36, $4  }
0x39a: {  	p2 =	seq.s32 @!p1 s4, s0  }
0x39b: {  	s6 =	simm.s32 $0x0;
	p2 =	por !p2, p1  }
0x39c: {  	s0 =	simm.s32 $0xFFFFFFFF;
	s6 =	simm.s32 @p2 $0xFFFFFFFF  }
0x39d: {  	s7 =	simm.s32 $0x1;
	s6 =	smov.u32 @p1 s0  }
.LBB2_43:
0x39e: {  	s0 =	smov.u32 s6;
	p1 =	sne.s32 s6, $0xFFFFFFFF  }
0x39f: {  	s5 =	sadd.s32 $0x1, s5;
	s6 =	smov.u32 s7;
	s7 =	sadd.s32 $0x1, s7  }
0x3a0: {  	p2 =	sne.s32 s2, s7;
	v1 =	vld.msk @!p1 [tilespmem:s5+$0x0], $0x1;
	_ =	sdelay $0x4  }
0x3a1: {  	(v2sf) =	vpush @!p1 v1, $0x0;
	_ =	sdelay $0xe  }
.Ltmp37:
0x3a2: {  	s8 =	spop @!p1 (v2sf);
	(pc) =	sbr.rel @p2 .LBB2_43-.Ltmp37, $4  }
0x3a3: {  	p3 =	seq.s32 @!p1 s4, s8  }
0x3a4: {  	p3 =	por !p3, p1  }
0x3a5: {  	s6 =	simm.s32 @p3 $0xFFFFFFFF  }
0x3a6: {  	s6 =	smov.u32 @p1 s0  }
.LBB2_44:
0x3a7: {  	p1 =	sne.s32 s6, $0xFFFFFFFF  }
.Ltmp38:
0x3a8: {  	_ = 	snop;
	(pc) =	sbr.rel @!p1 .LBB2_45-.Ltmp38, $1  }
0x3a9: {  	_ =	sdelay $0x3  }
0x3aa: {  	s0 =	sshll.u32 s3, $0x4  }
0x3ab: {  	s0 =	sand.u32 $0x3FFFFFF0, s0  }
0x3ac: {  	v0 =	vld [tilespmem:s0+$0x3678]  }
.Ltmp39:
0x3ad: {  	_ = 	snop;
	(pc) =	sbr.rel .LBB2_47-.Ltmp39, $4  }
0x3ae: {  	_ = 	snop  }
0x3af: {  	s31 =	sshll.u32 s6, $0x6  }
0x3b0: {  	s0 =	sshra.s32 s31, $0x2  }
0x3b1: {  	[tilespmem:s0+$0x3678] =	vst.add.f32.msk $0xffff, v0  }
.LBB2_48:
0x3b2: {  	p1 =	slt.s32 s2, $0x1  }
.Ltmp40:
0x3b3: {  	_ = 	snop;
	(pc) =	sbr.rel @p1 .LBB2_52-.Ltmp40, $3  }
0x3b4: {  	_ =	sdelay $0x1  }
0x3b5: {  	s0 =	simm.s32 $0x8  }
0x3b6: {  	s3 =	simm.s32 $0x0;
	[sflag:s0] =	ssyncpa.u1 $0x1  }
0x3b7: {  	s0 =	simm.s32 $0x3658  }
0x3b8: {  	v0 =	vld.msk [tilespmem:s0+$0x0], $0x1;
	_ =	sdelay $0x4  }
0x3b9: {  	(v2sf) =	vpush v0, $0x0;
	_ =	sdelay $0xe  }
0x3ba: {  	s2 =	sadd.s32 $0xFFFFFFFF, s2;
	s0 =	spop (v2sf)  }
0x3bb: {  	p2 =	sne.s32 s2, $0x0;
	p1 =	sgt.u32 s0, $0x1869FF  }
.Ltmp41:
0x3bc: {  	s5 =	sand.u32 @!p1 $0x1FFFF8, s0;
	(pc) =	sbr.rel @!p2 .LBB2_51-.Ltmp41, $4  }
0x3bd: {  	s4 =	simm.s32 $0x3678;
	s0 =	sand.u32 @!p1 $0x7, s0;
	s5 =	sadd.s32 @!p1 s1, s5  }
0x3be: {  	[hbm4b:s5+s0] =	stream.linear.scatter @!p1 [tilespmem:s4], [sflag:$0x7], $0x4, $0x38;
	[tilespmem:$0x1F0F8] =	vst v63  }
0x3bf: {  	s0 =	simm.s32 $0x0  }
0x3c0: {  	s5 =	simm.s32 $0x3659;
	s0 =	simm.s32 @!p1 $0x10  }
.LBB2_50:
0x3c1: {  	v0 =	vld.msk [tilespmem:s5+$0x0], $0x1;
	s2 =	sadd.s32 $0xFFFFFFFF, s2;
	s3 =	sadd.s32 s3, s0  }
0x3c2: {  	p1 =	sne.s32 s2, $0x0;
	_ =	sdelay $0x3  }
0x3c3: {  	(v2sf) =	vpush v0, $0x0;
	_ =	sdelay $0xe  }
.Ltmp42:
0x3c4: {  	s6 =	spop (v2sf);
	(pc) =	sbr.rel @p1 .LBB2_50-.Ltmp42, $4  }
0x3c5: {  	s0 =	simm.s32 $0x0;
	p2 =	sgt.u32 s6, $0x1869FF  }
0x3c6: {  	s4 =	sadd.s32 $0x10, s4;
	s0 =	simm.s32 @!p2 $0x10;
	s7 =	sand.u32 @!p2 $0x1FFFF8, s6  }
0x3c7: {  	s5 =	sadd.s32 $0x1, s5;
	s6 =	sand.u32 @!p2 $0x7, s6;
	s7 =	sadd.s32 @!p2 s1, s7  }
0x3c8: {  	[hbm4b:s7+s6] =	stream.linear.scatter @!p2 [tilespmem:s4], [sflag:$0x7], $0x4, $0x38;
	[tilespmem:$0x1F0F8] =	vst v63  }
.LBB2_51:
0x3c9: {  	s0 =	sadd.s32 s3, s0  }
0x3ca: {  	s3 =	sshrl.u32 s0, $0x2  }
.LBB2_52:
0x3cb: {  	s0 =	simm.s32 $0x7  }
0x3cc: {  	_ =	swait.ge [sflag:s0], s3  }
0x3cd: {  	s1 =	ssub.s32 $0x0, s3;
	[sflag:s0] =	ssyncset.done $0x0  }
0x3ce: {  	[sflag:s0] =	ssyncadd.s32 s1  }
0x3cf: {  	[sflag:s0] =	ssyncpa.u1 $0x1  }
.LBB2_53:
0x3d0: {  	_ =	sfence;
	s0 =	simm.s32 $0x1  }
0x3d1: {  	[sflag:s0] =	ssyncpa.u1 $0x1  }
0x3d2: {  	_ =	strace $0x9000004A  }
0x3d3: {  	[bflag:$0x2] =	sbarrier.arrive $0xFFFF  }
0x3d4: {  	s0 =	rddreg [dreg:$0x4]  }
0x3d5: {  	s0 =	sadd.s32 @!p0 $0x100000, s0  }
0x3d6: {  	[sflag:s0] =	ssyncadd.tile.s32 @!p0 $0x1;
	_ =	shalt  }
.Lfunc_end2:
_tile_overlayer_lowered:
.L_overlay_start_2:
0x3d7: {  	(tag) =	ssettag $0x2  }
0x3d8: {  	s0 =	rddreg [dreg:$0x0];
	s2 =	stileid.u32  }
0x3d9: {  	s1 =	rddreg [dreg:$0x1];
	p0 =	sne.s32 s2, $0x0  }
0x3da: {  	s3 =	rddreg [dreg:$0x2];
	[bflag:$0x3] =	sbarrier.arrive $0xFFFF;
	s2 =	simm.s32 @!p0 $0x1C01  }
0x3db: {  	[timem:s3], [sflag:s2] =	dma.local @!p0 [hbm:s0], s1  }
0x3dc: {  	s0 =	simm.s32 @!p0 $0x1  }
0x3dd: {  	_ =	swait.ge @!p0 [sflag:s0], s1  }
0x3de: {  	s1 =	ssub.s32 @!p0 $0x0, s1;
	[sflag:s0] =	ssyncset.done @!p0 $0x0  }
0x3df: {  	[sflag:s0] =	ssyncadd.s32 @!p0 s1  }
0x3e0: {  	[bflag:$0x3] =	sbarrier.arrive $0xFFFF  }
0x3e1: {  	_ =	shalt  }

// kernel: sparse-core-data-format-call.cloned.1.call-start
scs
called_computation.3_lowered:
.L_overlay_start_0:
0x0: {  	s2 =	sld [smem:$0x3FD9]  }
0x1: {  	s3 =	sld [smem:$0x3FFE];
	_ =	sdelay $0x1  }
0x2: {  	s1 =	srdreg.scid  }
0x3: {  	s0 =	sand.u32 $0x1, s1  }
0x4: {  	s18 =	sshll.u32 s0, $0xA;
	s2 =	sadd.s32 s3, s2  }
0x5: {  	s2 =	sadd.s32 s2, s18  }
0x6: {  	[smem:$0x3FC6] =	sst s2  }
0x7: {  	_ = 	snop  }
0x8: {  	(tm) =	ssettm $0x1  }
0x9: {  	s19 =	sld [smem:$0x3FFB];
	_ =	sdelay $0x3  }
0xa: {  	_ =	strace s19  }
0xb: {  	s2 =	sld [smem:$0x3FFC];
	_ =	sdelay $0x3  }
0xc: {  	_ =	strace s2  }
0xd: {  	s2 =	sld [smem:$0x3FFD];
	_ =	sdelay $0x3  }
0xe: {  	_ =	strace s2  }
0xf: {  	_ =	strace $0x8FFFFFFF  }
0x10: {  	s20 =	sld [smem:$0x3FDB];
	_ =	sdelay $0x1  }
0x11: {  	s21 =	simm.s32 $_scs_section_size  }
0x12: {  	s4 =	simm.s32 $_size__tile_overlayer_lowered;
	s5 =	simm.s32 $_tile_overlayer_lowered  }
0x13: {  	s6 =	simm.s32 $0x1BFF;
	s22 =	sshll.u32 s5, $0x1;
	s3 =	sadd.s32 s21, s20  }
0x14: {  	s23 =	simm.s32 $0x0;
	s4 =	sshll.u32 s4, $0x1;
	s5 =	sadd.s32 s22, s3  }
0x15: {  	[timem:s23], [sflag:s6] =	dma.local [hbm:s5], s4  }
0x16: {  	_ =	swait.ge [sflag:s6], s4  }
0x17: {  	s4 =	ssub.s32 $0x0, s4;
	[sflag:s6] =	ssyncset.done $0x0  }
0x18: {  	[sflag:s6] =	ssyncadd.s32 s4;
	_ =	sdelay $0x1  }
0x19: {  	s24 =	simm.s32 $0x1B8B  }
0x1a: {  	_ =	swait.ge [sflag:s24], $0x1  }
0x1b: {  	[sflag:s24] =	ssyncset.done $0x0  }
0x1c: {  	[sflag:s24] =	ssyncadd.s32 $0xFFFFFFFF  }
0x1d: {  	s4 =	sld [smem:$0x0]  }
0x1e: {  	s5 =	sand.u32 $0xFFFFFFFE, s1  }
0x1f: {  	p0 =	sne.s32 s1, s5  }
0x20: {  	s5 =	sshll.u32 @p0 s5, $0xE  }
0x21: {  	s5 =	sadd.s32 @p0 $0x11B8D, s5;
	s6 =	sshll.u32 @p0 s4, $0x11  }
0x22: {  	s5 =	sor.u32 @p0 s6, s5  }
0x23: {  	[sflag:s5] =	ssyncadd.remote.s32 @p0 $0x1;
	_ =	sdelay $0x1  }
0x24: {  	s5 =	simm.s32 @p0 $0x1B8D  }
0x25: {  	_ =	swait.eq @p0 [sflag:s5], $0x1  }
0x26: {  	[sflag:s5] =	ssyncadd.s32 @p0 $0xFFFFFFFF  }
0x27: {  	s6 =	sshll.u32 @!p0 s1, $0xE  }
0x28: {  	s6 =	sor.u32 @!p0 $0x4000, s6;
	s5 =	simm.s32 @!p0 $0x1B8D  }
0x29: {  	s4 =	sshll.u32 @!p0 s4, $0x11;
	s6 =	sadd.s32 @!p0 $0x11B8D, s6;
	_ =	swait.eq @!p0 [sflag:s5], $0x1  }
0x2a: {  	s4 =	sor.u32 @!p0 s4, s6;
	[sflag:s5] =	ssyncadd.s32 @!p0 $0xFFFFFFFF  }
0x2b: {  	s26 =	simm.s32 $0x1B8E;
	s25 =	sld [smem:$0x3FFE];
	[sflag:s4] =	ssyncadd.remote.s32 @!p0 $0x1  }
0x2c: {  	s27 =	simm.s32 $execute0_lowered;
	[smem:$0x3FD2] =	sst s26  }
0x2d: {  	s5 =	sshll.u32 s27, $0x1;
	_ =	strace $0x8000005B;
	[dreg:$0x1] =	wrdreg $0xFFFFFFFF  }
0x2e: {  	s28 =	simm.s32 $_size_execute0_lowered;
	s3 =	sadd.s32 s3, s5;
	[dreg:$0x0] =	wrdreg $0x0  }
0x2f: {  	s5 =	sshll.u32 s28, $0x1;
	[dreg:$0x2] =	wrdreg s3  }
0x30: {  	[dreg:$0x3] =	wrdreg s5  }
0x31: {  	[dreg:$0x4] =	wrdreg $0xC0  }
0x32: {  	_ =	task [dreg:s23], $0x5FFFF  }
0x33: {  	[dreg:$0x1] =	wrdreg $0xFFFFFFFF  }
0x34: {  	[dreg:$0x0] =	wrdreg $0x60  }
0x35: {  	[dreg:$0x2] =	wrdreg s25  }
0x36: {  	[dreg:$0x3] =	wrdreg $0x9  }
0x37: {  	_ =	task.clear_ibuf [dreg:s23], $0x4FFFF;
	_ =	strace $0x9000005B  }
0x38: {  	s29 =	simm.s32 $0x9;
	_ =	strace $0x8000005D  }
0x39: {  	_ =	swait.ge [sflag:s29], $0x1  }
0x3a: {  	[sflag:s29] =	ssyncadd.s32 $0xFFFFFFFF  }
0x3b: {  	_ =	strace $0x9000005D  }
0x3c: {  	_ =	sfence  }
0x3d: {  	s30 =	sld [smem:$0x0];
	_ =	sdelay $0x2  }
0x3e: {  	s31 =	sshll.u32 s1, $0xD;
	s1 =	sshrl.u32 s1, $0x2  }
0x3f: {  	s4 =	sand.u32 $0x4000, s31;
	s1 =	sadd.s32 s1, s30  }
0x40: {  	s0 =	sor.u32 s4, s0;
	s1 =	sshll.u32 s1, $0x11  }
0x41: {  	s0 =	sor.u32 s1, s0  }
0x42: {  	s0 =	sadd.s32 $0x8F2B, s0  }
0x43: {  	[sflag:s0] =	ssyncadd.remote.s32 $0x1  }
0x44: {  	_ =	sfence.sel $0xFFFF  }
0x45: {  	[dreg:$0x0] =	wrdreg $0xFFFFFFFF;
	(pc) =	sbr.abs _section_cstart, $3  }
0x46: {  	[dreg:$0x1] =	wrdreg $0xFFFFFFFF  }
0x47: {  	_ =	task.clear_ibuf [dreg:s23], $0x2FFFF;
	_ =	strace $0x9FFFFFFF  }
0x48: {  	(tm) =	ssettm $0x7FFFFFFF  }
0x49: {  	_ =	shalt  }
tec
execute0_lowered:
.L_overlay_start_1:
0x0: {  	(tag) =	ssettag $0x1  }
0x1: {  	s0 =	srdreg.scid  }
0x2: {  	s5 =	rddreg [dreg:$0x0];
	s1 =	sshll.u32 s0, $0x4  }
0x3: {  	s4 =	simm.s32 $0x1;
	s0 =	stileid.u32;
	s1 =	sand.u32 $0x10, s1  }
0x4: {  	s8 =	simm.s32 $0x2;
	s13 =	simm.s32 $0x0;
	s2 =	sor.u32 s0, s1  }
0x5: {  	s12 =	simm.s32 $0x0;
	s10 =	simm.s32 $0x0;
	s2 =	sshll.u32 s2, $0xA  }
0x6: {  	s11 =	simm.s32 $0x0;
	s3 =	sadd.s32 $0x1A83A00, s5;
	s6 =	ssub.s32 $0x30D400, s2  }
.Ltmp0:
0x7: {  	s1 =	rddreg [dreg:$0x1];
	s7 =	sand.u32 $0x7C00, s6;
	(pc) =	sbr.rel .LBB1_1-.Ltmp0, $4  }
0x8: {  	_ =	strace $0x8000005C;
	p0 =	sne.s32 s7, $0x0;
	s7 =	simm.s32 $0x1  }
0x9: {  	[sflag:s4] =	ssyncpa.u1 $0x0;
	s6 =	sshrl.u32 s6, $0xF;
	s7 =	simm.s32 @!p0 $0x0  }
0xa: {  	s5 =	sadd.s32 $0x32EDC00, s5;
	[sflag:s8] =	ssyncpa.u1 $0x0;
	s6 =	sadd.s32 s7, s6  }
0xb: {  	s8 =	simm.s32 $0x80;
	s9 =	smov.u32 s2;
	s7 =	sadd.s32 $0x1, s6  }
.LBB1_7:
0xc: {  	s14 =	sadd.s32 $0x8000, s9  }
0xd: {  	s12 =	sadd.s32 $0x4, s10;
	s16 =	smov.u32 s10;
	p1 =	sgt.s32 s14, $0x30D3FF  }
0xe: {  	s16 =	smov.u32 @p1 s12  }
0xf: {  	s14 =	smov.u32 @p1 s2;
	p1 =	sgt.s32 s16, $0x3  }
0x10: {  	s16 =	simm.s32 @p1 $0x0;
	p1 =	sne.s32 s11, s7  }
.Ltmp1:
0x11: {  	p0 =	slt.u32 s11, $0x2;
	(pc) =	sbr.rel @!p1 .LBB1_8-.Ltmp1, $4  }
0x12: {  	s15 =	simm.s32 @!p0 $0x2  }
0x13: {  	s13 =	smov.u32 s9;
	_ =	swait.ge @!p0 [sflag:s15], $0x1000  }
0x14: {  	s12 =	smov.u32 s10;
	[sflag:s15] =	ssyncset.done @!p0 $0x0;
	s9 =	smov.u32 s14  }
0x15: {  	s11 =	sadd.s32 $0x1, s11;
	[sflag:s15] =	ssyncadd.s32 @!p0 $0xFFFFF000;
	s10 =	smov.u32 s16  }
.LBB1_1:
0x16: {  	p0 =	sge.u32 s11, s6  }
0x17: {  	s14 =	sshrl.u32 @!p0 s10, $0x2  }
0x18: {  	s15 =	sshll.u32 @!p0 s9, $0x2;
	s14 =	smul.u32 @!p0 $0xC35000, s14  }
0x19: {  	s15 =	sand.u32 @!p0 $0xFFFFFE00, s15  }
0x1a: {  	s14 =	sadd.s32 @!p0 s14, s15  }
0x1b: {  	s15 =	sshrl.u32 @!p0 s14, $0xA  }
0x1c: {  	s15 =	smulhi.u32 @!p0 $0x53E2D7, s15  }
0x1d: {  	s16 =	sshll.u32 @!p0 s10, $0x7  }
0x1e: {  	s17 =	sand.u32 @!p0 $0x7F, s9;
	s16 =	sand.u32 @!p0 $0x180, s16;
	s15 =	sshrl.u32 @!p0 s15, $0x2  }
0x1f: {  	s16 =	sor.u32 @!p0 s17, s16;
	s17 =	smul.u32 @!p0 $0x30D400, s15  }
0x20: {  	s14 =	sor.u32 @!p0 s14, s16  }
0x21: {  	s15 =	sand.u32 @!p0 $0x3, s15;
	s14 =	ssub.s32 @!p0 s14, s17  }
0x22: {  	s16 =	sxor.u32 @!p0 $0xFFFFFFFF, s11;
	s15 =	smul.u32 @!p0 $0x61A80, s15;
	s17 =	sshrl.u32 @!p0 s14, $0x3  }
0x23: {  	s31 =	sadd.s32 $0xFFFFFFFF, s11;
	s16 =	sshll.u32 @!p0 s16, $0xC;
	s17 =	sadd.s32 @!p0 s3, s17  }
0x24: {  	s16 =	sand.u32 @!p0 $0x1000, s16;
	s14 =	sand.u32 @!p0 $0x7, s14;
	s15 =	sadd.s32 @!p0 s15, s17  }
0x25: {  	[tilespmem:s16], [sflag:$0x1] =	stream.linear.gather @!p0 [hbm4b:s15+s14], $0x1000, $0x38;
	[tilespmem:$0x4000] =	vst v63  }
0x26: {  	p0 =	sge.u32 s31, s6  }
.Ltmp2:
0x27: {  	_ = 	snop;
	(pc) =	sbr.rel @p0 .LBB1_7-.Ltmp2, $1  }
0x28: {  	_ =	sdelay $0x3  }
0x29: {  	_ =	swait.ge [sflag:s4], $0x1000;
	s14 =	sshll.u32 s11, $0xC  }
0x2a: {  	[sflag:s4] =	ssyncset.done $0x0;
	s15 =	sand.u32 $0x1000, s14  }
0x2b: {  	s16 =	simm.s32 $0x0;
	[sflag:s4] =	ssyncadd.s32 $0xFFFFF000;
	s14 =	sor.u32 $0x2000, s15  }
.LBB1_3:
0x2c: {  	s17 =	sshll.u32 s16, $0x9  }
0x2d: {  	s17 =	sshra.s32 s17, $0x2  }
0x2e: {  	s18 =	sadd.s32 s17, s15  }
0x2f: {  	v0 =	vmov s18;
	_ =	sdelay $0x1  }
0x30: {  	p0 =	por $0x1, $0x1;
	s17 =	sadd.s32 s16, s14;
	s18 =	simm.s32 $0x0  }
.LBB1_4:
0x31: {  	s18 =	sshll.u32 s18, $0x2  }
0x32: {  	s19 =	sand.u32 $0x3FFFFFFC, s18  }
0x33: {  	v1 =	vld.idx.msk [tilespmem:v0+s19+$0x0 ss:$0x1], $0xffff  }
0x34: {  	v2 =	vld.idx.msk [tilespmem:v0+s19+$0x10 ss:$0x1], $0xffff  }
0x35: {  	v3 =	vld.idx.msk [tilespmem:v0+s19+$0x20 ss:$0x1], $0xffff  }
0x36: {  	s20 =	sadd.s32 s19, s14;
	v4 =	vld.idx.msk [tilespmem:v0+s19+$0x30 ss:$0x1], $0xffff  }
0x37: {  	v5 =	vld.idx.msk [tilespmem:v0+s19+$0x40 ss:$0x1], $0xffff;
	s20 =	sadd.s32 s16, s20  }
0x38: {  	v54 =	vld.idx.msk [tilespmem:v0+s19+$0x200 ss:$0x1], $0xffff;
	[tilespmem:s20+$0x0 ss:$0x4] =	vst.msk $0xffff, v1  }
0x39: {  	v1 =	vld.idx.msk [tilespmem:v0+s19+$0x50 ss:$0x1], $0xffff;
	[tilespmem:s20+$0x40 ss:$0x4] =	vst.msk $0xffff, v2  }
0x3a: {  	v2 =	vld.idx.msk [tilespmem:v0+s19+$0x60 ss:$0x1], $0xffff;
	[tilespmem:s20+$0x80 ss:$0x4] =	vst.msk $0xffff, v3  }
0x3b: {  	v3 =	vld.idx.msk [tilespmem:v0+s19+$0x70 ss:$0x1], $0xffff;
	[tilespmem:s20+$0xC0 ss:$0x4] =	vst.msk $0xffff, v4  }
0x3c: {  	v55 =	vld.idx.msk [tilespmem:v0+s19+$0x210 ss:$0x1], $0xffff;
	[tilespmem:s20+$0x100 ss:$0x4] =	vst.msk $0xffff, v5  }
0x3d: {  	v56 =	vld.idx.msk [tilespmem:v0+s19+$0x250 ss:$0x1], $0xffff;
	[tilespmem:s20+$0x200 ss:$0x4] =	vst.msk $0xffff, v54  }
0x3e: {  	[tilespmem:s20+$0x140 ss:$0x4] =	vst.msk $0xffff, v1;
	v1 =	vld.idx.msk [tilespmem:v0+s19+$0x220 ss:$0x1], $0xffff  }
0x3f: {  	[tilespmem:s20+$0x180 ss:$0x4] =	vst.msk $0xffff, v2;
	v2 =	vld.idx.msk [tilespmem:v0+s19+$0x230 ss:$0x1], $0xffff  }
0x40: {  	s25 =	sor.u32 $0x480, s18;
	[tilespmem:s20+$0x1C0 ss:$0x4] =	vst.msk $0xffff, v3;
	v3 =	vld.idx.msk [tilespmem:v0+s19+$0x240 ss:$0x1], $0xffff  }
0x41: {  	s22 =	sor.u32 $0x440, s18;
	v57 =	vld.idx.msk [tilespmem:v0+s19+$0x260 ss:$0x1], $0xffff;
	s28 =	sand.u32 $0xC00, s25;
	[tilespmem:s20+$0x240 ss:$0x4] =	vst.msk $0xffff, v55  }
0x42: {  	s29 =	sor.u32 $0x4C0, s18;
	s21 =	sor.u32 $0x400, s19;
	s24 =	sand.u32 $0x3FFFFFFC, s22;
	v58 =	vld.idx.msk [tilespmem:v0+s28+$0x20 ss:$0x1], $0xffff;
	[tilespmem:s20+$0x340 ss:$0x4] =	vst.msk $0xffff, v56  }
0x43: {  	s26 =	sand.u32 $0xC00, s22;
	s27 =	sand.u32 $0x3FFFFFFC, s25;
	s30 =	sand.u32 $0xC00, s29;
	[tilespmem:s20+$0x280 ss:$0x4] =	vst.msk $0xffff, v1;
	v1 =	vld.idx.msk [tilespmem:v0+s19+$0x270 ss:$0x1], $0xffff  }
0x44: {  	s25 =	sand.u32 $0x3FFFFFFC, s29;
	s23 =	sadd.s32 s21, s17;
	s22 =	sadd.s32 s24, s17;
	[tilespmem:s20+$0x2C0 ss:$0x4] =	vst.msk $0xffff, v2;
	v2 =	vld.idx.msk [tilespmem:v0+s21+$0x0 ss:$0x1], $0xffff  }
0x45: {  	s24 =	sadd.s32 s27, s17;
	s27 =	sor.u32 $0x540, s18;
	[tilespmem:s20+$0x300 ss:$0x4] =	vst.msk $0xffff, v3;
	v3 =	vld.idx.msk [tilespmem:v0+s26+$0x10 ss:$0x1], $0xffff;
	s26 =	sor.u32 $0x500, s18  }
0x46: {  	s29 =	sand.u32 $0x3FFFFFFC, s27;
	[tilespmem:s20+$0x380 ss:$0x4] =	vst.msk $0xffff, v57;
	s21 =	sadd.s32 s25, s17;
	s31 =	sand.u32 $0x3FFFFFFC, s26  }
0x47: {  	v59 =	vld.idx.msk [tilespmem:v0+s30+$0x30 ss:$0x1], $0xffff;
	[tilespmem:s24+$0x0 ss:$0x4] =	vst.msk $0xffff, v58;
	s28 =	sand.u32 $0xC00, s26;
	s25 =	sadd.s32 s31, s17;
	s31 =	sor.u32 $0x580, s18  }
0x48: {  	s30 =	sand.u32 $0xC00, s27;
	s24 =	sor.u32 $0x680, s18;
	s27 =	sand.u32 $0xC00, s31;
	[tilespmem:s20+$0x3C0 ss:$0x4] =	vst.msk $0xffff, v1;
	v1 =	vld.idx.msk [tilespmem:v0+s28+$0x40 ss:$0x1], $0xffff  }
0x49: {  	s20 =	sadd.s32 s29, s17;
	[tilespmem:s23+$0x0 ss:$0x4] =	vst.msk $0xffff, v2;
	v2 =	vld.idx.msk [tilespmem:v0+s30+$0x50 ss:$0x1], $0xffff;
	s28 =	sand.u32 $0x3FFFFFFC, s31;
	s29 =	sor.u32 $0x5C0, s18  }
0x4a: {  	[tilespmem:s22+$0x0 ss:$0x4] =	vst.msk $0xffff, v3;
	v3 =	vld.idx.msk [tilespmem:v0+s27+$0x60 ss:$0x1], $0xffff;
	s31 =	sor.u32 $0x600, s18;
	s19 =	sadd.s32 s28, s17;
	s30 =	sand.u32 $0xC00, s29  }
0x4b: {  	s27 =	sand.u32 $0x3FFFFFFC, s29;
	s28 =	sand.u32 $0xC00, s31;
	s29 =	sor.u32 $0x640, s18;
	v60 =	vld.idx.msk [tilespmem:v0+s30+$0x70 ss:$0x1], $0xffff  }
0x4c: {  	[tilespmem:s21+$0x0 ss:$0x4] =	vst.msk $0xffff, v59;
	s23 =	sand.u32 $0x3FFFFFFC, s31;
	s31 =	sand.u32 $0xC00, s24;
	v61 =	vld.idx.msk [tilespmem:v0+s28+$0x200 ss:$0x1], $0xffff;
	s30 =	sand.u32 $0xC00, s29  }
0x4d: {  	s21 =	sadd.s32 s27, s17;
	s27 =	sadd.s32 s23, s17;
	s23 =	sor.u32 $0x700, s18;
	[tilespmem:s25+$0x0 ss:$0x4] =	vst.msk $0xffff, v1;
	v1 =	vld.idx.msk [tilespmem:v0+s30+$0x210 ss:$0x1], $0xffff  }
0x4e: {  	s26 =	sor.u32 $0x740, s18;
	s25 =	sor.u32 $0x6C0, s18;
	[tilespmem:s20+$0x0 ss:$0x4] =	vst.msk $0xffff, v2;
	v2 =	vld.idx.msk [tilespmem:v0+s31+$0x220 ss:$0x1], $0xffff;
	s30 =	sand.u32 $0xC00, s23  }
0x4f: {  	s22 =	sor.u32 $0x780, s18;
	s29 =	sand.u32 $0x3FFFFFFC, s29;
	[tilespmem:s19+$0x0 ss:$0x4] =	vst.msk $0xffff, v3;
	s28 =	sand.u32 $0xC00, s25;
	v62 =	vld.idx.msk [tilespmem:v0+s30+$0x240 ss:$0x1], $0xffff  }
0x50: {  	s19 =	sadd.s32 s29, s17;
	s31 =	sand.u32 $0xC00, s26;
	s18 =	sor.u32 $0x7C0, s18;
	v3 =	vld.idx.msk [tilespmem:v0+s28+$0x230 ss:$0x1], $0xffff;
	[tilespmem:s21+$0x0 ss:$0x4] =	vst.msk $0xffff, v60  }
0x51: {  	v63 =	vld.idx.msk [tilespmem:v0+s31+$0x250 ss:$0x1], $0xffff;
	s30 =	sand.u32 $0x3FFFFFFC, s25;
	[tilespmem:s27+$0x0 ss:$0x4] =	vst.msk $0xffff, v61;
	s27 =	sand.u32 $0x3FFFFFFC, s24;
	s28 =	sand.u32 $0xC00, s22  }
0x52: {  	s31 =	sand.u32 $0xC00, s18;
	s25 =	sand.u32 $0x3FFFFFFC, s23;
	s29 =	sadd.s32 s27, s17;
	[tilespmem:s19+$0x0 ss:$0x4] =	vst.msk $0xffff, v1;
	v1 =	vld.idx.msk [tilespmem:v0+s28+$0x260 ss:$0x1], $0xffff  }
0x53: {  	p1 =	por p0, p0;
	s27 =	sadd.s32 s25, s17;
	[tilespmem:s29+$0x0 ss:$0x4] =	vst.msk $0xffff, v2;
	v2 =	vld.idx.msk [tilespmem:v0+s31+$0x270 ss:$0x1], $0xffff  }
.Ltmp3:
0x54: {  	s24 =	sadd.s32 s30, s17;
	s28 =	sand.u32 $0x3FFFFFFC, s26;
	[tilespmem:s27+$0x0 ss:$0x4] =	vst.msk $0xffff, v62;
	(pc) =	sbr.rel @p1 .LBB1_4-.Ltmp3, $4  }
0x55: {  	s30 =	sand.u32 $0x3FFFFFFC, s22;
	s29 =	sadd.s32 s28, s17;
	[tilespmem:s24+$0x0 ss:$0x4] =	vst.msk $0xffff, v3  }
0x56: {  	s18 =	sand.u32 $0x3FFFFFFC, s18;
	s31 =	sadd.s32 s30, s17;
	[tilespmem:s29+$0x0 ss:$0x4] =	vst.msk $0xffff, v63  }
0x57: {  	s18 =	sadd.s32 s18, s17;
	[tilespmem:s31+$0x0 ss:$0x4] =	vst.msk $0xffff, v1  }
0x58: {  	p0 =	por $0x0, $0x0;
	[tilespmem:s18+$0x0 ss:$0x4] =	vst.msk $0xffff, v2;
	s18 =	simm.s32 $0x200  }
0x59: {  	s16 =	sadd.s32 $0x1, s16  }
0x5a: {  	p0 =	sne.s32 s16, $0x4  }
.Ltmp4:
0x5b: {  	_ = 	snop;
	(pc) =	sbr.rel @p0 .LBB1_3-.Ltmp4, $1  }
0x5c: {  	_ =	sdelay $0x3  }
0x5d: {  	s13 =	sshll.u32 s13, $0x7;
	s15 =	sshll.u32 s12, $0x3  }
0x5e: {  	s16 =	sand.u32 $0xFFFFFC00, s13;
	s15 =	sand.u32 $0xFFFFFC00, s15  }
0x5f: {  	s13 =	sand.u32 $0x380, s13;
	s15 =	sadd.s32 s15, s16  }
0x60: {  	s13 =	sor.u32 s13, s15  }
0x61: {  	s13 =	sshrl.u32 s13, $0x7  }
0x62: {  	s28 =	smulhi.u32 $0x14F8B59, s13;
	_ =	sdelay $0x1  }
0x63: {  	s15 =	sshrl.u32 s28, $0xE  }
0x64: {  	s15 =	smul.u32 $0x30D400, s15  }
.Ltmp5:
0x65: {  	s29 =	sshrl.u32 s12, $0x3;
	(pc) =	sbr.rel .LBB1_7-.Ltmp5, $4  }
0x66: {  	s31 =	sand.u32 $0x7, s12;
	s30 =	sand.u32 $0xF, s29;
	s13 =	ssub.s32 s13, s15  }
0x67: {  	s12 =	sshll.u32 s31, $0x12;
	s15 =	sadd.s32 s5, s30;
	s13 =	sshll.u32 s13, $0x4  }
0x68: {  	s12 =	sor.u32 $0x4, s12;
	s13 =	sadd.s32 s13, s15  }
0x69: {  	[hbm4b:s13+s12] =	stream.strided.scatter [tilespmem:s14], [sflag:$0x2], $0x1000, s8, s12, $0x38;
	[tilespmem:$0x4000] =	vst v63  }
.LBB1_8:
0x6a: {  	_ =	sfence.sel $0x180000  }
0x6b: {  	s2 =	simm.s32 $0x1;
	[bflag:$0x0] =	sbarrier.arrive $0xFFFF  }
0x6c: {  	s31 =	simm.s32 $0x2;
	[sflag:s2] =	ssyncpa.u1 $0x1  }
0x6d: {  	[sflag:s31] =	ssyncpa.u1 $0x1  }
0x6e: {  	p0 =	sne.s32 s0, $0x0;
	_ =	strace $0x9000005C  }
0x6f: {  	s0 =	sadd.s32 @!p0 $0x100000, s1;
	[bflag:$0x2] =	sbarrier.arrive $0xFFFF  }
0x70: {  	[sflag:s0] =	ssyncadd.tile.s32 @!p0 $0x1;
	_ =	shalt  }
.Lfunc_end1:
_tile_overlayer_lowered:
.L_overlay_start_2:
0x71: {  	(tag) =	ssettag $0x2  }
0x72: {  	s0 =	rddreg [dreg:$0x0];
	s2 =	stileid.u32  }
0x73: {  	s1 =	rddreg [dreg:$0x1];
	p0 =	sne.s32 s2, $0x0  }
0x74: {  	s3 =	rddreg [dreg:$0x2];
	[bflag:$0x3] =	sbarrier.arrive $0xFFFF;
	s2 =	simm.s32 @!p0 $0x1C01  }
0x75: {  	[timem:s3], [sflag:s2] =	dma.local @!p0 [hbm:s0], s1  }
0x76: {  	s0 =	simm.s32 @!p0 $0x1  }
0x77: {  	_ =	swait.ge @!p0 [sflag:s0], s1  }
0x78: {  	s1 =	ssub.s32 @!p0 $0x0, s1;
	[sflag:s0] =	ssyncset.done @!p0 $0x0  }
0x79: {  	[sflag:s0] =	ssyncadd.s32 @!p0 s1  }
0x7a: {  	[bflag:$0x3] =	sbarrier.arrive $0xFFFF  }
0x7b: {  	_ =	shalt  }

</sc_bundles>
